<compile_context>
chip_gen: v7x
topology: tpu7x:2x2x1
jax: 0.10.2.dev20260603
libtpu: 0.0.44.dev20260713+nightly
codegen_flags: <defaults>
</compile_context>

<pallas_src>
import jax
import jax.numpy as jnp
from jax import lax
from jax.experimental import pallas as pl
from jax.experimental.pallas import tpu as pltpu
from jax.experimental.pallas import tpu_sc as plsc

N_NODES = 10000
N_EDGES = 320000
D_IN = 128
D_H = 128
N_CLASSES = 64

NC = 2
NS = 16

EPT = N_EDGES // NS
K = 125
NCH = EPT // K
NBUF = 4
RPT = N_NODES // NS
HW = 16


def _make_spmm(D2):
  lanes_per_row = D2 // 16
  mesh = plsc.VectorSubcoreMesh(core_axis_name="c", subcore_axis_name="s")

  def body(x0_hbm, x1_hbm, src_hbm, dst_hbm, out_hbm,
           sv, dv, acc, r0, r1, r2, r3, gsemA, gsemB, ssemA, ssemB):
    cid = lax.axis_index("c")
    sid = lax.axis_index("s")
    pltpu.sync_copy(src_hbm.at[sid], sv)

    @pl.when(cid == 0)
    def _():
      pltpu.async_copy(x0_hbm.at[sv.at[0]], r2, gsemA)
      pltpu.async_copy(x0_hbm.at[sv.at[1]], r3, gsemA)

    @pl.when(cid == 1)
    def _():
      pltpu.async_copy(x1_hbm.at[sv.at[0]], r2, gsemA)
      pltpu.async_copy(x1_hbm.at[sv.at[1]], r3, gsemA)

    pltpu.sync_copy(dst_hbm.at[sid], dv)

    @pl.loop(0, K)
    def _zero(i):
      for j in range(lanes_per_row):
        r0[i, pl.ds(j * 16, 16)] = jnp.zeros((16,), jnp.float32)

    for r in range(RPT // K):
      pltpu.sync_copy(r0, acc.at[pl.ds(sid * RPT + r * K, K)])
    plsc.subcore_barrier()

    def edge_loop(x_hbm):
      def gather(chunk, buf, sem):
        pltpu.async_copy(x_hbm.at[sv.at[chunk]], buf, sem)

      def wait_gather(buf, sem):
        pltpu.make_async_copy(x_hbm.at[sv.at[0]], buf, sem).wait()

      def scatter(chunk, buf, sem):
        pltpu.async_copy(buf, acc.at[dv.at[chunk]], sem, add=True)

      def drain_scatter(buf, sem):
        pltpu.make_async_copy(buf, acc.at[dv.at[0]], sem).wait()

      @pl.loop(0, NCH, step=4)
      def _grp(g):
        @pl.when(g > 0)
        def _():
          drain_scatter(r0, ssemB)
          drain_scatter(r1, ssemB)

        gather(g + 2, r0, gsemB)
        gather(g + 3, r1, gsemB)
        wait_gather(r2, gsemA)
        wait_gather(r3, gsemA)
        scatter(g, r2, ssemA)
        scatter(g + 1, r3, ssemA)
        drain_scatter(r2, ssemA)
        drain_scatter(r3, ssemA)

        @pl.when(g + 4 < NCH)
        def _():
          gather(g + 4, r2, gsemA)
          gather(g + 5, r3, gsemA)

        wait_gather(r0, gsemB)
        wait_gather(r1, gsemB)
        scatter(g + 2, r0, ssemB)
        scatter(g + 3, r1, ssemB)

      drain_scatter(r0, ssemB)
      drain_scatter(r1, ssemB)

    @pl.when(cid == 0)
    def _():
      edge_loop(x0_hbm)

    @pl.when(cid == 1)
    def _():
      edge_loop(x1_hbm)

    plsc.subcore_barrier()
    pltpu.sync_copy(acc.at[pl.ds(sid * RPT, RPT)],
                    out_hbm.at[cid, pl.ds(sid * RPT, RPT)])

  return pl.kernel(
      body,
      out_type=jax.ShapeDtypeStruct((NC, N_NODES, D2), jnp.float32),
      mesh=mesh,
      compiler_params=pltpu.CompilerParams(use_tc_tiling_on_sc=False),
      scratch_types=[
          pltpu.VMEM((NCH, K), jnp.int32),
          pltpu.VMEM((NCH, K), jnp.int32),
          pltpu.VMEM_SHARED((N_NODES, D2), jnp.float32),
          pltpu.VMEM((K, D2), jnp.float32),
          pltpu.VMEM((K, D2), jnp.float32),
          pltpu.VMEM((K, D2), jnp.float32),
          pltpu.VMEM((K, D2), jnp.float32),
          pltpu.SemaphoreType.DMA,
          pltpu.SemaphoreType.DMA,
          pltpu.SemaphoreType.DMA,
          pltpu.SemaphoreType.DMA,
      ],
  )


ES_NCH = 80


def _make_spmm_es(D):
  lanes_per_row = D // 16
  mesh = plsc.VectorSubcoreMesh(core_axis_name="c", subcore_axis_name="s")

  def body(x_hbm, src_hbm, dst_hbm, out_hbm,
           sv, dv, acc, r0, r1, r2, r3, gsemA, gsemB, ssemA, ssemB):
    cid = lax.axis_index("c")
    sid = lax.axis_index("s")
    pltpu.sync_copy(src_hbm.at[cid, sid], sv)

    pltpu.async_copy(x_hbm.at[sv.at[0]], r2, gsemA)
    pltpu.async_copy(x_hbm.at[sv.at[1]], r3, gsemA)

    pltpu.sync_copy(dst_hbm.at[cid, sid], dv)

    @pl.loop(0, K)
    def _zero(i):
      for j in range(lanes_per_row):
        r0[i, pl.ds(j * 16, 16)] = jnp.zeros((16,), jnp.float32)

    for r in range(RPT // K):
      pltpu.sync_copy(r0, acc.at[pl.ds(sid * RPT + r * K, K)])
    plsc.subcore_barrier()

    def gather(chunk, buf, sem):
      pltpu.async_copy(x_hbm.at[sv.at[chunk]], buf, sem)

    def wait_gather(buf, sem):
      pltpu.make_async_copy(x_hbm.at[sv.at[0]], buf, sem).wait()

    def scatter(chunk, buf, sem):
      pltpu.async_copy(buf, acc.at[dv.at[chunk]], sem, add=True)

    def drain_scatter(buf, sem):
      pltpu.make_async_copy(buf, acc.at[dv.at[0]], sem).wait()

    @pl.loop(0, ES_NCH, step=4)
    def _grp(g):
      @pl.when(g > 0)
      def _():
        drain_scatter(r0, ssemB)
        drain_scatter(r1, ssemB)

      gather(g + 2, r0, gsemB)
      gather(g + 3, r1, gsemB)
      wait_gather(r2, gsemA)
      wait_gather(r3, gsemA)
      scatter(g, r2, ssemA)
      scatter(g + 1, r3, ssemA)
      drain_scatter(r2, ssemA)
      drain_scatter(r3, ssemA)

      @pl.when(g + 4 < ES_NCH)
      def _():
        gather(g + 4, r2, gsemA)
        gather(g + 5, r3, gsemA)

      wait_gather(r0, gsemB)
      wait_gather(r1, gsemB)
      scatter(g + 2, r0, ssemB)
      scatter(g + 3, r1, ssemB)

    drain_scatter(r0, ssemB)
    drain_scatter(r1, ssemB)

    plsc.subcore_barrier()
    pltpu.sync_copy(acc.at[pl.ds(sid * RPT, RPT)],
                    out_hbm.at[cid, pl.ds(sid * RPT, RPT)])

  return pl.kernel(
      body,
      out_type=jax.ShapeDtypeStruct((NC, N_NODES, D), jnp.float32),
      mesh=mesh,
      compiler_params=pltpu.CompilerParams(use_tc_tiling_on_sc=False),
      scratch_types=[
          pltpu.VMEM((ES_NCH, K), jnp.int32),
          pltpu.VMEM((ES_NCH, K), jnp.int32),
          pltpu.VMEM_SHARED((N_NODES, D), jnp.float32),
          pltpu.VMEM((K, D), jnp.float32),
          pltpu.VMEM((K, D), jnp.float32),
          pltpu.VMEM((K, D), jnp.float32),
          pltpu.VMEM((K, D), jnp.float32),
          pltpu.SemaphoreType.DMA,
          pltpu.SemaphoreType.DMA,
          pltpu.SemaphoreType.DMA,
          pltpu.SemaphoreType.DMA,
      ],
  )


def _make_deg():
  mesh = plsc.VectorSubcoreMesh(core_axis_name="c", subcore_axis_name="s")

  def body(eidx_hbm, out_hbm, iv, acc, ones, sem):
    cid = lax.axis_index("c")
    sid = lax.axis_index("s")
    pltpu.sync_copy(eidx_hbm.at[cid, sid], iv)

    @pl.loop(0, K)
    def _fill(i):
      ones[i, pl.ds(0, 16)] = jnp.zeros((16,), jnp.float32)

    for r in range(RPT // K):
      pltpu.sync_copy(ones, acc.at[pl.ds(sid * RPT + r * K, K)])

    @pl.loop(0, K)
    def _fill2(i):
      ones[i, pl.ds(0, 16)] = jnp.full((16,), 1.0, jnp.float32)

    plsc.subcore_barrier()

    @pl.loop(0, NCH, step=2 * NBUF)
    def _grp(g):
      puts = [pltpu.async_copy(ones, acc.at[iv.at[g + b]], sem, add=True)
              for b in range(2 * NBUF)]
      for c in puts:
        c.wait()

    plsc.subcore_barrier()
    pltpu.sync_copy(acc.at[pl.ds(sid * RPT, RPT)],
                    out_hbm.at[cid, pl.ds(sid * RPT, RPT)])

  return pl.kernel(
      body,
      out_type=jax.ShapeDtypeStruct((NC, N_NODES, HW), jnp.float32),
      mesh=mesh,
      compiler_params=pltpu.CompilerParams(use_tc_tiling_on_sc=False),
      scratch_types=[
          pltpu.VMEM((NCH, K), jnp.int32),
          pltpu.VMEM_SHARED((N_NODES, HW), jnp.float32),
          pltpu.VMEM((K, HW), jnp.float32),
          pltpu.SemaphoreType.DMA,
      ],
  )


_spmm64 = _make_spmm(D_H // 2)
_spmm64es = _make_spmm_es(N_CLASSES)
_deg = _make_deg()

_BR = 1000


def _tc_proj(F, Ws, bs, hist):
  Dh = D_H // 2

  def body(f_ref, w_ref, b_ref, d_ref, o0_ref, o1_ref):
    h = jnp.dot(f_ref[0], w_ref[0], preferred_element_type=jnp.float32)
    h = h + b_ref[0]
    norm = lax.rsqrt(jnp.maximum(d_ref[0, :, 0:1], 1.0))
    h = h * norm
    o0_ref[...] = h[:, :Dh]
    o1_ref[...] = h[:, Dh:]

  return pl.pallas_call(
      body,
      grid=(2, 5000 // _BR),
      in_specs=[
          pl.BlockSpec((1, _BR, D_IN), lambda i, j: (i, j, 0)),
          pl.BlockSpec((1, D_IN, D_H), lambda i, j: (i, 0, 0)),
          pl.BlockSpec((1, 1, D_H), lambda i, j: (i, 0, 0)),
          pl.BlockSpec((1, _BR, HW), lambda i, j: (0, i * (5000 // _BR) + j, 0)),
      ],
      out_specs=[
          pl.BlockSpec((_BR, Dh), lambda i, j: (i * (5000 // _BR) + j, 0)),
          pl.BlockSpec((_BR, Dh), lambda i, j: (i * (5000 // _BR) + j, 0)),
      ],
      out_shape=[
          jax.ShapeDtypeStruct((N_NODES, Dh), jnp.float32),
          jax.ShapeDtypeStruct((N_NODES, Dh), jnp.float32),
      ],
  )(F, Ws, bs, hist)


def _tc_mid(p, hist, b2, W2, emit_h2=False, split_out=True):
  Dp2 = p.shape[2]
  Do = W2.shape[2]
  Do2 = Do // 2

  def body(p_ref, d_ref, b_ref, w_ref, *out_refs):
    ndst = lax.rsqrt(jnp.maximum(d_ref[1, :, 0:1], 1.0))
    ha = jnp.maximum(p_ref[0] * ndst + b_ref[0], 0.0)
    hb = jnp.maximum(p_ref[1] * ndst + b_ref[1], 0.0)
    m = (jnp.dot(ha, w_ref[0], preferred_element_type=jnp.float32)
         + jnp.dot(hb, w_ref[1], preferred_element_type=jnp.float32))
    nsrc = lax.rsqrt(jnp.maximum(d_ref[0, :, 0:1], 1.0))
    m = m * nsrc
    if split_out:
      out_refs[0][...] = m[:, :Do2]
      out_refs[1][...] = m[:, Do2:]
    else:
      out_refs[0][...] = m
    if emit_h2:
      out_refs[-1][:, :Dp2] = ha
      out_refs[-1][:, Dp2:] = hb

  if split_out:
    out_specs = [
        pl.BlockSpec((_BR, Do2), lambda j: (j, 0)),
        pl.BlockSpec((_BR, Do2), lambda j: (j, 0)),
    ]
    out_shape = [
        jax.ShapeDtypeStruct((N_NODES, Do2), jnp.float32),
        jax.ShapeDtypeStruct((N_NODES, Do2), jnp.float32),
    ]
  else:
    out_specs = [pl.BlockSpec((_BR, Do), lambda j: (j, 0))]
    out_shape = [jax.ShapeDtypeStruct((N_NODES, Do), jnp.float32)]
  if emit_h2:
    out_specs.append(pl.BlockSpec((_BR, 2 * Dp2), lambda j: (j, 0)))
    out_shape.append(jax.ShapeDtypeStruct((N_NODES, 2 * Dp2), jnp.float32))

  return pl.pallas_call(
      body,
      grid=(N_NODES // _BR,),
      in_specs=[
          pl.BlockSpec((2, _BR, Dp2), lambda j: (0, j, 0)),
          pl.BlockSpec((2, _BR, HW), lambda j: (0, j, 0)),
          pl.BlockSpec((2, 1, Dp2), lambda j: (0, 0, 0)),
          pl.BlockSpec((2, Dp2, Do), lambda j: (0, 0, 0)),
      ],
      out_specs=out_specs,
      out_shape=out_shape,
  )(p, hist, b2, W2)


def _tc_final(p, hist, b):
  Dp = p.shape[2]

  def body(p_ref, d_ref, b_ref, o_ref):
    ndst = lax.rsqrt(jnp.maximum(d_ref[0, :, 0:1], 1.0))
    o_ref[...] = (p_ref[0] + p_ref[1]) * ndst + b_ref[...]

  return pl.pallas_call(
      body,
      grid=(N_NODES // _BR,),
      in_specs=[
          pl.BlockSpec((2, _BR, Dp), lambda j: (0, j, 0)),
          pl.BlockSpec((1, _BR, HW), lambda j: (1, j, 0)),
          pl.BlockSpec((1, Dp), lambda j: (0, 0)),
      ],
      out_specs=pl.BlockSpec((_BR, Dp), lambda j: (j, 0)),
      out_shape=jax.ShapeDtypeStruct((N_NODES, Dp), jnp.float32),
  )(p, hist, b)


def _halves(v):
  if v.ndim == 1:
    return v.reshape(2, 1, v.shape[0] // 2)
  return v.reshape(2, v.shape[0] // 2, v.shape[1])


def kernel(feat0, feat1, e_feat, edge_index, W_fc0, b_fc0, W_fc1, b_fc1,
           b_gc0, W_gc1, b_gc1, W_gc2, b_gc2):
  del e_feat

  eidx_r = edge_index.reshape(2, NS, NCH, K)
  hist = _deg(eidx_r)

  F = jnp.stack([feat0, feat1])
  Ws = jnp.stack([W_fc0, W_fc1])
  bs = jnp.stack([b_fc0, b_fc1])[:, None, :]
  m0a, m0b = _tc_proj(F, Ws, bs, hist)

  srcr = edge_index[0].reshape(NS, NCH, K)
  dstr = edge_index[1].reshape(NS, NCH, K)

  p0 = _spmm64(m0a, m0b, srcr, dstr)
  m1a, m1b = _tc_mid(p0, hist, _halves(b_gc0), _halves(W_gc1))
  p1 = _spmm64(m1a, m1b, srcr, dstr)
  m2, h2 = _tc_mid(p1, hist, _halves(b_gc1),
                   _halves(W_gc2), emit_h2=True, split_out=False)
  srcr2 = edge_index[0].reshape(NC, NS, ES_NCH, K)
  dstr2 = edge_index[1].reshape(NC, NS, ES_NCH, K)
  p2 = _spmm64es(m2, srcr2, dstr2)
  h3 = _tc_final(p2, hist, b_gc2[None, :])
  return (h3, h2)

# --- scband reference (transcript-rebuilt; emitter-appended) ---
"""Pipeline reference for scband-gcn-66065186947201 (READ-ONLY COPY).

The authoritative reference and input builder live on the scoring server;
editing this copy changes nothing except your own understanding.
"""

import jax, jax.numpy as jnp
import numpy as np

N_NODES = 10000
N_EDGES = 320000
D_IN = 128
D_H = 128
N_CLASSES = 64


def setup_inputs(seed: int = 0) -> dict:
    key = jax.random.key(seed)
    ks = jax.random.split(key, 16)
    s = 0.05
    return {
        "feat0": jax.random.normal(ks[0], (5000, D_IN), dtype=jnp.float32),
        "feat1": jax.random.normal(ks[1], (5000, D_IN), dtype=jnp.float32),
        "e_feat": jnp.zeros((N_EDGES,), dtype=jnp.float32),
        "edge_index": jax.random.randint(ks[2], (2, N_EDGES), 0, N_NODES, dtype=jnp.int32),
        "W_fc0": jax.random.normal(ks[3], (D_IN, D_H), dtype=jnp.float32) * s,
        "b_fc0": jnp.zeros((D_H,), dtype=jnp.float32),
        "W_fc1": jax.random.normal(ks[4], (D_IN, D_H), dtype=jnp.float32) * s,
        "b_fc1": jnp.zeros((D_H,), dtype=jnp.float32),
        "b_gc0": jnp.zeros((D_H,), dtype=jnp.float32),
        "W_gc1": jax.random.normal(ks[5], (D_H, D_H), dtype=jnp.float32) * s,
        "b_gc1": jnp.zeros((D_H,), dtype=jnp.float32),
        "W_gc2": jax.random.normal(ks[6], (D_H, N_CLASSES), dtype=jnp.float32) * s,
        "b_gc2": jnp.zeros((N_CLASSES,), dtype=jnp.float32),
    }


def reference(feat0, feat1, e_feat, edge_index, W_fc0, b_fc0, W_fc1, b_fc1, b_gc0, W_gc1, b_gc1, W_gc2, b_gc2):
    # per-type input projections, then concat (features_list -> h)
    h = jnp.concatenate([feat0 @ W_fc0 + b_fc0, feat1 @ W_fc1 + b_fc1], axis=0)
    src = edge_index[0]
    dst = edge_index[1]
    ones = jnp.ones((src.shape[0],), dtype=jnp.float32)
    deg_out = jnp.maximum(jax.ops.segment_sum(ones, src, num_segments=N_NODES), 1.0)
    deg_in = jnp.maximum(jax.ops.segment_sum(ones, dst, num_segments=N_NODES), 1.0)
    norm_src = deg_out ** -0.5
    norm_dst = deg_in ** -0.5

    def graph_conv(x, W, b, act):
        # DGL GraphConv, norm='both': D_out^{-1/2} A D_in^{-1/2} x W + b
        if W is not None:
            x = x @ W
        m = (x * norm_src[:, None])[src]
        agg = jax.ops.segment_sum(m, dst, num_segments=N_NODES)
        out = agg * norm_dst[:, None] + b
        if act:
            out = jax.nn.relu(out)
        return out

    # dropout is identity at inference
    h1 = graph_conv(h, None, b_gc0, True)   # layer 0 (weight=False)
    h2 = graph_conv(h1, W_gc1, b_gc1, True) # hidden layer
    h3 = graph_conv(h2, W_gc2, b_gc2, False)  # output layer
    # encoded_embeddings is h right before the last layer
    return (h3, h2)

if __name__ == "__main__":
    import jax
    _d = setup_inputs()
    print(jax.jit(kernel)(*tuple(_d.values())))

</pallas_src>

<mosaic_0001>
#map = affine_map<(d0, d1) -> (0, 0)>
#map1 = affine_map<(d0, d1) -> (0, 0, 0)>
module attributes {stable_mosaic.version = 14 : i64} {
  func.func @body(%arg0: i32, %arg1: i32, %arg2: memref<10000x64xf32, #tpu.memory_space<hbm>>, %arg3: memref<10000x64xf32, #tpu.memory_space<hbm>>, %arg4: memref<16x160x125xi32, #tpu.memory_space<hbm>>, %arg5: memref<16x160x125xi32, #tpu.memory_space<hbm>>, %arg6: memref<2x10000x64xf32, #tpu.memory_space<hbm>>, %arg7: memref<160x125xi32, #tpu.memory_space<vmem>>, %arg8: memref<160x125xi32, #tpu.memory_space<vmem>>, %arg9: memref<10000x64xf32, #tpu.memory_space<vmem_shared>>, %arg10: memref<125x64xf32, #tpu.memory_space<vmem>>, %arg11: memref<125x64xf32, #tpu.memory_space<vmem>>, %arg12: memref<125x64xf32, #tpu.memory_space<vmem>>, %arg13: memref<125x64xf32, #tpu.memory_space<vmem>>, %arg14: memref<!tpu.dma_semaphore, #tpu.memory_space<semaphore_mem>>, %arg15: memref<!tpu.dma_semaphore, #tpu.memory_space<semaphore_mem>>, %arg16: memref<!tpu.dma_semaphore, #tpu.memory_space<semaphore_mem>>, %arg17: memref<!tpu.dma_semaphore, #tpu.memory_space<semaphore_mem>>) attributes {dimension_semantics = [#tpu.dimension_semantics<core_parallel>, #tpu.dimension_semantics<subcore_parallel>], iteration_bounds = array<i64: 2, 16>, scalar_prefetch = 0 : i64, scratch_operands = 11 : i64, tpu.core_type = #tpu.core_type<sc_vector_subcore>, window_params = [{transform_indices = #map}, {transform_indices = #map}, {transform_indices = #map1}, {transform_indices = #map1}, {transform_indices = #map1}]} {
    "tpu.region"() ({
      %run_scoped3A = tpu.sem_alloc : memref<!tpu.dma_semaphore, #tpu.memory_space<semaphore_mem>>
      %dma_start3A = arith.constant 0 : i32
      %dma_start3A_44 = arith.constant 0 : i32
      %dma_start3A_45 = tpu.memref_slice %arg4[%arg1, %dma_start3A, %dma_start3A_44] : memref<16x160x125xi32, #tpu.memory_space<hbm>> -> memref<1x160x125xi32, #tpu.memory_space<hbm>>
      %dma_start3A_46 = tpu.memref_squeeze %dma_start3A_45 : memref<1x160x125xi32, #tpu.memory_space<hbm>> -> memref<160x125xi32, #tpu.memory_space<hbm>>
      %dma_start3A_47 = arith.constant 0 : i32
      %dma_start3A_48 = arith.constant 0 : i32
      %dma_start3A_49 = tpu.memref_slice %arg4[%arg1, %dma_start3A_47, %dma_start3A_48] : memref<16x160x125xi32, #tpu.memory_space<hbm>> -> memref<1x160x125xi32, #tpu.memory_space<hbm>>
      %dma_start3A_50 = tpu.memref_squeeze %dma_start3A_49 : memref<1x160x125xi32, #tpu.memory_space<hbm>> -> memref<160x125xi32, #tpu.memory_space<hbm>>
      tpu.enqueue_dma source(%dma_start3A_50 : memref<160x125xi32, #tpu.memory_space<hbm>>) target(%arg7 : memref<160x125xi32, #tpu.memory_space<vmem>>) target_semaphore(%run_scoped3A : memref<!tpu.dma_semaphore, #tpu.memory_space<semaphore_mem>>)
      %dma_wait3A = arith.constant 0 : i32
      %dma_wait3A_51 = arith.constant 0 : i32
      %dma_wait3A_52 = tpu.memref_slice %arg4[%arg1, %dma_wait3A, %dma_wait3A_51] : memref<16x160x125xi32, #tpu.memory_space<hbm>> -> memref<1x160x125xi32, #tpu.memory_space<hbm>>
      %dma_wait3A_53 = tpu.memref_squeeze %dma_wait3A_52 : memref<1x160x125xi32, #tpu.memory_space<hbm>> -> memref<160x125xi32, #tpu.memory_space<hbm>>
      %dma_wait3A_54 = arith.constant 0 : i32
      %dma_wait3A_55 = arith.constant 0 : i32
      %dma_wait3A_56 = tpu.memref_slice %arg4[%arg1, %dma_wait3A_54, %dma_wait3A_55] : memref<16x160x125xi32, #tpu.memory_space<hbm>> -> memref<1x160x125xi32, #tpu.memory_space<hbm>>
      %dma_wait3A_57 = tpu.memref_squeeze %dma_wait3A_56 : memref<1x160x125xi32, #tpu.memory_space<hbm>> -> memref<160x125xi32, #tpu.memory_space<hbm>>
      tpu.wait_dma2 semaphore(%run_scoped3A : memref<!tpu.dma_semaphore, #tpu.memory_space<semaphore_mem>>) src(%dma_wait3A_57 : memref<160x125xi32, #tpu.memory_space<hbm>>) dst(%arg7 : memref<160x125xi32, #tpu.memory_space<vmem>>)
      tpu.yield
    }) : () -> ()
    %eq3A = arith.constant 0 : i32
    %eq3A_0 = arith.cmpi eq, %arg0, %eq3A : i32
    %convert_element_type3A = arith.extui %eq3A_0 : i1 to i32
    %cond3A = arith.constant 0 : i32
    %cond3A_1 = arith.cmpi ne, %convert_element_type3A, %cond3A : i32
    scf.if %cond3A_1 {
      %dma_start3A = arith.constant 0 : i32
      %dma_start3A_44 = arith.constant 0 : i32
      %dma_start3A_45 = tpu.memref_slice %arg7[%dma_start3A, %dma_start3A_44] : memref<160x125xi32, #tpu.memory_space<vmem>> -> memref<1x125xi32, #tpu.memory_space<vmem>>
      %dma_start3A_46 = tpu.memref_squeeze %dma_start3A_45 : memref<1x125xi32, #tpu.memory_space<vmem>> -> memref<125xi32, #tpu.memory_space<vmem>>
      %dma_start3A_47 = arith.constant 0 : i32
      %dma_start3A_48 = arith.constant 0 : i32
      %dma_start3A_49 = tpu.memref_slice %arg2[%dma_start3A_47, %dma_start3A_48] : memref<10000x64xf32, #tpu.memory_space<hbm>> -> memref<10000x64xf32, #tpu.memory_space<hbm>>
      tpu.enqueue_indirect_dma source(%dma_start3A_49 : memref<10000x64xf32, #tpu.memory_space<hbm>>) target(%arg12 : memref<125x64xf32, #tpu.memory_space<vmem>>) offsets(%dma_start3A_46 : memref<125xi32, #tpu.memory_space<vmem>>) semaphore(%arg14 : memref<!tpu.dma_semaphore, #tpu.memory_space<semaphore_mem>>)
      %dma_start3A_50 = arith.constant 1 : i32
      %dma_start3A_51 = arith.constant 0 : i32
      %dma_start3A_52 = tpu.memref_slice %arg7[%dma_start3A_50, %dma_start3A_51] : memref<160x125xi32, #tpu.memory_space<vmem>> -> memref<1x125xi32, #tpu.memory_space<vmem>>
      %dma_start3A_53 = tpu.memref_squeeze %dma_start3A_52 : memref<1x125xi32, #tpu.memory_space<vmem>> -> memref<125xi32, #tpu.memory_space<vmem>>
      %dma_start3A_54 = arith.constant 0 : i32
      %dma_start3A_55 = arith.constant 0 : i32
      %dma_start3A_56 = tpu.memref_slice %arg2[%dma_start3A_54, %dma_start3A_55] : memref<10000x64xf32, #tpu.memory_space<hbm>> -> memref<10000x64xf32, #tpu.memory_space<hbm>>
      tpu.enqueue_indirect_dma source(%dma_start3A_56 : memref<10000x64xf32, #tpu.memory_space<hbm>>) target(%arg13 : memref<125x64xf32, #tpu.memory_space<vmem>>) offsets(%dma_start3A_53 : memref<125xi32, #tpu.memory_space<vmem>>) semaphore(%arg14 : memref<!tpu.dma_semaphore, #tpu.memory_space<semaphore_mem>>)
    } else {
    }
    %eq3A_2 = arith.constant 1 : i32
    %eq3A_3 = arith.cmpi eq, %arg0, %eq3A_2 : i32
    %convert_element_type3A_4 = arith.extui %eq3A_3 : i1 to i32
    %cond3A_5 = arith.constant 0 : i32
    %cond3A_6 = arith.cmpi ne, %convert_element_type3A_4, %cond3A_5 : i32
    scf.if %cond3A_6 {
      %dma_start3A = arith.constant 0 : i32
      %dma_start3A_44 = arith.constant 0 : i32
      %dma_start3A_45 = tpu.memref_slice %arg7[%dma_start3A, %dma_start3A_44] : memref<160x125xi32, #tpu.memory_space<vmem>> -> memref<1x125xi32, #tpu.memory_space<vmem>>
      %dma_start3A_46 = tpu.memref_squeeze %dma_start3A_45 : memref<1x125xi32, #tpu.memory_space<vmem>> -> memref<125xi32, #tpu.memory_space<vmem>>
      %dma_start3A_47 = arith.constant 0 : i32
      %dma_start3A_48 = arith.constant 0 : i32
      %dma_start3A_49 = tpu.memref_slice %arg3[%dma_start3A_47, %dma_start3A_48] : memref<10000x64xf32, #tpu.memory_space<hbm>> -> memref<10000x64xf32, #tpu.memory_space<hbm>>
      tpu.enqueue_indirect_dma source(%dma_start3A_49 : memref<10000x64xf32, #tpu.memory_space<hbm>>) target(%arg12 : memref<125x64xf32, #tpu.memory_space<vmem>>) offsets(%dma_start3A_46 : memref<125xi32, #tpu.memory_space<vmem>>) semaphore(%arg14 : memref<!tpu.dma_semaphore, #tpu.memory_space<semaphore_mem>>)
      %dma_start3A_50 = arith.constant 1 : i32
      %dma_start3A_51 = arith.constant 0 : i32
      %dma_start3A_52 = tpu.memref_slice %arg7[%dma_start3A_50, %dma_start3A_51] : memref<160x125xi32, #tpu.memory_space<vmem>> -> memref<1x125xi32, #tpu.memory_space<vmem>>
      %dma_start3A_53 = tpu.memref_squeeze %dma_start3A_52 : memref<1x125xi32, #tpu.memory_space<vmem>> -> memref<125xi32, #tpu.memory_space<vmem>>
      %dma_start3A_54 = arith.constant 0 : i32
      %dma_start3A_55 = arith.constant 0 : i32
      %dma_start3A_56 = tpu.memref_slice %arg3[%dma_start3A_54, %dma_start3A_55] : memref<10000x64xf32, #tpu.memory_space<hbm>> -> memref<10000x64xf32, #tpu.memory_space<hbm>>
      tpu.enqueue_indirect_dma source(%dma_start3A_56 : memref<10000x64xf32, #tpu.memory_space<hbm>>) target(%arg13 : memref<125x64xf32, #tpu.memory_space<vmem>>) offsets(%dma_start3A_53 : memref<125xi32, #tpu.memory_space<vmem>>) semaphore(%arg14 : memref<!tpu.dma_semaphore, #tpu.memory_space<semaphore_mem>>)
    } else {
    }
    "tpu.region"() ({
      %run_scoped3A = tpu.sem_alloc : memref<!tpu.dma_semaphore, #tpu.memory_space<semaphore_mem>>
      %dma_start3A = arith.constant 0 : i32
      %dma_start3A_44 = arith.constant 0 : i32
      %dma_start3A_45 = tpu.memref_slice %arg5[%arg1, %dma_start3A, %dma_start3A_44] : memref<16x160x125xi32, #tpu.memory_space<hbm>> -> memref<1x160x125xi32, #tpu.memory_space<hbm>>
      %dma_start3A_46 = tpu.memref_squeeze %dma_start3A_45 : memref<1x160x125xi32, #tpu.memory_space<hbm>> -> memref<160x125xi32, #tpu.memory_space<hbm>>
      %dma_start3A_47 = arith.constant 0 : i32
      %dma_start3A_48 = arith.constant 0 : i32
      %dma_start3A_49 = tpu.memref_slice %arg5[%arg1, %dma_start3A_47, %dma_start3A_48] : memref<16x160x125xi32, #tpu.memory_space<hbm>> -> memref<1x160x125xi32, #tpu.memory_space<hbm>>
      %dma_start3A_50 = tpu.memref_squeeze %dma_start3A_49 : memref<1x160x125xi32, #tpu.memory_space<hbm>> -> memref<160x125xi32, #tpu.memory_space<hbm>>
      tpu.enqueue_dma source(%dma_start3A_50 : memref<160x125xi32, #tpu.memory_space<hbm>>) target(%arg8 : memref<160x125xi32, #tpu.memory_space<vmem>>) target_semaphore(%run_scoped3A : memref<!tpu.dma_semaphore, #tpu.memory_space<semaphore_mem>>)
      %dma_wait3A = arith.constant 0 : i32
      %dma_wait3A_51 = arith.constant 0 : i32
      %dma_wait3A_52 = tpu.memref_slice %arg5[%arg1, %dma_wait3A, %dma_wait3A_51] : memref<16x160x125xi32, #tpu.memory_space<hbm>> -> memref<1x160x125xi32, #tpu.memory_space<hbm>>
      %dma_wait3A_53 = tpu.memref_squeeze %dma_wait3A_52 : memref<1x160x125xi32, #tpu.memory_space<hbm>> -> memref<160x125xi32, #tpu.memory_space<hbm>>
      %dma_wait3A_54 = arith.constant 0 : i32
      %dma_wait3A_55 = arith.constant 0 : i32
      %dma_wait3A_56 = tpu.memref_slice %arg5[%arg1, %dma_wait3A_54, %dma_wait3A_55] : memref<16x160x125xi32, #tpu.memory_space<hbm>> -> memref<1x160x125xi32, #tpu.memory_space<hbm>>
      %dma_wait3A_57 = tpu.memref_squeeze %dma_wait3A_56 : memref<1x160x125xi32, #tpu.memory_space<hbm>> -> memref<160x125xi32, #tpu.memory_space<hbm>>
      tpu.wait_dma2 semaphore(%run_scoped3A : memref<!tpu.dma_semaphore, #tpu.memory_space<semaphore_mem>>) src(%dma_wait3A_57 : memref<160x125xi32, #tpu.memory_space<hbm>>) dst(%arg8 : memref<160x125xi32, #tpu.memory_space<vmem>>)
      tpu.yield
    }) : () -> ()
    %scan3A = arith.constant 0 : i32
    %scan3A_7 = arith.constant 125 : i32
    %scan3A_8 = arith.addi %scan3A, %scan3A_7 : i32
    %scan3A_9 = arith.constant 1 : i32
    scf.for %scan3A_44 = %scan3A to %scan3A_8 step %scan3A_9  : i32 {
      %mul3A_45 = arith.constant 1 : i32
      %mul3A_46 = arith.muli %scan3A_44, %mul3A_45 : i32
      %add3A_47 = arith.constant 0 : i32
      %add3A_48 = arith.addi %add3A_47, %mul3A_46 : i32
      %broadcast_in_dim3A = arith.constant 0.000000e+00 : f32
      %broadcast_in_dim3A_49 = vector.broadcast %broadcast_in_dim3A : f32 to vector<16xf32>
      %swap3A = arith.index_cast %add3A_48 : i32 to index
      %swap3A_50 = arith.constant 0 : index
      %swap3A_51 = tpu.vector_load %arg10[%swap3A, %swap3A_50] {strides = array<i32>} : memref<125x64xf32, #tpu.memory_space<vmem>>, vector<1x16xf32>,
      %swap3A_52 = vector.shape_cast %swap3A_51 : vector<1x16xf32> to vector<16xf32>
      %swap3A_53 = vector.shape_cast %broadcast_in_dim3A_49 : vector<16xf32> to vector<1x16xf32>
      tpu.vector_store %arg10[%swap3A, %swap3A_50], %swap3A_53 {strides = array<i32>} : memref<125x64xf32, #tpu.memory_space<vmem>>, vector<1x16xf32>,
      %broadcast_in_dim3A_54 = arith.constant 0.000000e+00 : f32
      %broadcast_in_dim3A_55 = vector.broadcast %broadcast_in_dim3A_54 : f32 to vector<16xf32>
      %swap3A_56 = arith.index_cast %add3A_48 : i32 to index
      %swap3A_57 = arith.constant 16 : index
      %swap3A_58 = tpu.vector_load %arg10[%swap3A_56, %swap3A_57] {strides = array<i32>} : memref<125x64xf32, #tpu.memory_space<vmem>>, vector<1x16xf32>,
      %swap3A_59 = vector.shape_cast %swap3A_58 : vector<1x16xf32> to vector<16xf32>
      %swap3A_60 = vector.shape_cast %broadcast_in_dim3A_55 : vector<16xf32> to vector<1x16xf32>
      tpu.vector_store %arg10[%swap3A_56, %swap3A_57], %swap3A_60 {strides = array<i32>} : memref<125x64xf32, #tpu.memory_space<vmem>>, vector<1x16xf32>,
      %broadcast_in_dim3A_61 = arith.constant 0.000000e+00 : f32
      %broadcast_in_dim3A_62 = vector.broadcast %broadcast_in_dim3A_61 : f32 to vector<16xf32>
      %swap3A_63 = arith.index_cast %add3A_48 : i32 to index
      %swap3A_64 = arith.constant 32 : index
      %swap3A_65 = tpu.vector_load %arg10[%swap3A_63, %swap3A_64] {strides = array<i32>} : memref<125x64xf32, #tpu.memory_space<vmem>>, vector<1x16xf32>,
      %swap3A_66 = vector.shape_cast %swap3A_65 : vector<1x16xf32> to vector<16xf32>
      %swap3A_67 = vector.shape_cast %broadcast_in_dim3A_62 : vector<16xf32> to vector<1x16xf32>
      tpu.vector_store %arg10[%swap3A_63, %swap3A_64], %swap3A_67 {strides = array<i32>} : memref<125x64xf32, #tpu.memory_space<vmem>>, vector<1x16xf32>,
      %broadcast_in_dim3A_68 = arith.constant 0.000000e+00 : f32
      %broadcast_in_dim3A_69 = vector.broadcast %broadcast_in_dim3A_68 : f32 to vector<16xf32>
      %swap3A_70 = arith.index_cast %add3A_48 : i32 to index
      %swap3A_71 = arith.constant 48 : index
      %swap3A_72 = tpu.vector_load %arg10[%swap3A_70, %swap3A_71] {strides = array<i32>} : memref<125x64xf32, #tpu.memory_space<vmem>>, vector<1x16xf32>,
      %swap3A_73 = vector.shape_cast %swap3A_72 : vector<1x16xf32> to vector<16xf32>
      %swap3A_74 = vector.shape_cast %broadcast_in_dim3A_69 : vector<16xf32> to vector<1x16xf32>
      tpu.vector_store %arg10[%swap3A_70, %swap3A_71], %swap3A_74 {strides = array<i32>} : memref<125x64xf32, #tpu.memory_space<vmem>>, vector<1x16xf32>,
    }
    %scan3A_10 = arith.constant 125 : i32
    %mul3A = arith.constant 625 : i32
    %mul3A_11 = arith.muli %arg1, %mul3A : i32
    %add3A = arith.constant 0 : i32
    %add3A_12 = arith.addi %mul3A_11, %add3A : i32
    "tpu.region"() ({
      %run_scoped3A = tpu.sem_alloc : memref<!tpu.dma_semaphore, #tpu.memory_space<semaphore_mem>>
      %dma_start3A = arith.constant 0 : i32
      %dma_start3A_44 = tpu.memref_slice %arg9[%add3A_12, %dma_start3A] : memref<10000x64xf32, #tpu.memory_space<vmem_shared>> -> memref<125x64xf32, #tpu.memory_space<vmem_shared>>
      %dma_start3A_45 = arith.constant 0 : i32
      %dma_start3A_46 = tpu.memref_slice %arg9[%add3A_12, %dma_start3A_45] : memref<10000x64xf32, #tpu.memory_space<vmem_shared>> -> memref<125x64xf32, #tpu.memory_space<vmem_shared>>
      tpu.enqueue_dma source(%arg10 : memref<125x64xf32, #tpu.memory_space<vmem>>) target(%dma_start3A_46 : memref<125x64xf32, #tpu.memory_space<vmem_shared>>) target_semaphore(%run_scoped3A : memref<!tpu.dma_semaphore, #tpu.memory_space<semaphore_mem>>)
      %dma_wait3A = arith.constant 0 : i32
      %dma_wait3A_47 = tpu.memref_slice %arg9[%add3A_12, %dma_wait3A] : memref<10000x64xf32, #tpu.memory_space<vmem_shared>> -> memref<125x64xf32, #tpu.memory_space<vmem_shared>>
      %dma_wait3A_48 = arith.constant 0 : i32
      %dma_wait3A_49 = tpu.memref_slice %arg9[%add3A_12, %dma_wait3A_48] : memref<10000x64xf32, #tpu.memory_space<vmem_shared>> -> memref<125x64xf32, #tpu.memory_space<vmem_shared>>
      tpu.wait_dma2 semaphore(%run_scoped3A : memref<!tpu.dma_semaphore, #tpu.memory_space<semaphore_mem>>) src(%arg10 : memref<125x64xf32, #tpu.memory_space<vmem>>) dst(%dma_wait3A_49 : memref<125x64xf32, #tpu.memory_space<vmem_shared>>)
      tpu.yield
    }) : () -> ()
    %mul3A_13 = arith.constant 625 : i32
    %mul3A_14 = arith.muli %arg1, %mul3A_13 : i32
    %add3A_15 = arith.constant 125 : i32
    %add3A_16 = arith.addi %mul3A_14, %add3A_15 : i32
    "tpu.region"() ({
      %run_scoped3A = tpu.sem_alloc : memref<!tpu.dma_semaphore, #tpu.memory_space<semaphore_mem>>
      %dma_start3A = arith.constant 0 : i32
      %dma_start3A_44 = tpu.memref_slice %arg9[%add3A_16, %dma_start3A] : memref<10000x64xf32, #tpu.memory_space<vmem_shared>> -> memref<125x64xf32, #tpu.memory_space<vmem_shared>>
      %dma_start3A_45 = arith.constant 0 : i32
      %dma_start3A_46 = tpu.memref_slice %arg9[%add3A_16, %dma_start3A_45] : memref<10000x64xf32, #tpu.memory_space<vmem_shared>> -> memref<125x64xf32, #tpu.memory_space<vmem_shared>>
      tpu.enqueue_dma source(%arg10 : memref<125x64xf32, #tpu.memory_space<vmem>>) target(%dma_start3A_46 : memref<125x64xf32, #tpu.memory_space<vmem_shared>>) target_semaphore(%run_scoped3A : memref<!tpu.dma_semaphore, #tpu.memory_space<semaphore_mem>>)
      %dma_wait3A = arith.constant 0 : i32
      %dma_wait3A_47 = tpu.memref_slice %arg9[%add3A_16, %dma_wait3A] : memref<10000x64xf32, #tpu.memory_space<vmem_shared>> -> memref<125x64xf32, #tpu.memory_space<vmem_shared>>
      %dma_wait3A_48 = arith.constant 0 : i32
      %dma_wait3A_49 = tpu.memref_slice %arg9[%add3A_16, %dma_wait3A_48] : memref<10000x64xf32, #tpu.memory_space<vmem_shared>> -> memref<125x64xf32, #tpu.memory_space<vmem_shared>>
      tpu.wait_dma2 semaphore(%run_scoped3A : memref<!tpu.dma_semaphore, #tpu.memory_space<semaphore_mem>>) src(%arg10 : memref<125x64xf32, #tpu.memory_space<vmem>>) dst(%dma_wait3A_49 : memref<125x64xf32, #tpu.memory_space<vmem_shared>>)
      tpu.yield
    }) : () -> ()
    %mul3A_17 = arith.constant 625 : i32
    %mul3A_18 = arith.muli %arg1, %mul3A_17 : i32
    %add3A_19 = arith.constant 250 : i32
    %add3A_20 = arith.addi %mul3A_18, %add3A_19 : i32
    "tpu.region"() ({
      %run_scoped3A = tpu.sem_alloc : memref<!tpu.dma_semaphore, #tpu.memory_space<semaphore_mem>>
      %dma_start3A = arith.constant 0 : i32
      %dma_start3A_44 = tpu.memref_slice %arg9[%add3A_20, %dma_start3A] : memref<10000x64xf32, #tpu.memory_space<vmem_shared>> -> memref<125x64xf32, #tpu.memory_space<vmem_shared>>
      %dma_start3A_45 = arith.constant 0 : i32
      %dma_start3A_46 = tpu.memref_slice %arg9[%add3A_20, %dma_start3A_45] : memref<10000x64xf32, #tpu.memory_space<vmem_shared>> -> memref<125x64xf32, #tpu.memory_space<vmem_shared>>
      tpu.enqueue_dma source(%arg10 : memref<125x64xf32, #tpu.memory_space<vmem>>) target(%dma_start3A_46 : memref<125x64xf32, #tpu.memory_space<vmem_shared>>) target_semaphore(%run_scoped3A : memref<!tpu.dma_semaphore, #tpu.memory_space<semaphore_mem>>)
      %dma_wait3A = arith.constant 0 : i32
      %dma_wait3A_47 = tpu.memref_slice %arg9[%add3A_20, %dma_wait3A] : memref<10000x64xf32, #tpu.memory_space<vmem_shared>> -> memref<125x64xf32, #tpu.memory_space<vmem_shared>>
      %dma_wait3A_48 = arith.constant 0 : i32
      %dma_wait3A_49 = tpu.memref_slice %arg9[%add3A_20, %dma_wait3A_48] : memref<10000x64xf32, #tpu.memory_space<vmem_shared>> -> memref<125x64xf32, #tpu.memory_space<vmem_shared>>
      tpu.wait_dma2 semaphore(%run_scoped3A : memref<!tpu.dma_semaphore, #tpu.memory_space<semaphore_mem>>) src(%arg10 : memref<125x64xf32, #tpu.memory_space<vmem>>) dst(%dma_wait3A_49 : memref<125x64xf32, #tpu.memory_space<vmem_shared>>)
      tpu.yield
    }) : () -> ()
    %mul3A_21 = arith.constant 625 : i32
    %mul3A_22 = arith.muli %arg1, %mul3A_21 : i32
    %add3A_23 = arith.constant 375 : i32
    %add3A_24 = arith.addi %mul3A_22, %add3A_23 : i32
    "tpu.region"() ({
      %run_scoped3A = tpu.sem_alloc : memref<!tpu.dma_semaphore, #tpu.memory_space<semaphore_mem>>
      %dma_start3A = arith.constant 0 : i32
      %dma_start3A_44 = tpu.memref_slice %arg9[%add3A_24, %dma_start3A] : memref<10000x64xf32, #tpu.memory_space<vmem_shared>> -> memref<125x64xf32, #tpu.memory_space<vmem_shared>>
      %dma_start3A_45 = arith.constant 0 : i32
      %dma_start3A_46 = tpu.memref_slice %arg9[%add3A_24, %dma_start3A_45] : memref<10000x64xf32, #tpu.memory_space<vmem_shared>> -> memref<125x64xf32, #tpu.memory_space<vmem_shared>>
      tpu.enqueue_dma source(%arg10 : memref<125x64xf32, #tpu.memory_space<vmem>>) target(%dma_start3A_46 : memref<125x64xf32, #tpu.memory_space<vmem_shared>>) target_semaphore(%run_scoped3A : memref<!tpu.dma_semaphore, #tpu.memory_space<semaphore_mem>>)
      %dma_wait3A = arith.constant 0 : i32
      %dma_wait3A_47 = tpu.memref_slice %arg9[%add3A_24, %dma_wait3A] : memref<10000x64xf32, #tpu.memory_space<vmem_shared>> -> memref<125x64xf32, #tpu.memory_space<vmem_shared>>
      %dma_wait3A_48 = arith.constant 0 : i32
      %dma_wait3A_49 = tpu.memref_slice %arg9[%add3A_24, %dma_wait3A_48] : memref<10000x64xf32, #tpu.memory_space<vmem_shared>> -> memref<125x64xf32, #tpu.memory_space<vmem_shared>>
      tpu.wait_dma2 semaphore(%run_scoped3A : memref<!tpu.dma_semaphore, #tpu.memory_space<semaphore_mem>>) src(%arg10 : memref<125x64xf32, #tpu.memory_space<vmem>>) dst(%dma_wait3A_49 : memref<125x64xf32, #tpu.memory_space<vmem_shared>>)
      tpu.yield
    }) : () -> ()
    %mul3A_25 = arith.constant 625 : i32
    %mul3A_26 = arith.muli %arg1, %mul3A_25 : i32
    %add3A_27 = arith.constant 500 : i32
    %add3A_28 = arith.addi %mul3A_26, %add3A_27 : i32
    "tpu.region"() ({
      %run_scoped3A = tpu.sem_alloc : memref<!tpu.dma_semaphore, #tpu.memory_space<semaphore_mem>>
      %dma_start3A = arith.constant 0 : i32
      %dma_start3A_44 = tpu.memref_slice %arg9[%add3A_28, %dma_start3A] : memref<10000x64xf32, #tpu.memory_space<vmem_shared>> -> memref<125x64xf32, #tpu.memory_space<vmem_shared>>
      %dma_start3A_45 = arith.constant 0 : i32
      %dma_start3A_46 = tpu.memref_slice %arg9[%add3A_28, %dma_start3A_45] : memref<10000x64xf32, #tpu.memory_space<vmem_shared>> -> memref<125x64xf32, #tpu.memory_space<vmem_shared>>
      tpu.enqueue_dma source(%arg10 : memref<125x64xf32, #tpu.memory_space<vmem>>) target(%dma_start3A_46 : memref<125x64xf32, #tpu.memory_space<vmem_shared>>) target_semaphore(%run_scoped3A : memref<!tpu.dma_semaphore, #tpu.memory_space<semaphore_mem>>)
      %dma_wait3A = arith.constant 0 : i32
      %dma_wait3A_47 = tpu.memref_slice %arg9[%add3A_28, %dma_wait3A] : memref<10000x64xf32, #tpu.memory_space<vmem_shared>> -> memref<125x64xf32, #tpu.memory_space<vmem_shared>>
      %dma_wait3A_48 = arith.constant 0 : i32
      %dma_wait3A_49 = tpu.memref_slice %arg9[%add3A_28, %dma_wait3A_48] : memref<10000x64xf32, #tpu.memory_space<vmem_shared>> -> memref<125x64xf32, #tpu.memory_space<vmem_shared>>
      tpu.wait_dma2 semaphore(%run_scoped3A : memref<!tpu.dma_semaphore, #tpu.memory_space<semaphore_mem>>) src(%arg10 : memref<125x64xf32, #tpu.memory_space<vmem>>) dst(%dma_wait3A_49 : memref<125x64xf32, #tpu.memory_space<vmem_shared>>)
      tpu.yield
    }) : () -> ()
    %barrier3A = arith.constant 0 : index
    tpu.barrier barrier_id(%barrier3A)
    %eq3A_29 = arith.constant 0 : i32
    %eq3A_30 = arith.cmpi eq, %arg0, %eq3A_29 : i32
    %convert_element_type3A_31 = arith.extui %eq3A_30 : i1 to i32
    %cond3A_32 = arith.constant 0 : i32
    %cond3A_33 = arith.cmpi ne, %convert_element_type3A_31, %cond3A_32 : i32
    scf.if %cond3A_33 {
      %scan3A_44 = arith.constant 0 : i32
      %scan3A_45 = arith.constant 40 : i32
      %scan3A_46 = arith.addi %scan3A_44, %scan3A_45 : i32
      %scan3A_47 = arith.constant 1 : i32
      scf.for %scan3A_62 = %scan3A_44 to %scan3A_46 step %scan3A_47  : i32 {
        %mul3A_63 = arith.constant 4 : i32
        %mul3A_64 = arith.muli %scan3A_62, %mul3A_63 : i32
        %add3A_65 = arith.constant 0 : i32
        %add3A_66 = arith.addi %add3A_65, %mul3A_64 : i32
        %gt3A = arith.constant 0 : i32
        %gt3A_67 = arith.cmpi sgt, %add3A_66, %gt3A : i32
        %convert_element_type3A_68 = arith.extui %gt3A_67 : i1 to i32
        %cond3A_69 = arith.constant 0 : i32
        %cond3A_70 = arith.cmpi ne, %convert_element_type3A_68, %cond3A_69 : i32
        scf.if %cond3A_70 {
          %dma_wait3A_164 = arith.constant 0 : i32
          %dma_wait3A_165 = arith.constant 0 : i32
          %dma_wait3A_166 = tpu.memref_slice %arg8[%dma_wait3A_164, %dma_wait3A_165] : memref<160x125xi32, #tpu.memory_space<vmem>> -> memref<1x125xi32, #tpu.memory_space<vmem>>
          %dma_wait3A_167 = tpu.memref_squeeze %dma_wait3A_166 : memref<1x125xi32, #tpu.memory_space<vmem>> -> memref<125xi32, #tpu.memory_space<vmem>>
          %dma_wait3A_168 = arith.constant 0 : i32
          %dma_wait3A_169 = arith.constant 0 : i32
          %dma_wait3A_170 = tpu.memref_slice %arg9[%dma_wait3A_168, %dma_wait3A_169] : memref<10000x64xf32, #tpu.memory_space<vmem_shared>> -> memref<10000x64xf32, #tpu.memory_space<vmem_shared>>
          tpu.wait_indirect_dma semaphore(%arg17 : memref<!tpu.dma_semaphore, #tpu.memory_space<semaphore_mem>>) src(%arg10 : memref<125x64xf32, #tpu.memory_space<vmem>>) dst(%dma_wait3A_170 : memref<10000x64xf32, #tpu.memory_space<vmem_shared>>)
          %dma_wait3A_171 = arith.constant 0 : i32
          %dma_wait3A_172 = arith.constant 0 : i32
          %dma_wait3A_173 = tpu.memref_slice %arg8[%dma_wait3A_171, %dma_wait3A_172] : memref<160x125xi32, #tpu.memory_space<vmem>> -> memref<1x125xi32, #tpu.memory_space<vmem>>
          %dma_wait3A_174 = tpu.memref_squeeze %dma_wait3A_173 : memref<1x125xi32, #tpu.memory_space<vmem>> -> memref<125xi32, #tpu.memory_space<vmem>>
          %dma_wait3A_175 = arith.constant 0 : i32
          %dma_wait3A_176 = arith.constant 0 : i32
          %dma_wait3A_177 = tpu.memref_slice %arg9[%dma_wait3A_175, %dma_wait3A_176] : memref<10000x64xf32, #tpu.memory_space<vmem_shared>> -> memref<10000x64xf32, #tpu.memory_space<vmem_shared>>
          tpu.wait_indirect_dma semaphore(%arg17 : memref<!tpu.dma_semaphore, #tpu.memory_space<semaphore_mem>>) src(%arg11 : memref<125x64xf32, #tpu.memory_space<vmem>>) dst(%dma_wait3A_177 : memref<10000x64xf32, #tpu.memory_space<vmem_shared>>)
        } else {
        }
        %add3A_71 = arith.constant 2 : i32
        %add3A_72 = arith.addi %add3A_66, %add3A_71 : i32
        %dma_start3A = arith.constant 0 : i32
        %dma_start3A_73 = tpu.memref_slice %arg7[%add3A_72, %dma_start3A] : memref<160x125xi32, #tpu.memory_space<vmem>> -> memref<1x125xi32, #tpu.memory_space<vmem>>
        %dma_start3A_74 = tpu.memref_squeeze %dma_start3A_73 : memref<1x125xi32, #tpu.memory_space<vmem>> -> memref<125xi32, #tpu.memory_space<vmem>>
        %dma_start3A_75 = arith.constant 0 : i32
        %dma_start3A_76 = arith.constant 0 : i32
        %dma_start3A_77 = tpu.memref_slice %arg2[%dma_start3A_75, %dma_start3A_76] : memref<10000x64xf32, #tpu.memory_space<hbm>> -> memref<10000x64xf32, #tpu.memory_space<hbm>>
        tpu.enqueue_indirect_dma source(%dma_start3A_77 : memref<10000x64xf32, #tpu.memory_space<hbm>>) target(%arg10 : memref<125x64xf32, #tpu.memory_space<vmem>>) offsets(%dma_start3A_74 : memref<125xi32, #tpu.memory_space<vmem>>) semaphore(%arg15 : memref<!tpu.dma_semaphore, #tpu.memory_space<semaphore_mem>>)
        %add3A_78 = arith.constant 3 : i32
        %add3A_79 = arith.addi %add3A_66, %add3A_78 : i32
        %dma_start3A_80 = arith.constant 0 : i32
        %dma_start3A_81 = tpu.memref_slice %arg7[%add3A_79, %dma_start3A_80] : memref<160x125xi32, #tpu.memory_space<vmem>> -> memref<1x125xi32, #tpu.memory_space<vmem>>
        %dma_start3A_82 = tpu.memref_squeeze %dma_start3A_81 : memref<1x125xi32, #tpu.memory_space<vmem>> -> memref<125xi32, #tpu.memory_space<vmem>>
        %dma_start3A_83 = arith.constant 0 : i32
        %dma_start3A_84 = arith.constant 0 : i32
        %dma_start3A_85 = tpu.memref_slice %arg2[%dma_start3A_83, %dma_start3A_84] : memref<10000x64xf32, #tpu.memory_space<hbm>> -> memref<10000x64xf32, #tpu.memory_space<hbm>>
        tpu.enqueue_indirect_dma source(%dma_start3A_85 : memref<10000x64xf32, #tpu.memory_space<hbm>>) target(%arg11 : memref<125x64xf32, #tpu.memory_space<vmem>>) offsets(%dma_start3A_82 : memref<125xi32, #tpu.memory_space<vmem>>) semaphore(%arg15 : memref<!tpu.dma_semaphore, #tpu.memory_space<semaphore_mem>>)
        %dma_wait3A_86 = arith.constant 0 : i32
        %dma_wait3A_87 = arith.constant 0 : i32
        %dma_wait3A_88 = tpu.memref_slice %arg7[%dma_wait3A_86, %dma_wait3A_87] : memref<160x125xi32, #tpu.memory_space<vmem>> -> memref<1x125xi32, #tpu.memory_space<vmem>>
        %dma_wait3A_89 = tpu.memref_squeeze %dma_wait3A_88 : memref<1x125xi32, #tpu.memory_space<vmem>> -> memref<125xi32, #tpu.memory_space<vmem>>
        %dma_wait3A_90 = arith.constant 0 : i32
        %dma_wait3A_91 = arith.constant 0 : i32
        %dma_wait3A_92 = tpu.memref_slice %arg2[%dma_wait3A_90, %dma_wait3A_91] : memref<10000x64xf32, #tpu.memory_space<hbm>> -> memref<10000x64xf32, #tpu.memory_space<hbm>>
        tpu.wait_indirect_dma semaphore(%arg14 : memref<!tpu.dma_semaphore, #tpu.memory_space<semaphore_mem>>) src(%dma_wait3A_92 : memref<10000x64xf32, #tpu.memory_space<hbm>>) dst(%arg12 : memref<125x64xf32, #tpu.memory_space<vmem>>)
        %dma_wait3A_93 = arith.constant 0 : i32
        %dma_wait3A_94 = arith.constant 0 : i32
        %dma_wait3A_95 = tpu.memref_slice %arg7[%dma_wait3A_93, %dma_wait3A_94] : memref<160x125xi32, #tpu.memory_space<vmem>> -> memref<1x125xi32, #tpu.memory_space<vmem>>
        %dma_wait3A_96 = tpu.memref_squeeze %dma_wait3A_95 : memref<1x125xi32, #tpu.memory_space<vmem>> -> memref<125xi32, #tpu.memory_space<vmem>>
        %dma_wait3A_97 = arith.constant 0 : i32
        %dma_wait3A_98 = arith.constant 0 : i32
        %dma_wait3A_99 = tpu.memref_slice %arg2[%dma_wait3A_97, %dma_wait3A_98] : memref<10000x64xf32, #tpu.memory_space<hbm>> -> memref<10000x64xf32, #tpu.memory_space<hbm>>
        tpu.wait_indirect_dma semaphore(%arg14 : memref<!tpu.dma_semaphore, #tpu.memory_space<semaphore_mem>>) src(%dma_wait3A_99 : memref<10000x64xf32, #tpu.memory_space<hbm>>) dst(%arg13 : memref<125x64xf32, #tpu.memory_space<vmem>>)
        %dma_start3A_100 = arith.constant 0 : i32
        %dma_start3A_101 = tpu.memref_slice %arg8[%add3A_66, %dma_start3A_100] : memref<160x125xi32, #tpu.memory_space<vmem>> -> memref<1x125xi32, #tpu.memory_space<vmem>>
        %dma_start3A_102 = tpu.memref_squeeze %dma_start3A_101 : memref<1x125xi32, #tpu.memory_space<vmem>> -> memref<125xi32, #tpu.memory_space<vmem>>
        %dma_start3A_103 = arith.constant 0 : i32
        %dma_start3A_104 = arith.constant 0 : i32
        %dma_start3A_105 = tpu.memref_slice %arg9[%dma_start3A_103, %dma_start3A_104] : memref<10000x64xf32, #tpu.memory_space<vmem_shared>> -> memref<10000x64xf32, #tpu.memory_space<vmem_shared>>
        tpu.enqueue_indirect_dma source(%arg12 : memref<125x64xf32, #tpu.memory_space<vmem>>) target(%dma_start3A_105 : memref<10000x64xf32, #tpu.memory_space<vmem_shared>>) offsets(%dma_start3A_102 : memref<125xi32, #tpu.memory_space<vmem>>) semaphore(%arg16 : memref<!tpu.dma_semaphore, #tpu.memory_space<semaphore_mem>>) {add = true}
        %add3A_106 = arith.constant 1 : i32
        %add3A_107 = arith.addi %add3A_66, %add3A_106 : i32
        %dma_start3A_108 = arith.constant 0 : i32
        %dma_start3A_109 = tpu.memref_slice %arg8[%add3A_107, %dma_start3A_108] : memref<160x125xi32, #tpu.memory_space<vmem>> -> memref<1x125xi32, #tpu.memory_space<vmem>>
        %dma_start3A_110 = tpu.memref_squeeze %dma_start3A_109 : memref<1x125xi32, #tpu.memory_space<vmem>> -> memref<125xi32, #tpu.memory_space<vmem>>
        %dma_start3A_111 = arith.constant 0 : i32
        %dma_start3A_112 = arith.constant 0 : i32
        %dma_start3A_113 = tpu.memref_slice %arg9[%dma_start3A_111, %dma_start3A_112] : memref<10000x64xf32, #tpu.memory_space<vmem_shared>> -> memref<10000x64xf32, #tpu.memory_space<vmem_shared>>
        tpu.enqueue_indirect_dma source(%arg13 : memref<125x64xf32, #tpu.memory_space<vmem>>) target(%dma_start3A_113 : memref<10000x64xf32, #tpu.memory_space<vmem_shared>>) offsets(%dma_start3A_110 : memref<125xi32, #tpu.memory_space<vmem>>) semaphore(%arg16 : memref<!tpu.dma_semaphore, #tpu.memory_space<semaphore_mem>>) {add = true}
        %dma_wait3A_114 = arith.constant 0 : i32
        %dma_wait3A_115 = arith.constant 0 : i32
        %dma_wait3A_116 = tpu.memref_slice %arg8[%dma_wait3A_114, %dma_wait3A_115] : memref<160x125xi32, #tpu.memory_space<vmem>> -> memref<1x125xi32, #tpu.memory_space<vmem>>
        %dma_wait3A_117 = tpu.memref_squeeze %dma_wait3A_116 : memref<1x125xi32, #tpu.memory_space<vmem>> -> memref<125xi32, #tpu.memory_space<vmem>>
        %dma_wait3A_118 = arith.constant 0 : i32
        %dma_wait3A_119 = arith.constant 0 : i32
        %dma_wait3A_120 = tpu.memref_slice %arg9[%dma_wait3A_118, %dma_wait3A_119] : memref<10000x64xf32, #tpu.memory_space<vmem_shared>> -> memref<10000x64xf32, #tpu.memory_space<vmem_shared>>
        tpu.wait_indirect_dma semaphore(%arg16 : memref<!tpu.dma_semaphore, #tpu.memory_space<semaphore_mem>>) src(%arg12 : memref<125x64xf32, #tpu.memory_space<vmem>>) dst(%dma_wait3A_120 : memref<10000x64xf32, #tpu.memory_space<vmem_shared>>)
        %dma_wait3A_121 = arith.constant 0 : i32
        %dma_wait3A_122 = arith.constant 0 : i32
        %dma_wait3A_123 = tpu.memref_slice %arg8[%dma_wait3A_121, %dma_wait3A_122] : memref<160x125xi32, #tpu.memory_space<vmem>> -> memref<1x125xi32, #tpu.memory_space<vmem>>
        %dma_wait3A_124 = tpu.memref_squeeze %dma_wait3A_123 : memref<1x125xi32, #tpu.memory_space<vmem>> -> memref<125xi32, #tpu.memory_space<vmem>>
        %dma_wait3A_125 = arith.constant 0 : i32
        %dma_wait3A_126 = arith.constant 0 : i32
        %dma_wait3A_127 = tpu.memref_slice %arg9[%dma_wait3A_125, %dma_wait3A_126] : memref<10000x64xf32, #tpu.memory_space<vmem_shared>> -> memref<10000x64xf32, #tpu.memory_space<vmem_shared>>
        tpu.wait_indirect_dma semaphore(%arg16 : memref<!tpu.dma_semaphore, #tpu.memory_space<semaphore_mem>>) src(%arg13 : memref<125x64xf32, #tpu.memory_space<vmem>>) dst(%dma_wait3A_127 : memref<10000x64xf32, #tpu.memory_space<vmem_shared>>)
        %add3A_128 = arith.constant 4 : i32
        %add3A_129 = arith.addi %add3A_66, %add3A_128 : i32
        %lt3A = arith.constant 160 : i32
        %lt3A_130 = arith.cmpi slt, %add3A_129, %lt3A : i32
        %convert_element_type3A_131 = arith.extui %lt3A_130 : i1 to i32
        %cond3A_132 = arith.constant 0 : i32
        %cond3A_133 = arith.cmpi ne, %convert_element_type3A_131, %cond3A_132 : i32
        scf.if %cond3A_133 {
          %add3A_164 = arith.constant 4 : i32
          %add3A_165 = arith.addi %add3A_66, %add3A_164 : i32
          %dma_start3A_166 = arith.constant 0 : i32
          %dma_start3A_167 = tpu.memref_slice %arg7[%add3A_165, %dma_start3A_166] : memref<160x125xi32, #tpu.memory_space<vmem>> -> memref<1x125xi32, #tpu.memory_space<vmem>>
          %dma_start3A_168 = tpu.memref_squeeze %dma_start3A_167 : memref<1x125xi32, #tpu.memory_space<vmem>> -> memref<125xi32, #tpu.memory_space<vmem>>
          %dma_start3A_169 = arith.constant 0 : i32
          %dma_start3A_170 = arith.constant 0 : i32
          %dma_start3A_171 = tpu.memref_slice %arg2[%dma_start3A_169, %dma_start3A_170] : memref<10000x64xf32, #tpu.memory_space<hbm>> -> memref<10000x64xf32, #tpu.memory_space<hbm>>
          tpu.enqueue_indirect_dma source(%dma_start3A_171 : memref<10000x64xf32, #tpu.memory_space<hbm>>) target(%arg12 : memref<125x64xf32, #tpu.memory_space<vmem>>) offsets(%dma_start3A_168 : memref<125xi32, #tpu.memory_space<vmem>>) semaphore(%arg14 : memref<!tpu.dma_semaphore, #tpu.memory_space<semaphore_mem>>)
          %add3A_172 = arith.constant 5 : i32
          %add3A_173 = arith.addi %add3A_66, %add3A_172 : i32
          %dma_start3A_174 = arith.constant 0 : i32
          %dma_start3A_175 = tpu.memref_slice %arg7[%add3A_173, %dma_start3A_174] : memref<160x125xi32, #tpu.memory_space<vmem>> -> memref<1x125xi32, #tpu.memory_space<vmem>>
          %dma_start3A_176 = tpu.memref_squeeze %dma_start3A_175 : memref<1x125xi32, #tpu.memory_space<vmem>> -> memref<125xi32, #tpu.memory_space<vmem>>
          %dma_start3A_177 = arith.constant 0 : i32
          %dma_start3A_178 = arith.constant 0 : i32
          %dma_start3A_179 = tpu.memref_slice %arg2[%dma_start3A_177, %dma_start3A_178] : memref<10000x64xf32, #tpu.memory_space<hbm>> -> memref<10000x64xf32, #tpu.memory_space<hbm>>
          tpu.enqueue_indirect_dma source(%dma_start3A_179 : memref<10000x64xf32, #tpu.memory_space<hbm>>) target(%arg13 : memref<125x64xf32, #tpu.memory_space<vmem>>) offsets(%dma_start3A_176 : memref<125xi32, #tpu.memory_space<vmem>>) semaphore(%arg14 : memref<!tpu.dma_semaphore, #tpu.memory_space<semaphore_mem>>)
        } else {
        }
        %dma_wait3A_134 = arith.constant 0 : i32
        %dma_wait3A_135 = arith.constant 0 : i32
        %dma_wait3A_136 = tpu.memref_slice %arg7[%dma_wait3A_134, %dma_wait3A_135] : memref<160x125xi32, #tpu.memory_space<vmem>> -> memref<1x125xi32, #tpu.memory_space<vmem>>
        %dma_wait3A_137 = tpu.memref_squeeze %dma_wait3A_136 : memref<1x125xi32, #tpu.memory_space<vmem>> -> memref<125xi32, #tpu.memory_space<vmem>>
        %dma_wait3A_138 = arith.constant 0 : i32
        %dma_wait3A_139 = arith.constant 0 : i32
        %dma_wait3A_140 = tpu.memref_slice %arg2[%dma_wait3A_138, %dma_wait3A_139] : memref<10000x64xf32, #tpu.memory_space<hbm>> -> memref<10000x64xf32, #tpu.memory_space<hbm>>
        tpu.wait_indirect_dma semaphore(%arg15 : memref<!tpu.dma_semaphore, #tpu.memory_space<semaphore_mem>>) src(%dma_wait3A_140 : memref<10000x64xf32, #tpu.memory_space<hbm>>) dst(%arg10 : memref<125x64xf32, #tpu.memory_space<vmem>>)
        %dma_wait3A_141 = arith.constant 0 : i32
        %dma_wait3A_142 = arith.constant 0 : i32
        %dma_wait3A_143 = tpu.memref_slice %arg7[%dma_wait3A_141, %dma_wait3A_142] : memref<160x125xi32, #tpu.memory_space<vmem>> -> memref<1x125xi32, #tpu.memory_space<vmem>>
        %dma_wait3A_144 = tpu.memref_squeeze %dma_wait3A_143 : memref<1x125xi32, #tpu.memory_space<vmem>> -> memref<125xi32, #tpu.memory_space<vmem>>
        %dma_wait3A_145 = arith.constant 0 : i32
        %dma_wait3A_146 = arith.constant 0 : i32
        %dma_wait3A_147 = tpu.memref_slice %arg2[%dma_wait3A_145, %dma_wait3A_146] : memref<10000x64xf32, #tpu.memory_space<hbm>> -> memref<10000x64xf32, #tpu.memory_space<hbm>>
        tpu.wait_indirect_dma semaphore(%arg15 : memref<!tpu.dma_semaphore, #tpu.memory_space<semaphore_mem>>) src(%dma_wait3A_147 : memref<10000x64xf32, #tpu.memory_space<hbm>>) dst(%arg11 : memref<125x64xf32, #tpu.memory_space<vmem>>)
        %add3A_148 = arith.constant 2 : i32
        %add3A_149 = arith.addi %add3A_66, %add3A_148 : i32
        %dma_start3A_150 = arith.constant 0 : i32
        %dma_start3A_151 = tpu.memref_slice %arg8[%add3A_149, %dma_start3A_150] : memref<160x125xi32, #tpu.memory_space<vmem>> -> memref<1x125xi32, #tpu.memory_space<vmem>>
        %dma_start3A_152 = tpu.memref_squeeze %dma_start3A_151 : memref<1x125xi32, #tpu.memory_space<vmem>> -> memref<125xi32, #tpu.memory_space<vmem>>
        %dma_start3A_153 = arith.constant 0 : i32
        %dma_start3A_154 = arith.constant 0 : i32
        %dma_start3A_155 = tpu.memref_slice %arg9[%dma_start3A_153, %dma_start3A_154] : memref<10000x64xf32, #tpu.memory_space<vmem_shared>> -> memref<10000x64xf32, #tpu.memory_space<vmem_shared>>
        tpu.enqueue_indirect_dma source(%arg10 : memref<125x64xf32, #tpu.memory_space<vmem>>) target(%dma_start3A_155 : memref<10000x64xf32, #tpu.memory_space<vmem_shared>>) offsets(%dma_start3A_152 : memref<125xi32, #tpu.memory_space<vmem>>) semaphore(%arg17 : memref<!tpu.dma_semaphore, #tpu.memory_space<semaphore_mem>>) {add = true}
        %add3A_156 = arith.constant 3 : i32
        %add3A_157 = arith.addi %add3A_66, %add3A_156 : i32
        %dma_start3A_158 = arith.constant 0 : i32
        %dma_start3A_159 = tpu.memref_slice %arg8[%add3A_157, %dma_start3A_158] : memref<160x125xi32, #tpu.memory_space<vmem>> -> memref<1x125xi32, #tpu.memory_space<vmem>>
        %dma_start3A_160 = tpu.memref_squeeze %dma_start3A_159 : memref<1x125xi32, #tpu.memory_space<vmem>> -> memref<125xi32, #tpu.memory_space<vmem>>
        %dma_start3A_161 = arith.constant 0 : i32
        %dma_start3A_162 = arith.constant 0 : i32
        %dma_start3A_163 = tpu.memref_slice %arg9[%dma_start3A_161, %dma_start3A_162] : memref<10000x64xf32, #tpu.memory_space<vmem_shared>> -> memref<10000x64xf32, #tpu.memory_space<vmem_shared>>
        tpu.enqueue_indirect_dma source(%arg11 : memref<125x64xf32, #tpu.memory_space<vmem>>) target(%dma_start3A_163 : memref<10000x64xf32, #tpu.memory_space<vmem_shared>>) offsets(%dma_start3A_160 : memref<125xi32, #tpu.memory_space<vmem>>) semaphore(%arg17 : memref<!tpu.dma_semaphore, #tpu.memory_space<semaphore_mem>>) {add = true}
      }
      %scan3A_48 = arith.constant 40 : i32
      %dma_wait3A = arith.constant 0 : i32
      %dma_wait3A_49 = arith.constant 0 : i32
      %dma_wait3A_50 = tpu.memref_slice %arg8[%dma_wait3A, %dma_wait3A_49] : memref<160x125xi32, #tpu.memory_space<vmem>> -> memref<1x125xi32, #tpu.memory_space<vmem>>
      %dma_wait3A_51 = tpu.memref_squeeze %dma_wait3A_50 : memref<1x125xi32, #tpu.memory_space<vmem>> -> memref<125xi32, #tpu.memory_space<vmem>>
      %dma_wait3A_52 = arith.constant 0 : i32
      %dma_wait3A_53 = arith.constant 0 : i32
      %dma_wait3A_54 = tpu.memref_slice %arg9[%dma_wait3A_52, %dma_wait3A_53] : memref<10000x64xf32, #tpu.memory_space<vmem_shared>> -> memref<10000x64xf32, #tpu.memory_space<vmem_shared>>
      tpu.wait_indirect_dma semaphore(%arg17 : memref<!tpu.dma_semaphore, #tpu.memory_space<semaphore_mem>>) src(%arg10 : memref<125x64xf32, #tpu.memory_space<vmem>>) dst(%dma_wait3A_54 : memref<10000x64xf32, #tpu.memory_space<vmem_shared>>)
      %dma_wait3A_55 = arith.constant 0 : i32
      %dma_wait3A_56 = arith.constant 0 : i32
      %dma_wait3A_57 = tpu.memref_slice %arg8[%dma_wait3A_55, %dma_wait3A_56] : memref<160x125xi32, #tpu.memory_space<vmem>> -> memref<1x125xi32, #tpu.memory_space<vmem>>
      %dma_wait3A_58 = tpu.memref_squeeze %dma_wait3A_57 : memref<1x125xi32, #tpu.memory_space<vmem>> -> memref<125xi32, #tpu.memory_space<vmem>>
      %dma_wait3A_59 = arith.constant 0 : i32
      %dma_wait3A_60 = arith.constant 0 : i32
      %dma_wait3A_61 = tpu.memref_slice %arg9[%dma_wait3A_59, %dma_wait3A_60] : memref<10000x64xf32, #tpu.memory_space<vmem_shared>> -> memref<10000x64xf32, #tpu.memory_space<vmem_shared>>
      tpu.wait_indirect_dma semaphore(%arg17 : memref<!tpu.dma_semaphore, #tpu.memory_space<semaphore_mem>>) src(%arg11 : memref<125x64xf32, #tpu.memory_space<vmem>>) dst(%dma_wait3A_61 : memref<10000x64xf32, #tpu.memory_space<vmem_shared>>)
    } else {
    }
    %eq3A_34 = arith.constant 1 : i32
    %eq3A_35 = arith.cmpi eq, %arg0, %eq3A_34 : i32
    %convert_element_type3A_36 = arith.extui %eq3A_35 : i1 to i32
    %cond3A_37 = arith.constant 0 : i32
    %cond3A_38 = arith.cmpi ne, %convert_element_type3A_36, %cond3A_37 : i32
    scf.if %cond3A_38 {
      %scan3A_44 = arith.constant 0 : i32
      %scan3A_45 = arith.constant 40 : i32
      %scan3A_46 = arith.addi %scan3A_44, %scan3A_45 : i32
      %scan3A_47 = arith.constant 1 : i32
      scf.for %scan3A_62 = %scan3A_44 to %scan3A_46 step %scan3A_47  : i32 {
        %mul3A_63 = arith.constant 4 : i32
        %mul3A_64 = arith.muli %scan3A_62, %mul3A_63 : i32
        %add3A_65 = arith.constant 0 : i32
        %add3A_66 = arith.addi %add3A_65, %mul3A_64 : i32
        %gt3A = arith.constant 0 : i32
        %gt3A_67 = arith.cmpi sgt, %add3A_66, %gt3A : i32
        %convert_element_type3A_68 = arith.extui %gt3A_67 : i1 to i32
        %cond3A_69 = arith.constant 0 : i32
        %cond3A_70 = arith.cmpi ne, %convert_element_type3A_68, %cond3A_69 : i32
        scf.if %cond3A_70 {
          %dma_wait3A_164 = arith.constant 0 : i32
          %dma_wait3A_165 = arith.constant 0 : i32
          %dma_wait3A_166 = tpu.memref_slice %arg8[%dma_wait3A_164, %dma_wait3A_165] : memref<160x125xi32, #tpu.memory_space<vmem>> -> memref<1x125xi32, #tpu.memory_space<vmem>>
          %dma_wait3A_167 = tpu.memref_squeeze %dma_wait3A_166 : memref<1x125xi32, #tpu.memory_space<vmem>> -> memref<125xi32, #tpu.memory_space<vmem>>
          %dma_wait3A_168 = arith.constant 0 : i32
          %dma_wait3A_169 = arith.constant 0 : i32
          %dma_wait3A_170 = tpu.memref_slice %arg9[%dma_wait3A_168, %dma_wait3A_169] : memref<10000x64xf32, #tpu.memory_space<vmem_shared>> -> memref<10000x64xf32, #tpu.memory_space<vmem_shared>>
          tpu.wait_indirect_dma semaphore(%arg17 : memref<!tpu.dma_semaphore, #tpu.memory_space<semaphore_mem>>) src(%arg10 : memref<125x64xf32, #tpu.memory_space<vmem>>) dst(%dma_wait3A_170 : memref<10000x64xf32, #tpu.memory_space<vmem_shared>>)
          %dma_wait3A_171 = arith.constant 0 : i32
          %dma_wait3A_172 = arith.constant 0 : i32
          %dma_wait3A_173 = tpu.memref_slice %arg8[%dma_wait3A_171, %dma_wait3A_172] : memref<160x125xi32, #tpu.memory_space<vmem>> -> memref<1x125xi32, #tpu.memory_space<vmem>>
          %dma_wait3A_174 = tpu.memref_squeeze %dma_wait3A_173 : memref<1x125xi32, #tpu.memory_space<vmem>> -> memref<125xi32, #tpu.memory_space<vmem>>
          %dma_wait3A_175 = arith.constant 0 : i32
          %dma_wait3A_176 = arith.constant 0 : i32
          %dma_wait3A_177 = tpu.memref_slice %arg9[%dma_wait3A_175, %dma_wait3A_176] : memref<10000x64xf32, #tpu.memory_space<vmem_shared>> -> memref<10000x64xf32, #tpu.memory_space<vmem_shared>>
          tpu.wait_indirect_dma semaphore(%arg17 : memref<!tpu.dma_semaphore, #tpu.memory_space<semaphore_mem>>) src(%arg11 : memref<125x64xf32, #tpu.memory_space<vmem>>) dst(%dma_wait3A_177 : memref<10000x64xf32, #tpu.memory_space<vmem_shared>>)
        } else {
        }
        %add3A_71 = arith.constant 2 : i32
        %add3A_72 = arith.addi %add3A_66, %add3A_71 : i32
        %dma_start3A = arith.constant 0 : i32
        %dma_start3A_73 = tpu.memref_slice %arg7[%add3A_72, %dma_start3A] : memref<160x125xi32, #tpu.memory_space<vmem>> -> memref<1x125xi32, #tpu.memory_space<vmem>>
        %dma_start3A_74 = tpu.memref_squeeze %dma_start3A_73 : memref<1x125xi32, #tpu.memory_space<vmem>> -> memref<125xi32, #tpu.memory_space<vmem>>
        %dma_start3A_75 = arith.constant 0 : i32
        %dma_start3A_76 = arith.constant 0 : i32
        %dma_start3A_77 = tpu.memref_slice %arg3[%dma_start3A_75, %dma_start3A_76] : memref<10000x64xf32, #tpu.memory_space<hbm>> -> memref<10000x64xf32, #tpu.memory_space<hbm>>
        tpu.enqueue_indirect_dma source(%dma_start3A_77 : memref<10000x64xf32, #tpu.memory_space<hbm>>) target(%arg10 : memref<125x64xf32, #tpu.memory_space<vmem>>) offsets(%dma_start3A_74 : memref<125xi32, #tpu.memory_space<vmem>>) semaphore(%arg15 : memref<!tpu.dma_semaphore, #tpu.memory_space<semaphore_mem>>)
        %add3A_78 = arith.constant 3 : i32
        %add3A_79 = arith.addi %add3A_66, %add3A_78 : i32
        %dma_start3A_80 = arith.constant 0 : i32
        %dma_start3A_81 = tpu.memref_slice %arg7[%add3A_79, %dma_start3A_80] : memref<160x125xi32, #tpu.memory_space<vmem>> -> memref<1x125xi32, #tpu.memory_space<vmem>>
        %dma_start3A_82 = tpu.memref_squeeze %dma_start3A_81 : memref<1x125xi32, #tpu.memory_space<vmem>> -> memref<125xi32, #tpu.memory_space<vmem>>
        %dma_start3A_83 = arith.constant 0 : i32
        %dma_start3A_84 = arith.constant 0 : i32
        %dma_start3A_85 = tpu.memref_slice %arg3[%dma_start3A_83, %dma_start3A_84] : memref<10000x64xf32, #tpu.memory_space<hbm>> -> memref<10000x64xf32, #tpu.memory_space<hbm>>
        tpu.enqueue_indirect_dma source(%dma_start3A_85 : memref<10000x64xf32, #tpu.memory_space<hbm>>) target(%arg11 : memref<125x64xf32, #tpu.memory_space<vmem>>) offsets(%dma_start3A_82 : memref<125xi32, #tpu.memory_space<vmem>>) semaphore(%arg15 : memref<!tpu.dma_semaphore, #tpu.memory_space<semaphore_mem>>)
        %dma_wait3A_86 = arith.constant 0 : i32
        %dma_wait3A_87 = arith.constant 0 : i32
        %dma_wait3A_88 = tpu.memref_slice %arg7[%dma_wait3A_86, %dma_wait3A_87] : memref<160x125xi32, #tpu.memory_space<vmem>> -> memref<1x125xi32, #tpu.memory_space<vmem>>
        %dma_wait3A_89 = tpu.memref_squeeze %dma_wait3A_88 : memref<1x125xi32, #tpu.memory_space<vmem>> -> memref<125xi32, #tpu.memory_space<vmem>>
        %dma_wait3A_90 = arith.constant 0 : i32
        %dma_wait3A_91 = arith.constant 0 : i32
        %dma_wait3A_92 = tpu.memref_slice %arg3[%dma_wait3A_90, %dma_wait3A_91] : memref<10000x64xf32, #tpu.memory_space<hbm>> -> memref<10000x64xf32, #tpu.memory_space<hbm>>
        tpu.wait_indirect_dma semaphore(%arg14 : memref<!tpu.dma_semaphore, #tpu.memory_space<semaphore_mem>>) src(%dma_wait3A_92 : memref<10000x64xf32, #tpu.memory_space<hbm>>) dst(%arg12 : memref<125x64xf32, #tpu.memory_space<vmem>>)
        %dma_wait3A_93 = arith.constant 0 : i32
        %dma_wait3A_94 = arith.constant 0 : i32
        %dma_wait3A_95 = tpu.memref_slice %arg7[%dma_wait3A_93, %dma_wait3A_94] : memref<160x125xi32, #tpu.memory_space<vmem>> -> memref<1x125xi32, #tpu.memory_space<vmem>>
        %dma_wait3A_96 = tpu.memref_squeeze %dma_wait3A_95 : memref<1x125xi32, #tpu.memory_space<vmem>> -> memref<125xi32, #tpu.memory_space<vmem>>
        %dma_wait3A_97 = arith.constant 0 : i32
        %dma_wait3A_98 = arith.constant 0 : i32
        %dma_wait3A_99 = tpu.memref_slice %arg3[%dma_wait3A_97, %dma_wait3A_98] : memref<10000x64xf32, #tpu.memory_space<hbm>> -> memref<10000x64xf32, #tpu.memory_space<hbm>>
        tpu.wait_indirect_dma semaphore(%arg14 : memref<!tpu.dma_semaphore, #tpu.memory_space<semaphore_mem>>) src(%dma_wait3A_99 : memref<10000x64xf32, #tpu.memory_space<hbm>>) dst(%arg13 : memref<125x64xf32, #tpu.memory_space<vmem>>)
        %dma_start3A_100 = arith.constant 0 : i32
        %dma_start3A_101 = tpu.memref_slice %arg8[%add3A_66, %dma_start3A_100] : memref<160x125xi32, #tpu.memory_space<vmem>> -> memref<1x125xi32, #tpu.memory_space<vmem>>
        %dma_start3A_102 = tpu.memref_squeeze %dma_start3A_101 : memref<1x125xi32, #tpu.memory_space<vmem>> -> memref<125xi32, #tpu.memory_space<vmem>>
        %dma_start3A_103 = arith.constant 0 : i32
        %dma_start3A_104 = arith.constant 0 : i32
        %dma_start3A_105 = tpu.memref_slice %arg9[%dma_start3A_103, %dma_start3A_104] : memref<10000x64xf32, #tpu.memory_space<vmem_shared>> -> memref<10000x64xf32, #tpu.memory_space<vmem_shared>>
        tpu.enqueue_indirect_dma source(%arg12 : memref<125x64xf32, #tpu.memory_space<vmem>>) target(%dma_start3A_105 : memref<10000x64xf32, #tpu.memory_space<vmem_shared>>) offsets(%dma_start3A_102 : memref<125xi32, #tpu.memory_space<vmem>>) semaphore(%arg16 : memref<!tpu.dma_semaphore, #tpu.memory_space<semaphore_mem>>) {add = true}
        %add3A_106 = arith.constant 1 : i32
        %add3A_107 = arith.addi %add3A_66, %add3A_106 : i32
        %dma_start3A_108 = arith.constant 0 : i32
        %dma_start3A_109 = tpu.memref_slice %arg8[%add3A_107, %dma_start3A_108] : memref<160x125xi32, #tpu.memory_space<vmem>> -> memref<1x125xi32, #tpu.memory_space<vmem>>
        %dma_start3A_110 = tpu.memref_squeeze %dma_start3A_109 : memref<1x125xi32, #tpu.memory_space<vmem>> -> memref<125xi32, #tpu.memory_space<vmem>>
        %dma_start3A_111 = arith.constant 0 : i32
        %dma_start3A_112 = arith.constant 0 : i32
        %dma_start3A_113 = tpu.memref_slice %arg9[%dma_start3A_111, %dma_start3A_112] : memref<10000x64xf32, #tpu.memory_space<vmem_shared>> -> memref<10000x64xf32, #tpu.memory_space<vmem_shared>>
        tpu.enqueue_indirect_dma source(%arg13 : memref<125x64xf32, #tpu.memory_space<vmem>>) target(%dma_start3A_113 : memref<10000x64xf32, #tpu.memory_space<vmem_shared>>) offsets(%dma_start3A_110 : memref<125xi32, #tpu.memory_space<vmem>>) semaphore(%arg16 : memref<!tpu.dma_semaphore, #tpu.memory_space<semaphore_mem>>) {add = true}
        %dma_wait3A_114 = arith.constant 0 : i32
        %dma_wait3A_115 = arith.constant 0 : i32
        %dma_wait3A_116 = tpu.memref_slice %arg8[%dma_wait3A_114, %dma_wait3A_115] : memref<160x125xi32, #tpu.memory_space<vmem>> -> memref<1x125xi32, #tpu.memory_space<vmem>>
        %dma_wait3A_117 = tpu.memref_squeeze %dma_wait3A_116 : memref<1x125xi32, #tpu.memory_space<vmem>> -> memref<125xi32, #tpu.memory_space<vmem>>
        %dma_wait3A_118 = arith.constant 0 : i32
        %dma_wait3A_119 = arith.constant 0 : i32
        %dma_wait3A_120 = tpu.memref_slice %arg9[%dma_wait3A_118, %dma_wait3A_119] : memref<10000x64xf32, #tpu.memory_space<vmem_shared>> -> memref<10000x64xf32, #tpu.memory_space<vmem_shared>>
        tpu.wait_indirect_dma semaphore(%arg16 : memref<!tpu.dma_semaphore, #tpu.memory_space<semaphore_mem>>) src(%arg12 : memref<125x64xf32, #tpu.memory_space<vmem>>) dst(%dma_wait3A_120 : memref<10000x64xf32, #tpu.memory_space<vmem_shared>>)
        %dma_wait3A_121 = arith.constant 0 : i32
        %dma_wait3A_122 = arith.constant 0 : i32
        %dma_wait3A_123 = tpu.memref_slice %arg8[%dma_wait3A_121, %dma_wait3A_122] : memref<160x125xi32, #tpu.memory_space<vmem>> -> memref<1x125xi32, #tpu.memory_space<vmem>>
        %dma_wait3A_124 = tpu.memref_squeeze %dma_wait3A_123 : memref<1x125xi32, #tpu.memory_space<vmem>> -> memref<125xi32, #tpu.memory_space<vmem>>
        %dma_wait3A_125 = arith.constant 0 : i32
        %dma_wait3A_126 = arith.constant 0 : i32
        %dma_wait3A_127 = tpu.memref_slice %arg9[%dma_wait3A_125, %dma_wait3A_126] : memref<10000x64xf32, #tpu.memory_space<vmem_shared>> -> memref<10000x64xf32, #tpu.memory_space<vmem_shared>>
        tpu.wait_indirect_dma semaphore(%arg16 : memref<!tpu.dma_semaphore, #tpu.memory_space<semaphore_mem>>) src(%arg13 : memref<125x64xf32, #tpu.memory_space<vmem>>) dst(%dma_wait3A_127 : memref<10000x64xf32, #tpu.memory_space<vmem_shared>>)
        %add3A_128 = arith.constant 4 : i32
        %add3A_129 = arith.addi %add3A_66, %add3A_128 : i32
        %lt3A = arith.constant 160 : i32
        %lt3A_130 = arith.cmpi slt, %add3A_129, %lt3A : i32
        %convert_element_type3A_131 = arith.extui %lt3A_130 : i1 to i32
        %cond3A_132 = arith.constant 0 : i32
        %cond3A_133 = arith.cmpi ne, %convert_element_type3A_131, %cond3A_132 : i32
        scf.if %cond3A_133 {
          %add3A_164 = arith.constant 4 : i32
          %add3A_165 = arith.addi %add3A_66, %add3A_164 : i32
          %dma_start3A_166 = arith.constant 0 : i32
          %dma_start3A_167 = tpu.memref_slice %arg7[%add3A_165, %dma_start3A_166] : memref<160x125xi32, #tpu.memory_space<vmem>> -> memref<1x125xi32, #tpu.memory_space<vmem>>
          %dma_start3A_168 = tpu.memref_squeeze %dma_start3A_167 : memref<1x125xi32, #tpu.memory_space<vmem>> -> memref<125xi32, #tpu.memory_space<vmem>>
          %dma_start3A_169 = arith.constant 0 : i32
          %dma_start3A_170 = arith.constant 0 : i32
          %dma_start3A_171 = tpu.memref_slice %arg3[%dma_start3A_169, %dma_start3A_170] : memref<10000x64xf32, #tpu.memory_space<hbm>> -> memref<10000x64xf32, #tpu.memory_space<hbm>>
          tpu.enqueue_indirect_dma source(%dma_start3A_171 : memref<10000x64xf32, #tpu.memory_space<hbm>>) target(%arg12 : memref<125x64xf32, #tpu.memory_space<vmem>>) offsets(%dma_start3A_168 : memref<125xi32, #tpu.memory_space<vmem>>) semaphore(%arg14 : memref<!tpu.dma_semaphore, #tpu.memory_space<semaphore_mem>>)
          %add3A_172 = arith.constant 5 : i32
          %add3A_173 = arith.addi %add3A_66, %add3A_172 : i32
          %dma_start3A_174 = arith.constant 0 : i32
          %dma_start3A_175 = tpu.memref_slice %arg7[%add3A_173, %dma_start3A_174] : memref<160x125xi32, #tpu.memory_space<vmem>> -> memref<1x125xi32, #tpu.memory_space<vmem>>
          %dma_start3A_176 = tpu.memref_squeeze %dma_start3A_175 : memref<1x125xi32, #tpu.memory_space<vmem>> -> memref<125xi32, #tpu.memory_space<vmem>>
          %dma_start3A_177 = arith.constant 0 : i32
          %dma_start3A_178 = arith.constant 0 : i32
          %dma_start3A_179 = tpu.memref_slice %arg3[%dma_start3A_177, %dma_start3A_178] : memref<10000x64xf32, #tpu.memory_space<hbm>> -> memref<10000x64xf32, #tpu.memory_space<hbm>>
          tpu.enqueue_indirect_dma source(%dma_start3A_179 : memref<10000x64xf32, #tpu.memory_space<hbm>>) target(%arg13 : memref<125x64xf32, #tpu.memory_space<vmem>>) offsets(%dma_start3A_176 : memref<125xi32, #tpu.memory_space<vmem>>) semaphore(%arg14 : memref<!tpu.dma_semaphore, #tpu.memory_space<semaphore_mem>>)
        } else {
        }
        %dma_wait3A_134 = arith.constant 0 : i32
        %dma_wait3A_135 = arith.constant 0 : i32
        %dma_wait3A_136 = tpu.memref_slice %arg7[%dma_wait3A_134, %dma_wait3A_135] : memref<160x125xi32, #tpu.memory_space<vmem>> -> memref<1x125xi32, #tpu.memory_space<vmem>>
        %dma_wait3A_137 = tpu.memref_squeeze %dma_wait3A_136 : memref<1x125xi32, #tpu.memory_space<vmem>> -> memref<125xi32, #tpu.memory_space<vmem>>
        %dma_wait3A_138 = arith.constant 0 : i32
        %dma_wait3A_139 = arith.constant 0 : i32
        %dma_wait3A_140 = tpu.memref_slice %arg3[%dma_wait3A_138, %dma_wait3A_139] : memref<10000x64xf32, #tpu.memory_space<hbm>> -> memref<10000x64xf32, #tpu.memory_space<hbm>>
        tpu.wait_indirect_dma semaphore(%arg15 : memref<!tpu.dma_semaphore, #tpu.memory_space<semaphore_mem>>) src(%dma_wait3A_140 : memref<10000x64xf32, #tpu.memory_space<hbm>>) dst(%arg10 : memref<125x64xf32, #tpu.memory_space<vmem>>)
        %dma_wait3A_141 = arith.constant 0 : i32
        %dma_wait3A_142 = arith.constant 0 : i32
        %dma_wait3A_143 = tpu.memref_slice %arg7[%dma_wait3A_141, %dma_wait3A_142] : memref<160x125xi32, #tpu.memory_space<vmem>> -> memref<1x125xi32, #tpu.memory_space<vmem>>
        %dma_wait3A_144 = tpu.memref_squeeze %dma_wait3A_143 : memref<1x125xi32, #tpu.memory_space<vmem>> -> memref<125xi32, #tpu.memory_space<vmem>>
        %dma_wait3A_145 = arith.constant 0 : i32
        %dma_wait3A_146 = arith.constant 0 : i32
        %dma_wait3A_147 = tpu.memref_slice %arg3[%dma_wait3A_145, %dma_wait3A_146] : memref<10000x64xf32, #tpu.memory_space<hbm>> -> memref<10000x64xf32, #tpu.memory_space<hbm>>
        tpu.wait_indirect_dma semaphore(%arg15 : memref<!tpu.dma_semaphore, #tpu.memory_space<semaphore_mem>>) src(%dma_wait3A_147 : memref<10000x64xf32, #tpu.memory_space<hbm>>) dst(%arg11 : memref<125x64xf32, #tpu.memory_space<vmem>>)
        %add3A_148 = arith.constant 2 : i32
        %add3A_149 = arith.addi %add3A_66, %add3A_148 : i32
        %dma_start3A_150 = arith.constant 0 : i32
        %dma_start3A_151 = tpu.memref_slice %arg8[%add3A_149, %dma_start3A_150] : memref<160x125xi32, #tpu.memory_space<vmem>> -> memref<1x125xi32, #tpu.memory_space<vmem>>
        %dma_start3A_152 = tpu.memref_squeeze %dma_start3A_151 : memref<1x125xi32, #tpu.memory_space<vmem>> -> memref<125xi32, #tpu.memory_space<vmem>>
        %dma_start3A_153 = arith.constant 0 : i32
        %dma_start3A_154 = arith.constant 0 : i32
        %dma_start3A_155 = tpu.memref_slice %arg9[%dma_start3A_153, %dma_start3A_154] : memref<10000x64xf32, #tpu.memory_space<vmem_shared>> -> memref<10000x64xf32, #tpu.memory_space<vmem_shared>>
        tpu.enqueue_indirect_dma source(%arg10 : memref<125x64xf32, #tpu.memory_space<vmem>>) target(%dma_start3A_155 : memref<10000x64xf32, #tpu.memory_space<vmem_shared>>) offsets(%dma_start3A_152 : memref<125xi32, #tpu.memory_space<vmem>>) semaphore(%arg17 : memref<!tpu.dma_semaphore, #tpu.memory_space<semaphore_mem>>) {add = true}
        %add3A_156 = arith.constant 3 : i32
        %add3A_157 = arith.addi %add3A_66, %add3A_156 : i32
        %dma_start3A_158 = arith.constant 0 : i32
        %dma_start3A_159 = tpu.memref_slice %arg8[%add3A_157, %dma_start3A_158] : memref<160x125xi32, #tpu.memory_space<vmem>> -> memref<1x125xi32, #tpu.memory_space<vmem>>
        %dma_start3A_160 = tpu.memref_squeeze %dma_start3A_159 : memref<1x125xi32, #tpu.memory_space<vmem>> -> memref<125xi32, #tpu.memory_space<vmem>>
        %dma_start3A_161 = arith.constant 0 : i32
        %dma_start3A_162 = arith.constant 0 : i32
        %dma_start3A_163 = tpu.memref_slice %arg9[%dma_start3A_161, %dma_start3A_162] : memref<10000x64xf32, #tpu.memory_space<vmem_shared>> -> memref<10000x64xf32, #tpu.memory_space<vmem_shared>>
        tpu.enqueue_indirect_dma source(%arg11 : memref<125x64xf32, #tpu.memory_space<vmem>>) target(%dma_start3A_163 : memref<10000x64xf32, #tpu.memory_space<vmem_shared>>) offsets(%dma_start3A_160 : memref<125xi32, #tpu.memory_space<vmem>>) semaphore(%arg17 : memref<!tpu.dma_semaphore, #tpu.memory_space<semaphore_mem>>) {add = true}
      }
      %scan3A_48 = arith.constant 40 : i32
      %dma_wait3A = arith.constant 0 : i32
      %dma_wait3A_49 = arith.constant 0 : i32
      %dma_wait3A_50 = tpu.memref_slice %arg8[%dma_wait3A, %dma_wait3A_49] : memref<160x125xi32, #tpu.memory_space<vmem>> -> memref<1x125xi32, #tpu.memory_space<vmem>>
      %dma_wait3A_51 = tpu.memref_squeeze %dma_wait3A_50 : memref<1x125xi32, #tpu.memory_space<vmem>> -> memref<125xi32, #tpu.memory_space<vmem>>
      %dma_wait3A_52 = arith.constant 0 : i32
      %dma_wait3A_53 = arith.constant 0 : i32
      %dma_wait3A_54 = tpu.memref_slice %arg9[%dma_wait3A_52, %dma_wait3A_53] : memref<10000x64xf32, #tpu.memory_space<vmem_shared>> -> memref<10000x64xf32, #tpu.memory_space<vmem_shared>>
      tpu.wait_indirect_dma semaphore(%arg17 : memref<!tpu.dma_semaphore, #tpu.memory_space<semaphore_mem>>) src(%arg10 : memref<125x64xf32, #tpu.memory_space<vmem>>) dst(%dma_wait3A_54 : memref<10000x64xf32, #tpu.memory_space<vmem_shared>>)
      %dma_wait3A_55 = arith.constant 0 : i32
      %dma_wait3A_56 = arith.constant 0 : i32
      %dma_wait3A_57 = tpu.memref_slice %arg8[%dma_wait3A_55, %dma_wait3A_56] : memref<160x125xi32, #tpu.memory_space<vmem>> -> memref<1x125xi32, #tpu.memory_space<vmem>>
      %dma_wait3A_58 = tpu.memref_squeeze %dma_wait3A_57 : memref<1x125xi32, #tpu.memory_space<vmem>> -> memref<125xi32, #tpu.memory_space<vmem>>
      %dma_wait3A_59 = arith.constant 0 : i32
      %dma_wait3A_60 = arith.constant 0 : i32
      %dma_wait3A_61 = tpu.memref_slice %arg9[%dma_wait3A_59, %dma_wait3A_60] : memref<10000x64xf32, #tpu.memory_space<vmem_shared>> -> memref<10000x64xf32, #tpu.memory_space<vmem_shared>>
      tpu.wait_indirect_dma semaphore(%arg17 : memref<!tpu.dma_semaphore, #tpu.memory_space<semaphore_mem>>) src(%arg11 : memref<125x64xf32, #tpu.memory_space<vmem>>) dst(%dma_wait3A_61 : memref<10000x64xf32, #tpu.memory_space<vmem_shared>>)
    } else {
    }
    %barrier3A_39 = arith.constant 0 : index
    tpu.barrier barrier_id(%barrier3A_39)
    %mul3A_40 = arith.constant 625 : i32
    %mul3A_41 = arith.muli %arg1, %mul3A_40 : i32
    %mul3A_42 = arith.constant 625 : i32
    %mul3A_43 = arith.muli %arg1, %mul3A_42 : i32
    "tpu.region"() ({
      %run_scoped3A = tpu.sem_alloc : memref<!tpu.dma_semaphore, #tpu.memory_space<semaphore_mem>>
      %dma_start3A = arith.constant 0 : i32
      %dma_start3A_44 = tpu.memref_slice %arg6[%arg0, %mul3A_43, %dma_start3A] : memref<2x10000x64xf32, #tpu.memory_space<hbm>> -> memref<1x625x64xf32, #tpu.memory_space<hbm>>
      %dma_start3A_45 = tpu.memref_squeeze %dma_start3A_44 : memref<1x625x64xf32, #tpu.memory_space<hbm>> -> memref<625x64xf32, #tpu.memory_space<hbm>>
      %dma_start3A_46 = arith.constant 0 : i32
      %dma_start3A_47 = tpu.memref_slice %arg9[%mul3A_41, %dma_start3A_46] : memref<10000x64xf32, #tpu.memory_space<vmem_shared>> -> memref<625x64xf32, #tpu.memory_space<vmem_shared>>
      tpu.enqueue_dma source(%dma_start3A_47 : memref<625x64xf32, #tpu.memory_space<vmem_shared>>) target(%dma_start3A_45 : memref<625x64xf32, #tpu.memory_space<hbm>>) target_semaphore(%run_scoped3A : memref<!tpu.dma_semaphore, #tpu.memory_space<semaphore_mem>>)
      %dma_wait3A = arith.constant 0 : i32
      %dma_wait3A_48 = tpu.memref_slice %arg6[%arg0, %mul3A_43, %dma_wait3A] : memref<2x10000x64xf32, #tpu.memory_space<hbm>> -> memref<1x625x64xf32, #tpu.memory_space<hbm>>
      %dma_wait3A_49 = tpu.memref_squeeze %dma_wait3A_48 : memref<1x625x64xf32, #tpu.memory_space<hbm>> -> memref<625x64xf32, #tpu.memory_space<hbm>>
      %dma_wait3A_50 = arith.constant 0 : i32
      %dma_wait3A_51 = tpu.memref_slice %arg9[%mul3A_41, %dma_wait3A_50] : memref<10000x64xf32, #tpu.memory_space<vmem_shared>> -> memref<625x64xf32, #tpu.memory_space<vmem_shared>>
      tpu.wait_dma2 semaphore(%run_scoped3A : memref<!tpu.dma_semaphore, #tpu.memory_space<semaphore_mem>>) src(%dma_wait3A_51 : memref<625x64xf32, #tpu.memory_space<vmem_shared>>) dst(%dma_wait3A_49 : memref<625x64xf32, #tpu.memory_space<hbm>>)
      tpu.yield
    }) : () -> ()
    return
  }
}

#map = affine_map<(d0, d1) -> (0, 0, 0, 0)>
#map1 = affine_map<(d0, d1) -> (0, 0, 0)>
module attributes {stable_mosaic.version = 14 : i64} {
  func.func @body(%arg0: i32, %arg1: i32, %arg2: memref<2x16x160x125xi32, #tpu.memory_space<hbm>>, %arg3: memref<2x10000x16xf32, #tpu.memory_space<hbm>>, %arg4: memref<160x125xi32, #tpu.memory_space<vmem>>, %arg5: memref<10000x16xf32, #tpu.memory_space<vmem_shared>>, %arg6: memref<125x16xf32, #tpu.memory_space<vmem>>, %arg7: memref<!tpu.dma_semaphore, #tpu.memory_space<semaphore_mem>>) attributes {dimension_semantics = [#tpu.dimension_semantics<core_parallel>, #tpu.dimension_semantics<subcore_parallel>], iteration_bounds = array<i64: 2, 16>, scalar_prefetch = 0 : i64, scratch_operands = 4 : i64, tpu.core_type = #tpu.core_type<sc_vector_subcore>, window_params = [{transform_indices = #map}, {transform_indices = #map1}]} {
    "tpu.region"() ({
      %run_scoped3A = tpu.sem_alloc : memref<!tpu.dma_semaphore, #tpu.memory_space<semaphore_mem>>
      %dma_start3A = arith.constant 0 : i32
      %dma_start3A_37 = arith.constant 0 : i32
      %dma_start3A_38 = tpu.memref_slice %arg2[%arg0, %arg1, %dma_start3A, %dma_start3A_37] : memref<2x16x160x125xi32, #tpu.memory_space<hbm>> -> memref<1x1x160x125xi32, #tpu.memory_space<hbm>>
      %dma_start3A_39 = tpu.memref_squeeze %dma_start3A_38 : memref<1x1x160x125xi32, #tpu.memory_space<hbm>> -> memref<160x125xi32, #tpu.memory_space<hbm>>
      %dma_start3A_40 = arith.constant 0 : i32
      %dma_start3A_41 = arith.constant 0 : i32
      %dma_start3A_42 = tpu.memref_slice %arg2[%arg0, %arg1, %dma_start3A_40, %dma_start3A_41] : memref<2x16x160x125xi32, #tpu.memory_space<hbm>> -> memref<1x1x160x125xi32, #tpu.memory_space<hbm>>
      %dma_start3A_43 = tpu.memref_squeeze %dma_start3A_42 : memref<1x1x160x125xi32, #tpu.memory_space<hbm>> -> memref<160x125xi32, #tpu.memory_space<hbm>>
      tpu.enqueue_dma source(%dma_start3A_43 : memref<160x125xi32, #tpu.memory_space<hbm>>) target(%arg4 : memref<160x125xi32, #tpu.memory_space<vmem>>) target_semaphore(%run_scoped3A : memref<!tpu.dma_semaphore, #tpu.memory_space<semaphore_mem>>)
      %dma_wait3A = arith.constant 0 : i32
      %dma_wait3A_44 = arith.constant 0 : i32
      %dma_wait3A_45 = tpu.memref_slice %arg2[%arg0, %arg1, %dma_wait3A, %dma_wait3A_44] : memref<2x16x160x125xi32, #tpu.memory_space<hbm>> -> memref<1x1x160x125xi32, #tpu.memory_space<hbm>>
      %dma_wait3A_46 = tpu.memref_squeeze %dma_wait3A_45 : memref<1x1x160x125xi32, #tpu.memory_space<hbm>> -> memref<160x125xi32, #tpu.memory_space<hbm>>
      %dma_wait3A_47 = arith.constant 0 : i32
      %dma_wait3A_48 = arith.constant 0 : i32
      %dma_wait3A_49 = tpu.memref_slice %arg2[%arg0, %arg1, %dma_wait3A_47, %dma_wait3A_48] : memref<2x16x160x125xi32, #tpu.memory_space<hbm>> -> memref<1x1x160x125xi32, #tpu.memory_space<hbm>>
      %dma_wait3A_50 = tpu.memref_squeeze %dma_wait3A_49 : memref<1x1x160x125xi32, #tpu.memory_space<hbm>> -> memref<160x125xi32, #tpu.memory_space<hbm>>
      tpu.wait_dma2 semaphore(%run_scoped3A : memref<!tpu.dma_semaphore, #tpu.memory_space<semaphore_mem>>) src(%dma_wait3A_50 : memref<160x125xi32, #tpu.memory_space<hbm>>) dst(%arg4 : memref<160x125xi32, #tpu.memory_space<vmem>>)
      tpu.yield
    }) : () -> ()
    %scan3A = arith.constant 0 : i32
    %scan3A_0 = arith.constant 125 : i32
    %scan3A_1 = arith.addi %scan3A, %scan3A_0 : i32
    %scan3A_2 = arith.constant 1 : i32
    scf.for %scan3A_37 = %scan3A to %scan3A_1 step %scan3A_2  : i32 {
      %mul3A_38 = arith.constant 1 : i32
      %mul3A_39 = arith.muli %scan3A_37, %mul3A_38 : i32
      %add3A_40 = arith.constant 0 : i32
      %add3A_41 = arith.addi %add3A_40, %mul3A_39 : i32
      %broadcast_in_dim3A = arith.constant 0.000000e+00 : f32
      %broadcast_in_dim3A_42 = vector.broadcast %broadcast_in_dim3A : f32 to vector<16xf32>
      %swap3A = arith.index_cast %add3A_41 : i32 to index
      %swap3A_43 = arith.constant 0 : index
      %swap3A_44 = tpu.vector_load %arg6[%swap3A, %swap3A_43] {strides = array<i32>} : memref<125x16xf32, #tpu.memory_space<vmem>>, vector<1x16xf32>,
      %swap3A_45 = vector.shape_cast %swap3A_44 : vector<1x16xf32> to vector<16xf32>
      %swap3A_46 = vector.shape_cast %broadcast_in_dim3A_42 : vector<16xf32> to vector<1x16xf32>
      tpu.vector_store %arg6[%swap3A, %swap3A_43], %swap3A_46 {strides = array<i32>} : memref<125x16xf32, #tpu.memory_space<vmem>>, vector<1x16xf32>,
    }
    %scan3A_3 = arith.constant 125 : i32
    %mul3A = arith.constant 625 : i32
    %mul3A_4 = arith.muli %arg1, %mul3A : i32
    %add3A = arith.constant 0 : i32
    %add3A_5 = arith.addi %mul3A_4, %add3A : i32
    "tpu.region"() ({
      %run_scoped3A = tpu.sem_alloc : memref<!tpu.dma_semaphore, #tpu.memory_space<semaphore_mem>>
      %dma_start3A = arith.constant 0 : i32
      %dma_start3A_37 = tpu.memref_slice %arg5[%add3A_5, %dma_start3A] : memref<10000x16xf32, #tpu.memory_space<vmem_shared>> -> memref<125x16xf32, #tpu.memory_space<vmem_shared>>
      %dma_start3A_38 = arith.constant 0 : i32
      %dma_start3A_39 = tpu.memref_slice %arg5[%add3A_5, %dma_start3A_38] : memref<10000x16xf32, #tpu.memory_space<vmem_shared>> -> memref<125x16xf32, #tpu.memory_space<vmem_shared>>
      tpu.enqueue_dma source(%arg6 : memref<125x16xf32, #tpu.memory_space<vmem>>) target(%dma_start3A_39 : memref<125x16xf32, #tpu.memory_space<vmem_shared>>) target_semaphore(%run_scoped3A : memref<!tpu.dma_semaphore, #tpu.memory_space<semaphore_mem>>)
      %dma_wait3A = arith.constant 0 : i32
      %dma_wait3A_40 = tpu.memref_slice %arg5[%add3A_5, %dma_wait3A] : memref<10000x16xf32, #tpu.memory_space<vmem_shared>> -> memref<125x16xf32, #tpu.memory_space<vmem_shared>>
      %dma_wait3A_41 = arith.constant 0 : i32
      %dma_wait3A_42 = tpu.memref_slice %arg5[%add3A_5, %dma_wait3A_41] : memref<10000x16xf32, #tpu.memory_space<vmem_shared>> -> memref<125x16xf32, #tpu.memory_space<vmem_shared>>
      tpu.wait_dma2 semaphore(%run_scoped3A : memref<!tpu.dma_semaphore, #tpu.memory_space<semaphore_mem>>) src(%arg6 : memref<125x16xf32, #tpu.memory_space<vmem>>) dst(%dma_wait3A_42 : memref<125x16xf32, #tpu.memory_space<vmem_shared>>)
      tpu.yield
    }) : () -> ()
    %mul3A_6 = arith.constant 625 : i32
    %mul3A_7 = arith.muli %arg1, %mul3A_6 : i32
    %add3A_8 = arith.constant 125 : i32
    %add3A_9 = arith.addi %mul3A_7, %add3A_8 : i32
    "tpu.region"() ({
      %run_scoped3A = tpu.sem_alloc : memref<!tpu.dma_semaphore, #tpu.memory_space<semaphore_mem>>
      %dma_start3A = arith.constant 0 : i32
      %dma_start3A_37 = tpu.memref_slice %arg5[%add3A_9, %dma_start3A] : memref<10000x16xf32, #tpu.memory_space<vmem_shared>> -> memref<125x16xf32, #tpu.memory_space<vmem_shared>>
      %dma_start3A_38 = arith.constant 0 : i32
      %dma_start3A_39 = tpu.memref_slice %arg5[%add3A_9, %dma_start3A_38] : memref<10000x16xf32, #tpu.memory_space<vmem_shared>> -> memref<125x16xf32, #tpu.memory_space<vmem_shared>>
      tpu.enqueue_dma source(%arg6 : memref<125x16xf32, #tpu.memory_space<vmem>>) target(%dma_start3A_39 : memref<125x16xf32, #tpu.memory_space<vmem_shared>>) target_semaphore(%run_scoped3A : memref<!tpu.dma_semaphore, #tpu.memory_space<semaphore_mem>>)
      %dma_wait3A = arith.constant 0 : i32
      %dma_wait3A_40 = tpu.memref_slice %arg5[%add3A_9, %dma_wait3A] : memref<10000x16xf32, #tpu.memory_space<vmem_shared>> -> memref<125x16xf32, #tpu.memory_space<vmem_shared>>
      %dma_wait3A_41 = arith.constant 0 : i32
      %dma_wait3A_42 = tpu.memref_slice %arg5[%add3A_9, %dma_wait3A_41] : memref<10000x16xf32, #tpu.memory_space<vmem_shared>> -> memref<125x16xf32, #tpu.memory_space<vmem_shared>>
      tpu.wait_dma2 semaphore(%run_scoped3A : memref<!tpu.dma_semaphore, #tpu.memory_space<semaphore_mem>>) src(%arg6 : memref<125x16xf32, #tpu.memory_space<vmem>>) dst(%dma_wait3A_42 : memref<125x16xf32, #tpu.memory_space<vmem_shared>>)
      tpu.yield
    }) : () -> ()
    %mul3A_10 = arith.constant 625 : i32
    %mul3A_11 = arith.muli %arg1, %mul3A_10 : i32
    %add3A_12 = arith.constant 250 : i32
    %add3A_13 = arith.addi %mul3A_11, %add3A_12 : i32
    "tpu.region"() ({
      %run_scoped3A = tpu.sem_alloc : memref<!tpu.dma_semaphore, #tpu.memory_space<semaphore_mem>>
      %dma_start3A = arith.constant 0 : i32
      %dma_start3A_37 = tpu.memref_slice %arg5[%add3A_13, %dma_start3A] : memref<10000x16xf32, #tpu.memory_space<vmem_shared>> -> memref<125x16xf32, #tpu.memory_space<vmem_shared>>
      %dma_start3A_38 = arith.constant 0 : i32
      %dma_start3A_39 = tpu.memref_slice %arg5[%add3A_13, %dma_start3A_38] : memref<10000x16xf32, #tpu.memory_space<vmem_shared>> -> memref<125x16xf32, #tpu.memory_space<vmem_shared>>
      tpu.enqueue_dma source(%arg6 : memref<125x16xf32, #tpu.memory_space<vmem>>) target(%dma_start3A_39 : memref<125x16xf32, #tpu.memory_space<vmem_shared>>) target_semaphore(%run_scoped3A : memref<!tpu.dma_semaphore, #tpu.memory_space<semaphore_mem>>)
      %dma_wait3A = arith.constant 0 : i32
      %dma_wait3A_40 = tpu.memref_slice %arg5[%add3A_13, %dma_wait3A] : memref<10000x16xf32, #tpu.memory_space<vmem_shared>> -> memref<125x16xf32, #tpu.memory_space<vmem_shared>>
      %dma_wait3A_41 = arith.constant 0 : i32
      %dma_wait3A_42 = tpu.memref_slice %arg5[%add3A_13, %dma_wait3A_41] : memref<10000x16xf32, #tpu.memory_space<vmem_shared>> -> memref<125x16xf32, #tpu.memory_space<vmem_shared>>
      tpu.wait_dma2 semaphore(%run_scoped3A : memref<!tpu.dma_semaphore, #tpu.memory_space<semaphore_mem>>) src(%arg6 : memref<125x16xf32, #tpu.memory_space<vmem>>) dst(%dma_wait3A_42 : memref<125x16xf32, #tpu.memory_space<vmem_shared>>)
      tpu.yield
    }) : () -> ()
    %mul3A_14 = arith.constant 625 : i32
    %mul3A_15 = arith.muli %arg1, %mul3A_14 : i32
    %add3A_16 = arith.constant 375 : i32
    %add3A_17 = arith.addi %mul3A_15, %add3A_16 : i32
    "tpu.region"() ({
      %run_scoped3A = tpu.sem_alloc : memref<!tpu.dma_semaphore, #tpu.memory_space<semaphore_mem>>
      %dma_start3A = arith.constant 0 : i32
      %dma_start3A_37 = tpu.memref_slice %arg5[%add3A_17, %dma_start3A] : memref<10000x16xf32, #tpu.memory_space<vmem_shared>> -> memref<125x16xf32, #tpu.memory_space<vmem_shared>>
      %dma_start3A_38 = arith.constant 0 : i32
      %dma_start3A_39 = tpu.memref_slice %arg5[%add3A_17, %dma_start3A_38] : memref<10000x16xf32, #tpu.memory_space<vmem_shared>> -> memref<125x16xf32, #tpu.memory_space<vmem_shared>>
      tpu.enqueue_dma source(%arg6 : memref<125x16xf32, #tpu.memory_space<vmem>>) target(%dma_start3A_39 : memref<125x16xf32, #tpu.memory_space<vmem_shared>>) target_semaphore(%run_scoped3A : memref<!tpu.dma_semaphore, #tpu.memory_space<semaphore_mem>>)
      %dma_wait3A = arith.constant 0 : i32
      %dma_wait3A_40 = tpu.memref_slice %arg5[%add3A_17, %dma_wait3A] : memref<10000x16xf32, #tpu.memory_space<vmem_shared>> -> memref<125x16xf32, #tpu.memory_space<vmem_shared>>
      %dma_wait3A_41 = arith.constant 0 : i32
      %dma_wait3A_42 = tpu.memref_slice %arg5[%add3A_17, %dma_wait3A_41] : memref<10000x16xf32, #tpu.memory_space<vmem_shared>> -> memref<125x16xf32, #tpu.memory_space<vmem_shared>>
      tpu.wait_dma2 semaphore(%run_scoped3A : memref<!tpu.dma_semaphore, #tpu.memory_space<semaphore_mem>>) src(%arg6 : memref<125x16xf32, #tpu.memory_space<vmem>>) dst(%dma_wait3A_42 : memref<125x16xf32, #tpu.memory_space<vmem_shared>>)
      tpu.yield
    }) : () -> ()
    %mul3A_18 = arith.constant 625 : i32
    %mul3A_19 = arith.muli %arg1, %mul3A_18 : i32
    %add3A_20 = arith.constant 500 : i32
    %add3A_21 = arith.addi %mul3A_19, %add3A_20 : i32
    "tpu.region"() ({
      %run_scoped3A = tpu.sem_alloc : memref<!tpu.dma_semaphore, #tpu.memory_space<semaphore_mem>>
      %dma_start3A = arith.constant 0 : i32
      %dma_start3A_37 = tpu.memref_slice %arg5[%add3A_21, %dma_start3A] : memref<10000x16xf32, #tpu.memory_space<vmem_shared>> -> memref<125x16xf32, #tpu.memory_space<vmem_shared>>
      %dma_start3A_38 = arith.constant 0 : i32
      %dma_start3A_39 = tpu.memref_slice %arg5[%add3A_21, %dma_start3A_38] : memref<10000x16xf32, #tpu.memory_space<vmem_shared>> -> memref<125x16xf32, #tpu.memory_space<vmem_shared>>
      tpu.enqueue_dma source(%arg6 : memref<125x16xf32, #tpu.memory_space<vmem>>) target(%dma_start3A_39 : memref<125x16xf32, #tpu.memory_space<vmem_shared>>) target_semaphore(%run_scoped3A : memref<!tpu.dma_semaphore, #tpu.memory_space<semaphore_mem>>)
      %dma_wait3A = arith.constant 0 : i32
      %dma_wait3A_40 = tpu.memref_slice %arg5[%add3A_21, %dma_wait3A] : memref<10000x16xf32, #tpu.memory_space<vmem_shared>> -> memref<125x16xf32, #tpu.memory_space<vmem_shared>>
      %dma_wait3A_41 = arith.constant 0 : i32
      %dma_wait3A_42 = tpu.memref_slice %arg5[%add3A_21, %dma_wait3A_41] : memref<10000x16xf32, #tpu.memory_space<vmem_shared>> -> memref<125x16xf32, #tpu.memory_space<vmem_shared>>
      tpu.wait_dma2 semaphore(%run_scoped3A : memref<!tpu.dma_semaphore, #tpu.memory_space<semaphore_mem>>) src(%arg6 : memref<125x16xf32, #tpu.memory_space<vmem>>) dst(%dma_wait3A_42 : memref<125x16xf32, #tpu.memory_space<vmem_shared>>)
      tpu.yield
    }) : () -> ()
    %scan3A_22 = arith.constant 0 : i32
    %scan3A_23 = arith.constant 125 : i32
    %scan3A_24 = arith.addi %scan3A_22, %scan3A_23 : i32
    %scan3A_25 = arith.constant 1 : i32
    scf.for %scan3A_37 = %scan3A_22 to %scan3A_24 step %scan3A_25  : i32 {
      %mul3A_38 = arith.constant 1 : i32
      %mul3A_39 = arith.muli %scan3A_37, %mul3A_38 : i32
      %add3A_40 = arith.constant 0 : i32
      %add3A_41 = arith.addi %add3A_40, %mul3A_39 : i32
      %broadcast_in_dim3A = arith.constant 1.000000e+00 : f32
      %broadcast_in_dim3A_42 = vector.broadcast %broadcast_in_dim3A : f32 to vector<16xf32>
      %swap3A = arith.index_cast %add3A_41 : i32 to index
      %swap3A_43 = arith.constant 0 : index
      %swap3A_44 = tpu.vector_load %arg6[%swap3A, %swap3A_43] {strides = array<i32>} : memref<125x16xf32, #tpu.memory_space<vmem>>, vector<1x16xf32>,
      %swap3A_45 = vector.shape_cast %swap3A_44 : vector<1x16xf32> to vector<16xf32>
      %swap3A_46 = vector.shape_cast %broadcast_in_dim3A_42 : vector<16xf32> to vector<1x16xf32>
      tpu.vector_store %arg6[%swap3A, %swap3A_43], %swap3A_46 {strides = array<i32>} : memref<125x16xf32, #tpu.memory_space<vmem>>, vector<1x16xf32>,
    }
    %scan3A_26 = arith.constant 125 : i32
    %barrier3A = arith.constant 0 : index
    tpu.barrier barrier_id(%barrier3A)
    %scan3A_27 = arith.constant 0 : i32
    %scan3A_28 = arith.constant 20 : i32
    %scan3A_29 = arith.addi %scan3A_27, %scan3A_28 : i32
    %scan3A_30 = arith.constant 1 : i32
    scf.for %scan3A_37 = %scan3A_27 to %scan3A_29 step %scan3A_30  : i32 {
      %mul3A_38 = arith.constant 8 : i32
      %mul3A_39 = arith.muli %scan3A_37, %mul3A_38 : i32
      %add3A_40 = arith.constant 0 : i32
      %add3A_41 = arith.addi %add3A_40, %mul3A_39 : i32
      %add3A_42 = arith.constant 0 : i32
      %add3A_43 = arith.addi %add3A_41, %add3A_42 : i32
      %dma_start3A = arith.constant 0 : i32
      %dma_start3A_44 = tpu.memref_slice %arg4[%add3A_43, %dma_start3A] : memref<160x125xi32, #tpu.memory_space<vmem>> -> memref<1x125xi32, #tpu.memory_space<vmem>>
      %dma_start3A_45 = tpu.memref_squeeze %dma_start3A_44 : memref<1x125xi32, #tpu.memory_space<vmem>> -> memref<125xi32, #tpu.memory_space<vmem>>
      %dma_start3A_46 = arith.constant 0 : i32
      %dma_start3A_47 = arith.constant 0 : i32
      %dma_start3A_48 = tpu.memref_slice %arg5[%dma_start3A_46, %dma_start3A_47] : memref<10000x16xf32, #tpu.memory_space<vmem_shared>> -> memref<10000x16xf32, #tpu.memory_space<vmem_shared>>
      tpu.enqueue_indirect_dma source(%arg6 : memref<125x16xf32, #tpu.memory_space<vmem>>) target(%dma_start3A_48 : memref<10000x16xf32, #tpu.memory_space<vmem_shared>>) offsets(%dma_start3A_45 : memref<125xi32, #tpu.memory_space<vmem>>) semaphore(%arg7 : memref<!tpu.dma_semaphore, #tpu.memory_space<semaphore_mem>>) {add = true}
      %add3A_49 = arith.constant 1 : i32
      %add3A_50 = arith.addi %add3A_41, %add3A_49 : i32
      %dma_start3A_51 = arith.constant 0 : i32
      %dma_start3A_52 = tpu.memref_slice %arg4[%add3A_50, %dma_start3A_51] : memref<160x125xi32, #tpu.memory_space<vmem>> -> memref<1x125xi32, #tpu.memory_space<vmem>>
      %dma_start3A_53 = tpu.memref_squeeze %dma_start3A_52 : memref<1x125xi32, #tpu.memory_space<vmem>> -> memref<125xi32, #tpu.memory_space<vmem>>
      %dma_start3A_54 = arith.constant 0 : i32
      %dma_start3A_55 = arith.constant 0 : i32
      %dma_start3A_56 = tpu.memref_slice %arg5[%dma_start3A_54, %dma_start3A_55] : memref<10000x16xf32, #tpu.memory_space<vmem_shared>> -> memref<10000x16xf32, #tpu.memory_space<vmem_shared>>
      tpu.enqueue_indirect_dma source(%arg6 : memref<125x16xf32, #tpu.memory_space<vmem>>) target(%dma_start3A_56 : memref<10000x16xf32, #tpu.memory_space<vmem_shared>>) offsets(%dma_start3A_53 : memref<125xi32, #tpu.memory_space<vmem>>) semaphore(%arg7 : memref<!tpu.dma_semaphore, #tpu.memory_space<semaphore_mem>>) {add = true}
      %add3A_57 = arith.constant 2 : i32
      %add3A_58 = arith.addi %add3A_41, %add3A_57 : i32
      %dma_start3A_59 = arith.constant 0 : i32
      %dma_start3A_60 = tpu.memref_slice %arg4[%add3A_58, %dma_start3A_59] : memref<160x125xi32, #tpu.memory_space<vmem>> -> memref<1x125xi32, #tpu.memory_space<vmem>>
      %dma_start3A_61 = tpu.memref_squeeze %dma_start3A_60 : memref<1x125xi32, #tpu.memory_space<vmem>> -> memref<125xi32, #tpu.memory_space<vmem>>
      %dma_start3A_62 = arith.constant 0 : i32
      %dma_start3A_63 = arith.constant 0 : i32
      %dma_start3A_64 = tpu.memref_slice %arg5[%dma_start3A_62, %dma_start3A_63] : memref<10000x16xf32, #tpu.memory_space<vmem_shared>> -> memref<10000x16xf32, #tpu.memory_space<vmem_shared>>
      tpu.enqueue_indirect_dma source(%arg6 : memref<125x16xf32, #tpu.memory_space<vmem>>) target(%dma_start3A_64 : memref<10000x16xf32, #tpu.memory_space<vmem_shared>>) offsets(%dma_start3A_61 : memref<125xi32, #tpu.memory_space<vmem>>) semaphore(%arg7 : memref<!tpu.dma_semaphore, #tpu.memory_space<semaphore_mem>>) {add = true}
      %add3A_65 = arith.constant 3 : i32
      %add3A_66 = arith.addi %add3A_41, %add3A_65 : i32
      %dma_start3A_67 = arith.constant 0 : i32
      %dma_start3A_68 = tpu.memref_slice %arg4[%add3A_66, %dma_start3A_67] : memref<160x125xi32, #tpu.memory_space<vmem>> -> memref<1x125xi32, #tpu.memory_space<vmem>>
      %dma_start3A_69 = tpu.memref_squeeze %dma_start3A_68 : memref<1x125xi32, #tpu.memory_space<vmem>> -> memref<125xi32, #tpu.memory_space<vmem>>
      %dma_start3A_70 = arith.constant 0 : i32
      %dma_start3A_71 = arith.constant 0 : i32
      %dma_start3A_72 = tpu.memref_slice %arg5[%dma_start3A_70, %dma_start3A_71] : memref<10000x16xf32, #tpu.memory_space<vmem_shared>> -> memref<10000x16xf32, #tpu.memory_space<vmem_shared>>
      tpu.enqueue_indirect_dma source(%arg6 : memref<125x16xf32, #tpu.memory_space<vmem>>) target(%dma_start3A_72 : memref<10000x16xf32, #tpu.memory_space<vmem_shared>>) offsets(%dma_start3A_69 : memref<125xi32, #tpu.memory_space<vmem>>) semaphore(%arg7 : memref<!tpu.dma_semaphore, #tpu.memory_space<semaphore_mem>>) {add = true}
      %add3A_73 = arith.constant 4 : i32
      %add3A_74 = arith.addi %add3A_41, %add3A_73 : i32
      %dma_start3A_75 = arith.constant 0 : i32
      %dma_start3A_76 = tpu.memref_slice %arg4[%add3A_74, %dma_start3A_75] : memref<160x125xi32, #tpu.memory_space<vmem>> -> memref<1x125xi32, #tpu.memory_space<vmem>>
      %dma_start3A_77 = tpu.memref_squeeze %dma_start3A_76 : memref<1x125xi32, #tpu.memory_space<vmem>> -> memref<125xi32, #tpu.memory_space<vmem>>
      %dma_start3A_78 = arith.constant 0 : i32
      %dma_start3A_79 = arith.constant 0 : i32
      %dma_start3A_80 = tpu.memref_slice %arg5[%dma_start3A_78, %dma_start3A_79] : memref<10000x16xf32, #tpu.memory_space<vmem_shared>> -> memref<10000x16xf32, #tpu.memory_space<vmem_shared>>
      tpu.enqueue_indirect_dma source(%arg6 : memref<125x16xf32, #tpu.memory_space<vmem>>) target(%dma_start3A_80 : memref<10000x16xf32, #tpu.memory_space<vmem_shared>>) offsets(%dma_start3A_77 : memref<125xi32, #tpu.memory_space<vmem>>) semaphore(%arg7 : memref<!tpu.dma_semaphore, #tpu.memory_space<semaphore_mem>>) {add = true}
      %add3A_81 = arith.constant 5 : i32
      %add3A_82 = arith.addi %add3A_41, %add3A_81 : i32
      %dma_start3A_83 = arith.constant 0 : i32
      %dma_start3A_84 = tpu.memref_slice %arg4[%add3A_82, %dma_start3A_83] : memref<160x125xi32, #tpu.memory_space<vmem>> -> memref<1x125xi32, #tpu.memory_space<vmem>>
      %dma_start3A_85 = tpu.memref_squeeze %dma_start3A_84 : memref<1x125xi32, #tpu.memory_space<vmem>> -> memref<125xi32, #tpu.memory_space<vmem>>
      %dma_start3A_86 = arith.constant 0 : i32
      %dma_start3A_87 = arith.constant 0 : i32
      %dma_start3A_88 = tpu.memref_slice %arg5[%dma_start3A_86, %dma_start3A_87] : memref<10000x16xf32, #tpu.memory_space<vmem_shared>> -> memref<10000x16xf32, #tpu.memory_space<vmem_shared>>
      tpu.enqueue_indirect_dma source(%arg6 : memref<125x16xf32, #tpu.memory_space<vmem>>) target(%dma_start3A_88 : memref<10000x16xf32, #tpu.memory_space<vmem_shared>>) offsets(%dma_start3A_85 : memref<125xi32, #tpu.memory_space<vmem>>) semaphore(%arg7 : memref<!tpu.dma_semaphore, #tpu.memory_space<semaphore_mem>>) {add = true}
      %add3A_89 = arith.constant 6 : i32
      %add3A_90 = arith.addi %add3A_41, %add3A_89 : i32
      %dma_start3A_91 = arith.constant 0 : i32
      %dma_start3A_92 = tpu.memref_slice %arg4[%add3A_90, %dma_start3A_91] : memref<160x125xi32, #tpu.memory_space<vmem>> -> memref<1x125xi32, #tpu.memory_space<vmem>>
      %dma_start3A_93 = tpu.memref_squeeze %dma_start3A_92 : memref<1x125xi32, #tpu.memory_space<vmem>> -> memref<125xi32, #tpu.memory_space<vmem>>
      %dma_start3A_94 = arith.constant 0 : i32
      %dma_start3A_95 = arith.constant 0 : i32
      %dma_start3A_96 = tpu.memref_slice %arg5[%dma_start3A_94, %dma_start3A_95] : memref<10000x16xf32, #tpu.memory_space<vmem_shared>> -> memref<10000x16xf32, #tpu.memory_space<vmem_shared>>
      tpu.enqueue_indirect_dma source(%arg6 : memref<125x16xf32, #tpu.memory_space<vmem>>) target(%dma_start3A_96 : memref<10000x16xf32, #tpu.memory_space<vmem_shared>>) offsets(%dma_start3A_93 : memref<125xi32, #tpu.memory_space<vmem>>) semaphore(%arg7 : memref<!tpu.dma_semaphore, #tpu.memory_space<semaphore_mem>>) {add = true}
      %add3A_97 = arith.constant 7 : i32
      %add3A_98 = arith.addi %add3A_41, %add3A_97 : i32
      %dma_start3A_99 = arith.constant 0 : i32
      %dma_start3A_100 = tpu.memref_slice %arg4[%add3A_98, %dma_start3A_99] : memref<160x125xi32, #tpu.memory_space<vmem>> -> memref<1x125xi32, #tpu.memory_space<vmem>>
      %dma_start3A_101 = tpu.memref_squeeze %dma_start3A_100 : memref<1x125xi32, #tpu.memory_space<vmem>> -> memref<125xi32, #tpu.memory_space<vmem>>
      %dma_start3A_102 = arith.constant 0 : i32
      %dma_start3A_103 = arith.constant 0 : i32
      %dma_start3A_104 = tpu.memref_slice %arg5[%dma_start3A_102, %dma_start3A_103] : memref<10000x16xf32, #tpu.memory_space<vmem_shared>> -> memref<10000x16xf32, #tpu.memory_space<vmem_shared>>
      tpu.enqueue_indirect_dma source(%arg6 : memref<125x16xf32, #tpu.memory_space<vmem>>) target(%dma_start3A_104 : memref<10000x16xf32, #tpu.memory_space<vmem_shared>>) offsets(%dma_start3A_101 : memref<125xi32, #tpu.memory_space<vmem>>) semaphore(%arg7 : memref<!tpu.dma_semaphore, #tpu.memory_space<semaphore_mem>>) {add = true}
      %dma_wait3A = arith.constant 0 : i32
      %dma_wait3A_105 = tpu.memref_slice %arg4[%add3A_43, %dma_wait3A] : memref<160x125xi32, #tpu.memory_space<vmem>> -> memref<1x125xi32, #tpu.memory_space<vmem>>
      %dma_wait3A_106 = tpu.memref_squeeze %dma_wait3A_105 : memref<1x125xi32, #tpu.memory_space<vmem>> -> memref<125xi32, #tpu.memory_space<vmem>>
      %dma_wait3A_107 = arith.constant 0 : i32
      %dma_wait3A_108 = arith.constant 0 : i32
      %dma_wait3A_109 = tpu.memref_slice %arg5[%dma_wait3A_107, %dma_wait3A_108] : memref<10000x16xf32, #tpu.memory_space<vmem_shared>> -> memref<10000x16xf32, #tpu.memory_space<vmem_shared>>
      tpu.wait_indirect_dma semaphore(%arg7 : memref<!tpu.dma_semaphore, #tpu.memory_space<semaphore_mem>>) src(%arg6 : memref<125x16xf32, #tpu.memory_space<vmem>>) dst(%dma_wait3A_109 : memref<10000x16xf32, #tpu.memory_space<vmem_shared>>)
      %dma_wait3A_110 = arith.constant 0 : i32
      %dma_wait3A_111 = tpu.memref_slice %arg4[%add3A_50, %dma_wait3A_110] : memref<160x125xi32, #tpu.memory_space<vmem>> -> memref<1x125xi32, #tpu.memory_space<vmem>>
      %dma_wait3A_112 = tpu.memref_squeeze %dma_wait3A_111 : memref<1x125xi32, #tpu.memory_space<vmem>> -> memref<125xi32, #tpu.memory_space<vmem>>
      %dma_wait3A_113 = arith.constant 0 : i32
      %dma_wait3A_114 = arith.constant 0 : i32
      %dma_wait3A_115 = tpu.memref_slice %arg5[%dma_wait3A_113, %dma_wait3A_114] : memref<10000x16xf32, #tpu.memory_space<vmem_shared>> -> memref<10000x16xf32, #tpu.memory_space<vmem_shared>>
      tpu.wait_indirect_dma semaphore(%arg7 : memref<!tpu.dma_semaphore, #tpu.memory_space<semaphore_mem>>) src(%arg6 : memref<125x16xf32, #tpu.memory_space<vmem>>) dst(%dma_wait3A_115 : memref<10000x16xf32, #tpu.memory_space<vmem_shared>>)
      %dma_wait3A_116 = arith.constant 0 : i32
      %dma_wait3A_117 = tpu.memref_slice %arg4[%add3A_58, %dma_wait3A_116] : memref<160x125xi32, #tpu.memory_space<vmem>> -> memref<1x125xi32, #tpu.memory_space<vmem>>
      %dma_wait3A_118 = tpu.memref_squeeze %dma_wait3A_117 : memref<1x125xi32, #tpu.memory_space<vmem>> -> memref<125xi32, #tpu.memory_space<vmem>>
      %dma_wait3A_119 = arith.constant 0 : i32
      %dma_wait3A_120 = arith.constant 0 : i32
      %dma_wait3A_121 = tpu.memref_slice %arg5[%dma_wait3A_119, %dma_wait3A_120] : memref<10000x16xf32, #tpu.memory_space<vmem_shared>> -> memref<10000x16xf32, #tpu.memory_space<vmem_shared>>
      tpu.wait_indirect_dma semaphore(%arg7 : memref<!tpu.dma_semaphore, #tpu.memory_space<semaphore_mem>>) src(%arg6 : memref<125x16xf32, #tpu.memory_space<vmem>>) dst(%dma_wait3A_121 : memref<10000x16xf32, #tpu.memory_space<vmem_shared>>)
      %dma_wait3A_122 = arith.constant 0 : i32
      %dma_wait3A_123 = tpu.memref_slice %arg4[%add3A_66, %dma_wait3A_122] : memref<160x125xi32, #tpu.memory_space<vmem>> -> memref<1x125xi32, #tpu.memory_space<vmem>>
      %dma_wait3A_124 = tpu.memref_squeeze %dma_wait3A_123 : memref<1x125xi32, #tpu.memory_space<vmem>> -> memref<125xi32, #tpu.memory_space<vmem>>
      %dma_wait3A_125 = arith.constant 0 : i32
      %dma_wait3A_126 = arith.constant 0 : i32
      %dma_wait3A_127 = tpu.memref_slice %arg5[%dma_wait3A_125, %dma_wait3A_126] : memref<10000x16xf32, #tpu.memory_space<vmem_shared>> -> memref<10000x16xf32, #tpu.memory_space<vmem_shared>>
      tpu.wait_indirect_dma semaphore(%arg7 : memref<!tpu.dma_semaphore, #tpu.memory_space<semaphore_mem>>) src(%arg6 : memref<125x16xf32, #tpu.memory_space<vmem>>) dst(%dma_wait3A_127 : memref<10000x16xf32, #tpu.memory_space<vmem_shared>>)
      %dma_wait3A_128 = arith.constant 0 : i32
      %dma_wait3A_129 = tpu.memref_slice %arg4[%add3A_74, %dma_wait3A_128] : memref<160x125xi32, #tpu.memory_space<vmem>> -> memref<1x125xi32, #tpu.memory_space<vmem>>
      %dma_wait3A_130 = tpu.memref_squeeze %dma_wait3A_129 : memref<1x125xi32, #tpu.memory_space<vmem>> -> memref<125xi32, #tpu.memory_space<vmem>>
      %dma_wait3A_131 = arith.constant 0 : i32
      %dma_wait3A_132 = arith.constant 0 : i32
      %dma_wait3A_133 = tpu.memref_slice %arg5[%dma_wait3A_131, %dma_wait3A_132] : memref<10000x16xf32, #tpu.memory_space<vmem_shared>> -> memref<10000x16xf32, #tpu.memory_space<vmem_shared>>
      tpu.wait_indirect_dma semaphore(%arg7 : memref<!tpu.dma_semaphore, #tpu.memory_space<semaphore_mem>>) src(%arg6 : memref<125x16xf32, #tpu.memory_space<vmem>>) dst(%dma_wait3A_133 : memref<10000x16xf32, #tpu.memory_space<vmem_shared>>)
      %dma_wait3A_134 = arith.constant 0 : i32
      %dma_wait3A_135 = tpu.memref_slice %arg4[%add3A_82, %dma_wait3A_134] : memref<160x125xi32, #tpu.memory_space<vmem>> -> memref<1x125xi32, #tpu.memory_space<vmem>>
      %dma_wait3A_136 = tpu.memref_squeeze %dma_wait3A_135 : memref<1x125xi32, #tpu.memory_space<vmem>> -> memref<125xi32, #tpu.memory_space<vmem>>
      %dma_wait3A_137 = arith.constant 0 : i32
      %dma_wait3A_138 = arith.constant 0 : i32
      %dma_wait3A_139 = tpu.memref_slice %arg5[%dma_wait3A_137, %dma_wait3A_138] : memref<10000x16xf32, #tpu.memory_space<vmem_shared>> -> memref<10000x16xf32, #tpu.memory_space<vmem_shared>>
      tpu.wait_indirect_dma semaphore(%arg7 : memref<!tpu.dma_semaphore, #tpu.memory_space<semaphore_mem>>) src(%arg6 : memref<125x16xf32, #tpu.memory_space<vmem>>) dst(%dma_wait3A_139 : memref<10000x16xf32, #tpu.memory_space<vmem_shared>>)
      %dma_wait3A_140 = arith.constant 0 : i32
      %dma_wait3A_141 = tpu.memref_slice %arg4[%add3A_90, %dma_wait3A_140] : memref<160x125xi32, #tpu.memory_space<vmem>> -> memref<1x125xi32, #tpu.memory_space<vmem>>
      %dma_wait3A_142 = tpu.memref_squeeze %dma_wait3A_141 : memref<1x125xi32, #tpu.memory_space<vmem>> -> memref<125xi32, #tpu.memory_space<vmem>>
      %dma_wait3A_143 = arith.constant 0 : i32
      %dma_wait3A_144 = arith.constant 0 : i32
      %dma_wait3A_145 = tpu.memref_slice %arg5[%dma_wait3A_143, %dma_wait3A_144] : memref<10000x16xf32, #tpu.memory_space<vmem_shared>> -> memref<10000x16xf32, #tpu.memory_space<vmem_shared>>
      tpu.wait_indirect_dma semaphore(%arg7 : memref<!tpu.dma_semaphore, #tpu.memory_space<semaphore_mem>>) src(%arg6 : memref<125x16xf32, #tpu.memory_space<vmem>>) dst(%dma_wait3A_145 : memref<10000x16xf32, #tpu.memory_space<vmem_shared>>)
      %dma_wait3A_146 = arith.constant 0 : i32
      %dma_wait3A_147 = tpu.memref_slice %arg4[%add3A_98, %dma_wait3A_146] : memref<160x125xi32, #tpu.memory_space<vmem>> -> memref<1x125xi32, #tpu.memory_space<vmem>>
      %dma_wait3A_148 = tpu.memref_squeeze %dma_wait3A_147 : memref<1x125xi32, #tpu.memory_space<vmem>> -> memref<125xi32, #tpu.memory_space<vmem>>
      %dma_wait3A_149 = arith.constant 0 : i32
      %dma_wait3A_150 = arith.constant 0 : i32
      %dma_wait3A_151 = tpu.memref_slice %arg5[%dma_wait3A_149, %dma_wait3A_150] : memref<10000x16xf32, #tpu.memory_space<vmem_shared>> -> memref<10000x16xf32, #tpu.memory_space<vmem_shared>>
      tpu.wait_indirect_dma semaphore(%arg7 : memref<!tpu.dma_semaphore, #tpu.memory_space<semaphore_mem>>) src(%arg6 : memref<125x16xf32, #tpu.memory_space<vmem>>) dst(%dma_wait3A_151 : memref<10000x16xf32, #tpu.memory_space<vmem_shared>>)
    }
    %scan3A_31 = arith.constant 20 : i32
    %barrier3A_32 = arith.constant 0 : index
    tpu.barrier barrier_id(%barrier3A_32)
    %mul3A_33 = arith.constant 625 : i32
    %mul3A_34 = arith.muli %arg1, %mul3A_33 : i32
    %mul3A_35 = arith.constant 625 : i32
    %mul3A_36 = arith.muli %arg1, %mul3A_35 : i32
    "tpu.region"() ({
      %run_scoped3A = tpu.sem_alloc : memref<!tpu.dma_semaphore, #tpu.memory_space<semaphore_mem>>
      %dma_start3A = arith.constant 0 : i32
      %dma_start3A_37 = tpu.memref_slice %arg3[%arg0, %mul3A_36, %dma_start3A] : memref<2x10000x16xf32, #tpu.memory_space<hbm>> -> memref<1x625x16xf32, #tpu.memory_space<hbm>>
      %dma_start3A_38 = tpu.memref_squeeze %dma_start3A_37 : memref<1x625x16xf32, #tpu.memory_space<hbm>> -> memref<625x16xf32, #tpu.memory_space<hbm>>
      %dma_start3A_39 = arith.constant 0 : i32
      %dma_start3A_40 = tpu.memref_slice %arg5[%mul3A_34, %dma_start3A_39] : memref<10000x16xf32, #tpu.memory_space<vmem_shared>> -> memref<625x16xf32, #tpu.memory_space<vmem_shared>>
      tpu.enqueue_dma source(%dma_start3A_40 : memref<625x16xf32, #tpu.memory_space<vmem_shared>>) target(%dma_start3A_38 : memref<625x16xf32, #tpu.memory_space<hbm>>) target_semaphore(%run_scoped3A : memref<!tpu.dma_semaphore, #tpu.memory_space<semaphore_mem>>)
      %dma_wait3A = arith.constant 0 : i32
      %dma_wait3A_41 = tpu.memref_slice %arg3[%arg0, %mul3A_36, %dma_wait3A] : memref<2x10000x16xf32, #tpu.memory_space<hbm>> -> memref<1x625x16xf32, #tpu.memory_space<hbm>>
      %dma_wait3A_42 = tpu.memref_squeeze %dma_wait3A_41 : memref<1x625x16xf32, #tpu.memory_space<hbm>> -> memref<625x16xf32, #tpu.memory_space<hbm>>
      %dma_wait3A_43 = arith.constant 0 : i32
      %dma_wait3A_44 = tpu.memref_slice %arg5[%mul3A_34, %dma_wait3A_43] : memref<10000x16xf32, #tpu.memory_space<vmem_shared>> -> memref<625x16xf32, #tpu.memory_space<vmem_shared>>
      tpu.wait_dma2 semaphore(%run_scoped3A : memref<!tpu.dma_semaphore, #tpu.memory_space<semaphore_mem>>) src(%dma_wait3A_44 : memref<625x16xf32, #tpu.memory_space<vmem_shared>>) dst(%dma_wait3A_42 : memref<625x16xf32, #tpu.memory_space<hbm>>)
      tpu.yield
    }) : () -> ()
    return
  }
}

#map = affine_map<(d0, d1) -> (0, 0)>
#map1 = affine_map<(d0, d1) -> (0, 0, 0, 0)>
#map2 = affine_map<(d0, d1) -> (0, 0, 0)>
module attributes {stable_mosaic.version = 14 : i64} {
  func.func @body(%arg0: i32, %arg1: i32, %arg2: memref<10000x64xf32, #tpu.memory_space<hbm>>, %arg3: memref<2x16x80x125xi32, #tpu.memory_space<hbm>>, %arg4: memref<2x16x80x125xi32, #tpu.memory_space<hbm>>, %arg5: memref<2x10000x64xf32, #tpu.memory_space<hbm>>, %arg6: memref<80x125xi32, #tpu.memory_space<vmem>>, %arg7: memref<80x125xi32, #tpu.memory_space<vmem>>, %arg8: memref<10000x64xf32, #tpu.memory_space<vmem_shared>>, %arg9: memref<125x64xf32, #tpu.memory_space<vmem>>, %arg10: memref<125x64xf32, #tpu.memory_space<vmem>>, %arg11: memref<125x64xf32, #tpu.memory_space<vmem>>, %arg12: memref<125x64xf32, #tpu.memory_space<vmem>>, %arg13: memref<!tpu.dma_semaphore, #tpu.memory_space<semaphore_mem>>, %arg14: memref<!tpu.dma_semaphore, #tpu.memory_space<semaphore_mem>>, %arg15: memref<!tpu.dma_semaphore, #tpu.memory_space<semaphore_mem>>, %arg16: memref<!tpu.dma_semaphore, #tpu.memory_space<semaphore_mem>>) attributes {dimension_semantics = [#tpu.dimension_semantics<core_parallel>, #tpu.dimension_semantics<subcore_parallel>], iteration_bounds = array<i64: 2, 16>, scalar_prefetch = 0 : i64, scratch_operands = 11 : i64, tpu.core_type = #tpu.core_type<sc_vector_subcore>, window_params = [{transform_indices = #map}, {transform_indices = #map1}, {transform_indices = #map1}, {transform_indices = #map2}]} {
    "tpu.region"() ({
      %run_scoped3A = tpu.sem_alloc : memref<!tpu.dma_semaphore, #tpu.memory_space<semaphore_mem>>
      %dma_start3A_58 = arith.constant 0 : i32
      %dma_start3A_59 = arith.constant 0 : i32
      %dma_start3A_60 = tpu.memref_slice %arg3[%arg0, %arg1, %dma_start3A_58, %dma_start3A_59] : memref<2x16x80x125xi32, #tpu.memory_space<hbm>> -> memref<1x1x80x125xi32, #tpu.memory_space<hbm>>
      %dma_start3A_61 = tpu.memref_squeeze %dma_start3A_60 : memref<1x1x80x125xi32, #tpu.memory_space<hbm>> -> memref<80x125xi32, #tpu.memory_space<hbm>>
      %dma_start3A_62 = arith.constant 0 : i32
      %dma_start3A_63 = arith.constant 0 : i32
      %dma_start3A_64 = tpu.memref_slice %arg3[%arg0, %arg1, %dma_start3A_62, %dma_start3A_63] : memref<2x16x80x125xi32, #tpu.memory_space<hbm>> -> memref<1x1x80x125xi32, #tpu.memory_space<hbm>>
      %dma_start3A_65 = tpu.memref_squeeze %dma_start3A_64 : memref<1x1x80x125xi32, #tpu.memory_space<hbm>> -> memref<80x125xi32, #tpu.memory_space<hbm>>
      tpu.enqueue_dma source(%dma_start3A_65 : memref<80x125xi32, #tpu.memory_space<hbm>>) target(%arg6 : memref<80x125xi32, #tpu.memory_space<vmem>>) target_semaphore(%run_scoped3A : memref<!tpu.dma_semaphore, #tpu.memory_space<semaphore_mem>>)
      %dma_wait3A_66 = arith.constant 0 : i32
      %dma_wait3A_67 = arith.constant 0 : i32
      %dma_wait3A_68 = tpu.memref_slice %arg3[%arg0, %arg1, %dma_wait3A_66, %dma_wait3A_67] : memref<2x16x80x125xi32, #tpu.memory_space<hbm>> -> memref<1x1x80x125xi32, #tpu.memory_space<hbm>>
      %dma_wait3A_69 = tpu.memref_squeeze %dma_wait3A_68 : memref<1x1x80x125xi32, #tpu.memory_space<hbm>> -> memref<80x125xi32, #tpu.memory_space<hbm>>
      %dma_wait3A_70 = arith.constant 0 : i32
      %dma_wait3A_71 = arith.constant 0 : i32
      %dma_wait3A_72 = tpu.memref_slice %arg3[%arg0, %arg1, %dma_wait3A_70, %dma_wait3A_71] : memref<2x16x80x125xi32, #tpu.memory_space<hbm>> -> memref<1x1x80x125xi32, #tpu.memory_space<hbm>>
      %dma_wait3A_73 = tpu.memref_squeeze %dma_wait3A_72 : memref<1x1x80x125xi32, #tpu.memory_space<hbm>> -> memref<80x125xi32, #tpu.memory_space<hbm>>
      tpu.wait_dma2 semaphore(%run_scoped3A : memref<!tpu.dma_semaphore, #tpu.memory_space<semaphore_mem>>) src(%dma_wait3A_73 : memref<80x125xi32, #tpu.memory_space<hbm>>) dst(%arg6 : memref<80x125xi32, #tpu.memory_space<vmem>>)
      tpu.yield
    }) : () -> ()
    %dma_start3A = arith.constant 0 : i32
    %dma_start3A_0 = arith.constant 0 : i32
    %dma_start3A_1 = tpu.memref_slice %arg6[%dma_start3A, %dma_start3A_0] : memref<80x125xi32, #tpu.memory_space<vmem>> -> memref<1x125xi32, #tpu.memory_space<vmem>>
    %dma_start3A_2 = tpu.memref_squeeze %dma_start3A_1 : memref<1x125xi32, #tpu.memory_space<vmem>> -> memref<125xi32, #tpu.memory_space<vmem>>
    %dma_start3A_3 = arith.constant 0 : i32
    %dma_start3A_4 = arith.constant 0 : i32
    %dma_start3A_5 = tpu.memref_slice %arg2[%dma_start3A_3, %dma_start3A_4] : memref<10000x64xf32, #tpu.memory_space<hbm>> -> memref<10000x64xf32, #tpu.memory_space<hbm>>
    tpu.enqueue_indirect_dma source(%dma_start3A_5 : memref<10000x64xf32, #tpu.memory_space<hbm>>) target(%arg11 : memref<125x64xf32, #tpu.memory_space<vmem>>) offsets(%dma_start3A_2 : memref<125xi32, #tpu.memory_space<vmem>>) semaphore(%arg13 : memref<!tpu.dma_semaphore, #tpu.memory_space<semaphore_mem>>)
    %dma_start3A_6 = arith.constant 1 : i32
    %dma_start3A_7 = arith.constant 0 : i32
    %dma_start3A_8 = tpu.memref_slice %arg6[%dma_start3A_6, %dma_start3A_7] : memref<80x125xi32, #tpu.memory_space<vmem>> -> memref<1x125xi32, #tpu.memory_space<vmem>>
    %dma_start3A_9 = tpu.memref_squeeze %dma_start3A_8 : memref<1x125xi32, #tpu.memory_space<vmem>> -> memref<125xi32, #tpu.memory_space<vmem>>
    %dma_start3A_10 = arith.constant 0 : i32
    %dma_start3A_11 = arith.constant 0 : i32
    %dma_start3A_12 = tpu.memref_slice %arg2[%dma_start3A_10, %dma_start3A_11] : memref<10000x64xf32, #tpu.memory_space<hbm>> -> memref<10000x64xf32, #tpu.memory_space<hbm>>
    tpu.enqueue_indirect_dma source(%dma_start3A_12 : memref<10000x64xf32, #tpu.memory_space<hbm>>) target(%arg12 : memref<125x64xf32, #tpu.memory_space<vmem>>) offsets(%dma_start3A_9 : memref<125xi32, #tpu.memory_space<vmem>>) semaphore(%arg13 : memref<!tpu.dma_semaphore, #tpu.memory_space<semaphore_mem>>)
    "tpu.region"() ({
      %run_scoped3A = tpu.sem_alloc : memref<!tpu.dma_semaphore, #tpu.memory_space<semaphore_mem>>
      %dma_start3A_58 = arith.constant 0 : i32
      %dma_start3A_59 = arith.constant 0 : i32
      %dma_start3A_60 = tpu.memref_slice %arg4[%arg0, %arg1, %dma_start3A_58, %dma_start3A_59] : memref<2x16x80x125xi32, #tpu.memory_space<hbm>> -> memref<1x1x80x125xi32, #tpu.memory_space<hbm>>
      %dma_start3A_61 = tpu.memref_squeeze %dma_start3A_60 : memref<1x1x80x125xi32, #tpu.memory_space<hbm>> -> memref<80x125xi32, #tpu.memory_space<hbm>>
      %dma_start3A_62 = arith.constant 0 : i32
      %dma_start3A_63 = arith.constant 0 : i32
      %dma_start3A_64 = tpu.memref_slice %arg4[%arg0, %arg1, %dma_start3A_62, %dma_start3A_63] : memref<2x16x80x125xi32, #tpu.memory_space<hbm>> -> memref<1x1x80x125xi32, #tpu.memory_space<hbm>>
      %dma_start3A_65 = tpu.memref_squeeze %dma_start3A_64 : memref<1x1x80x125xi32, #tpu.memory_space<hbm>> -> memref<80x125xi32, #tpu.memory_space<hbm>>
      tpu.enqueue_dma source(%dma_start3A_65 : memref<80x125xi32, #tpu.memory_space<hbm>>) target(%arg7 : memref<80x125xi32, #tpu.memory_space<vmem>>) target_semaphore(%run_scoped3A : memref<!tpu.dma_semaphore, #tpu.memory_space<semaphore_mem>>)
      %dma_wait3A_66 = arith.constant 0 : i32
      %dma_wait3A_67 = arith.constant 0 : i32
      %dma_wait3A_68 = tpu.memref_slice %arg4[%arg0, %arg1, %dma_wait3A_66, %dma_wait3A_67] : memref<2x16x80x125xi32, #tpu.memory_space<hbm>> -> memref<1x1x80x125xi32, #tpu.memory_space<hbm>>
      %dma_wait3A_69 = tpu.memref_squeeze %dma_wait3A_68 : memref<1x1x80x125xi32, #tpu.memory_space<hbm>> -> memref<80x125xi32, #tpu.memory_space<hbm>>
      %dma_wait3A_70 = arith.constant 0 : i32
      %dma_wait3A_71 = arith.constant 0 : i32
      %dma_wait3A_72 = tpu.memref_slice %arg4[%arg0, %arg1, %dma_wait3A_70, %dma_wait3A_71] : memref<2x16x80x125xi32, #tpu.memory_space<hbm>> -> memref<1x1x80x125xi32, #tpu.memory_space<hbm>>
      %dma_wait3A_73 = tpu.memref_squeeze %dma_wait3A_72 : memref<1x1x80x125xi32, #tpu.memory_space<hbm>> -> memref<80x125xi32, #tpu.memory_space<hbm>>
      tpu.wait_dma2 semaphore(%run_scoped3A : memref<!tpu.dma_semaphore, #tpu.memory_space<semaphore_mem>>) src(%dma_wait3A_73 : memref<80x125xi32, #tpu.memory_space<hbm>>) dst(%arg7 : memref<80x125xi32, #tpu.memory_space<vmem>>)
      tpu.yield
    }) : () -> ()
    %scan3A = arith.constant 0 : i32
    %scan3A_13 = arith.constant 125 : i32
    %scan3A_14 = arith.addi %scan3A, %scan3A_13 : i32
    %scan3A_15 = arith.constant 1 : i32
    scf.for %scan3A_58 = %scan3A to %scan3A_14 step %scan3A_15  : i32 {
      %mul3A_59 = arith.constant 1 : i32
      %mul3A_60 = arith.muli %scan3A_58, %mul3A_59 : i32
      %add3A_61 = arith.constant 0 : i32
      %add3A_62 = arith.addi %add3A_61, %mul3A_60 : i32
      %broadcast_in_dim3A = arith.constant 0.000000e+00 : f32
      %broadcast_in_dim3A_63 = vector.broadcast %broadcast_in_dim3A : f32 to vector<16xf32>
      %swap3A = arith.index_cast %add3A_62 : i32 to index
      %swap3A_64 = arith.constant 0 : index
      %swap3A_65 = tpu.vector_load %arg9[%swap3A, %swap3A_64] {strides = array<i32>} : memref<125x64xf32, #tpu.memory_space<vmem>>, vector<1x16xf32>,
      %swap3A_66 = vector.shape_cast %swap3A_65 : vector<1x16xf32> to vector<16xf32>
      %swap3A_67 = vector.shape_cast %broadcast_in_dim3A_63 : vector<16xf32> to vector<1x16xf32>
      tpu.vector_store %arg9[%swap3A, %swap3A_64], %swap3A_67 {strides = array<i32>} : memref<125x64xf32, #tpu.memory_space<vmem>>, vector<1x16xf32>,
      %broadcast_in_dim3A_68 = arith.constant 0.000000e+00 : f32
      %broadcast_in_dim3A_69 = vector.broadcast %broadcast_in_dim3A_68 : f32 to vector<16xf32>
      %swap3A_70 = arith.index_cast %add3A_62 : i32 to index
      %swap3A_71 = arith.constant 16 : index
      %swap3A_72 = tpu.vector_load %arg9[%swap3A_70, %swap3A_71] {strides = array<i32>} : memref<125x64xf32, #tpu.memory_space<vmem>>, vector<1x16xf32>,
      %swap3A_73 = vector.shape_cast %swap3A_72 : vector<1x16xf32> to vector<16xf32>
      %swap3A_74 = vector.shape_cast %broadcast_in_dim3A_69 : vector<16xf32> to vector<1x16xf32>
      tpu.vector_store %arg9[%swap3A_70, %swap3A_71], %swap3A_74 {strides = array<i32>} : memref<125x64xf32, #tpu.memory_space<vmem>>, vector<1x16xf32>,
      %broadcast_in_dim3A_75 = arith.constant 0.000000e+00 : f32
      %broadcast_in_dim3A_76 = vector.broadcast %broadcast_in_dim3A_75 : f32 to vector<16xf32>
      %swap3A_77 = arith.index_cast %add3A_62 : i32 to index
      %swap3A_78 = arith.constant 32 : index
      %swap3A_79 = tpu.vector_load %arg9[%swap3A_77, %swap3A_78] {strides = array<i32>} : memref<125x64xf32, #tpu.memory_space<vmem>>, vector<1x16xf32>,
      %swap3A_80 = vector.shape_cast %swap3A_79 : vector<1x16xf32> to vector<16xf32>
      %swap3A_81 = vector.shape_cast %broadcast_in_dim3A_76 : vector<16xf32> to vector<1x16xf32>
      tpu.vector_store %arg9[%swap3A_77, %swap3A_78], %swap3A_81 {strides = array<i32>} : memref<125x64xf32, #tpu.memory_space<vmem>>, vector<1x16xf32>,
      %broadcast_in_dim3A_82 = arith.constant 0.000000e+00 : f32
      %broadcast_in_dim3A_83 = vector.broadcast %broadcast_in_dim3A_82 : f32 to vector<16xf32>
      %swap3A_84 = arith.index_cast %add3A_62 : i32 to index
      %swap3A_85 = arith.constant 48 : index
      %swap3A_86 = tpu.vector_load %arg9[%swap3A_84, %swap3A_85] {strides = array<i32>} : memref<125x64xf32, #tpu.memory_space<vmem>>, vector<1x16xf32>,
      %swap3A_87 = vector.shape_cast %swap3A_86 : vector<1x16xf32> to vector<16xf32>
      %swap3A_88 = vector.shape_cast %broadcast_in_dim3A_83 : vector<16xf32> to vector<1x16xf32>
      tpu.vector_store %arg9[%swap3A_84, %swap3A_85], %swap3A_88 {strides = array<i32>} : memref<125x64xf32, #tpu.memory_space<vmem>>, vector<1x16xf32>,
    }
    %scan3A_16 = arith.constant 125 : i32
    %mul3A = arith.constant 625 : i32
    %mul3A_17 = arith.muli %arg1, %mul3A : i32
    %add3A = arith.constant 0 : i32
    %add3A_18 = arith.addi %mul3A_17, %add3A : i32
    "tpu.region"() ({
      %run_scoped3A = tpu.sem_alloc : memref<!tpu.dma_semaphore, #tpu.memory_space<semaphore_mem>>
      %dma_start3A_58 = arith.constant 0 : i32
      %dma_start3A_59 = tpu.memref_slice %arg8[%add3A_18, %dma_start3A_58] : memref<10000x64xf32, #tpu.memory_space<vmem_shared>> -> memref<125x64xf32, #tpu.memory_space<vmem_shared>>
      %dma_start3A_60 = arith.constant 0 : i32
      %dma_start3A_61 = tpu.memref_slice %arg8[%add3A_18, %dma_start3A_60] : memref<10000x64xf32, #tpu.memory_space<vmem_shared>> -> memref<125x64xf32, #tpu.memory_space<vmem_shared>>
      tpu.enqueue_dma source(%arg9 : memref<125x64xf32, #tpu.memory_space<vmem>>) target(%dma_start3A_61 : memref<125x64xf32, #tpu.memory_space<vmem_shared>>) target_semaphore(%run_scoped3A : memref<!tpu.dma_semaphore, #tpu.memory_space<semaphore_mem>>)
      %dma_wait3A_62 = arith.constant 0 : i32
      %dma_wait3A_63 = tpu.memref_slice %arg8[%add3A_18, %dma_wait3A_62] : memref<10000x64xf32, #tpu.memory_space<vmem_shared>> -> memref<125x64xf32, #tpu.memory_space<vmem_shared>>
      %dma_wait3A_64 = arith.constant 0 : i32
      %dma_wait3A_65 = tpu.memref_slice %arg8[%add3A_18, %dma_wait3A_64] : memref<10000x64xf32, #tpu.memory_space<vmem_shared>> -> memref<125x64xf32, #tpu.memory_space<vmem_shared>>
      tpu.wait_dma2 semaphore(%run_scoped3A : memref<!tpu.dma_semaphore, #tpu.memory_space<semaphore_mem>>) src(%arg9 : memref<125x64xf32, #tpu.memory_space<vmem>>) dst(%dma_wait3A_65 : memref<125x64xf32, #tpu.memory_space<vmem_shared>>)
      tpu.yield
    }) : () -> ()
    %mul3A_19 = arith.constant 625 : i32
    %mul3A_20 = arith.muli %arg1, %mul3A_19 : i32
    %add3A_21 = arith.constant 125 : i32
    %add3A_22 = arith.addi %mul3A_20, %add3A_21 : i32
    "tpu.region"() ({
      %run_scoped3A = tpu.sem_alloc : memref<!tpu.dma_semaphore, #tpu.memory_space<semaphore_mem>>
      %dma_start3A_58 = arith.constant 0 : i32
      %dma_start3A_59 = tpu.memref_slice %arg8[%add3A_22, %dma_start3A_58] : memref<10000x64xf32, #tpu.memory_space<vmem_shared>> -> memref<125x64xf32, #tpu.memory_space<vmem_shared>>
      %dma_start3A_60 = arith.constant 0 : i32
      %dma_start3A_61 = tpu.memref_slice %arg8[%add3A_22, %dma_start3A_60] : memref<10000x64xf32, #tpu.memory_space<vmem_shared>> -> memref<125x64xf32, #tpu.memory_space<vmem_shared>>
      tpu.enqueue_dma source(%arg9 : memref<125x64xf32, #tpu.memory_space<vmem>>) target(%dma_start3A_61 : memref<125x64xf32, #tpu.memory_space<vmem_shared>>) target_semaphore(%run_scoped3A : memref<!tpu.dma_semaphore, #tpu.memory_space<semaphore_mem>>)
      %dma_wait3A_62 = arith.constant 0 : i32
      %dma_wait3A_63 = tpu.memref_slice %arg8[%add3A_22, %dma_wait3A_62] : memref<10000x64xf32, #tpu.memory_space<vmem_shared>> -> memref<125x64xf32, #tpu.memory_space<vmem_shared>>
      %dma_wait3A_64 = arith.constant 0 : i32
      %dma_wait3A_65 = tpu.memref_slice %arg8[%add3A_22, %dma_wait3A_64] : memref<10000x64xf32, #tpu.memory_space<vmem_shared>> -> memref<125x64xf32, #tpu.memory_space<vmem_shared>>
      tpu.wait_dma2 semaphore(%run_scoped3A : memref<!tpu.dma_semaphore, #tpu.memory_space<semaphore_mem>>) src(%arg9 : memref<125x64xf32, #tpu.memory_space<vmem>>) dst(%dma_wait3A_65 : memref<125x64xf32, #tpu.memory_space<vmem_shared>>)
      tpu.yield
    }) : () -> ()
    %mul3A_23 = arith.constant 625 : i32
    %mul3A_24 = arith.muli %arg1, %mul3A_23 : i32
    %add3A_25 = arith.constant 250 : i32
    %add3A_26 = arith.addi %mul3A_24, %add3A_25 : i32
    "tpu.region"() ({
      %run_scoped3A = tpu.sem_alloc : memref<!tpu.dma_semaphore, #tpu.memory_space<semaphore_mem>>
      %dma_start3A_58 = arith.constant 0 : i32
      %dma_start3A_59 = tpu.memref_slice %arg8[%add3A_26, %dma_start3A_58] : memref<10000x64xf32, #tpu.memory_space<vmem_shared>> -> memref<125x64xf32, #tpu.memory_space<vmem_shared>>
      %dma_start3A_60 = arith.constant 0 : i32
      %dma_start3A_61 = tpu.memref_slice %arg8[%add3A_26, %dma_start3A_60] : memref<10000x64xf32, #tpu.memory_space<vmem_shared>> -> memref<125x64xf32, #tpu.memory_space<vmem_shared>>
      tpu.enqueue_dma source(%arg9 : memref<125x64xf32, #tpu.memory_space<vmem>>) target(%dma_start3A_61 : memref<125x64xf32, #tpu.memory_space<vmem_shared>>) target_semaphore(%run_scoped3A : memref<!tpu.dma_semaphore, #tpu.memory_space<semaphore_mem>>)
      %dma_wait3A_62 = arith.constant 0 : i32
      %dma_wait3A_63 = tpu.memref_slice %arg8[%add3A_26, %dma_wait3A_62] : memref<10000x64xf32, #tpu.memory_space<vmem_shared>> -> memref<125x64xf32, #tpu.memory_space<vmem_shared>>
      %dma_wait3A_64 = arith.constant 0 : i32
      %dma_wait3A_65 = tpu.memref_slice %arg8[%add3A_26, %dma_wait3A_64] : memref<10000x64xf32, #tpu.memory_space<vmem_shared>> -> memref<125x64xf32, #tpu.memory_space<vmem_shared>>
      tpu.wait_dma2 semaphore(%run_scoped3A : memref<!tpu.dma_semaphore, #tpu.memory_space<semaphore_mem>>) src(%arg9 : memref<125x64xf32, #tpu.memory_space<vmem>>) dst(%dma_wait3A_65 : memref<125x64xf32, #tpu.memory_space<vmem_shared>>)
      tpu.yield
    }) : () -> ()
    %mul3A_27 = arith.constant 625 : i32
    %mul3A_28 = arith.muli %arg1, %mul3A_27 : i32
    %add3A_29 = arith.constant 375 : i32
    %add3A_30 = arith.addi %mul3A_28, %add3A_29 : i32
    "tpu.region"() ({
      %run_scoped3A = tpu.sem_alloc : memref<!tpu.dma_semaphore, #tpu.memory_space<semaphore_mem>>
      %dma_start3A_58 = arith.constant 0 : i32
      %dma_start3A_59 = tpu.memref_slice %arg8[%add3A_30, %dma_start3A_58] : memref<10000x64xf32, #tpu.memory_space<vmem_shared>> -> memref<125x64xf32, #tpu.memory_space<vmem_shared>>
      %dma_start3A_60 = arith.constant 0 : i32
      %dma_start3A_61 = tpu.memref_slice %arg8[%add3A_30, %dma_start3A_60] : memref<10000x64xf32, #tpu.memory_space<vmem_shared>> -> memref<125x64xf32, #tpu.memory_space<vmem_shared>>
      tpu.enqueue_dma source(%arg9 : memref<125x64xf32, #tpu.memory_space<vmem>>) target(%dma_start3A_61 : memref<125x64xf32, #tpu.memory_space<vmem_shared>>) target_semaphore(%run_scoped3A : memref<!tpu.dma_semaphore, #tpu.memory_space<semaphore_mem>>)
      %dma_wait3A_62 = arith.constant 0 : i32
      %dma_wait3A_63 = tpu.memref_slice %arg8[%add3A_30, %dma_wait3A_62] : memref<10000x64xf32, #tpu.memory_space<vmem_shared>> -> memref<125x64xf32, #tpu.memory_space<vmem_shared>>
      %dma_wait3A_64 = arith.constant 0 : i32
      %dma_wait3A_65 = tpu.memref_slice %arg8[%add3A_30, %dma_wait3A_64] : memref<10000x64xf32, #tpu.memory_space<vmem_shared>> -> memref<125x64xf32, #tpu.memory_space<vmem_shared>>
      tpu.wait_dma2 semaphore(%run_scoped3A : memref<!tpu.dma_semaphore, #tpu.memory_space<semaphore_mem>>) src(%arg9 : memref<125x64xf32, #tpu.memory_space<vmem>>) dst(%dma_wait3A_65 : memref<125x64xf32, #tpu.memory_space<vmem_shared>>)
      tpu.yield
    }) : () -> ()
    %mul3A_31 = arith.constant 625 : i32
    %mul3A_32 = arith.muli %arg1, %mul3A_31 : i32
    %add3A_33 = arith.constant 500 : i32
    %add3A_34 = arith.addi %mul3A_32, %add3A_33 : i32
    "tpu.region"() ({
      %run_scoped3A = tpu.sem_alloc : memref<!tpu.dma_semaphore, #tpu.memory_space<semaphore_mem>>
      %dma_start3A_58 = arith.constant 0 : i32
      %dma_start3A_59 = tpu.memref_slice %arg8[%add3A_34, %dma_start3A_58] : memref<10000x64xf32, #tpu.memory_space<vmem_shared>> -> memref<125x64xf32, #tpu.memory_space<vmem_shared>>
      %dma_start3A_60 = arith.constant 0 : i32
      %dma_start3A_61 = tpu.memref_slice %arg8[%add3A_34, %dma_start3A_60] : memref<10000x64xf32, #tpu.memory_space<vmem_shared>> -> memref<125x64xf32, #tpu.memory_space<vmem_shared>>
      tpu.enqueue_dma source(%arg9 : memref<125x64xf32, #tpu.memory_space<vmem>>) target(%dma_start3A_61 : memref<125x64xf32, #tpu.memory_space<vmem_shared>>) target_semaphore(%run_scoped3A : memref<!tpu.dma_semaphore, #tpu.memory_space<semaphore_mem>>)
      %dma_wait3A_62 = arith.constant 0 : i32
      %dma_wait3A_63 = tpu.memref_slice %arg8[%add3A_34, %dma_wait3A_62] : memref<10000x64xf32, #tpu.memory_space<vmem_shared>> -> memref<125x64xf32, #tpu.memory_space<vmem_shared>>
      %dma_wait3A_64 = arith.constant 0 : i32
      %dma_wait3A_65 = tpu.memref_slice %arg8[%add3A_34, %dma_wait3A_64] : memref<10000x64xf32, #tpu.memory_space<vmem_shared>> -> memref<125x64xf32, #tpu.memory_space<vmem_shared>>
      tpu.wait_dma2 semaphore(%run_scoped3A : memref<!tpu.dma_semaphore, #tpu.memory_space<semaphore_mem>>) src(%arg9 : memref<125x64xf32, #tpu.memory_space<vmem>>) dst(%dma_wait3A_65 : memref<125x64xf32, #tpu.memory_space<vmem_shared>>)
      tpu.yield
    }) : () -> ()
    %barrier3A = arith.constant 0 : index
    tpu.barrier barrier_id(%barrier3A)
    %scan3A_35 = arith.constant 0 : i32
    %scan3A_36 = arith.constant 20 : i32
    %scan3A_37 = arith.addi %scan3A_35, %scan3A_36 : i32
    %scan3A_38 = arith.constant 1 : i32
    scf.for %scan3A_58 = %scan3A_35 to %scan3A_37 step %scan3A_38  : i32 {
      %mul3A_59 = arith.constant 4 : i32
      %mul3A_60 = arith.muli %scan3A_58, %mul3A_59 : i32
      %add3A_61 = arith.constant 0 : i32
      %add3A_62 = arith.addi %add3A_61, %mul3A_60 : i32
      %gt3A = arith.constant 0 : i32
      %gt3A_63 = arith.cmpi sgt, %add3A_62, %gt3A : i32
      %convert_element_type3A = arith.extui %gt3A_63 : i1 to i32
      %cond3A = arith.constant 0 : i32
      %cond3A_64 = arith.cmpi ne, %convert_element_type3A, %cond3A : i32
      scf.if %cond3A_64 {
        %dma_wait3A_159 = arith.constant 0 : i32
        %dma_wait3A_160 = arith.constant 0 : i32
        %dma_wait3A_161 = tpu.memref_slice %arg7[%dma_wait3A_159, %dma_wait3A_160] : memref<80x125xi32, #tpu.memory_space<vmem>> -> memref<1x125xi32, #tpu.memory_space<vmem>>
        %dma_wait3A_162 = tpu.memref_squeeze %dma_wait3A_161 : memref<1x125xi32, #tpu.memory_space<vmem>> -> memref<125xi32, #tpu.memory_space<vmem>>
        %dma_wait3A_163 = arith.constant 0 : i32
        %dma_wait3A_164 = arith.constant 0 : i32
        %dma_wait3A_165 = tpu.memref_slice %arg8[%dma_wait3A_163, %dma_wait3A_164] : memref<10000x64xf32, #tpu.memory_space<vmem_shared>> -> memref<10000x64xf32, #tpu.memory_space<vmem_shared>>
        tpu.wait_indirect_dma semaphore(%arg16 : memref<!tpu.dma_semaphore, #tpu.memory_space<semaphore_mem>>) src(%arg9 : memref<125x64xf32, #tpu.memory_space<vmem>>) dst(%dma_wait3A_165 : memref<10000x64xf32, #tpu.memory_space<vmem_shared>>)
        %dma_wait3A_166 = arith.constant 0 : i32
        %dma_wait3A_167 = arith.constant 0 : i32
        %dma_wait3A_168 = tpu.memref_slice %arg7[%dma_wait3A_166, %dma_wait3A_167] : memref<80x125xi32, #tpu.memory_space<vmem>> -> memref<1x125xi32, #tpu.memory_space<vmem>>
        %dma_wait3A_169 = tpu.memref_squeeze %dma_wait3A_168 : memref<1x125xi32, #tpu.memory_space<vmem>> -> memref<125xi32, #tpu.memory_space<vmem>>
        %dma_wait3A_170 = arith.constant 0 : i32
        %dma_wait3A_171 = arith.constant 0 : i32
        %dma_wait3A_172 = tpu.memref_slice %arg8[%dma_wait3A_170, %dma_wait3A_171] : memref<10000x64xf32, #tpu.memory_space<vmem_shared>> -> memref<10000x64xf32, #tpu.memory_space<vmem_shared>>
        tpu.wait_indirect_dma semaphore(%arg16 : memref<!tpu.dma_semaphore, #tpu.memory_space<semaphore_mem>>) src(%arg10 : memref<125x64xf32, #tpu.memory_space<vmem>>) dst(%dma_wait3A_172 : memref<10000x64xf32, #tpu.memory_space<vmem_shared>>)
      } else {
      }
      %add3A_65 = arith.constant 2 : i32
      %add3A_66 = arith.addi %add3A_62, %add3A_65 : i32
      %dma_start3A_67 = arith.constant 0 : i32
      %dma_start3A_68 = tpu.memref_slice %arg6[%add3A_66, %dma_start3A_67] : memref<80x125xi32, #tpu.memory_space<vmem>> -> memref<1x125xi32, #tpu.memory_space<vmem>>
      %dma_start3A_69 = tpu.memref_squeeze %dma_start3A_68 : memref<1x125xi32, #tpu.memory_space<vmem>> -> memref<125xi32, #tpu.memory_space<vmem>>
      %dma_start3A_70 = arith.constant 0 : i32
      %dma_start3A_71 = arith.constant 0 : i32
      %dma_start3A_72 = tpu.memref_slice %arg2[%dma_start3A_70, %dma_start3A_71] : memref<10000x64xf32, #tpu.memory_space<hbm>> -> memref<10000x64xf32, #tpu.memory_space<hbm>>
      tpu.enqueue_indirect_dma source(%dma_start3A_72 : memref<10000x64xf32, #tpu.memory_space<hbm>>) target(%arg9 : memref<125x64xf32, #tpu.memory_space<vmem>>) offsets(%dma_start3A_69 : memref<125xi32, #tpu.memory_space<vmem>>) semaphore(%arg14 : memref<!tpu.dma_semaphore, #tpu.memory_space<semaphore_mem>>)
      %add3A_73 = arith.constant 3 : i32
      %add3A_74 = arith.addi %add3A_62, %add3A_73 : i32
      %dma_start3A_75 = arith.constant 0 : i32
      %dma_start3A_76 = tpu.memref_slice %arg6[%add3A_74, %dma_start3A_75] : memref<80x125xi32, #tpu.memory_space<vmem>> -> memref<1x125xi32, #tpu.memory_space<vmem>>
      %dma_start3A_77 = tpu.memref_squeeze %dma_start3A_76 : memref<1x125xi32, #tpu.memory_space<vmem>> -> memref<125xi32, #tpu.memory_space<vmem>>
      %dma_start3A_78 = arith.constant 0 : i32
      %dma_start3A_79 = arith.constant 0 : i32
      %dma_start3A_80 = tpu.memref_slice %arg2[%dma_start3A_78, %dma_start3A_79] : memref<10000x64xf32, #tpu.memory_space<hbm>> -> memref<10000x64xf32, #tpu.memory_space<hbm>>
      tpu.enqueue_indirect_dma source(%dma_start3A_80 : memref<10000x64xf32, #tpu.memory_space<hbm>>) target(%arg10 : memref<125x64xf32, #tpu.memory_space<vmem>>) offsets(%dma_start3A_77 : memref<125xi32, #tpu.memory_space<vmem>>) semaphore(%arg14 : memref<!tpu.dma_semaphore, #tpu.memory_space<semaphore_mem>>)
      %dma_wait3A_81 = arith.constant 0 : i32
      %dma_wait3A_82 = arith.constant 0 : i32
      %dma_wait3A_83 = tpu.memref_slice %arg6[%dma_wait3A_81, %dma_wait3A_82] : memref<80x125xi32, #tpu.memory_space<vmem>> -> memref<1x125xi32, #tpu.memory_space<vmem>>
      %dma_wait3A_84 = tpu.memref_squeeze %dma_wait3A_83 : memref<1x125xi32, #tpu.memory_space<vmem>> -> memref<125xi32, #tpu.memory_space<vmem>>
      %dma_wait3A_85 = arith.constant 0 : i32
      %dma_wait3A_86 = arith.constant 0 : i32
      %dma_wait3A_87 = tpu.memref_slice %arg2[%dma_wait3A_85, %dma_wait3A_86] : memref<10000x64xf32, #tpu.memory_space<hbm>> -> memref<10000x64xf32, #tpu.memory_space<hbm>>
      tpu.wait_indirect_dma semaphore(%arg13 : memref<!tpu.dma_semaphore, #tpu.memory_space<semaphore_mem>>) src(%dma_wait3A_87 : memref<10000x64xf32, #tpu.memory_space<hbm>>) dst(%arg11 : memref<125x64xf32, #tpu.memory_space<vmem>>)
      %dma_wait3A_88 = arith.constant 0 : i32
      %dma_wait3A_89 = arith.constant 0 : i32
      %dma_wait3A_90 = tpu.memref_slice %arg6[%dma_wait3A_88, %dma_wait3A_89] : memref<80x125xi32, #tpu.memory_space<vmem>> -> memref<1x125xi32, #tpu.memory_space<vmem>>
      %dma_wait3A_91 = tpu.memref_squeeze %dma_wait3A_90 : memref<1x125xi32, #tpu.memory_space<vmem>> -> memref<125xi32, #tpu.memory_space<vmem>>
      %dma_wait3A_92 = arith.constant 0 : i32
      %dma_wait3A_93 = arith.constant 0 : i32
      %dma_wait3A_94 = tpu.memref_slice %arg2[%dma_wait3A_92, %dma_wait3A_93] : memref<10000x64xf32, #tpu.memory_space<hbm>> -> memref<10000x64xf32, #tpu.memory_space<hbm>>
      tpu.wait_indirect_dma semaphore(%arg13 : memref<!tpu.dma_semaphore, #tpu.memory_space<semaphore_mem>>) src(%dma_wait3A_94 : memref<10000x64xf32, #tpu.memory_space<hbm>>) dst(%arg12 : memref<125x64xf32, #tpu.memory_space<vmem>>)
      %dma_start3A_95 = arith.constant 0 : i32
      %dma_start3A_96 = tpu.memref_slice %arg7[%add3A_62, %dma_start3A_95] : memref<80x125xi32, #tpu.memory_space<vmem>> -> memref<1x125xi32, #tpu.memory_space<vmem>>
      %dma_start3A_97 = tpu.memref_squeeze %dma_start3A_96 : memref<1x125xi32, #tpu.memory_space<vmem>> -> memref<125xi32, #tpu.memory_space<vmem>>
      %dma_start3A_98 = arith.constant 0 : i32
      %dma_start3A_99 = arith.constant 0 : i32
      %dma_start3A_100 = tpu.memref_slice %arg8[%dma_start3A_98, %dma_start3A_99] : memref<10000x64xf32, #tpu.memory_space<vmem_shared>> -> memref<10000x64xf32, #tpu.memory_space<vmem_shared>>
      tpu.enqueue_indirect_dma source(%arg11 : memref<125x64xf32, #tpu.memory_space<vmem>>) target(%dma_start3A_100 : memref<10000x64xf32, #tpu.memory_space<vmem_shared>>) offsets(%dma_start3A_97 : memref<125xi32, #tpu.memory_space<vmem>>) semaphore(%arg15 : memref<!tpu.dma_semaphore, #tpu.memory_space<semaphore_mem>>) {add = true}
      %add3A_101 = arith.constant 1 : i32
      %add3A_102 = arith.addi %add3A_62, %add3A_101 : i32
      %dma_start3A_103 = arith.constant 0 : i32
      %dma_start3A_104 = tpu.memref_slice %arg7[%add3A_102, %dma_start3A_103] : memref<80x125xi32, #tpu.memory_space<vmem>> -> memref<1x125xi32, #tpu.memory_space<vmem>>
      %dma_start3A_105 = tpu.memref_squeeze %dma_start3A_104 : memref<1x125xi32, #tpu.memory_space<vmem>> -> memref<125xi32, #tpu.memory_space<vmem>>
      %dma_start3A_106 = arith.constant 0 : i32
      %dma_start3A_107 = arith.constant 0 : i32
      %dma_start3A_108 = tpu.memref_slice %arg8[%dma_start3A_106, %dma_start3A_107] : memref<10000x64xf32, #tpu.memory_space<vmem_shared>> -> memref<10000x64xf32, #tpu.memory_space<vmem_shared>>
      tpu.enqueue_indirect_dma source(%arg12 : memref<125x64xf32, #tpu.memory_space<vmem>>) target(%dma_start3A_108 : memref<10000x64xf32, #tpu.memory_space<vmem_shared>>) offsets(%dma_start3A_105 : memref<125xi32, #tpu.memory_space<vmem>>) semaphore(%arg15 : memref<!tpu.dma_semaphore, #tpu.memory_space<semaphore_mem>>) {add = true}
      %dma_wait3A_109 = arith.constant 0 : i32
      %dma_wait3A_110 = arith.constant 0 : i32
      %dma_wait3A_111 = tpu.memref_slice %arg7[%dma_wait3A_109, %dma_wait3A_110] : memref<80x125xi32, #tpu.memory_space<vmem>> -> memref<1x125xi32, #tpu.memory_space<vmem>>
      %dma_wait3A_112 = tpu.memref_squeeze %dma_wait3A_111 : memref<1x125xi32, #tpu.memory_space<vmem>> -> memref<125xi32, #tpu.memory_space<vmem>>
      %dma_wait3A_113 = arith.constant 0 : i32
      %dma_wait3A_114 = arith.constant 0 : i32
      %dma_wait3A_115 = tpu.memref_slice %arg8[%dma_wait3A_113, %dma_wait3A_114] : memref<10000x64xf32, #tpu.memory_space<vmem_shared>> -> memref<10000x64xf32, #tpu.memory_space<vmem_shared>>
      tpu.wait_indirect_dma semaphore(%arg15 : memref<!tpu.dma_semaphore, #tpu.memory_space<semaphore_mem>>) src(%arg11 : memref<125x64xf32, #tpu.memory_space<vmem>>) dst(%dma_wait3A_115 : memref<10000x64xf32, #tpu.memory_space<vmem_shared>>)
      %dma_wait3A_116 = arith.constant 0 : i32
      %dma_wait3A_117 = arith.constant 0 : i32
      %dma_wait3A_118 = tpu.memref_slice %arg7[%dma_wait3A_116, %dma_wait3A_117] : memref<80x125xi32, #tpu.memory_space<vmem>> -> memref<1x125xi32, #tpu.memory_space<vmem>>
      %dma_wait3A_119 = tpu.memref_squeeze %dma_wait3A_118 : memref<1x125xi32, #tpu.memory_space<vmem>> -> memref<125xi32, #tpu.memory_space<vmem>>
      %dma_wait3A_120 = arith.constant 0 : i32
      %dma_wait3A_121 = arith.constant 0 : i32
      %dma_wait3A_122 = tpu.memref_slice %arg8[%dma_wait3A_120, %dma_wait3A_121] : memref<10000x64xf32, #tpu.memory_space<vmem_shared>> -> memref<10000x64xf32, #tpu.memory_space<vmem_shared>>
      tpu.wait_indirect_dma semaphore(%arg15 : memref<!tpu.dma_semaphore, #tpu.memory_space<semaphore_mem>>) src(%arg12 : memref<125x64xf32, #tpu.memory_space<vmem>>) dst(%dma_wait3A_122 : memref<10000x64xf32, #tpu.memory_space<vmem_shared>>)
      %add3A_123 = arith.constant 4 : i32
      %add3A_124 = arith.addi %add3A_62, %add3A_123 : i32
      %lt3A = arith.constant 80 : i32
      %lt3A_125 = arith.cmpi slt, %add3A_124, %lt3A : i32
      %convert_element_type3A_126 = arith.extui %lt3A_125 : i1 to i32
      %cond3A_127 = arith.constant 0 : i32
      %cond3A_128 = arith.cmpi ne, %convert_element_type3A_126, %cond3A_127 : i32
      scf.if %cond3A_128 {
        %add3A_159 = arith.constant 4 : i32
        %add3A_160 = arith.addi %add3A_62, %add3A_159 : i32
        %dma_start3A_161 = arith.constant 0 : i32
        %dma_start3A_162 = tpu.memref_slice %arg6[%add3A_160, %dma_start3A_161] : memref<80x125xi32, #tpu.memory_space<vmem>> -> memref<1x125xi32, #tpu.memory_space<vmem>>
        %dma_start3A_163 = tpu.memref_squeeze %dma_start3A_162 : memref<1x125xi32, #tpu.memory_space<vmem>> -> memref<125xi32, #tpu.memory_space<vmem>>
        %dma_start3A_164 = arith.constant 0 : i32
        %dma_start3A_165 = arith.constant 0 : i32
        %dma_start3A_166 = tpu.memref_slice %arg2[%dma_start3A_164, %dma_start3A_165] : memref<10000x64xf32, #tpu.memory_space<hbm>> -> memref<10000x64xf32, #tpu.memory_space<hbm>>
        tpu.enqueue_indirect_dma source(%dma_start3A_166 : memref<10000x64xf32, #tpu.memory_space<hbm>>) target(%arg11 : memref<125x64xf32, #tpu.memory_space<vmem>>) offsets(%dma_start3A_163 : memref<125xi32, #tpu.memory_space<vmem>>) semaphore(%arg13 : memref<!tpu.dma_semaphore, #tpu.memory_space<semaphore_mem>>)
        %add3A_167 = arith.constant 5 : i32
        %add3A_168 = arith.addi %add3A_62, %add3A_167 : i32
        %dma_start3A_169 = arith.constant 0 : i32
        %dma_start3A_170 = tpu.memref_slice %arg6[%add3A_168, %dma_start3A_169] : memref<80x125xi32, #tpu.memory_space<vmem>> -> memref<1x125xi32, #tpu.memory_space<vmem>>
        %dma_start3A_171 = tpu.memref_squeeze %dma_start3A_170 : memref<1x125xi32, #tpu.memory_space<vmem>> -> memref<125xi32, #tpu.memory_space<vmem>>
        %dma_start3A_172 = arith.constant 0 : i32
        %dma_start3A_173 = arith.constant 0 : i32
        %dma_start3A_174 = tpu.memref_slice %arg2[%dma_start3A_172, %dma_start3A_173] : memref<10000x64xf32, #tpu.memory_space<hbm>> -> memref<10000x64xf32, #tpu.memory_space<hbm>>
        tpu.enqueue_indirect_dma source(%dma_start3A_174 : memref<10000x64xf32, #tpu.memory_space<hbm>>) target(%arg12 : memref<125x64xf32, #tpu.memory_space<vmem>>) offsets(%dma_start3A_171 : memref<125xi32, #tpu.memory_space<vmem>>) semaphore(%arg13 : memref<!tpu.dma_semaphore, #tpu.memory_space<semaphore_mem>>)
      } else {
      }
      %dma_wait3A_129 = arith.constant 0 : i32
      %dma_wait3A_130 = arith.constant 0 : i32
      %dma_wait3A_131 = tpu.memref_slice %arg6[%dma_wait3A_129, %dma_wait3A_130] : memref<80x125xi32, #tpu.memory_space<vmem>> -> memref<1x125xi32, #tpu.memory_space<vmem>>
      %dma_wait3A_132 = tpu.memref_squeeze %dma_wait3A_131 : memref<1x125xi32, #tpu.memory_space<vmem>> -> memref<125xi32, #tpu.memory_space<vmem>>
      %dma_wait3A_133 = arith.constant 0 : i32
      %dma_wait3A_134 = arith.constant 0 : i32
      %dma_wait3A_135 = tpu.memref_slice %arg2[%dma_wait3A_133, %dma_wait3A_134] : memref<10000x64xf32, #tpu.memory_space<hbm>> -> memref<10000x64xf32, #tpu.memory_space<hbm>>
      tpu.wait_indirect_dma semaphore(%arg14 : memref<!tpu.dma_semaphore, #tpu.memory_space<semaphore_mem>>) src(%dma_wait3A_135 : memref<10000x64xf32, #tpu.memory_space<hbm>>) dst(%arg9 : memref<125x64xf32, #tpu.memory_space<vmem>>)
      %dma_wait3A_136 = arith.constant 0 : i32
      %dma_wait3A_137 = arith.constant 0 : i32
      %dma_wait3A_138 = tpu.memref_slice %arg6[%dma_wait3A_136, %dma_wait3A_137] : memref<80x125xi32, #tpu.memory_space<vmem>> -> memref<1x125xi32, #tpu.memory_space<vmem>>
      %dma_wait3A_139 = tpu.memref_squeeze %dma_wait3A_138 : memref<1x125xi32, #tpu.memory_space<vmem>> -> memref<125xi32, #tpu.memory_space<vmem>>
      %dma_wait3A_140 = arith.constant 0 : i32
      %dma_wait3A_141 = arith.constant 0 : i32
      %dma_wait3A_142 = tpu.memref_slice %arg2[%dma_wait3A_140, %dma_wait3A_141] : memref<10000x64xf32, #tpu.memory_space<hbm>> -> memref<10000x64xf32, #tpu.memory_space<hbm>>
      tpu.wait_indirect_dma semaphore(%arg14 : memref<!tpu.dma_semaphore, #tpu.memory_space<semaphore_mem>>) src(%dma_wait3A_142 : memref<10000x64xf32, #tpu.memory_space<hbm>>) dst(%arg10 : memref<125x64xf32, #tpu.memory_space<vmem>>)
      %add3A_143 = arith.constant 2 : i32
      %add3A_144 = arith.addi %add3A_62, %add3A_143 : i32
      %dma_start3A_145 = arith.constant 0 : i32
      %dma_start3A_146 = tpu.memref_slice %arg7[%add3A_144, %dma_start3A_145] : memref<80x125xi32, #tpu.memory_space<vmem>> -> memref<1x125xi32, #tpu.memory_space<vmem>>
      %dma_start3A_147 = tpu.memref_squeeze %dma_start3A_146 : memref<1x125xi32, #tpu.memory_space<vmem>> -> memref<125xi32, #tpu.memory_space<vmem>>
      %dma_start3A_148 = arith.constant 0 : i32
      %dma_start3A_149 = arith.constant 0 : i32
      %dma_start3A_150 = tpu.memref_slice %arg8[%dma_start3A_148, %dma_start3A_149] : memref<10000x64xf32, #tpu.memory_space<vmem_shared>> -> memref<10000x64xf32, #tpu.memory_space<vmem_shared>>
      tpu.enqueue_indirect_dma source(%arg9 : memref<125x64xf32, #tpu.memory_space<vmem>>) target(%dma_start3A_150 : memref<10000x64xf32, #tpu.memory_space<vmem_shared>>) offsets(%dma_start3A_147 : memref<125xi32, #tpu.memory_space<vmem>>) semaphore(%arg16 : memref<!tpu.dma_semaphore, #tpu.memory_space<semaphore_mem>>) {add = true}
      %add3A_151 = arith.constant 3 : i32
      %add3A_152 = arith.addi %add3A_62, %add3A_151 : i32
      %dma_start3A_153 = arith.constant 0 : i32
      %dma_start3A_154 = tpu.memref_slice %arg7[%add3A_152, %dma_start3A_153] : memref<80x125xi32, #tpu.memory_space<vmem>> -> memref<1x125xi32, #tpu.memory_space<vmem>>
      %dma_start3A_155 = tpu.memref_squeeze %dma_start3A_154 : memref<1x125xi32, #tpu.memory_space<vmem>> -> memref<125xi32, #tpu.memory_space<vmem>>
      %dma_start3A_156 = arith.constant 0 : i32
      %dma_start3A_157 = arith.constant 0 : i32
      %dma_start3A_158 = tpu.memref_slice %arg8[%dma_start3A_156, %dma_start3A_157] : memref<10000x64xf32, #tpu.memory_space<vmem_shared>> -> memref<10000x64xf32, #tpu.memory_space<vmem_shared>>
      tpu.enqueue_indirect_dma source(%arg10 : memref<125x64xf32, #tpu.memory_space<vmem>>) target(%dma_start3A_158 : memref<10000x64xf32, #tpu.memory_space<vmem_shared>>) offsets(%dma_start3A_155 : memref<125xi32, #tpu.memory_space<vmem>>) semaphore(%arg16 : memref<!tpu.dma_semaphore, #tpu.memory_space<semaphore_mem>>) {add = true}
    }
    %scan3A_39 = arith.constant 20 : i32
    %dma_wait3A = arith.constant 0 : i32
    %dma_wait3A_40 = arith.constant 0 : i32
    %dma_wait3A_41 = tpu.memref_slice %arg7[%dma_wait3A, %dma_wait3A_40] : memref<80x125xi32, #tpu.memory_space<vmem>> -> memref<1x125xi32, #tpu.memory_space<vmem>>
    %dma_wait3A_42 = tpu.memref_squeeze %dma_wait3A_41 : memref<1x125xi32, #tpu.memory_space<vmem>> -> memref<125xi32, #tpu.memory_space<vmem>>
    %dma_wait3A_43 = arith.constant 0 : i32
    %dma_wait3A_44 = arith.constant 0 : i32
    %dma_wait3A_45 = tpu.memref_slice %arg8[%dma_wait3A_43, %dma_wait3A_44] : memref<10000x64xf32, #tpu.memory_space<vmem_shared>> -> memref<10000x64xf32, #tpu.memory_space<vmem_shared>>
    tpu.wait_indirect_dma semaphore(%arg16 : memref<!tpu.dma_semaphore, #tpu.memory_space<semaphore_mem>>) src(%arg9 : memref<125x64xf32, #tpu.memory_space<vmem>>) dst(%dma_wait3A_45 : memref<10000x64xf32, #tpu.memory_space<vmem_shared>>)
    %dma_wait3A_46 = arith.constant 0 : i32
    %dma_wait3A_47 = arith.constant 0 : i32
    %dma_wait3A_48 = tpu.memref_slice %arg7[%dma_wait3A_46, %dma_wait3A_47] : memref<80x125xi32, #tpu.memory_space<vmem>> -> memref<1x125xi32, #tpu.memory_space<vmem>>
    %dma_wait3A_49 = tpu.memref_squeeze %dma_wait3A_48 : memref<1x125xi32, #tpu.memory_space<vmem>> -> memref<125xi32, #tpu.memory_space<vmem>>
    %dma_wait3A_50 = arith.constant 0 : i32
    %dma_wait3A_51 = arith.constant 0 : i32
    %dma_wait3A_52 = tpu.memref_slice %arg8[%dma_wait3A_50, %dma_wait3A_51] : memref<10000x64xf32, #tpu.memory_space<vmem_shared>> -> memref<10000x64xf32, #tpu.memory_space<vmem_shared>>
    tpu.wait_indirect_dma semaphore(%arg16 : memref<!tpu.dma_semaphore, #tpu.memory_space<semaphore_mem>>) src(%arg10 : memref<125x64xf32, #tpu.memory_space<vmem>>) dst(%dma_wait3A_52 : memref<10000x64xf32, #tpu.memory_space<vmem_shared>>)
    %barrier3A_53 = arith.constant 0 : index
    tpu.barrier barrier_id(%barrier3A_53)
    %mul3A_54 = arith.constant 625 : i32
    %mul3A_55 = arith.muli %arg1, %mul3A_54 : i32
    %mul3A_56 = arith.constant 625 : i32
    %mul3A_57 = arith.muli %arg1, %mul3A_56 : i32
    "tpu.region"() ({
      %run_scoped3A = tpu.sem_alloc : memref<!tpu.dma_semaphore, #tpu.memory_space<semaphore_mem>>
      %dma_start3A_58 = arith.constant 0 : i32
      %dma_start3A_59 = tpu.memref_slice %arg5[%arg0, %mul3A_57, %dma_start3A_58] : memref<2x10000x64xf32, #tpu.memory_space<hbm>> -> memref<1x625x64xf32, #tpu.memory_space<hbm>>
      %dma_start3A_60 = tpu.memref_squeeze %dma_start3A_59 : memref<1x625x64xf32, #tpu.memory_space<hbm>> -> memref<625x64xf32, #tpu.memory_space<hbm>>
      %dma_start3A_61 = arith.constant 0 : i32
      %dma_start3A_62 = tpu.memref_slice %arg8[%mul3A_55, %dma_start3A_61] : memref<10000x64xf32, #tpu.memory_space<vmem_shared>> -> memref<625x64xf32, #tpu.memory_space<vmem_shared>>
      tpu.enqueue_dma source(%dma_start3A_62 : memref<625x64xf32, #tpu.memory_space<vmem_shared>>) target(%dma_start3A_60 : memref<625x64xf32, #tpu.memory_space<hbm>>) target_semaphore(%run_scoped3A : memref<!tpu.dma_semaphore, #tpu.memory_space<semaphore_mem>>)
      %dma_wait3A_63 = arith.constant 0 : i32
      %dma_wait3A_64 = tpu.memref_slice %arg5[%arg0, %mul3A_57, %dma_wait3A_63] : memref<2x10000x64xf32, #tpu.memory_space<hbm>> -> memref<1x625x64xf32, #tpu.memory_space<hbm>>
      %dma_wait3A_65 = tpu.memref_squeeze %dma_wait3A_64 : memref<1x625x64xf32, #tpu.memory_space<hbm>> -> memref<625x64xf32, #tpu.memory_space<hbm>>
      %dma_wait3A_66 = arith.constant 0 : i32
      %dma_wait3A_67 = tpu.memref_slice %arg8[%mul3A_55, %dma_wait3A_66] : memref<10000x64xf32, #tpu.memory_space<vmem_shared>> -> memref<625x64xf32, #tpu.memory_space<vmem_shared>>
      tpu.wait_dma2 semaphore(%run_scoped3A : memref<!tpu.dma_semaphore, #tpu.memory_space<semaphore_mem>>) src(%dma_wait3A_67 : memref<625x64xf32, #tpu.memory_space<vmem_shared>>) dst(%dma_wait3A_65 : memref<625x64xf32, #tpu.memory_space<hbm>>)
      tpu.yield
    }) : () -> ()
    return
  }
}

#map = affine_map<(d0, d1) -> (0, 0)>
#map1 = affine_map<(d0, d1) -> (0, 0, 0)>
module attributes {stable_mosaic.version = 14 : i64} {
  func.func @body(%arg0: i32, %arg1: i32, %arg2: memref<10000x64xf32, #tpu.memory_space<hbm>>, %arg3: memref<10000x64xf32, #tpu.memory_space<hbm>>, %arg4: memref<16x160x125xi32, #tpu.memory_space<hbm>>, %arg5: memref<16x160x125xi32, #tpu.memory_space<hbm>>, %arg6: memref<2x10000x64xf32, #tpu.memory_space<hbm>>, %arg7: memref<160x125xi32, #tpu.memory_space<vmem>>, %arg8: memref<160x125xi32, #tpu.memory_space<vmem>>, %arg9: memref<10000x64xf32, #tpu.memory_space<vmem_shared>>, %arg10: memref<125x64xf32, #tpu.memory_space<vmem>>, %arg11: memref<125x64xf32, #tpu.memory_space<vmem>>, %arg12: memref<125x64xf32, #tpu.memory_space<vmem>>, %arg13: memref<125x64xf32, #tpu.memory_space<vmem>>, %arg14: memref<!tpu.dma_semaphore, #tpu.memory_space<semaphore_mem>>, %arg15: memref<!tpu.dma_semaphore, #tpu.memory_space<semaphore_mem>>, %arg16: memref<!tpu.dma_semaphore, #tpu.memory_space<semaphore_mem>>, %arg17: memref<!tpu.dma_semaphore, #tpu.memory_space<semaphore_mem>>) attributes {dimension_semantics = [#tpu.dimension_semantics<core_parallel>, #tpu.dimension_semantics<subcore_parallel>], iteration_bounds = array<i64: 2, 16>, scalar_prefetch = 0 : i64, scratch_operands = 11 : i64, tpu.core_type = #tpu.core_type<sc_vector_subcore>, window_params = [{transform_indices = #map}, {transform_indices = #map}, {transform_indices = #map1}, {transform_indices = #map1}, {transform_indices = #map1}]} {
    "tpu.region"() ({
      %run_scoped3A = tpu.sem_alloc : memref<!tpu.dma_semaphore, #tpu.memory_space<semaphore_mem>>
      %dma_start3A = arith.constant 0 : i32
      %dma_start3A_44 = arith.constant 0 : i32
      %dma_start3A_45 = tpu.memref_slice %arg4[%arg1, %dma_start3A, %dma_start3A_44] : memref<16x160x125xi32, #tpu.memory_space<hbm>> -> memref<1x160x125xi32, #tpu.memory_space<hbm>>
      %dma_start3A_46 = tpu.memref_squeeze %dma_start3A_45 : memref<1x160x125xi32, #tpu.memory_space<hbm>> -> memref<160x125xi32, #tpu.memory_space<hbm>>
      %dma_start3A_47 = arith.constant 0 : i32
      %dma_start3A_48 = arith.constant 0 : i32
      %dma_start3A_49 = tpu.memref_slice %arg4[%arg1, %dma_start3A_47, %dma_start3A_48] : memref<16x160x125xi32, #tpu.memory_space<hbm>> -> memref<1x160x125xi32, #tpu.memory_space<hbm>>
      %dma_start3A_50 = tpu.memref_squeeze %dma_start3A_49 : memref<1x160x125xi32, #tpu.memory_space<hbm>> -> memref<160x125xi32, #tpu.memory_space<hbm>>
      tpu.enqueue_dma source(%dma_start3A_50 : memref<160x125xi32, #tpu.memory_space<hbm>>) target(%arg7 : memref<160x125xi32, #tpu.memory_space<vmem>>) target_semaphore(%run_scoped3A : memref<!tpu.dma_semaphore, #tpu.memory_space<semaphore_mem>>)
      %dma_wait3A = arith.constant 0 : i32
      %dma_wait3A_51 = arith.constant 0 : i32
      %dma_wait3A_52 = tpu.memref_slice %arg4[%arg1, %dma_wait3A, %dma_wait3A_51] : memref<16x160x125xi32, #tpu.memory_space<hbm>> -> memref<1x160x125xi32, #tpu.memory_space<hbm>>
      %dma_wait3A_53 = tpu.memref_squeeze %dma_wait3A_52 : memref<1x160x125xi32, #tpu.memory_space<hbm>> -> memref<160x125xi32, #tpu.memory_space<hbm>>
      %dma_wait3A_54 = arith.constant 0 : i32
      %dma_wait3A_55 = arith.constant 0 : i32
      %dma_wait3A_56 = tpu.memref_slice %arg4[%arg1, %dma_wait3A_54, %dma_wait3A_55] : memref<16x160x125xi32, #tpu.memory_space<hbm>> -> memref<1x160x125xi32, #tpu.memory_space<hbm>>
      %dma_wait3A_57 = tpu.memref_squeeze %dma_wait3A_56 : memref<1x160x125xi32, #tpu.memory_space<hbm>> -> memref<160x125xi32, #tpu.memory_space<hbm>>
      tpu.wait_dma2 semaphore(%run_scoped3A : memref<!tpu.dma_semaphore, #tpu.memory_space<semaphore_mem>>) src(%dma_wait3A_57 : memref<160x125xi32, #tpu.memory_space<hbm>>) dst(%arg7 : memref<160x125xi32, #tpu.memory_space<vmem>>)
      tpu.yield
    }) : () -> ()
    %eq3A = arith.constant 0 : i32
    %eq3A_0 = arith.cmpi eq, %arg0, %eq3A : i32
    %convert_element_type3A = arith.extui %eq3A_0 : i1 to i32
    %cond3A = arith.constant 0 : i32
    %cond3A_1 = arith.cmpi ne, %convert_element_type3A, %cond3A : i32
    scf.if %cond3A_1 {
      %dma_start3A = arith.constant 0 : i32
      %dma_start3A_44 = arith.constant 0 : i32
      %dma_start3A_45 = tpu.memref_slice %arg7[%dma_start3A, %dma_start3A_44] : memref<160x125xi32, #tpu.memory_space<vmem>> -> memref<1x125xi32, #tpu.memory_space<vmem>>
      %dma_start3A_46 = tpu.memref_squeeze %dma_start3A_45 : memref<1x125xi32, #tpu.memory_space<vmem>> -> memref<125xi32, #tpu.memory_space<vmem>>
      %dma_start3A_47 = arith.constant 0 : i32
      %dma_start3A_48 = arith.constant 0 : i32
      %dma_start3A_49 = tpu.memref_slice %arg2[%dma_start3A_47, %dma_start3A_48] : memref<10000x64xf32, #tpu.memory_space<hbm>> -> memref<10000x64xf32, #tpu.memory_space<hbm>>
      tpu.enqueue_indirect_dma source(%dma_start3A_49 : memref<10000x64xf32, #tpu.memory_space<hbm>>) target(%arg12 : memref<125x64xf32, #tpu.memory_space<vmem>>) offsets(%dma_start3A_46 : memref<125xi32, #tpu.memory_space<vmem>>) semaphore(%arg14 : memref<!tpu.dma_semaphore, #tpu.memory_space<semaphore_mem>>)
      %dma_start3A_50 = arith.constant 1 : i32
      %dma_start3A_51 = arith.constant 0 : i32
      %dma_start3A_52 = tpu.memref_slice %arg7[%dma_start3A_50, %dma_start3A_51] : memref<160x125xi32, #tpu.memory_space<vmem>> -> memref<1x125xi32, #tpu.memory_space<vmem>>
      %dma_start3A_53 = tpu.memref_squeeze %dma_start3A_52 : memref<1x125xi32, #tpu.memory_space<vmem>> -> memref<125xi32, #tpu.memory_space<vmem>>
      %dma_start3A_54 = arith.constant 0 : i32
      %dma_start3A_55 = arith.constant 0 : i32
      %dma_start3A_56 = tpu.memref_slice %arg2[%dma_start3A_54, %dma_start3A_55] : memref<10000x64xf32, #tpu.memory_space<hbm>> -> memref<10000x64xf32, #tpu.memory_space<hbm>>
      tpu.enqueue_indirect_dma source(%dma_start3A_56 : memref<10000x64xf32, #tpu.memory_space<hbm>>) target(%arg13 : memref<125x64xf32, #tpu.memory_space<vmem>>) offsets(%dma_start3A_53 : memref<125xi32, #tpu.memory_space<vmem>>) semaphore(%arg14 : memref<!tpu.dma_semaphore, #tpu.memory_space<semaphore_mem>>)
    } else {
    }
    %eq3A_2 = arith.constant 1 : i32
    %eq3A_3 = arith.cmpi eq, %arg0, %eq3A_2 : i32
    %convert_element_type3A_4 = arith.extui %eq3A_3 : i1 to i32
    %cond3A_5 = arith.constant 0 : i32
    %cond3A_6 = arith.cmpi ne, %convert_element_type3A_4, %cond3A_5 : i32
    scf.if %cond3A_6 {
      %dma_start3A = arith.constant 0 : i32
      %dma_start3A_44 = arith.constant 0 : i32
      %dma_start3A_45 = tpu.memref_slice %arg7[%dma_start3A, %dma_start3A_44] : memref<160x125xi32, #tpu.memory_space<vmem>> -> memref<1x125xi32, #tpu.memory_space<vmem>>
      %dma_start3A_46 = tpu.memref_squeeze %dma_start3A_45 : memref<1x125xi32, #tpu.memory_space<vmem>> -> memref<125xi32, #tpu.memory_space<vmem>>
      %dma_start3A_47 = arith.constant 0 : i32
      %dma_start3A_48 = arith.constant 0 : i32
      %dma_start3A_49 = tpu.memref_slice %arg3[%dma_start3A_47, %dma_start3A_48] : memref<10000x64xf32, #tpu.memory_space<hbm>> -> memref<10000x64xf32, #tpu.memory_space<hbm>>
      tpu.enqueue_indirect_dma source(%dma_start3A_49 : memref<10000x64xf32, #tpu.memory_space<hbm>>) target(%arg12 : memref<125x64xf32, #tpu.memory_space<vmem>>) offsets(%dma_start3A_46 : memref<125xi32, #tpu.memory_space<vmem>>) semaphore(%arg14 : memref<!tpu.dma_semaphore, #tpu.memory_space<semaphore_mem>>)
      %dma_start3A_50 = arith.constant 1 : i32
      %dma_start3A_51 = arith.constant 0 : i32
      %dma_start3A_52 = tpu.memref_slice %arg7[%dma_start3A_50, %dma_start3A_51] : memref<160x125xi32, #tpu.memory_space<vmem>> -> memref<1x125xi32, #tpu.memory_space<vmem>>
      %dma_start3A_53 = tpu.memref_squeeze %dma_start3A_52 : memref<1x125xi32, #tpu.memory_space<vmem>> -> memref<125xi32, #tpu.memory_space<vmem>>
      %dma_start3A_54 = arith.constant 0 : i32
      %dma_start3A_55 = arith.constant 0 : i32
      %dma_start3A_56 = tpu.memref_slice %arg3[%dma_start3A_54, %dma_start3A_55] : memref<10000x64xf32, #tpu.memory_space<hbm>> -> memref<10000x64xf32, #tpu.memory_space<hbm>>
      tpu.enqueue_indirect_dma source(%dma_start3A_56 : memref<10000x64xf32, #tpu.memory_space<hbm>>) target(%arg13 : memref<125x64xf32, #tpu.memory_space<vmem>>) offsets(%dma_start3A_53 : memref<125xi32, #tpu.memory_space<vmem>>) semaphore(%arg14 : memref<!tpu.dma_semaphore, #tpu.memory_space<semaphore_mem>>)
    } else {
    }
    "tpu.region"() ({
      %run_scoped3A = tpu.sem_alloc : memref<!tpu.dma_semaphore, #tpu.memory_space<semaphore_mem>>
      %dma_start3A = arith.constant 0 : i32
      %dma_start3A_44 = arith.constant 0 : i32
      %dma_start3A_45 = tpu.memref_slice %arg5[%arg1, %dma_start3A, %dma_start3A_44] : memref<16x160x125xi32, #tpu.memory_space<hbm>> -> memref<1x160x125xi32, #tpu.memory_space<hbm>>
      %dma_start3A_46 = tpu.memref_squeeze %dma_start3A_45 : memref<1x160x125xi32, #tpu.memory_space<hbm>> -> memref<160x125xi32, #tpu.memory_space<hbm>>
      %dma_start3A_47 = arith.constant 0 : i32
      %dma_start3A_48 = arith.constant 0 : i32
      %dma_start3A_49 = tpu.memref_slice %arg5[%arg1, %dma_start3A_47, %dma_start3A_48] : memref<16x160x125xi32, #tpu.memory_space<hbm>> -> memref<1x160x125xi32, #tpu.memory_space<hbm>>
      %dma_start3A_50 = tpu.memref_squeeze %dma_start3A_49 : memref<1x160x125xi32, #tpu.memory_space<hbm>> -> memref<160x125xi32, #tpu.memory_space<hbm>>
      tpu.enqueue_dma source(%dma_start3A_50 : memref<160x125xi32, #tpu.memory_space<hbm>>) target(%arg8 : memref<160x125xi32, #tpu.memory_space<vmem>>) target_semaphore(%run_scoped3A : memref<!tpu.dma_semaphore, #tpu.memory_space<semaphore_mem>>)
      %dma_wait3A = arith.constant 0 : i32
      %dma_wait3A_51 = arith.constant 0 : i32
      %dma_wait3A_52 = tpu.memref_slice %arg5[%arg1, %dma_wait3A, %dma_wait3A_51] : memref<16x160x125xi32, #tpu.memory_space<hbm>> -> memref<1x160x125xi32, #tpu.memory_space<hbm>>
      %dma_wait3A_53 = tpu.memref_squeeze %dma_wait3A_52 : memref<1x160x125xi32, #tpu.memory_space<hbm>> -> memref<160x125xi32, #tpu.memory_space<hbm>>
      %dma_wait3A_54 = arith.constant 0 : i32
      %dma_wait3A_55 = arith.constant 0 : i32
      %dma_wait3A_56 = tpu.memref_slice %arg5[%arg1, %dma_wait3A_54, %dma_wait3A_55] : memref<16x160x125xi32, #tpu.memory_space<hbm>> -> memref<1x160x125xi32, #tpu.memory_space<hbm>>
      %dma_wait3A_57 = tpu.memref_squeeze %dma_wait3A_56 : memref<1x160x125xi32, #tpu.memory_space<hbm>> -> memref<160x125xi32, #tpu.memory_space<hbm>>
      tpu.wait_dma2 semaphore(%run_scoped3A : memref<!tpu.dma_semaphore, #tpu.memory_space<semaphore_mem>>) src(%dma_wait3A_57 : memref<160x125xi32, #tpu.memory_space<hbm>>) dst(%arg8 : memref<160x125xi32, #tpu.memory_space<vmem>>)
      tpu.yield
    }) : () -> ()
    %scan3A = arith.constant 0 : i32
    %scan3A_7 = arith.constant 125 : i32
    %scan3A_8 = arith.addi %scan3A, %scan3A_7 : i32
    %scan3A_9 = arith.constant 1 : i32
    scf.for %scan3A_44 = %scan3A to %scan3A_8 step %scan3A_9  : i32 {
      %mul3A_45 = arith.constant 1 : i32
      %mul3A_46 = arith.muli %scan3A_44, %mul3A_45 : i32
      %add3A_47 = arith.constant 0 : i32
      %add3A_48 = arith.addi %add3A_47, %mul3A_46 : i32
      %broadcast_in_dim3A = arith.constant 0.000000e+00 : f32
      %broadcast_in_dim3A_49 = vector.broadcast %broadcast_in_dim3A : f32 to vector<16xf32>
      %swap3A = arith.index_cast %add3A_48 : i32 to index
      %swap3A_50 = arith.constant 0 : index
      %swap3A_51 = tpu.vector_load %arg10[%swap3A, %swap3A_50] {strides = array<i32>} : memref<125x64xf32, #tpu.memory_space<vmem>>, vector<1x16xf32>,
      %swap3A_52 = vector.shape_cast %swap3A_51 : vector<1x16xf32> to vector<16xf32>
      %swap3A_53 = vector.shape_cast %broadcast_in_dim3A_49 : vector<16xf32> to vector<1x16xf32>
      tpu.vector_store %arg10[%swap3A, %swap3A_50], %swap3A_53 {strides = array<i32>} : memref<125x64xf32, #tpu.memory_space<vmem>>, vector<1x16xf32>,
      %broadcast_in_dim3A_54 = arith.constant 0.000000e+00 : f32
      %broadcast_in_dim3A_55 = vector.broadcast %broadcast_in_dim3A_54 : f32 to vector<16xf32>
      %swap3A_56 = arith.index_cast %add3A_48 : i32 to index
      %swap3A_57 = arith.constant 16 : index
      %swap3A_58 = tpu.vector_load %arg10[%swap3A_56, %swap3A_57] {strides = array<i32>} : memref<125x64xf32, #tpu.memory_space<vmem>>, vector<1x16xf32>,
      %swap3A_59 = vector.shape_cast %swap3A_58 : vector<1x16xf32> to vector<16xf32>
      %swap3A_60 = vector.shape_cast %broadcast_in_dim3A_55 : vector<16xf32> to vector<1x16xf32>
      tpu.vector_store %arg10[%swap3A_56, %swap3A_57], %swap3A_60 {strides = array<i32>} : memref<125x64xf32, #tpu.memory_space<vmem>>, vector<1x16xf32>,
      %broadcast_in_dim3A_61 = arith.constant 0.000000e+00 : f32
      %broadcast_in_dim3A_62 = vector.broadcast %broadcast_in_dim3A_61 : f32 to vector<16xf32>
      %swap3A_63 = arith.index_cast %add3A_48 : i32 to index
      %swap3A_64 = arith.constant 32 : index
      %swap3A_65 = tpu.vector_load %arg10[%swap3A_63, %swap3A_64] {strides = array<i32>} : memref<125x64xf32, #tpu.memory_space<vmem>>, vector<1x16xf32>,
      %swap3A_66 = vector.shape_cast %swap3A_65 : vector<1x16xf32> to vector<16xf32>
      %swap3A_67 = vector.shape_cast %broadcast_in_dim3A_62 : vector<16xf32> to vector<1x16xf32>
      tpu.vector_store %arg10[%swap3A_63, %swap3A_64], %swap3A_67 {strides = array<i32>} : memref<125x64xf32, #tpu.memory_space<vmem>>, vector<1x16xf32>,
      %broadcast_in_dim3A_68 = arith.constant 0.000000e+00 : f32
      %broadcast_in_dim3A_69 = vector.broadcast %broadcast_in_dim3A_68 : f32 to vector<16xf32>
      %swap3A_70 = arith.index_cast %add3A_48 : i32 to index
      %swap3A_71 = arith.constant 48 : index
      %swap3A_72 = tpu.vector_load %arg10[%swap3A_70, %swap3A_71] {strides = array<i32>} : memref<125x64xf32, #tpu.memory_space<vmem>>, vector<1x16xf32>,
      %swap3A_73 = vector.shape_cast %swap3A_72 : vector<1x16xf32> to vector<16xf32>
      %swap3A_74 = vector.shape_cast %broadcast_in_dim3A_69 : vector<16xf32> to vector<1x16xf32>
      tpu.vector_store %arg10[%swap3A_70, %swap3A_71], %swap3A_74 {strides = array<i32>} : memref<125x64xf32, #tpu.memory_space<vmem>>, vector<1x16xf32>,
    }
    %scan3A_10 = arith.constant 125 : i32
    %mul3A = arith.constant 625 : i32
    %mul3A_11 = arith.muli %arg1, %mul3A : i32
    %add3A = arith.constant 0 : i32
    %add3A_12 = arith.addi %mul3A_11, %add3A : i32
    "tpu.region"() ({
      %run_scoped3A = tpu.sem_alloc : memref<!tpu.dma_semaphore, #tpu.memory_space<semaphore_mem>>
      %dma_start3A = arith.constant 0 : i32
      %dma_start3A_44 = tpu.memref_slice %arg9[%add3A_12, %dma_start3A] : memref<10000x64xf32, #tpu.memory_space<vmem_shared>> -> memref<125x64xf32, #tpu.memory_space<vmem_shared>>
      %dma_start3A_45 = arith.constant 0 : i32
      %dma_start3A_46 = tpu.memref_slice %arg9[%add3A_12, %dma_start3A_45] : memref<10000x64xf32, #tpu.memory_space<vmem_shared>> -> memref<125x64xf32, #tpu.memory_space<vmem_shared>>
      tpu.enqueue_dma source(%arg10 : memref<125x64xf32, #tpu.memory_space<vmem>>) target(%dma_start3A_46 : memref<125x64xf32, #tpu.memory_space<vmem_shared>>) target_semaphore(%run_scoped3A : memref<!tpu.dma_semaphore, #tpu.memory_space<semaphore_mem>>)
      %dma_wait3A = arith.constant 0 : i32
      %dma_wait3A_47 = tpu.memref_slice %arg9[%add3A_12, %dma_wait3A] : memref<10000x64xf32, #tpu.memory_space<vmem_shared>> -> memref<125x64xf32, #tpu.memory_space<vmem_shared>>
      %dma_wait3A_48 = arith.constant 0 : i32
      %dma_wait3A_49 = tpu.memref_slice %arg9[%add3A_12, %dma_wait3A_48] : memref<10000x64xf32, #tpu.memory_space<vmem_shared>> -> memref<125x64xf32, #tpu.memory_space<vmem_shared>>
      tpu.wait_dma2 semaphore(%run_scoped3A : memref<!tpu.dma_semaphore, #tpu.memory_space<semaphore_mem>>) src(%arg10 : memref<125x64xf32, #tpu.memory_space<vmem>>) dst(%dma_wait3A_49 : memref<125x64xf32, #tpu.memory_space<vmem_shared>>)
      tpu.yield
    }) : () -> ()
    %mul3A_13 = arith.constant 625 : i32
    %mul3A_14 = arith.muli %arg1, %mul3A_13 : i32
    %add3A_15 = arith.constant 125 : i32
    %add3A_16 = arith.addi %mul3A_14, %add3A_15 : i32
    "tpu.region"() ({
      %run_scoped3A = tpu.sem_alloc : memref<!tpu.dma_semaphore, #tpu.memory_space<semaphore_mem>>
      %dma_start3A = arith.constant 0 : i32
      %dma_start3A_44 = tpu.memref_slice %arg9[%add3A_16, %dma_start3A] : memref<10000x64xf32, #tpu.memory_space<vmem_shared>> -> memref<125x64xf32, #tpu.memory_space<vmem_shared>>
      %dma_start3A_45 = arith.constant 0 : i32
      %dma_start3A_46 = tpu.memref_slice %arg9[%add3A_16, %dma_start3A_45] : memref<10000x64xf32, #tpu.memory_space<vmem_shared>> -> memref<125x64xf32, #tpu.memory_space<vmem_shared>>
      tpu.enqueue_dma source(%arg10 : memref<125x64xf32, #tpu.memory_space<vmem>>) target(%dma_start3A_46 : memref<125x64xf32, #tpu.memory_space<vmem_shared>>) target_semaphore(%run_scoped3A : memref<!tpu.dma_semaphore, #tpu.memory_space<semaphore_mem>>)
      %dma_wait3A = arith.constant 0 : i32
      %dma_wait3A_47 = tpu.memref_slice %arg9[%add3A_16, %dma_wait3A] : memref<10000x64xf32, #tpu.memory_space<vmem_shared>> -> memref<125x64xf32, #tpu.memory_space<vmem_shared>>
      %dma_wait3A_48 = arith.constant 0 : i32
      %dma_wait3A_49 = tpu.memref_slice %arg9[%add3A_16, %dma_wait3A_48] : memref<10000x64xf32, #tpu.memory_space<vmem_shared>> -> memref<125x64xf32, #tpu.memory_space<vmem_shared>>
      tpu.wait_dma2 semaphore(%run_scoped3A : memref<!tpu.dma_semaphore, #tpu.memory_space<semaphore_mem>>) src(%arg10 : memref<125x64xf32, #tpu.memory_space<vmem>>) dst(%dma_wait3A_49 : memref<125x64xf32, #tpu.memory_space<vmem_shared>>)
      tpu.yield
    }) : () -> ()
    %mul3A_17 = arith.constant 625 : i32
    %mul3A_18 = arith.muli %arg1, %mul3A_17 : i32
    %add3A_19 = arith.constant 250 : i32
    %add3A_20 = arith.addi %mul3A_18, %add3A_19 : i32
    "tpu.region"() ({
      %run_scoped3A = tpu.sem_alloc : memref<!tpu.dma_semaphore, #tpu.memory_space<semaphore_mem>>
      %dma_start3A = arith.constant 0 : i32
      %dma_start3A_44 = tpu.memref_slice %arg9[%add3A_20, %dma_start3A] : memref<10000x64xf32, #tpu.memory_space<vmem_shared>> -> memref<125x64xf32, #tpu.memory_space<vmem_shared>>
      %dma_start3A_45 = arith.constant 0 : i32
      %dma_start3A_46 = tpu.memref_slice %arg9[%add3A_20, %dma_start3A_45] : memref<10000x64xf32, #tpu.memory_space<vmem_shared>> -> memref<125x64xf32, #tpu.memory_space<vmem_shared>>
      tpu.enqueue_dma source(%arg10 : memref<125x64xf32, #tpu.memory_space<vmem>>) target(%dma_start3A_46 : memref<125x64xf32, #tpu.memory_space<vmem_shared>>) target_semaphore(%run_scoped3A : memref<!tpu.dma_semaphore, #tpu.memory_space<semaphore_mem>>)
      %dma_wait3A = arith.constant 0 : i32
      %dma_wait3A_47 = tpu.memref_slice %arg9[%add3A_20, %dma_wait3A] : memref<10000x64xf32, #tpu.memory_space<vmem_shared>> -> memref<125x64xf32, #tpu.memory_space<vmem_shared>>
      %dma_wait3A_48 = arith.constant 0 : i32
      %dma_wait3A_49 = tpu.memref_slice %arg9[%add3A_20, %dma_wait3A_48] : memref<10000x64xf32, #tpu.memory_space<vmem_shared>> -> memref<125x64xf32, #tpu.memory_space<vmem_shared>>
      tpu.wait_dma2 semaphore(%run_scoped3A : memref<!tpu.dma_semaphore, #tpu.memory_space<semaphore_mem>>) src(%arg10 : memref<125x64xf32, #tpu.memory_space<vmem>>) dst(%dma_wait3A_49 : memref<125x64xf32, #tpu.memory_space<vmem_shared>>)
      tpu.yield
    }) : () -> ()
    %mul3A_21 = arith.constant 625 : i32
    %mul3A_22 = arith.muli %arg1, %mul3A_21 : i32
    %add3A_23 = arith.constant 375 : i32
    %add3A_24 = arith.addi %mul3A_22, %add3A_23 : i32
    "tpu.region"() ({
      %run_scoped3A = tpu.sem_alloc : memref<!tpu.dma_semaphore, #tpu.memory_space<semaphore_mem>>
      %dma_start3A = arith.constant 0 : i32
      %dma_start3A_44 = tpu.memref_slice %arg9[%add3A_24, %dma_start3A] : memref<10000x64xf32, #tpu.memory_space<vmem_shared>> -> memref<125x64xf32, #tpu.memory_space<vmem_shared>>
      %dma_start3A_45 = arith.constant 0 : i32
      %dma_start3A_46 = tpu.memref_slice %arg9[%add3A_24, %dma_start3A_45] : memref<10000x64xf32, #tpu.memory_space<vmem_shared>> -> memref<125x64xf32, #tpu.memory_space<vmem_shared>>
      tpu.enqueue_dma source(%arg10 : memref<125x64xf32, #tpu.memory_space<vmem>>) target(%dma_start3A_46 : memref<125x64xf32, #tpu.memory_space<vmem_shared>>) target_semaphore(%run_scoped3A : memref<!tpu.dma_semaphore, #tpu.memory_space<semaphore_mem>>)
      %dma_wait3A = arith.constant 0 : i32
      %dma_wait3A_47 = tpu.memref_slice %arg9[%add3A_24, %dma_wait3A] : memref<10000x64xf32, #tpu.memory_space<vmem_shared>> -> memref<125x64xf32, #tpu.memory_space<vmem_shared>>
      %dma_wait3A_48 = arith.constant 0 : i32
      %dma_wait3A_49 = tpu.memref_slice %arg9[%add3A_24, %dma_wait3A_48] : memref<10000x64xf32, #tpu.memory_space<vmem_shared>> -> memref<125x64xf32, #tpu.memory_space<vmem_shared>>
      tpu.wait_dma2 semaphore(%run_scoped3A : memref<!tpu.dma_semaphore, #tpu.memory_space<semaphore_mem>>) src(%arg10 : memref<125x64xf32, #tpu.memory_space<vmem>>) dst(%dma_wait3A_49 : memref<125x64xf32, #tpu.memory_space<vmem_shared>>)
      tpu.yield
    }) : () -> ()
    %mul3A_25 = arith.constant 625 : i32
    %mul3A_26 = arith.muli %arg1, %mul3A_25 : i32
    %add3A_27 = arith.constant 500 : i32
    %add3A_28 = arith.addi %mul3A_26, %add3A_27 : i32
    "tpu.region"() ({
      %run_scoped3A = tpu.sem_alloc : memref<!tpu.dma_semaphore, #tpu.memory_space<semaphore_mem>>
      %dma_start3A = arith.constant 0 : i32
      %dma_start3A_44 = tpu.memref_slice %arg9[%add3A_28, %dma_start3A] : memref<10000x64xf32, #tpu.memory_space<vmem_shared>> -> memref<125x64xf32, #tpu.memory_space<vmem_shared>>
      %dma_start3A_45 = arith.constant 0 : i32
      %dma_start3A_46 = tpu.memref_slice %arg9[%add3A_28, %dma_start3A_45] : memref<10000x64xf32, #tpu.memory_space<vmem_shared>> -> memref<125x64xf32, #tpu.memory_space<vmem_shared>>
      tpu.enqueue_dma source(%arg10 : memref<125x64xf32, #tpu.memory_space<vmem>>) target(%dma_start3A_46 : memref<125x64xf32, #tpu.memory_space<vmem_shared>>) target_semaphore(%run_scoped3A : memref<!tpu.dma_semaphore, #tpu.memory_space<semaphore_mem>>)
      %dma_wait3A = arith.constant 0 : i32
      %dma_wait3A_47 = tpu.memref_slice %arg9[%add3A_28, %dma_wait3A] : memref<10000x64xf32, #tpu.memory_space<vmem_shared>> -> memref<125x64xf32, #tpu.memory_space<vmem_shared>>
      %dma_wait3A_48 = arith.constant 0 : i32
      %dma_wait3A_49 = tpu.memref_slice %arg9[%add3A_28, %dma_wait3A_48] : memref<10000x64xf32, #tpu.memory_space<vmem_shared>> -> memref<125x64xf32, #tpu.memory_space<vmem_shared>>
      tpu.wait_dma2 semaphore(%run_scoped3A : memref<!tpu.dma_semaphore, #tpu.memory_space<semaphore_mem>>) src(%arg10 : memref<125x64xf32, #tpu.memory_space<vmem>>) dst(%dma_wait3A_49 : memref<125x64xf32, #tpu.memory_space<vmem_shared>>)
      tpu.yield
    }) : () -> ()
    %barrier3A = arith.constant 0 : index
    tpu.barrier barrier_id(%barrier3A)
    %eq3A_29 = arith.constant 0 : i32
    %eq3A_30 = arith.cmpi eq, %arg0, %eq3A_29 : i32
    %convert_element_type3A_31 = arith.extui %eq3A_30 : i1 to i32
    %cond3A_32 = arith.constant 0 : i32
    %cond3A_33 = arith.cmpi ne, %convert_element_type3A_31, %cond3A_32 : i32
    scf.if %cond3A_33 {
      %scan3A_44 = arith.constant 0 : i32
      %scan3A_45 = arith.constant 40 : i32
      %scan3A_46 = arith.addi %scan3A_44, %scan3A_45 : i32
      %scan3A_47 = arith.constant 1 : i32
      scf.for %scan3A_62 = %scan3A_44 to %scan3A_46 step %scan3A_47  : i32 {
        %mul3A_63 = arith.constant 4 : i32
        %mul3A_64 = arith.muli %scan3A_62, %mul3A_63 : i32
        %add3A_65 = arith.constant 0 : i32
        %add3A_66 = arith.addi %add3A_65, %mul3A_64 : i32
        %gt3A = arith.constant 0 : i32
        %gt3A_67 = arith.cmpi sgt, %add3A_66, %gt3A : i32
        %convert_element_type3A_68 = arith.extui %gt3A_67 : i1 to i32
        %cond3A_69 = arith.constant 0 : i32
        %cond3A_70 = arith.cmpi ne, %convert_element_type3A_68, %cond3A_69 : i32
        scf.if %cond3A_70 {
          %dma_wait3A_164 = arith.constant 0 : i32
          %dma_wait3A_165 = arith.constant 0 : i32
          %dma_wait3A_166 = tpu.memref_slice %arg8[%dma_wait3A_164, %dma_wait3A_165] : memref<160x125xi32, #tpu.memory_space<vmem>> -> memref<1x125xi32, #tpu.memory_space<vmem>>
          %dma_wait3A_167 = tpu.memref_squeeze %dma_wait3A_166 : memref<1x125xi32, #tpu.memory_space<vmem>> -> memref<125xi32, #tpu.memory_space<vmem>>
          %dma_wait3A_168 = arith.constant 0 : i32
          %dma_wait3A_169 = arith.constant 0 : i32
          %dma_wait3A_170 = tpu.memref_slice %arg9[%dma_wait3A_168, %dma_wait3A_169] : memref<10000x64xf32, #tpu.memory_space<vmem_shared>> -> memref<10000x64xf32, #tpu.memory_space<vmem_shared>>
          tpu.wait_indirect_dma semaphore(%arg17 : memref<!tpu.dma_semaphore, #tpu.memory_space<semaphore_mem>>) src(%arg10 : memref<125x64xf32, #tpu.memory_space<vmem>>) dst(%dma_wait3A_170 : memref<10000x64xf32, #tpu.memory_space<vmem_shared>>)
          %dma_wait3A_171 = arith.constant 0 : i32
          %dma_wait3A_172 = arith.constant 0 : i32
          %dma_wait3A_173 = tpu.memref_slice %arg8[%dma_wait3A_171, %dma_wait3A_172] : memref<160x125xi32, #tpu.memory_space<vmem>> -> memref<1x125xi32, #tpu.memory_space<vmem>>
          %dma_wait3A_174 = tpu.memref_squeeze %dma_wait3A_173 : memref<1x125xi32, #tpu.memory_space<vmem>> -> memref<125xi32, #tpu.memory_space<vmem>>
          %dma_wait3A_175 = arith.constant 0 : i32
          %dma_wait3A_176 = arith.constant 0 : i32
          %dma_wait3A_177 = tpu.memref_slice %arg9[%dma_wait3A_175, %dma_wait3A_176] : memref<10000x64xf32, #tpu.memory_space<vmem_shared>> -> memref<10000x64xf32, #tpu.memory_space<vmem_shared>>
          tpu.wait_indirect_dma semaphore(%arg17 : memref<!tpu.dma_semaphore, #tpu.memory_space<semaphore_mem>>) src(%arg11 : memref<125x64xf32, #tpu.memory_space<vmem>>) dst(%dma_wait3A_177 : memref<10000x64xf32, #tpu.memory_space<vmem_shared>>)
        } else {
        }
        %add3A_71 = arith.constant 2 : i32
        %add3A_72 = arith.addi %add3A_66, %add3A_71 : i32
        %dma_start3A = arith.constant 0 : i32
        %dma_start3A_73 = tpu.memref_slice %arg7[%add3A_72, %dma_start3A] : memref<160x125xi32, #tpu.memory_space<vmem>> -> memref<1x125xi32, #tpu.memory_space<vmem>>
        %dma_start3A_74 = tpu.memref_squeeze %dma_start3A_73 : memref<1x125xi32, #tpu.memory_space<vmem>> -> memref<125xi32, #tpu.memory_space<vmem>>
        %dma_start3A_75 = arith.constant 0 : i32
        %dma_start3A_76 = arith.constant 0 : i32
        %dma_start3A_77 = tpu.memref_slice %arg2[%dma_start3A_75, %dma_start3A_76] : memref<10000x64xf32, #tpu.memory_space<hbm>> -> memref<10000x64xf32, #tpu.memory_space<hbm>>
        tpu.enqueue_indirect_dma source(%dma_start3A_77 : memref<10000x64xf32, #tpu.memory_space<hbm>>) target(%arg10 : memref<125x64xf32, #tpu.memory_space<vmem>>) offsets(%dma_start3A_74 : memref<125xi32, #tpu.memory_space<vmem>>) semaphore(%arg15 : memref<!tpu.dma_semaphore, #tpu.memory_space<semaphore_mem>>)
        %add3A_78 = arith.constant 3 : i32
        %add3A_79 = arith.addi %add3A_66, %add3A_78 : i32
        %dma_start3A_80 = arith.constant 0 : i32
        %dma_start3A_81 = tpu.memref_slice %arg7[%add3A_79, %dma_start3A_80] : memref<160x125xi32, #tpu.memory_space<vmem>> -> memref<1x125xi32, #tpu.memory_space<vmem>>
        %dma_start3A_82 = tpu.memref_squeeze %dma_start3A_81 : memref<1x125xi32, #tpu.memory_space<vmem>> -> memref<125xi32, #tpu.memory_space<vmem>>
        %dma_start3A_83 = arith.constant 0 : i32
        %dma_start3A_84 = arith.constant 0 : i32
        %dma_start3A_85 = tpu.memref_slice %arg2[%dma_start3A_83, %dma_start3A_84] : memref<10000x64xf32, #tpu.memory_space<hbm>> -> memref<10000x64xf32, #tpu.memory_space<hbm>>
        tpu.enqueue_indirect_dma source(%dma_start3A_85 : memref<10000x64xf32, #tpu.memory_space<hbm>>) target(%arg11 : memref<125x64xf32, #tpu.memory_space<vmem>>) offsets(%dma_start3A_82 : memref<125xi32, #tpu.memory_space<vmem>>) semaphore(%arg15 : memref<!tpu.dma_semaphore, #tpu.memory_space<semaphore_mem>>)
        %dma_wait3A_86 = arith.constant 0 : i32
        %dma_wait3A_87 = arith.constant 0 : i32
        %dma_wait3A_88 = tpu.memref_slice %arg7[%dma_wait3A_86, %dma_wait3A_87] : memref<160x125xi32, #tpu.memory_space<vmem>> -> memref<1x125xi32, #tpu.memory_space<vmem>>
        %dma_wait3A_89 = tpu.memref_squeeze %dma_wait3A_88 : memref<1x125xi32, #tpu.memory_space<vmem>> -> memref<125xi32, #tpu.memory_space<vmem>>
        %dma_wait3A_90 = arith.constant 0 : i32
        %dma_wait3A_91 = arith.constant 0 : i32
        %dma_wait3A_92 = tpu.memref_slice %arg2[%dma_wait3A_90, %dma_wait3A_91] : memref<10000x64xf32, #tpu.memory_space<hbm>> -> memref<10000x64xf32, #tpu.memory_space<hbm>>
        tpu.wait_indirect_dma semaphore(%arg14 : memref<!tpu.dma_semaphore, #tpu.memory_space<semaphore_mem>>) src(%dma_wait3A_92 : memref<10000x64xf32, #tpu.memory_space<hbm>>) dst(%arg12 : memref<125x64xf32, #tpu.memory_space<vmem>>)
        %dma_wait3A_93 = arith.constant 0 : i32
        %dma_wait3A_94 = arith.constant 0 : i32
        %dma_wait3A_95 = tpu.memref_slice %arg7[%dma_wait3A_93, %dma_wait3A_94] : memref<160x125xi32, #tpu.memory_space<vmem>> -> memref<1x125xi32, #tpu.memory_space<vmem>>
        %dma_wait3A_96 = tpu.memref_squeeze %dma_wait3A_95 : memref<1x125xi32, #tpu.memory_space<vmem>> -> memref<125xi32, #tpu.memory_space<vmem>>
        %dma_wait3A_97 = arith.constant 0 : i32
        %dma_wait3A_98 = arith.constant 0 : i32
        %dma_wait3A_99 = tpu.memref_slice %arg2[%dma_wait3A_97, %dma_wait3A_98] : memref<10000x64xf32, #tpu.memory_space<hbm>> -> memref<10000x64xf32, #tpu.memory_space<hbm>>
        tpu.wait_indirect_dma semaphore(%arg14 : memref<!tpu.dma_semaphore, #tpu.memory_space<semaphore_mem>>) src(%dma_wait3A_99 : memref<10000x64xf32, #tpu.memory_space<hbm>>) dst(%arg13 : memref<125x64xf32, #tpu.memory_space<vmem>>)
        %dma_start3A_100 = arith.constant 0 : i32
        %dma_start3A_101 = tpu.memref_slice %arg8[%add3A_66, %dma_start3A_100] : memref<160x125xi32, #tpu.memory_space<vmem>> -> memref<1x125xi32, #tpu.memory_space<vmem>>
        %dma_start3A_102 = tpu.memref_squeeze %dma_start3A_101 : memref<1x125xi32, #tpu.memory_space<vmem>> -> memref<125xi32, #tpu.memory_space<vmem>>
        %dma_start3A_103 = arith.constant 0 : i32
        %dma_start3A_104 = arith.constant 0 : i32
        %dma_start3A_105 = tpu.memref_slice %arg9[%dma_start3A_103, %dma_start3A_104] : memref<10000x64xf32, #tpu.memory_space<vmem_shared>> -> memref<10000x64xf32, #tpu.memory_space<vmem_shared>>
        tpu.enqueue_indirect_dma source(%arg12 : memref<125x64xf32, #tpu.memory_space<vmem>>) target(%dma_start3A_105 : memref<10000x64xf32, #tpu.memory_space<vmem_shared>>) offsets(%dma_start3A_102 : memref<125xi32, #tpu.memory_space<vmem>>) semaphore(%arg16 : memref<!tpu.dma_semaphore, #tpu.memory_space<semaphore_mem>>) {add = true}
        %add3A_106 = arith.constant 1 : i32
        %add3A_107 = arith.addi %add3A_66, %add3A_106 : i32
        %dma_start3A_108 = arith.constant 0 : i32
        %dma_start3A_109 = tpu.memref_slice %arg8[%add3A_107, %dma_start3A_108] : memref<160x125xi32, #tpu.memory_space<vmem>> -> memref<1x125xi32, #tpu.memory_space<vmem>>
        %dma_start3A_110 = tpu.memref_squeeze %dma_start3A_109 : memref<1x125xi32, #tpu.memory_space<vmem>> -> memref<125xi32, #tpu.memory_space<vmem>>
        %dma_start3A_111 = arith.constant 0 : i32
        %dma_start3A_112 = arith.constant 0 : i32
        %dma_start3A_113 = tpu.memref_slice %arg9[%dma_start3A_111, %dma_start3A_112] : memref<10000x64xf32, #tpu.memory_space<vmem_shared>> -> memref<10000x64xf32, #tpu.memory_space<vmem_shared>>
        tpu.enqueue_indirect_dma source(%arg13 : memref<125x64xf32, #tpu.memory_space<vmem>>) target(%dma_start3A_113 : memref<10000x64xf32, #tpu.memory_space<vmem_shared>>) offsets(%dma_start3A_110 : memref<125xi32, #tpu.memory_space<vmem>>) semaphore(%arg16 : memref<!tpu.dma_semaphore, #tpu.memory_space<semaphore_mem>>) {add = true}
        %dma_wait3A_114 = arith.constant 0 : i32
        %dma_wait3A_115 = arith.constant 0 : i32
        %dma_wait3A_116 = tpu.memref_slice %arg8[%dma_wait3A_114, %dma_wait3A_115] : memref<160x125xi32, #tpu.memory_space<vmem>> -> memref<1x125xi32, #tpu.memory_space<vmem>>
        %dma_wait3A_117 = tpu.memref_squeeze %dma_wait3A_116 : memref<1x125xi32, #tpu.memory_space<vmem>> -> memref<125xi32, #tpu.memory_space<vmem>>
        %dma_wait3A_118 = arith.constant 0 : i32
        %dma_wait3A_119 = arith.constant 0 : i32
        %dma_wait3A_120 = tpu.memref_slice %arg9[%dma_wait3A_118, %dma_wait3A_119] : memref<10000x64xf32, #tpu.memory_space<vmem_shared>> -> memref<10000x64xf32, #tpu.memory_space<vmem_shared>>
        tpu.wait_indirect_dma semaphore(%arg16 : memref<!tpu.dma_semaphore, #tpu.memory_space<semaphore_mem>>) src(%arg12 : memref<125x64xf32, #tpu.memory_space<vmem>>) dst(%dma_wait3A_120 : memref<10000x64xf32, #tpu.memory_space<vmem_shared>>)
        %dma_wait3A_121 = arith.constant 0 : i32
        %dma_wait3A_122 = arith.constant 0 : i32
        %dma_wait3A_123 = tpu.memref_slice %arg8[%dma_wait3A_121, %dma_wait3A_122] : memref<160x125xi32, #tpu.memory_space<vmem>> -> memref<1x125xi32, #tpu.memory_space<vmem>>
        %dma_wait3A_124 = tpu.memref_squeeze %dma_wait3A_123 : memref<1x125xi32, #tpu.memory_space<vmem>> -> memref<125xi32, #tpu.memory_space<vmem>>
        %dma_wait3A_125 = arith.constant 0 : i32
        %dma_wait3A_126 = arith.constant 0 : i32
        %dma_wait3A_127 = tpu.memref_slice %arg9[%dma_wait3A_125, %dma_wait3A_126] : memref<10000x64xf32, #tpu.memory_space<vmem_shared>> -> memref<10000x64xf32, #tpu.memory_space<vmem_shared>>
        tpu.wait_indirect_dma semaphore(%arg16 : memref<!tpu.dma_semaphore, #tpu.memory_space<semaphore_mem>>) src(%arg13 : memref<125x64xf32, #tpu.memory_space<vmem>>) dst(%dma_wait3A_127 : memref<10000x64xf32, #tpu.memory_space<vmem_shared>>)
        %add3A_128 = arith.constant 4 : i32
        %add3A_129 = arith.addi %add3A_66, %add3A_128 : i32
        %lt3A = arith.constant 160 : i32
        %lt3A_130 = arith.cmpi slt, %add3A_129, %lt3A : i32
        %convert_element_type3A_131 = arith.extui %lt3A_130 : i1 to i32
        %cond3A_132 = arith.constant 0 : i32
        %cond3A_133 = arith.cmpi ne, %convert_element_type3A_131, %cond3A_132 : i32
        scf.if %cond3A_133 {
          %add3A_164 = arith.constant 4 : i32
          %add3A_165 = arith.addi %add3A_66, %add3A_164 : i32
          %dma_start3A_166 = arith.constant 0 : i32
          %dma_start3A_167 = tpu.memref_slice %arg7[%add3A_165, %dma_start3A_166] : memref<160x125xi32, #tpu.memory_space<vmem>> -> memref<1x125xi32, #tpu.memory_space<vmem>>
          %dma_start3A_168 = tpu.memref_squeeze %dma_start3A_167 : memref<1x125xi32, #tpu.memory_space<vmem>> -> memref<125xi32, #tpu.memory_space<vmem>>
          %dma_start3A_169 = arith.constant 0 : i32
          %dma_start3A_170 = arith.constant 0 : i32
          %dma_start3A_171 = tpu.memref_slice %arg2[%dma_start3A_169, %dma_start3A_170] : memref<10000x64xf32, #tpu.memory_space<hbm>> -> memref<10000x64xf32, #tpu.memory_space<hbm>>
          tpu.enqueue_indirect_dma source(%dma_start3A_171 : memref<10000x64xf32, #tpu.memory_space<hbm>>) target(%arg12 : memref<125x64xf32, #tpu.memory_space<vmem>>) offsets(%dma_start3A_168 : memref<125xi32, #tpu.memory_space<vmem>>) semaphore(%arg14 : memref<!tpu.dma_semaphore, #tpu.memory_space<semaphore_mem>>)
          %add3A_172 = arith.constant 5 : i32
          %add3A_173 = arith.addi %add3A_66, %add3A_172 : i32
          %dma_start3A_174 = arith.constant 0 : i32
          %dma_start3A_175 = tpu.memref_slice %arg7[%add3A_173, %dma_start3A_174] : memref<160x125xi32, #tpu.memory_space<vmem>> -> memref<1x125xi32, #tpu.memory_space<vmem>>
          %dma_start3A_176 = tpu.memref_squeeze %dma_start3A_175 : memref<1x125xi32, #tpu.memory_space<vmem>> -> memref<125xi32, #tpu.memory_space<vmem>>
          %dma_start3A_177 = arith.constant 0 : i32
          %dma_start3A_178 = arith.constant 0 : i32
          %dma_start3A_179 = tpu.memref_slice %arg2[%dma_start3A_177, %dma_start3A_178] : memref<10000x64xf32, #tpu.memory_space<hbm>> -> memref<10000x64xf32, #tpu.memory_space<hbm>>
          tpu.enqueue_indirect_dma source(%dma_start3A_179 : memref<10000x64xf32, #tpu.memory_space<hbm>>) target(%arg13 : memref<125x64xf32, #tpu.memory_space<vmem>>) offsets(%dma_start3A_176 : memref<125xi32, #tpu.memory_space<vmem>>) semaphore(%arg14 : memref<!tpu.dma_semaphore, #tpu.memory_space<semaphore_mem>>)
        } else {
        }
        %dma_wait3A_134 = arith.constant 0 : i32
        %dma_wait3A_135 = arith.constant 0 : i32
        %dma_wait3A_136 = tpu.memref_slice %arg7[%dma_wait3A_134, %dma_wait3A_135] : memref<160x125xi32, #tpu.memory_space<vmem>> -> memref<1x125xi32, #tpu.memory_space<vmem>>
        %dma_wait3A_137 = tpu.memref_squeeze %dma_wait3A_136 : memref<1x125xi32, #tpu.memory_space<vmem>> -> memref<125xi32, #tpu.memory_space<vmem>>
        %dma_wait3A_138 = arith.constant 0 : i32
        %dma_wait3A_139 = arith.constant 0 : i32
        %dma_wait3A_140 = tpu.memref_slice %arg2[%dma_wait3A_138, %dma_wait3A_139] : memref<10000x64xf32, #tpu.memory_space<hbm>> -> memref<10000x64xf32, #tpu.memory_space<hbm>>
        tpu.wait_indirect_dma semaphore(%arg15 : memref<!tpu.dma_semaphore, #tpu.memory_space<semaphore_mem>>) src(%dma_wait3A_140 : memref<10000x64xf32, #tpu.memory_space<hbm>>) dst(%arg10 : memref<125x64xf32, #tpu.memory_space<vmem>>)
        %dma_wait3A_141 = arith.constant 0 : i32
        %dma_wait3A_142 = arith.constant 0 : i32
        %dma_wait3A_143 = tpu.memref_slice %arg7[%dma_wait3A_141, %dma_wait3A_142] : memref<160x125xi32, #tpu.memory_space<vmem>> -> memref<1x125xi32, #tpu.memory_space<vmem>>
        %dma_wait3A_144 = tpu.memref_squeeze %dma_wait3A_143 : memref<1x125xi32, #tpu.memory_space<vmem>> -> memref<125xi32, #tpu.memory_space<vmem>>
        %dma_wait3A_145 = arith.constant 0 : i32
        %dma_wait3A_146 = arith.constant 0 : i32
        %dma_wait3A_147 = tpu.memref_slice %arg2[%dma_wait3A_145, %dma_wait3A_146] : memref<10000x64xf32, #tpu.memory_space<hbm>> -> memref<10000x64xf32, #tpu.memory_space<hbm>>
        tpu.wait_indirect_dma semaphore(%arg15 : memref<!tpu.dma_semaphore, #tpu.memory_space<semaphore_mem>>) src(%dma_wait3A_147 : memref<10000x64xf32, #tpu.memory_space<hbm>>) dst(%arg11 : memref<125x64xf32, #tpu.memory_space<vmem>>)
        %add3A_148 = arith.constant 2 : i32
        %add3A_149 = arith.addi %add3A_66, %add3A_148 : i32
        %dma_start3A_150 = arith.constant 0 : i32
        %dma_start3A_151 = tpu.memref_slice %arg8[%add3A_149, %dma_start3A_150] : memref<160x125xi32, #tpu.memory_space<vmem>> -> memref<1x125xi32, #tpu.memory_space<vmem>>
        %dma_start3A_152 = tpu.memref_squeeze %dma_start3A_151 : memref<1x125xi32, #tpu.memory_space<vmem>> -> memref<125xi32, #tpu.memory_space<vmem>>
        %dma_start3A_153 = arith.constant 0 : i32
        %dma_start3A_154 = arith.constant 0 : i32
        %dma_start3A_155 = tpu.memref_slice %arg9[%dma_start3A_153, %dma_start3A_154] : memref<10000x64xf32, #tpu.memory_space<vmem_shared>> -> memref<10000x64xf32, #tpu.memory_space<vmem_shared>>
        tpu.enqueue_indirect_dma source(%arg10 : memref<125x64xf32, #tpu.memory_space<vmem>>) target(%dma_start3A_155 : memref<10000x64xf32, #tpu.memory_space<vmem_shared>>) offsets(%dma_start3A_152 : memref<125xi32, #tpu.memory_space<vmem>>) semaphore(%arg17 : memref<!tpu.dma_semaphore, #tpu.memory_space<semaphore_mem>>) {add = true}
        %add3A_156 = arith.constant 3 : i32
        %add3A_157 = arith.addi %add3A_66, %add3A_156 : i32
        %dma_start3A_158 = arith.constant 0 : i32
        %dma_start3A_159 = tpu.memref_slice %arg8[%add3A_157, %dma_start3A_158] : memref<160x125xi32, #tpu.memory_space<vmem>> -> memref<1x125xi32, #tpu.memory_space<vmem>>
        %dma_start3A_160 = tpu.memref_squeeze %dma_start3A_159 : memref<1x125xi32, #tpu.memory_space<vmem>> -> memref<125xi32, #tpu.memory_space<vmem>>
        %dma_start3A_161 = arith.constant 0 : i32
        %dma_start3A_162 = arith.constant 0 : i32
        %dma_start3A_163 = tpu.memref_slice %arg9[%dma_start3A_161, %dma_start3A_162] : memref<10000x64xf32, #tpu.memory_space<vmem_shared>> -> memref<10000x64xf32, #tpu.memory_space<vmem_shared>>
        tpu.enqueue_indirect_dma source(%arg11 : memref<125x64xf32, #tpu.memory_space<vmem>>) target(%dma_start3A_163 : memref<10000x64xf32, #tpu.memory_space<vmem_shared>>) offsets(%dma_start3A_160 : memref<125xi32, #tpu.memory_space<vmem>>) semaphore(%arg17 : memref<!tpu.dma_semaphore, #tpu.memory_space<semaphore_mem>>) {add = true}
      }
      %scan3A_48 = arith.constant 40 : i32
      %dma_wait3A = arith.constant 0 : i32
      %dma_wait3A_49 = arith.constant 0 : i32
      %dma_wait3A_50 = tpu.memref_slice %arg8[%dma_wait3A, %dma_wait3A_49] : memref<160x125xi32, #tpu.memory_space<vmem>> -> memref<1x125xi32, #tpu.memory_space<vmem>>
      %dma_wait3A_51 = tpu.memref_squeeze %dma_wait3A_50 : memref<1x125xi32, #tpu.memory_space<vmem>> -> memref<125xi32, #tpu.memory_space<vmem>>
      %dma_wait3A_52 = arith.constant 0 : i32
      %dma_wait3A_53 = arith.constant 0 : i32
      %dma_wait3A_54 = tpu.memref_slice %arg9[%dma_wait3A_52, %dma_wait3A_53] : memref<10000x64xf32, #tpu.memory_space<vmem_shared>> -> memref<10000x64xf32, #tpu.memory_space<vmem_shared>>
      tpu.wait_indirect_dma semaphore(%arg17 : memref<!tpu.dma_semaphore, #tpu.memory_space<semaphore_mem>>) src(%arg10 : memref<125x64xf32, #tpu.memory_space<vmem>>) dst(%dma_wait3A_54 : memref<10000x64xf32, #tpu.memory_space<vmem_shared>>)
      %dma_wait3A_55 = arith.constant 0 : i32
      %dma_wait3A_56 = arith.constant 0 : i32
      %dma_wait3A_57 = tpu.memref_slice %arg8[%dma_wait3A_55, %dma_wait3A_56] : memref<160x125xi32, #tpu.memory_space<vmem>> -> memref<1x125xi32, #tpu.memory_space<vmem>>
      %dma_wait3A_58 = tpu.memref_squeeze %dma_wait3A_57 : memref<1x125xi32, #tpu.memory_space<vmem>> -> memref<125xi32, #tpu.memory_space<vmem>>
      %dma_wait3A_59 = arith.constant 0 : i32
      %dma_wait3A_60 = arith.constant 0 : i32
      %dma_wait3A_61 = tpu.memref_slice %arg9[%dma_wait3A_59, %dma_wait3A_60] : memref<10000x64xf32, #tpu.memory_space<vmem_shared>> -> memref<10000x64xf32, #tpu.memory_space<vmem_shared>>
      tpu.wait_indirect_dma semaphore(%arg17 : memref<!tpu.dma_semaphore, #tpu.memory_space<semaphore_mem>>) src(%arg11 : memref<125x64xf32, #tpu.memory_space<vmem>>) dst(%dma_wait3A_61 : memref<10000x64xf32, #tpu.memory_space<vmem_shared>>)
    } else {
    }
    %eq3A_34 = arith.constant 1 : i32
    %eq3A_35 = arith.cmpi eq, %arg0, %eq3A_34 : i32
    %convert_element_type3A_36 = arith.extui %eq3A_35 : i1 to i32
    %cond3A_37 = arith.constant 0 : i32
    %cond3A_38 = arith.cmpi ne, %convert_element_type3A_36, %cond3A_37 : i32
    scf.if %cond3A_38 {
      %scan3A_44 = arith.constant 0 : i32
      %scan3A_45 = arith.constant 40 : i32
      %scan3A_46 = arith.addi %scan3A_44, %scan3A_45 : i32
      %scan3A_47 = arith.constant 1 : i32
      scf.for %scan3A_62 = %scan3A_44 to %scan3A_46 step %scan3A_47  : i32 {
        %mul3A_63 = arith.constant 4 : i32
        %mul3A_64 = arith.muli %scan3A_62, %mul3A_63 : i32
        %add3A_65 = arith.constant 0 : i32
        %add3A_66 = arith.addi %add3A_65, %mul3A_64 : i32
        %gt3A = arith.constant 0 : i32
        %gt3A_67 = arith.cmpi sgt, %add3A_66, %gt3A : i32
        %convert_element_type3A_68 = arith.extui %gt3A_67 : i1 to i32
        %cond3A_69 = arith.constant 0 : i32
        %cond3A_70 = arith.cmpi ne, %convert_element_type3A_68, %cond3A_69 : i32
        scf.if %cond3A_70 {
          %dma_wait3A_164 = arith.constant 0 : i32
          %dma_wait3A_165 = arith.constant 0 : i32
          %dma_wait3A_166 = tpu.memref_slice %arg8[%dma_wait3A_164, %dma_wait3A_165] : memref<160x125xi32, #tpu.memory_space<vmem>> -> memref<1x125xi32, #tpu.memory_space<vmem>>
          %dma_wait3A_167 = tpu.memref_squeeze %dma_wait3A_166 : memref<1x125xi32, #tpu.memory_space<vmem>> -> memref<125xi32, #tpu.memory_space<vmem>>
          %dma_wait3A_168 = arith.constant 0 : i32
          %dma_wait3A_169 = arith.constant 0 : i32
          %dma_wait3A_170 = tpu.memref_slice %arg9[%dma_wait3A_168, %dma_wait3A_169] : memref<10000x64xf32, #tpu.memory_space<vmem_shared>> -> memref<10000x64xf32, #tpu.memory_space<vmem_shared>>
          tpu.wait_indirect_dma semaphore(%arg17 : memref<!tpu.dma_semaphore, #tpu.memory_space<semaphore_mem>>) src(%arg10 : memref<125x64xf32, #tpu.memory_space<vmem>>) dst(%dma_wait3A_170 : memref<10000x64xf32, #tpu.memory_space<vmem_shared>>)
          %dma_wait3A_171 = arith.constant 0 : i32
          %dma_wait3A_172 = arith.constant 0 : i32
          %dma_wait3A_173 = tpu.memref_slice %arg8[%dma_wait3A_171, %dma_wait3A_172] : memref<160x125xi32, #tpu.memory_space<vmem>> -> memref<1x125xi32, #tpu.memory_space<vmem>>
          %dma_wait3A_174 = tpu.memref_squeeze %dma_wait3A_173 : memref<1x125xi32, #tpu.memory_space<vmem>> -> memref<125xi32, #tpu.memory_space<vmem>>
          %dma_wait3A_175 = arith.constant 0 : i32
          %dma_wait3A_176 = arith.constant 0 : i32
          %dma_wait3A_177 = tpu.memref_slice %arg9[%dma_wait3A_175, %dma_wait3A_176] : memref<10000x64xf32, #tpu.memory_space<vmem_shared>> -> memref<10000x64xf32, #tpu.memory_space<vmem_shared>>
          tpu.wait_indirect_dma semaphore(%arg17 : memref<!tpu.dma_semaphore, #tpu.memory_space<semaphore_mem>>) src(%arg11 : memref<125x64xf32, #tpu.memory_space<vmem>>) dst(%dma_wait3A_177 : memref<10000x64xf32, #tpu.memory_space<vmem_shared>>)
        } else {
        }
        %add3A_71 = arith.constant 2 : i32
        %add3A_72 = arith.addi %add3A_66, %add3A_71 : i32
        %dma_start3A = arith.constant 0 : i32
        %dma_start3A_73 = tpu.memref_slice %arg7[%add3A_72, %dma_start3A] : memref<160x125xi32, #tpu.memory_space<vmem>> -> memref<1x125xi32, #tpu.memory_space<vmem>>
        %dma_start3A_74 = tpu.memref_squeeze %dma_start3A_73 : memref<1x125xi32, #tpu.memory_space<vmem>> -> memref<125xi32, #tpu.memory_space<vmem>>
        %dma_start3A_75 = arith.constant 0 : i32
        %dma_start3A_76 = arith.constant 0 : i32
        %dma_start3A_77 = tpu.memref_slice %arg3[%dma_start3A_75, %dma_start3A_76] : memref<10000x64xf32, #tpu.memory_space<hbm>> -> memref<10000x64xf32, #tpu.memory_space<hbm>>
        tpu.enqueue_indirect_dma source(%dma_start3A_77 : memref<10000x64xf32, #tpu.memory_space<hbm>>) target(%arg10 : memref<125x64xf32, #tpu.memory_space<vmem>>) offsets(%dma_start3A_74 : memref<125xi32, #tpu.memory_space<vmem>>) semaphore(%arg15 : memref<!tpu.dma_semaphore, #tpu.memory_space<semaphore_mem>>)
        %add3A_78 = arith.constant 3 : i32
        %add3A_79 = arith.addi %add3A_66, %add3A_78 : i32
        %dma_start3A_80 = arith.constant 0 : i32
        %dma_start3A_81 = tpu.memref_slice %arg7[%add3A_79, %dma_start3A_80] : memref<160x125xi32, #tpu.memory_space<vmem>> -> memref<1x125xi32, #tpu.memory_space<vmem>>
        %dma_start3A_82 = tpu.memref_squeeze %dma_start3A_81 : memref<1x125xi32, #tpu.memory_space<vmem>> -> memref<125xi32, #tpu.memory_space<vmem>>
        %dma_start3A_83 = arith.constant 0 : i32
        %dma_start3A_84 = arith.constant 0 : i32
        %dma_start3A_85 = tpu.memref_slice %arg3[%dma_start3A_83, %dma_start3A_84] : memref<10000x64xf32, #tpu.memory_space<hbm>> -> memref<10000x64xf32, #tpu.memory_space<hbm>>
        tpu.enqueue_indirect_dma source(%dma_start3A_85 : memref<10000x64xf32, #tpu.memory_space<hbm>>) target(%arg11 : memref<125x64xf32, #tpu.memory_space<vmem>>) offsets(%dma_start3A_82 : memref<125xi32, #tpu.memory_space<vmem>>) semaphore(%arg15 : memref<!tpu.dma_semaphore, #tpu.memory_space<semaphore_mem>>)
        %dma_wait3A_86 = arith.constant 0 : i32
        %dma_wait3A_87 = arith.constant 0 : i32
        %dma_wait3A_88 = tpu.memref_slice %arg7[%dma_wait3A_86, %dma_wait3A_87] : memref<160x125xi32, #tpu.memory_space<vmem>> -> memref<1x125xi32, #tpu.memory_space<vmem>>
        %dma_wait3A_89 = tpu.memref_squeeze %dma_wait3A_88 : memref<1x125xi32, #tpu.memory_space<vmem>> -> memref<125xi32, #tpu.memory_space<vmem>>
        %dma_wait3A_90 = arith.constant 0 : i32
        %dma_wait3A_91 = arith.constant 0 : i32
        %dma_wait3A_92 = tpu.memref_slice %arg3[%dma_wait3A_90, %dma_wait3A_91] : memref<10000x64xf32, #tpu.memory_space<hbm>> -> memref<10000x64xf32, #tpu.memory_space<hbm>>
        tpu.wait_indirect_dma semaphore(%arg14 : memref<!tpu.dma_semaphore, #tpu.memory_space<semaphore_mem>>) src(%dma_wait3A_92 : memref<10000x64xf32, #tpu.memory_space<hbm>>) dst(%arg12 : memref<125x64xf32, #tpu.memory_space<vmem>>)
        %dma_wait3A_93 = arith.constant 0 : i32
        %dma_wait3A_94 = arith.constant 0 : i32
        %dma_wait3A_95 = tpu.memref_slice %arg7[%dma_wait3A_93, %dma_wait3A_94] : memref<160x125xi32, #tpu.memory_space<vmem>> -> memref<1x125xi32, #tpu.memory_space<vmem>>
        %dma_wait3A_96 = tpu.memref_squeeze %dma_wait3A_95 : memref<1x125xi32, #tpu.memory_space<vmem>> -> memref<125xi32, #tpu.memory_space<vmem>>
        %dma_wait3A_97 = arith.constant 0 : i32
        %dma_wait3A_98 = arith.constant 0 : i32
        %dma_wait3A_99 = tpu.memref_slice %arg3[%dma_wait3A_97, %dma_wait3A_98] : memref<10000x64xf32, #tpu.memory_space<hbm>> -> memref<10000x64xf32, #tpu.memory_space<hbm>>
        tpu.wait_indirect_dma semaphore(%arg14 : memref<!tpu.dma_semaphore, #tpu.memory_space<semaphore_mem>>) src(%dma_wait3A_99 : memref<10000x64xf32, #tpu.memory_space<hbm>>) dst(%arg13 : memref<125x64xf32, #tpu.memory_space<vmem>>)
        %dma_start3A_100 = arith.constant 0 : i32
        %dma_start3A_101 = tpu.memref_slice %arg8[%add3A_66, %dma_start3A_100] : memref<160x125xi32, #tpu.memory_space<vmem>> -> memref<1x125xi32, #tpu.memory_space<vmem>>
        %dma_start3A_102 = tpu.memref_squeeze %dma_start3A_101 : memref<1x125xi32, #tpu.memory_space<vmem>> -> memref<125xi32, #tpu.memory_space<vmem>>
        %dma_start3A_103 = arith.constant 0 : i32
        %dma_start3A_104 = arith.constant 0 : i32
        %dma_start3A_105 = tpu.memref_slice %arg9[%dma_start3A_103, %dma_start3A_104] : memref<10000x64xf32, #tpu.memory_space<vmem_shared>> -> memref<10000x64xf32, #tpu.memory_space<vmem_shared>>
        tpu.enqueue_indirect_dma source(%arg12 : memref<125x64xf32, #tpu.memory_space<vmem>>) target(%dma_start3A_105 : memref<10000x64xf32, #tpu.memory_space<vmem_shared>>) offsets(%dma_start3A_102 : memref<125xi32, #tpu.memory_space<vmem>>) semaphore(%arg16 : memref<!tpu.dma_semaphore, #tpu.memory_space<semaphore_mem>>) {add = true}
        %add3A_106 = arith.constant 1 : i32
        %add3A_107 = arith.addi %add3A_66, %add3A_106 : i32
        %dma_start3A_108 = arith.constant 0 : i32
        %dma_start3A_109 = tpu.memref_slice %arg8[%add3A_107, %dma_start3A_108] : memref<160x125xi32, #tpu.memory_space<vmem>> -> memref<1x125xi32, #tpu.memory_space<vmem>>
        %dma_start3A_110 = tpu.memref_squeeze %dma_start3A_109 : memref<1x125xi32, #tpu.memory_space<vmem>> -> memref<125xi32, #tpu.memory_space<vmem>>
        %dma_start3A_111 = arith.constant 0 : i32
        %dma_start3A_112 = arith.constant 0 : i32
        %dma_start3A_113 = tpu.memref_slice %arg9[%dma_start3A_111, %dma_start3A_112] : memref<10000x64xf32, #tpu.memory_space<vmem_shared>> -> memref<10000x64xf32, #tpu.memory_space<vmem_shared>>
        tpu.enqueue_indirect_dma source(%arg13 : memref<125x64xf32, #tpu.memory_space<vmem>>) target(%dma_start3A_113 : memref<10000x64xf32, #tpu.memory_space<vmem_shared>>) offsets(%dma_start3A_110 : memref<125xi32, #tpu.memory_space<vmem>>) semaphore(%arg16 : memref<!tpu.dma_semaphore, #tpu.memory_space<semaphore_mem>>) {add = true}
        %dma_wait3A_114 = arith.constant 0 : i32
        %dma_wait3A_115 = arith.constant 0 : i32
        %dma_wait3A_116 = tpu.memref_slice %arg8[%dma_wait3A_114, %dma_wait3A_115] : memref<160x125xi32, #tpu.memory_space<vmem>> -> memref<1x125xi32, #tpu.memory_space<vmem>>
        %dma_wait3A_117 = tpu.memref_squeeze %dma_wait3A_116 : memref<1x125xi32, #tpu.memory_space<vmem>> -> memref<125xi32, #tpu.memory_space<vmem>>
        %dma_wait3A_118 = arith.constant 0 : i32
        %dma_wait3A_119 = arith.constant 0 : i32
        %dma_wait3A_120 = tpu.memref_slice %arg9[%dma_wait3A_118, %dma_wait3A_119] : memref<10000x64xf32, #tpu.memory_space<vmem_shared>> -> memref<10000x64xf32, #tpu.memory_space<vmem_shared>>
        tpu.wait_indirect_dma semaphore(%arg16 : memref<!tpu.dma_semaphore, #tpu.memory_space<semaphore_mem>>) src(%arg12 : memref<125x64xf32, #tpu.memory_space<vmem>>) dst(%dma_wait3A_120 : memref<10000x64xf32, #tpu.memory_space<vmem_shared>>)
        %dma_wait3A_121 = arith.constant 0 : i32
        %dma_wait3A_122 = arith.constant 0 : i32
        %dma_wait3A_123 = tpu.memref_slice %arg8[%dma_wait3A_121, %dma_wait3A_122] : memref<160x125xi32, #tpu.memory_space<vmem>> -> memref<1x125xi32, #tpu.memory_space<vmem>>
        %dma_wait3A_124 = tpu.memref_squeeze %dma_wait3A_123 : memref<1x125xi32, #tpu.memory_space<vmem>> -> memref<125xi32, #tpu.memory_space<vmem>>
        %dma_wait3A_125 = arith.constant 0 : i32
        %dma_wait3A_126 = arith.constant 0 : i32
        %dma_wait3A_127 = tpu.memref_slice %arg9[%dma_wait3A_125, %dma_wait3A_126] : memref<10000x64xf32, #tpu.memory_space<vmem_shared>> -> memref<10000x64xf32, #tpu.memory_space<vmem_shared>>
        tpu.wait_indirect_dma semaphore(%arg16 : memref<!tpu.dma_semaphore, #tpu.memory_space<semaphore_mem>>) src(%arg13 : memref<125x64xf32, #tpu.memory_space<vmem>>) dst(%dma_wait3A_127 : memref<10000x64xf32, #tpu.memory_space<vmem_shared>>)
        %add3A_128 = arith.constant 4 : i32
        %add3A_129 = arith.addi %add3A_66, %add3A_128 : i32
        %lt3A = arith.constant 160 : i32
        %lt3A_130 = arith.cmpi slt, %add3A_129, %lt3A : i32
        %convert_element_type3A_131 = arith.extui %lt3A_130 : i1 to i32
        %cond3A_132 = arith.constant 0 : i32
        %cond3A_133 = arith.cmpi ne, %convert_element_type3A_131, %cond3A_132 : i32
        scf.if %cond3A_133 {
          %add3A_164 = arith.constant 4 : i32
          %add3A_165 = arith.addi %add3A_66, %add3A_164 : i32
          %dma_start3A_166 = arith.constant 0 : i32
          %dma_start3A_167 = tpu.memref_slice %arg7[%add3A_165, %dma_start3A_166] : memref<160x125xi32, #tpu.memory_space<vmem>> -> memref<1x125xi32, #tpu.memory_space<vmem>>
          %dma_start3A_168 = tpu.memref_squeeze %dma_start3A_167 : memref<1x125xi32, #tpu.memory_space<vmem>> -> memref<125xi32, #tpu.memory_space<vmem>>
          %dma_start3A_169 = arith.constant 0 : i32
          %dma_start3A_170 = arith.constant 0 : i32
          %dma_start3A_171 = tpu.memref_slice %arg3[%dma_start3A_169, %dma_start3A_170] : memref<10000x64xf32, #tpu.memory_space<hbm>> -> memref<10000x64xf32, #tpu.memory_space<hbm>>
          tpu.enqueue_indirect_dma source(%dma_start3A_171 : memref<10000x64xf32, #tpu.memory_space<hbm>>) target(%arg12 : memref<125x64xf32, #tpu.memory_space<vmem>>) offsets(%dma_start3A_168 : memref<125xi32, #tpu.memory_space<vmem>>) semaphore(%arg14 : memref<!tpu.dma_semaphore, #tpu.memory_space<semaphore_mem>>)
          %add3A_172 = arith.constant 5 : i32
          %add3A_173 = arith.addi %add3A_66, %add3A_172 : i32
          %dma_start3A_174 = arith.constant 0 : i32
          %dma_start3A_175 = tpu.memref_slice %arg7[%add3A_173, %dma_start3A_174] : memref<160x125xi32, #tpu.memory_space<vmem>> -> memref<1x125xi32, #tpu.memory_space<vmem>>
          %dma_start3A_176 = tpu.memref_squeeze %dma_start3A_175 : memref<1x125xi32, #tpu.memory_space<vmem>> -> memref<125xi32, #tpu.memory_space<vmem>>
          %dma_start3A_177 = arith.constant 0 : i32
          %dma_start3A_178 = arith.constant 0 : i32
          %dma_start3A_179 = tpu.memref_slice %arg3[%dma_start3A_177, %dma_start3A_178] : memref<10000x64xf32, #tpu.memory_space<hbm>> -> memref<10000x64xf32, #tpu.memory_space<hbm>>
          tpu.enqueue_indirect_dma source(%dma_start3A_179 : memref<10000x64xf32, #tpu.memory_space<hbm>>) target(%arg13 : memref<125x64xf32, #tpu.memory_space<vmem>>) offsets(%dma_start3A_176 : memref<125xi32, #tpu.memory_space<vmem>>) semaphore(%arg14 : memref<!tpu.dma_semaphore, #tpu.memory_space<semaphore_mem>>)
        } else {
        }
        %dma_wait3A_134 = arith.constant 0 : i32
        %dma_wait3A_135 = arith.constant 0 : i32
        %dma_wait3A_136 = tpu.memref_slice %arg7[%dma_wait3A_134, %dma_wait3A_135] : memref<160x125xi32, #tpu.memory_space<vmem>> -> memref<1x125xi32, #tpu.memory_space<vmem>>
        %dma_wait3A_137 = tpu.memref_squeeze %dma_wait3A_136 : memref<1x125xi32, #tpu.memory_space<vmem>> -> memref<125xi32, #tpu.memory_space<vmem>>
        %dma_wait3A_138 = arith.constant 0 : i32
        %dma_wait3A_139 = arith.constant 0 : i32
        %dma_wait3A_140 = tpu.memref_slice %arg3[%dma_wait3A_138, %dma_wait3A_139] : memref<10000x64xf32, #tpu.memory_space<hbm>> -> memref<10000x64xf32, #tpu.memory_space<hbm>>
        tpu.wait_indirect_dma semaphore(%arg15 : memref<!tpu.dma_semaphore, #tpu.memory_space<semaphore_mem>>) src(%dma_wait3A_140 : memref<10000x64xf32, #tpu.memory_space<hbm>>) dst(%arg10 : memref<125x64xf32, #tpu.memory_space<vmem>>)
        %dma_wait3A_141 = arith.constant 0 : i32
        %dma_wait3A_142 = arith.constant 0 : i32
        %dma_wait3A_143 = tpu.memref_slice %arg7[%dma_wait3A_141, %dma_wait3A_142] : memref<160x125xi32, #tpu.memory_space<vmem>> -> memref<1x125xi32, #tpu.memory_space<vmem>>
        %dma_wait3A_144 = tpu.memref_squeeze %dma_wait3A_143 : memref<1x125xi32, #tpu.memory_space<vmem>> -> memref<125xi32, #tpu.memory_space<vmem>>
        %dma_wait3A_145 = arith.constant 0 : i32
        %dma_wait3A_146 = arith.constant 0 : i32
        %dma_wait3A_147 = tpu.memref_slice %arg3[%dma_wait3A_145, %dma_wait3A_146] : memref<10000x64xf32, #tpu.memory_space<hbm>> -> memref<10000x64xf32, #tpu.memory_space<hbm>>
        tpu.wait_indirect_dma semaphore(%arg15 : memref<!tpu.dma_semaphore, #tpu.memory_space<semaphore_mem>>) src(%dma_wait3A_147 : memref<10000x64xf32, #tpu.memory_space<hbm>>) dst(%arg11 : memref<125x64xf32, #tpu.memory_space<vmem>>)
        %add3A_148 = arith.constant 2 : i32
        %add3A_149 = arith.addi %add3A_66, %add3A_148 : i32
        %dma_start3A_150 = arith.constant 0 : i32
        %dma_start3A_151 = tpu.memref_slice %arg8[%add3A_149, %dma_start3A_150] : memref<160x125xi32, #tpu.memory_space<vmem>> -> memref<1x125xi32, #tpu.memory_space<vmem>>
        %dma_start3A_152 = tpu.memref_squeeze %dma_start3A_151 : memref<1x125xi32, #tpu.memory_space<vmem>> -> memref<125xi32, #tpu.memory_space<vmem>>
        %dma_start3A_153 = arith.constant 0 : i32
        %dma_start3A_154 = arith.constant 0 : i32
        %dma_start3A_155 = tpu.memref_slice %arg9[%dma_start3A_153, %dma_start3A_154] : memref<10000x64xf32, #tpu.memory_space<vmem_shared>> -> memref<10000x64xf32, #tpu.memory_space<vmem_shared>>
        tpu.enqueue_indirect_dma source(%arg10 : memref<125x64xf32, #tpu.memory_space<vmem>>) target(%dma_start3A_155 : memref<10000x64xf32, #tpu.memory_space<vmem_shared>>) offsets(%dma_start3A_152 : memref<125xi32, #tpu.memory_space<vmem>>) semaphore(%arg17 : memref<!tpu.dma_semaphore, #tpu.memory_space<semaphore_mem>>) {add = true}
        %add3A_156 = arith.constant 3 : i32
        %add3A_157 = arith.addi %add3A_66, %add3A_156 : i32
        %dma_start3A_158 = arith.constant 0 : i32
        %dma_start3A_159 = tpu.memref_slice %arg8[%add3A_157, %dma_start3A_158] : memref<160x125xi32, #tpu.memory_space<vmem>> -> memref<1x125xi32, #tpu.memory_space<vmem>>
        %dma_start3A_160 = tpu.memref_squeeze %dma_start3A_159 : memref<1x125xi32, #tpu.memory_space<vmem>> -> memref<125xi32, #tpu.memory_space<vmem>>
        %dma_start3A_161 = arith.constant 0 : i32
        %dma_start3A_162 = arith.constant 0 : i32
        %dma_start3A_163 = tpu.memref_slice %arg9[%dma_start3A_161, %dma_start3A_162] : memref<10000x64xf32, #tpu.memory_space<vmem_shared>> -> memref<10000x64xf32, #tpu.memory_space<vmem_shared>>
        tpu.enqueue_indirect_dma source(%arg11 : memref<125x64xf32, #tpu.memory_space<vmem>>) target(%dma_start3A_163 : memref<10000x64xf32, #tpu.memory_space<vmem_shared>>) offsets(%dma_start3A_160 : memref<125xi32, #tpu.memory_space<vmem>>) semaphore(%arg17 : memref<!tpu.dma_semaphore, #tpu.memory_space<semaphore_mem>>) {add = true}
      }
      %scan3A_48 = arith.constant 40 : i32
      %dma_wait3A = arith.constant 0 : i32
      %dma_wait3A_49 = arith.constant 0 : i32
      %dma_wait3A_50 = tpu.memref_slice %arg8[%dma_wait3A, %dma_wait3A_49] : memref<160x125xi32, #tpu.memory_space<vmem>> -> memref<1x125xi32, #tpu.memory_space<vmem>>
      %dma_wait3A_51 = tpu.memref_squeeze %dma_wait3A_50 : memref<1x125xi32, #tpu.memory_space<vmem>> -> memref<125xi32, #tpu.memory_space<vmem>>
      %dma_wait3A_52 = arith.constant 0 : i32
      %dma_wait3A_53 = arith.constant 0 : i32
      %dma_wait3A_54 = tpu.memref_slice %arg9[%dma_wait3A_52, %dma_wait3A_53] : memref<10000x64xf32, #tpu.memory_space<vmem_shared>> -> memref<10000x64xf32, #tpu.memory_space<vmem_shared>>
      tpu.wait_indirect_dma semaphore(%arg17 : memref<!tpu.dma_semaphore, #tpu.memory_space<semaphore_mem>>) src(%arg10 : memref<125x64xf32, #tpu.memory_space<vmem>>) dst(%dma_wait3A_54 : memref<10000x64xf32, #tpu.memory_space<vmem_shared>>)
      %dma_wait3A_55 = arith.constant 0 : i32
      %dma_wait3A_56 = arith.constant 0 : i32
      %dma_wait3A_57 = tpu.memref_slice %arg8[%dma_wait3A_55, %dma_wait3A_56] : memref<160x125xi32, #tpu.memory_space<vmem>> -> memref<1x125xi32, #tpu.memory_space<vmem>>
      %dma_wait3A_58 = tpu.memref_squeeze %dma_wait3A_57 : memref<1x125xi32, #tpu.memory_space<vmem>> -> memref<125xi32, #tpu.memory_space<vmem>>
      %dma_wait3A_59 = arith.constant 0 : i32
      %dma_wait3A_60 = arith.constant 0 : i32
      %dma_wait3A_61 = tpu.memref_slice %arg9[%dma_wait3A_59, %dma_wait3A_60] : memref<10000x64xf32, #tpu.memory_space<vmem_shared>> -> memref<10000x64xf32, #tpu.memory_space<vmem_shared>>
      tpu.wait_indirect_dma semaphore(%arg17 : memref<!tpu.dma_semaphore, #tpu.memory_space<semaphore_mem>>) src(%arg11 : memref<125x64xf32, #tpu.memory_space<vmem>>) dst(%dma_wait3A_61 : memref<10000x64xf32, #tpu.memory_space<vmem_shared>>)
    } else {
    }
    %barrier3A_39 = arith.constant 0 : index
    tpu.barrier barrier_id(%barrier3A_39)
    %mul3A_40 = arith.constant 625 : i32
    %mul3A_41 = arith.muli %arg1, %mul3A_40 : i32
    %mul3A_42 = arith.constant 625 : i32
    %mul3A_43 = arith.muli %arg1, %mul3A_42 : i32
    "tpu.region"() ({
      %run_scoped3A = tpu.sem_alloc : memref<!tpu.dma_semaphore, #tpu.memory_space<semaphore_mem>>
      %dma_start3A = arith.constant 0 : i32
      %dma_start3A_44 = tpu.memref_slice %arg6[%arg0, %mul3A_43, %dma_start3A] : memref<2x10000x64xf32, #tpu.memory_space<hbm>> -> memref<1x625x64xf32, #tpu.memory_space<hbm>>
      %dma_start3A_45 = tpu.memref_squeeze %dma_start3A_44 : memref<1x625x64xf32, #tpu.memory_space<hbm>> -> memref<625x64xf32, #tpu.memory_space<hbm>>
      %dma_start3A_46 = arith.constant 0 : i32
      %dma_start3A_47 = tpu.memref_slice %arg9[%mul3A_41, %dma_start3A_46] : memref<10000x64xf32, #tpu.memory_space<vmem_shared>> -> memref<625x64xf32, #tpu.memory_space<vmem_shared>>
      tpu.enqueue_dma source(%dma_start3A_47 : memref<625x64xf32, #tpu.memory_space<vmem_shared>>) target(%dma_start3A_45 : memref<625x64xf32, #tpu.memory_space<hbm>>) target_semaphore(%run_scoped3A : memref<!tpu.dma_semaphore, #tpu.memory_space<semaphore_mem>>)
      %dma_wait3A = arith.constant 0 : i32
      %dma_wait3A_48 = tpu.memref_slice %arg6[%arg0, %mul3A_43, %dma_wait3A] : memref<2x10000x64xf32, #tpu.memory_space<hbm>> -> memref<1x625x64xf32, #tpu.memory_space<hbm>>
      %dma_wait3A_49 = tpu.memref_squeeze %dma_wait3A_48 : memref<1x625x64xf32, #tpu.memory_space<hbm>> -> memref<625x64xf32, #tpu.memory_space<hbm>>
      %dma_wait3A_50 = arith.constant 0 : i32
      %dma_wait3A_51 = tpu.memref_slice %arg9[%mul3A_41, %dma_wait3A_50] : memref<10000x64xf32, #tpu.memory_space<vmem_shared>> -> memref<625x64xf32, #tpu.memory_space<vmem_shared>>
      tpu.wait_dma2 semaphore(%run_scoped3A : memref<!tpu.dma_semaphore, #tpu.memory_space<semaphore_mem>>) src(%dma_wait3A_51 : memref<625x64xf32, #tpu.memory_space<vmem_shared>>) dst(%dma_wait3A_49 : memref<625x64xf32, #tpu.memory_space<hbm>>)
      tpu.yield
    }) : () -> ()
    return
  }
}

module attributes {stable_mosaic.version = 14 : i64} {
  func.func @body(%arg0: i32, %arg1: i32, %arg2: memref<1x1000x128xf32, #tpu.memory_space<vmem>>, %arg3: memref<1x128x128xf32, #tpu.memory_space<vmem>>, %arg4: memref<1x1x128xf32, #tpu.memory_space<vmem>>, %arg5: memref<1x1000x16xf32, #tpu.memory_space<vmem>>, %arg6: memref<1000x64xf32, #tpu.memory_space<vmem>>, %arg7: memref<1000x64xf32, #tpu.memory_space<vmem>>) attributes {dimension_semantics = [#tpu.dimension_semantics<arbitrary>, #tpu.dimension_semantics<arbitrary>], iteration_bounds = array<i64: 2, 5>, scalar_prefetch = 0 : i64, scratch_operands = 0 : i64, tpu.core_type = #tpu.core_type<tc>, window_params = [{transform_indices = @transform_0, window_bounds = array<i64: 1, 1000, 128>}, {transform_indices = @transform_1, window_bounds = array<i64: 1, 128, 128>}, {transform_indices = @transform_2, window_bounds = array<i64: 1, 1, 128>}, {transform_indices = @transform_3, window_bounds = array<i64: 1, 1000, 16>}, {transform_indices = @transform_4, window_bounds = array<i64: 1000, 64>}, {transform_indices = @transform_5, window_bounds = array<i64: 1000, 64>}]} {
    %get3A = arith.constant 0 : index
    %get3A_0 = arith.constant 0 : index
    %get3A_1 = arith.constant 0 : index
    %get3A_2 = vector.load %arg2[%get3A, %get3A_0, %get3A_1] : memref<1x1000x128xf32, #tpu.memory_space<vmem>>, vector<1x1000x128xf32>
    %get3A_3 = vector.shape_cast %get3A_2 : vector<1x1000x128xf32> to vector<1000x128xf32>
    %get3A_4 = arith.constant 0 : index
    %get3A_5 = arith.constant 0 : index
    %get3A_6 = arith.constant 0 : index
    %get3A_7 = vector.load %arg3[%get3A_4, %get3A_5, %get3A_6] : memref<1x128x128xf32, #tpu.memory_space<vmem>>, vector<1x128x128xf32>
    %get3A_8 = vector.shape_cast %get3A_7 : vector<1x128x128xf32> to vector<128x128xf32>
    %dot_general3A = arith.constant dense<0.000000e+00> : vector<1000x128xf32>
    %dot_general3A_9 = tpu.matmul %get3A_3, %get3A_8, %dot_general3A {dimension_numbers = #tpu.dot_dimension_numbers<[1], [0], [0], [1], [0, 0, 1, 1], [], []>, transpose_lhs_hint = false} : vector<1000x128xf32>, vector<128x128xf32>, vector<1000x128xf32> -> vector<1000x128xf32>
    %get3A_10 = arith.constant 0 : index
    %get3A_11 = arith.constant 0 : index
    %get3A_12 = arith.constant 0 : index
    %get3A_13 = vector.load %arg4[%get3A_10, %get3A_11, %get3A_12] : memref<1x1x128xf32, #tpu.memory_space<vmem>>, vector<1x1x128xf32>
    %get3A_14 = vector.shape_cast %get3A_13 : vector<1x1x128xf32> to vector<1x128xf32>
    %add3A = vector.broadcast %get3A_14 : vector<1x128xf32> to vector<1000x128xf32>
    %add3A_15 = arith.addf %dot_general3A_9, %add3A : vector<1000x128xf32>
    %get3A_16 = arith.constant 0 : index
    %get3A_17 = arith.constant 0 : index
    %get3A_18 = arith.constant 0 : index
    %get3A_19 = vector.load %arg5[%get3A_16, %get3A_17, %get3A_18] : memref<1x1000x16xf32, #tpu.memory_space<vmem>>, vector<1x1000x1xf32>
    %get3A_20 = vector.shape_cast %get3A_19 : vector<1x1000x1xf32> to vector<1000x1xf32>
    %max3A = arith.constant 1.000000e+00 : f32
    %max3A_21 = vector.broadcast %max3A : f32 to vector<1000x1xf32>
    %max3A_22 = arith.maximumf %get3A_20, %max3A_21 : vector<1000x1xf32>
    %rsqrt3A = math.rsqrt %max3A_22 : vector<1000x1xf32>
    %mul3A = vector.broadcast %rsqrt3A : vector<1000x1xf32> to vector<1000x128xf32>
    %mul3A_23 = arith.mulf %add3A_15, %mul3A : vector<1000x128xf32>
    %slice3A = vector.extract_strided_slice %mul3A_23 {offsets = [0, 0], sizes = [1000, 64], strides = [1, 1]} : vector<1000x128xf32> to vector<1000x64xf32>
    %swap3A = arith.constant 0 : index
    %swap3A_24 = arith.constant 0 : index
    %swap3A_25 = vector.load %arg6[%swap3A, %swap3A_24] : memref<1000x64xf32, #tpu.memory_space<vmem>>, vector<1000x64xf32>
    tpu.vector_store %arg6[%swap3A, %swap3A_24], %slice3A {strides = array<i32>} : memref<1000x64xf32, #tpu.memory_space<vmem>>, vector<1000x64xf32>,
    %slice3A_26 = vector.extract_strided_slice %mul3A_23 {offsets = [0, 64], sizes = [1000, 64], strides = [1, 1]} : vector<1000x128xf32> to vector<1000x64xf32>
    %swap3A_27 = arith.constant 0 : index
    %swap3A_28 = arith.constant 0 : index
    %swap3A_29 = vector.load %arg7[%swap3A_27, %swap3A_28] : memref<1000x64xf32, #tpu.memory_space<vmem>>, vector<1000x64xf32>
    tpu.vector_store %arg7[%swap3A_27, %swap3A_28], %slice3A_26 {strides = array<i32>} : memref<1000x64xf32, #tpu.memory_space<vmem>>, vector<1000x64xf32>,
    return
  }
  func.func @transform_0(%arg0: i32, %arg1: i32) -> (i32, i32, i32) {
    %c0_i32 = arith.constant 0 : i32
    %c0_i32_0 = arith.constant 0 : i32
    return %arg0, %arg1, %c0_i32 : i32, i32, i32
  }
  func.func @transform_1(%arg0: i32, %arg1: i32) -> (i32, i32, i32) {
    %c0_i32 = arith.constant 0 : i32
    %c0_i32_0 = arith.constant 0 : i32
    %c0_i32_1 = arith.constant 0 : i32
    return %arg0, %c0_i32, %c0_i32_0 : i32, i32, i32
  }
  func.func @transform_2(%arg0: i32, %arg1: i32) -> (i32, i32, i32) {
    %c0_i32 = arith.constant 0 : i32
    %c0_i32_0 = arith.constant 0 : i32
    %c0_i32_1 = arith.constant 0 : i32
    return %arg0, %c0_i32, %c0_i32_0 : i32, i32, i32
  }
  func.func @transform_3(%arg0: i32, %arg1: i32) -> (i32, i32, i32) {
    %mul3A = arith.constant 5 : i32
    %mul3A_0 = arith.muli %arg0, %mul3A : i32
    %add3A = arith.addi %mul3A_0, %arg1 : i32
    %c0_i32 = arith.constant 0 : i32
    %c0_i32_1 = arith.constant 0 : i32
    %c0_i32_2 = arith.constant 0 : i32
    return %c0_i32, %add3A, %c0_i32_1 : i32, i32, i32
  }
  func.func @transform_4(%arg0: i32, %arg1: i32) -> (i32, i32) {
    %mul3A = arith.constant 5 : i32
    %mul3A_0 = arith.muli %arg0, %mul3A : i32
    %add3A = arith.addi %mul3A_0, %arg1 : i32
    %c0_i32 = arith.constant 0 : i32
    %c0_i32_1 = arith.constant 0 : i32
    return %add3A, %c0_i32 : i32, i32
  }
  func.func @transform_5(%arg0: i32, %arg1: i32) -> (i32, i32) {
    %mul3A = arith.constant 5 : i32
    %mul3A_0 = arith.muli %arg0, %mul3A : i32
    %add3A = arith.addi %mul3A_0, %arg1 : i32
    %c0_i32 = arith.constant 0 : i32
    %c0_i32_1 = arith.constant 0 : i32
    return %add3A, %c0_i32 : i32, i32
  }
}

module attributes {stable_mosaic.version = 14 : i64} {
  func.func @body(%arg0: i32, %arg1: memref<2x1000x64xf32, #tpu.memory_space<vmem>>, %arg2: memref<2x1000x16xf32, #tpu.memory_space<vmem>>, %arg3: memref<2x1x64xf32, #tpu.memory_space<vmem>>, %arg4: memref<2x64x128xf32, #tpu.memory_space<vmem>>, %arg5: memref<1000x64xf32, #tpu.memory_space<vmem>>, %arg6: memref<1000x64xf32, #tpu.memory_space<vmem>>) attributes {dimension_semantics = [#tpu.dimension_semantics<arbitrary>], iteration_bounds = array<i64: 10>, scalar_prefetch = 0 : i64, scratch_operands = 0 : i64, tpu.core_type = #tpu.core_type<tc>, window_params = [{transform_indices = @transform_0, window_bounds = array<i64: 2, 1000, 64>}, {transform_indices = @transform_1, window_bounds = array<i64: 2, 1000, 16>}, {pipeline_mode = #tpu.pipeline_mode<synchronous>, transform_indices = @transform_2, window_bounds = array<i64: 2, 1, 64>}, {pipeline_mode = #tpu.pipeline_mode<synchronous>, transform_indices = @transform_3, window_bounds = array<i64: 2, 64, 128>}, {transform_indices = @transform_4, window_bounds = array<i64: 1000, 64>}, {transform_indices = @transform_5, window_bounds = array<i64: 1000, 64>}]} {
    %get3A = arith.constant 1 : index
    %get3A_0 = arith.constant 0 : index
    %get3A_1 = arith.constant 0 : index
    %get3A_2 = vector.load %arg2[%get3A, %get3A_0, %get3A_1] : memref<2x1000x16xf32, #tpu.memory_space<vmem>>, vector<1x1000x1xf32>
    %get3A_3 = vector.shape_cast %get3A_2 : vector<1x1000x1xf32> to vector<1000x1xf32>
    %max3A = arith.constant 1.000000e+00 : f32
    %max3A_4 = vector.broadcast %max3A : f32 to vector<1000x1xf32>
    %max3A_5 = arith.maximumf %get3A_3, %max3A_4 : vector<1000x1xf32>
    %rsqrt3A = math.rsqrt %max3A_5 : vector<1000x1xf32>
    %get3A_6 = arith.constant 0 : index
    %get3A_7 = arith.constant 0 : index
    %get3A_8 = arith.constant 0 : index
    %get3A_9 = vector.load %arg1[%get3A_6, %get3A_7, %get3A_8] : memref<2x1000x64xf32, #tpu.memory_space<vmem>>, vector<1x1000x64xf32>
    %get3A_10 = vector.shape_cast %get3A_9 : vector<1x1000x64xf32> to vector<1000x64xf32>
    %mul3A = vector.broadcast %rsqrt3A : vector<1000x1xf32> to vector<1000x64xf32>
    %mul3A_11 = arith.mulf %get3A_10, %mul3A : vector<1000x64xf32>
    %get3A_12 = arith.constant 0 : index
    %get3A_13 = arith.constant 0 : index
    %get3A_14 = arith.constant 0 : index
    %get3A_15 = vector.load %arg3[%get3A_12, %get3A_13, %get3A_14] : memref<2x1x64xf32, #tpu.memory_space<vmem>>, vector<1x1x64xf32>
    %get3A_16 = vector.shape_cast %get3A_15 : vector<1x1x64xf32> to vector<1x64xf32>
    %add3A = vector.broadcast %get3A_16 : vector<1x64xf32> to vector<1000x64xf32>
    %add3A_17 = arith.addf %mul3A_11, %add3A : vector<1000x64xf32>
    %max3A_18 = arith.constant 0.000000e+00 : f32
    %max3A_19 = vector.broadcast %max3A_18 : f32 to vector<1000x64xf32>
    %max3A_20 = arith.maximumf %add3A_17, %max3A_19 : vector<1000x64xf32>
    %get3A_21 = arith.constant 1 : index
    %get3A_22 = arith.constant 0 : index
    %get3A_23 = arith.constant 0 : index
    %get3A_24 = vector.load %arg1[%get3A_21, %get3A_22, %get3A_23] : memref<2x1000x64xf32, #tpu.memory_space<vmem>>, vector<1x1000x64xf32>
    %get3A_25 = vector.shape_cast %get3A_24 : vector<1x1000x64xf32> to vector<1000x64xf32>
    %mul3A_26 = vector.broadcast %rsqrt3A : vector<1000x1xf32> to vector<1000x64xf32>
    %mul3A_27 = arith.mulf %get3A_25, %mul3A_26 : vector<1000x64xf32>
    %get3A_28 = arith.constant 1 : index
    %get3A_29 = arith.constant 0 : index
    %get3A_30 = arith.constant 0 : index
    %get3A_31 = vector.load %arg3[%get3A_28, %get3A_29, %get3A_30] : memref<2x1x64xf32, #tpu.memory_space<vmem>>, vector<1x1x64xf32>
    %get3A_32 = vector.shape_cast %get3A_31 : vector<1x1x64xf32> to vector<1x64xf32>
    %add3A_33 = vector.broadcast %get3A_32 : vector<1x64xf32> to vector<1000x64xf32>
    %add3A_34 = arith.addf %mul3A_27, %add3A_33 : vector<1000x64xf32>
    %max3A_35 = arith.constant 0.000000e+00 : f32
    %max3A_36 = vector.broadcast %max3A_35 : f32 to vector<1000x64xf32>
    %max3A_37 = arith.maximumf %add3A_34, %max3A_36 : vector<1000x64xf32>
    %get3A_38 = arith.constant 0 : index
    %get3A_39 = arith.constant 0 : index
    %get3A_40 = arith.constant 0 : index
    %get3A_41 = vector.load %arg4[%get3A_38, %get3A_39, %get3A_40] : memref<2x64x128xf32, #tpu.memory_space<vmem>>, vector<1x64x128xf32>
    %get3A_42 = vector.shape_cast %get3A_41 : vector<1x64x128xf32> to vector<64x128xf32>
    %dot_general3A = arith.constant dense<0.000000e+00> : vector<1000x128xf32>
    %dot_general3A_43 = tpu.matmul %max3A_20, %get3A_42, %dot_general3A {dimension_numbers = #tpu.dot_dimension_numbers<[1], [0], [0], [1], [0, 0, 1, 1], [], []>, transpose_lhs_hint = false} : vector<1000x64xf32>, vector<64x128xf32>, vector<1000x128xf32> -> vector<1000x128xf32>
    %get3A_44 = arith.constant 1 : index
    %get3A_45 = arith.constant 0 : index
    %get3A_46 = arith.constant 0 : index
    %get3A_47 = vector.load %arg4[%get3A_44, %get3A_45, %get3A_46] : memref<2x64x128xf32, #tpu.memory_space<vmem>>, vector<1x64x128xf32>
    %get3A_48 = vector.shape_cast %get3A_47 : vector<1x64x128xf32> to vector<64x128xf32>
    %dot_general3A_49 = arith.constant dense<0.000000e+00> : vector<1000x128xf32>
    %dot_general3A_50 = tpu.matmul %max3A_37, %get3A_48, %dot_general3A_49 {dimension_numbers = #tpu.dot_dimension_numbers<[1], [0], [0], [1], [0, 0, 1, 1], [], []>, transpose_lhs_hint = false} : vector<1000x64xf32>, vector<64x128xf32>, vector<1000x128xf32> -> vector<1000x128xf32>
    %add3A_51 = arith.addf %dot_general3A_43, %dot_general3A_50 : vector<1000x128xf32>
    %get3A_52 = arith.constant 0 : index
    %get3A_53 = arith.constant 0 : index
    %get3A_54 = arith.constant 0 : index
    %get3A_55 = vector.load %arg2[%get3A_52, %get3A_53, %get3A_54] : memref<2x1000x16xf32, #tpu.memory_space<vmem>>, vector<1x1000x1xf32>
    %get3A_56 = vector.shape_cast %get3A_55 : vector<1x1000x1xf32> to vector<1000x1xf32>
    %max3A_57 = arith.constant 1.000000e+00 : f32
    %max3A_58 = vector.broadcast %max3A_57 : f32 to vector<1000x1xf32>
    %max3A_59 = arith.maximumf %get3A_56, %max3A_58 : vector<1000x1xf32>
    %rsqrt3A_60 = math.rsqrt %max3A_59 : vector<1000x1xf32>
    %mul3A_61 = vector.broadcast %rsqrt3A_60 : vector<1000x1xf32> to vector<1000x128xf32>
    %mul3A_62 = arith.mulf %add3A_51, %mul3A_61 : vector<1000x128xf32>
    %slice3A = vector.extract_strided_slice %mul3A_62 {offsets = [0, 0], sizes = [1000, 64], strides = [1, 1]} : vector<1000x128xf32> to vector<1000x64xf32>
    %swap3A = arith.constant 0 : index
    %swap3A_63 = arith.constant 0 : index
    %swap3A_64 = vector.load %arg5[%swap3A, %swap3A_63] : memref<1000x64xf32, #tpu.memory_space<vmem>>, vector<1000x64xf32>
    tpu.vector_store %arg5[%swap3A, %swap3A_63], %slice3A {strides = array<i32>} : memref<1000x64xf32, #tpu.memory_space<vmem>>, vector<1000x64xf32>,
    %slice3A_65 = vector.extract_strided_slice %mul3A_62 {offsets = [0, 64], sizes = [1000, 64], strides = [1, 1]} : vector<1000x128xf32> to vector<1000x64xf32>
    %swap3A_66 = arith.constant 0 : index
    %swap3A_67 = arith.constant 0 : index
    %swap3A_68 = vector.load %arg6[%swap3A_66, %swap3A_67] : memref<1000x64xf32, #tpu.memory_space<vmem>>, vector<1000x64xf32>
    tpu.vector_store %arg6[%swap3A_66, %swap3A_67], %slice3A_65 {strides = array<i32>} : memref<1000x64xf32, #tpu.memory_space<vmem>>, vector<1000x64xf32>,
    return
  }
  func.func @transform_0(%arg0: i32) -> (i32, i32, i32) {
    %c0_i32 = arith.constant 0 : i32
    %c0_i32_0 = arith.constant 0 : i32
    %c0_i32_1 = arith.constant 0 : i32
    return %c0_i32, %arg0, %c0_i32_0 : i32, i32, i32
  }
  func.func @transform_1(%arg0: i32) -> (i32, i32, i32) {
    %c0_i32 = arith.constant 0 : i32
    %c0_i32_0 = arith.constant 0 : i32
    %c0_i32_1 = arith.constant 0 : i32
    return %c0_i32, %arg0, %c0_i32_0 : i32, i32, i32
  }
  func.func @transform_2(%arg0: i32) -> (i32, i32, i32) {
    %c0_i32 = arith.constant 0 : i32
    %c0_i32_0 = arith.constant 0 : i32
    %c0_i32_1 = arith.constant 0 : i32
    %c0_i32_2 = arith.constant 0 : i32
    return %c0_i32, %c0_i32_0, %c0_i32_1 : i32, i32, i32
  }
  func.func @transform_3(%arg0: i32) -> (i32, i32, i32) {
    %c0_i32 = arith.constant 0 : i32
    %c0_i32_0 = arith.constant 0 : i32
    %c0_i32_1 = arith.constant 0 : i32
    %c0_i32_2 = arith.constant 0 : i32
    return %c0_i32, %c0_i32_0, %c0_i32_1 : i32, i32, i32
  }
  func.func @transform_4(%arg0: i32) -> (i32, i32) {
    %c0_i32 = arith.constant 0 : i32
    %c0_i32_0 = arith.constant 0 : i32
    return %arg0, %c0_i32 : i32, i32
  }
  func.func @transform_5(%arg0: i32) -> (i32, i32) {
    %c0_i32 = arith.constant 0 : i32
    %c0_i32_0 = arith.constant 0 : i32
    return %arg0, %c0_i32 : i32, i32
  }
}

module attributes {stable_mosaic.version = 14 : i64} {
  func.func @body(%arg0: i32, %arg1: memref<2x1000x64xf32, #tpu.memory_space<vmem>>, %arg2: memref<2x1000x16xf32, #tpu.memory_space<vmem>>, %arg3: memref<2x1x64xf32, #tpu.memory_space<vmem>>, %arg4: memref<2x64x64xf32, #tpu.memory_space<vmem>>, %arg5: memref<1000x64xf32, #tpu.memory_space<vmem>>, %arg6: memref<1000x128xf32, #tpu.memory_space<vmem>>) attributes {dimension_semantics = [#tpu.dimension_semantics<arbitrary>], iteration_bounds = array<i64: 10>, scalar_prefetch = 0 : i64, scratch_operands = 0 : i64, tpu.core_type = #tpu.core_type<tc>, window_params = [{transform_indices = @transform_0, window_bounds = array<i64: 2, 1000, 64>}, {transform_indices = @transform_1, window_bounds = array<i64: 2, 1000, 16>}, {pipeline_mode = #tpu.pipeline_mode<synchronous>, transform_indices = @transform_2, window_bounds = array<i64: 2, 1, 64>}, {pipeline_mode = #tpu.pipeline_mode<synchronous>, transform_indices = @transform_3, window_bounds = array<i64: 2, 64, 64>}, {transform_indices = @transform_4, window_bounds = array<i64: 1000, 64>}, {transform_indices = @transform_5, window_bounds = array<i64: 1000, 128>}]} {
    %get3A = arith.constant 1 : index
    %get3A_0 = arith.constant 0 : index
    %get3A_1 = arith.constant 0 : index
    %get3A_2 = vector.load %arg2[%get3A, %get3A_0, %get3A_1] : memref<2x1000x16xf32, #tpu.memory_space<vmem>>, vector<1x1000x1xf32>
    %get3A_3 = vector.shape_cast %get3A_2 : vector<1x1000x1xf32> to vector<1000x1xf32>
    %max3A = arith.constant 1.000000e+00 : f32
    %max3A_4 = vector.broadcast %max3A : f32 to vector<1000x1xf32>
    %max3A_5 = arith.maximumf %get3A_3, %max3A_4 : vector<1000x1xf32>
    %rsqrt3A = math.rsqrt %max3A_5 : vector<1000x1xf32>
    %get3A_6 = arith.constant 0 : index
    %get3A_7 = arith.constant 0 : index
    %get3A_8 = arith.constant 0 : index
    %get3A_9 = vector.load %arg1[%get3A_6, %get3A_7, %get3A_8] : memref<2x1000x64xf32, #tpu.memory_space<vmem>>, vector<1x1000x64xf32>
    %get3A_10 = vector.shape_cast %get3A_9 : vector<1x1000x64xf32> to vector<1000x64xf32>
    %mul3A = vector.broadcast %rsqrt3A : vector<1000x1xf32> to vector<1000x64xf32>
    %mul3A_11 = arith.mulf %get3A_10, %mul3A : vector<1000x64xf32>
    %get3A_12 = arith.constant 0 : index
    %get3A_13 = arith.constant 0 : index
    %get3A_14 = arith.constant 0 : index
    %get3A_15 = vector.load %arg3[%get3A_12, %get3A_13, %get3A_14] : memref<2x1x64xf32, #tpu.memory_space<vmem>>, vector<1x1x64xf32>
    %get3A_16 = vector.shape_cast %get3A_15 : vector<1x1x64xf32> to vector<1x64xf32>
    %add3A = vector.broadcast %get3A_16 : vector<1x64xf32> to vector<1000x64xf32>
    %add3A_17 = arith.addf %mul3A_11, %add3A : vector<1000x64xf32>
    %max3A_18 = arith.constant 0.000000e+00 : f32
    %max3A_19 = vector.broadcast %max3A_18 : f32 to vector<1000x64xf32>
    %max3A_20 = arith.maximumf %add3A_17, %max3A_19 : vector<1000x64xf32>
    %get3A_21 = arith.constant 1 : index
    %get3A_22 = arith.constant 0 : index
    %get3A_23 = arith.constant 0 : index
    %get3A_24 = vector.load %arg1[%get3A_21, %get3A_22, %get3A_23] : memref<2x1000x64xf32, #tpu.memory_space<vmem>>, vector<1x1000x64xf32>
    %get3A_25 = vector.shape_cast %get3A_24 : vector<1x1000x64xf32> to vector<1000x64xf32>
    %mul3A_26 = vector.broadcast %rsqrt3A : vector<1000x1xf32> to vector<1000x64xf32>
    %mul3A_27 = arith.mulf %get3A_25, %mul3A_26 : vector<1000x64xf32>
    %get3A_28 = arith.constant 1 : index
    %get3A_29 = arith.constant 0 : index
    %get3A_30 = arith.constant 0 : index
    %get3A_31 = vector.load %arg3[%get3A_28, %get3A_29, %get3A_30] : memref<2x1x64xf32, #tpu.memory_space<vmem>>, vector<1x1x64xf32>
    %get3A_32 = vector.shape_cast %get3A_31 : vector<1x1x64xf32> to vector<1x64xf32>
    %add3A_33 = vector.broadcast %get3A_32 : vector<1x64xf32> to vector<1000x64xf32>
    %add3A_34 = arith.addf %mul3A_27, %add3A_33 : vector<1000x64xf32>
    %max3A_35 = arith.constant 0.000000e+00 : f32
    %max3A_36 = vector.broadcast %max3A_35 : f32 to vector<1000x64xf32>
    %max3A_37 = arith.maximumf %add3A_34, %max3A_36 : vector<1000x64xf32>
    %get3A_38 = arith.constant 0 : index
    %get3A_39 = arith.constant 0 : index
    %get3A_40 = arith.constant 0 : index
    %get3A_41 = vector.load %arg4[%get3A_38, %get3A_39, %get3A_40] : memref<2x64x64xf32, #tpu.memory_space<vmem>>, vector<1x64x64xf32>
    %get3A_42 = vector.shape_cast %get3A_41 : vector<1x64x64xf32> to vector<64x64xf32>
    %dot_general3A = arith.constant dense<0.000000e+00> : vector<1000x64xf32>
    %dot_general3A_43 = tpu.matmul %max3A_20, %get3A_42, %dot_general3A {dimension_numbers = #tpu.dot_dimension_numbers<[1], [0], [0], [1], [0, 0, 1, 1], [], []>, transpose_lhs_hint = false} : vector<1000x64xf32>, vector<64x64xf32>, vector<1000x64xf32> -> vector<1000x64xf32>
    %get3A_44 = arith.constant 1 : index
    %get3A_45 = arith.constant 0 : index
    %get3A_46 = arith.constant 0 : index
    %get3A_47 = vector.load %arg4[%get3A_44, %get3A_45, %get3A_46] : memref<2x64x64xf32, #tpu.memory_space<vmem>>, vector<1x64x64xf32>
    %get3A_48 = vector.shape_cast %get3A_47 : vector<1x64x64xf32> to vector<64x64xf32>
    %dot_general3A_49 = arith.constant dense<0.000000e+00> : vector<1000x64xf32>
    %dot_general3A_50 = tpu.matmul %max3A_37, %get3A_48, %dot_general3A_49 {dimension_numbers = #tpu.dot_dimension_numbers<[1], [0], [0], [1], [0, 0, 1, 1], [], []>, transpose_lhs_hint = false} : vector<1000x64xf32>, vector<64x64xf32>, vector<1000x64xf32> -> vector<1000x64xf32>
    %add3A_51 = arith.addf %dot_general3A_43, %dot_general3A_50 : vector<1000x64xf32>
    %get3A_52 = arith.constant 0 : index
    %get3A_53 = arith.constant 0 : index
    %get3A_54 = arith.constant 0 : index
    %get3A_55 = vector.load %arg2[%get3A_52, %get3A_53, %get3A_54] : memref<2x1000x16xf32, #tpu.memory_space<vmem>>, vector<1x1000x1xf32>
    %get3A_56 = vector.shape_cast %get3A_55 : vector<1x1000x1xf32> to vector<1000x1xf32>
    %max3A_57 = arith.constant 1.000000e+00 : f32
    %max3A_58 = vector.broadcast %max3A_57 : f32 to vector<1000x1xf32>
    %max3A_59 = arith.maximumf %get3A_56, %max3A_58 : vector<1000x1xf32>
    %rsqrt3A_60 = math.rsqrt %max3A_59 : vector<1000x1xf32>
    %mul3A_61 = vector.broadcast %rsqrt3A_60 : vector<1000x1xf32> to vector<1000x64xf32>
    %mul3A_62 = arith.mulf %add3A_51, %mul3A_61 : vector<1000x64xf32>
    %swap3A = arith.constant 0 : index
    %swap3A_63 = arith.constant 0 : index
    %swap3A_64 = vector.load %arg5[%swap3A, %swap3A_63] : memref<1000x64xf32, #tpu.memory_space<vmem>>, vector<1000x64xf32>
    tpu.vector_store %arg5[%swap3A, %swap3A_63], %mul3A_62 {strides = array<i32>} : memref<1000x64xf32, #tpu.memory_space<vmem>>, vector<1000x64xf32>,
    %swap3A_65 = arith.constant 0 : index
    %swap3A_66 = arith.constant 0 : index
    %swap3A_67 = vector.load %arg6[%swap3A_65, %swap3A_66] : memref<1000x128xf32, #tpu.memory_space<vmem>>, vector<1000x64xf32>
    tpu.vector_store %arg6[%swap3A_65, %swap3A_66], %max3A_20 {strides = array<i32>} : memref<1000x128xf32, #tpu.memory_space<vmem>>, vector<1000x64xf32>,
    %swap3A_68 = arith.constant 0 : index
    %swap3A_69 = arith.constant 64 : index
    %swap3A_70 = vector.load %arg6[%swap3A_68, %swap3A_69] : memref<1000x128xf32, #tpu.memory_space<vmem>>, vector<1000x64xf32>
    tpu.vector_store %arg6[%swap3A_68, %swap3A_69], %max3A_37 {strides = array<i32>} : memref<1000x128xf32, #tpu.memory_space<vmem>>, vector<1000x64xf32>,
    return
  }
  func.func @transform_0(%arg0: i32) -> (i32, i32, i32) {
    %c0_i32 = arith.constant 0 : i32
    %c0_i32_0 = arith.constant 0 : i32
    %c0_i32_1 = arith.constant 0 : i32
    return %c0_i32, %arg0, %c0_i32_0 : i32, i32, i32
  }
  func.func @transform_1(%arg0: i32) -> (i32, i32, i32) {
    %c0_i32 = arith.constant 0 : i32
    %c0_i32_0 = arith.constant 0 : i32
    %c0_i32_1 = arith.constant 0 : i32
    return %c0_i32, %arg0, %c0_i32_0 : i32, i32, i32
  }
  func.func @transform_2(%arg0: i32) -> (i32, i32, i32) {
    %c0_i32 = arith.constant 0 : i32
    %c0_i32_0 = arith.constant 0 : i32
    %c0_i32_1 = arith.constant 0 : i32
    %c0_i32_2 = arith.constant 0 : i32
    return %c0_i32, %c0_i32_0, %c0_i32_1 : i32, i32, i32
  }
  func.func @transform_3(%arg0: i32) -> (i32, i32, i32) {
    %c0_i32 = arith.constant 0 : i32
    %c0_i32_0 = arith.constant 0 : i32
    %c0_i32_1 = arith.constant 0 : i32
    %c0_i32_2 = arith.constant 0 : i32
    return %c0_i32, %c0_i32_0, %c0_i32_1 : i32, i32, i32
  }
  func.func @transform_4(%arg0: i32) -> (i32, i32) {
    %c0_i32 = arith.constant 0 : i32
    %c0_i32_0 = arith.constant 0 : i32
    return %arg0, %c0_i32 : i32, i32
  }
  func.func @transform_5(%arg0: i32) -> (i32, i32) {
    %c0_i32 = arith.constant 0 : i32
    %c0_i32_0 = arith.constant 0 : i32
    return %arg0, %c0_i32 : i32, i32
  }
}

module attributes {stable_mosaic.version = 14 : i64} {
  func.func @body(%arg0: i32, %arg1: memref<2x1000x64xf32, #tpu.memory_space<vmem>>, %arg2: memref<1x1000x16xf32, #tpu.memory_space<vmem>>, %arg3: memref<1x64xf32, #tpu.memory_space<vmem>>, %arg4: memref<1000x64xf32, #tpu.memory_space<vmem>>) attributes {dimension_semantics = [#tpu.dimension_semantics<arbitrary>], iteration_bounds = array<i64: 10>, scalar_prefetch = 0 : i64, scratch_operands = 0 : i64, tpu.core_type = #tpu.core_type<tc>, window_params = [{transform_indices = @transform_0, window_bounds = array<i64: 2, 1000, 64>}, {transform_indices = @transform_1, window_bounds = array<i64: 1, 1000, 16>}, {pipeline_mode = #tpu.pipeline_mode<synchronous>, transform_indices = @transform_2, window_bounds = array<i64: 1, 64>}, {transform_indices = @transform_3, window_bounds = array<i64: 1000, 64>}]} {
    %get3A = arith.constant 0 : index
    %get3A_0 = arith.constant 0 : index
    %get3A_1 = arith.constant 0 : index
    %get3A_2 = vector.load %arg2[%get3A, %get3A_0, %get3A_1] : memref<1x1000x16xf32, #tpu.memory_space<vmem>>, vector<1x1000x1xf32>
    %get3A_3 = vector.shape_cast %get3A_2 : vector<1x1000x1xf32> to vector<1000x1xf32>
    %max3A = arith.constant 1.000000e+00 : f32
    %max3A_4 = vector.broadcast %max3A : f32 to vector<1000x1xf32>
    %max3A_5 = arith.maximumf %get3A_3, %max3A_4 : vector<1000x1xf32>
    %rsqrt3A = math.rsqrt %max3A_5 : vector<1000x1xf32>
    %get3A_6 = arith.constant 0 : index
    %get3A_7 = arith.constant 0 : index
    %get3A_8 = arith.constant 0 : index
    %get3A_9 = vector.load %arg1[%get3A_6, %get3A_7, %get3A_8] : memref<2x1000x64xf32, #tpu.memory_space<vmem>>, vector<1x1000x64xf32>
    %get3A_10 = vector.shape_cast %get3A_9 : vector<1x1000x64xf32> to vector<1000x64xf32>
    %get3A_11 = arith.constant 1 : index
    %get3A_12 = arith.constant 0 : index
    %get3A_13 = arith.constant 0 : index
    %get3A_14 = vector.load %arg1[%get3A_11, %get3A_12, %get3A_13] : memref<2x1000x64xf32, #tpu.memory_space<vmem>>, vector<1x1000x64xf32>
    %get3A_15 = vector.shape_cast %get3A_14 : vector<1x1000x64xf32> to vector<1000x64xf32>
    %add3A = arith.addf %get3A_10, %get3A_15 : vector<1000x64xf32>
    %mul3A = vector.broadcast %rsqrt3A : vector<1000x1xf32> to vector<1000x64xf32>
    %mul3A_16 = arith.mulf %add3A, %mul3A : vector<1000x64xf32>
    %get3A_17 = arith.constant 0 : index
    %get3A_18 = arith.constant 0 : index
    %get3A_19 = vector.load %arg3[%get3A_17, %get3A_18] : memref<1x64xf32, #tpu.memory_space<vmem>>, vector<1x64xf32>
    %add3A_20 = vector.broadcast %get3A_19 : vector<1x64xf32> to vector<1000x64xf32>
    %add3A_21 = arith.addf %mul3A_16, %add3A_20 : vector<1000x64xf32>
    %swap3A = arith.constant 0 : index
    %swap3A_22 = arith.constant 0 : index
    %swap3A_23 = vector.load %arg4[%swap3A, %swap3A_22] : memref<1000x64xf32, #tpu.memory_space<vmem>>, vector<1000x64xf32>
    tpu.vector_store %arg4[%swap3A, %swap3A_22], %add3A_21 {strides = array<i32>} : memref<1000x64xf32, #tpu.memory_space<vmem>>, vector<1000x64xf32>,
    return
  }
  func.func @transform_0(%arg0: i32) -> (i32, i32, i32) {
    %c0_i32 = arith.constant 0 : i32
    %c0_i32_0 = arith.constant 0 : i32
    %c0_i32_1 = arith.constant 0 : i32
    return %c0_i32, %arg0, %c0_i32_0 : i32, i32, i32
  }
  func.func @transform_1(%arg0: i32) -> (i32, i32, i32) {
    %c1_i32 = arith.constant 1 : i32
    %c0_i32 = arith.constant 0 : i32
    %c0_i32_0 = arith.constant 0 : i32
    return %c1_i32, %arg0, %c0_i32 : i32, i32, i32
  }
  func.func @transform_2(%arg0: i32) -> (i32, i32) {
    %c0_i32 = arith.constant 0 : i32
    %c0_i32_0 = arith.constant 0 : i32
    %c0_i32_1 = arith.constant 0 : i32
    return %c0_i32, %c0_i32_0 : i32, i32
  }
  func.func @transform_3(%arg0: i32) -> (i32, i32) {
    %c0_i32 = arith.constant 0 : i32
    %c0_i32_0 = arith.constant 0 : i32
    return %arg0, %c0_i32 : i32, i32
  }
}

</mosaic_0001>

<sc_bundles>
// kernel: kernel.10.cloned.1.call-start
scs
__scs_entry_jumppad:
0x0: {  	(pc) =	sbr.rel $0x88, $3  }
0x1: {  	(tag) =	ssettag $0x0;
	lr =	simm.s32 $0x1  }
0x2: {  	[smem:$0x3F95] =	sst lr;
	_ =	strace $0xD0000000  }
0x3: {  	_ = 	snop  }
0x4: {  	_ = 	snop  }
0x5: {  	_ = 	snop  }
0x6: {  	_ = 	snop  }
0x7: {  	_ = 	snop  }
__scs_overlays_trampoline_lowered:
0x8: {  	[smem:$0x3FA4] =	sst s0  }
0x9: {  	[smem:$0x3FA5] =	sst s1  }
0xa: {  	[smem:$0x3FA6] =	sst s2  }
0xb: {  	[smem:$0x3FA7] =	sst s3  }
0xc: {  	[smem:$0x3FA8] =	sst s4  }
0xd: {  	[smem:$0x3FA9] =	sst s5  }
0xe: {  	[smem:$0x3FAA] =	sst s6  }
0xf: {  	[smem:$0x3FAB] =	sst s7  }
0x10: {  	[smem:$0x3FAC] =	sst s8  }
0x11: {  	[smem:$0x3FAD] =	sst s9;
	s0 =	simm.s32 @!p0 $0x0  }
0x12: {  	s1 =	sld [smem:$0x3F93];
	s0 =	simm.s32 @p0 $0x1  }
0x13: {  	[smem:$0x3FAE] =	sst s0;
	s0 =	simm.s32 @!p1 $0x0  }
0x14: {  	s2 =	sld [smem:$0x3F92];
	s0 =	simm.s32 @p1 $0x1  }
0x15: {  	[smem:$0x3FAF] =	sst s0;
	s0 =	simm.s32 @!p2 $0x0  }
0x16: {  	s3 =	sld [smem:$0x3FDB];
	s0 =	simm.s32 @p2 $0x1  }
0x17: {  	s4 =	simm.s32 $0x1BF5;
	[smem:$0x3FB1] =	sst s0  }
0x18: {  	s0 =	sld [smem:$0x3F94];
	_ =	swait.ge [sflag:s4], $0x0  }
0x19: {  	s7 =	sld [smem:$0x3F95]  }
0x1a: {  	s8 =	sadd.s32 $0xFFFFE003, lr  }
0x1b: {  	s9 =	sadd.s32 $0xFFFFFEF7, lr;
	s5 =	simm.s32 $0xFFFFFFFF;
	p2 =	slt.u32 s8, $0xFFFFF086  }
0x1c: {  	p1 =	slt.u32 s9, $0xF7A;
	s5 =	simm.s32 @!p2 $0x0  }
0x1d: {  	s5 =	simm.s32 @p1 $0x1;
	p0 =	seq.s32 s7, s2  }
0x1e: {  	s7 =	smul.u32 @!p0 $0xF7A, s2;
	p2 =	seq.s32 @!p0 s5, $0x0  }
0x1f: {  	s9 =	smul.u32 $0xF7A, s1;
	s8 =	simm.s32 @!p0 $0x1BF5;
	p2 =	por !p2, p0  }
0x20: {  	[sflag:s8] =	ssyncset.s32 @!p0 $0xFFFFF086;
	s6 =	sadd.s32 @!p0 s3, s7;
	s7 =	simm.s32 @!p0 $0x108  }
0x21: {  	s3 =	sadd.s32 s3, s9;
	s6 =	sadd.s32 @!p0 $0x88, s6;
	s7 =	simm.s32 @p2 $0x1082  }
0x22: {  	[simem:s7], [sflag:s8] =	dma.local @!p0 [hbm:s6], $0xF7A  }
0x23: {  	s9 =	sor.u32 $0xD0000000, s2;
	s6 =	simm.s32 $0x108;
	_ =	swait.ge @!p0 [sflag:s8], $0x0  }
0x24: {  	s3 =	sadd.s32 $0x88, s3;
	s6 =	simm.s32 @!p1 $0x1082;
	[sflag:s4] =	ssyncset.s32 $0xFFFFF086  }
0x25: {  	[simem:s6], [sflag:s4] =	dma.local [hbm:s3], $0xF7A  }
0x26: {  	[smem:$0x3F95] =	sst s1;
	(tag) =	ssettag s2;
	_ =	strace s9  }
0x27: {  	s1 =	sld [smem:$0x3FA5]  }
0x28: {  	s2 =	sld [smem:$0x3FA6]  }
0x29: {  	s4 =	sld [smem:$0x3FA8]  }
0x2a: {  	p0 =	seq.s32 s5, $0x0;
	s5 =	sld [smem:$0x3FA9]  }
0x2b: {  	s6 =	sld [smem:$0x3FAA]  }
0x2c: {  	s7 =	sld [smem:$0x3FAB]  }
0x2d: {  	s3 =	simm.s32 $0x108;
	s8 =	sld [smem:$0x3FAC]  }
0x2e: {  	s3 =	simm.s32 @!p0 $0x1082;
	s9 =	sld [smem:$0x3FAD]  }
0x2f: {  	lr =	sadd.s32 s0, s3;
	s0 =	sld [smem:$0x3FA4]  }
0x30: {  	s3 =	sld [smem:$0x3FA7]  }
0x31: {  	[smem:$0x3FB0] =	sst s10  }
0x32: {  	s10 =	sld [smem:$0x3FAE];
	_ =	sdelay $0x3  }
0x33: {  	p0 =	seq.s32 s10, $0x1;
	s10 =	sld [smem:$0x3FB0];
	_ =	sdelay $0x3  }
0x34: {  	[smem:$0x3FB0] =	sst s10  }
0x35: {  	s10 =	sld [smem:$0x3FAF];
	_ =	sdelay $0x3  }
0x36: {  	p1 =	seq.s32 s10, $0x1;
	s10 =	sld [smem:$0x3FB0];
	_ =	sdelay $0x3  }
0x37: {  	[smem:$0x3FB0] =	sst s10  }
0x38: {  	s10 =	sld [smem:$0x3FB1]  }
0x39: {  	_ = 	snop;
	(pc) =	sbr.ind lr, $3  }
0x3a: {  	_ = 	snop  }
0x3b: {  	_ = 	snop  }
0x3c: {  	p2 =	seq.s32 s10, $0x1;
	s10 =	sld [smem:$0x3FB0]  }
0x3d: {  	_ =	shalt  }
0x3e: {  	_ =	shalt  }
0x3f: {  	_ =	shalt  }
0x40: {  	_ =	shalt  }
0x41: {  	_ =	shalt  }
0x42: {  	_ =	shalt  }
0x43: {  	_ =	shalt  }
0x44: {  	_ =	shalt  }
0x45: {  	_ =	shalt  }
0x46: {  	_ =	shalt  }
0x47: {  	_ =	shalt  }
0x48: {  	_ =	shalt  }
0x49: {  	_ =	shalt  }
0x4a: {  	_ =	shalt  }
0x4b: {  	_ =	shalt  }
0x4c: {  	_ =	shalt  }
0x4d: {  	_ =	shalt  }
0x4e: {  	_ =	shalt  }
0x4f: {  	_ =	shalt  }
0x50: {  	_ =	shalt  }
0x51: {  	_ =	shalt  }
0x52: {  	_ =	shalt  }
0x53: {  	_ =	shalt  }
0x54: {  	_ =	shalt  }
0x55: {  	_ =	shalt  }
0x56: {  	_ =	shalt  }
0x57: {  	_ =	shalt  }
0x58: {  	_ =	shalt  }
0x59: {  	_ =	shalt  }
0x5a: {  	_ =	shalt  }
0x5b: {  	_ =	shalt  }
0x5c: {  	_ =	shalt  }
0x5d: {  	_ =	shalt  }
0x5e: {  	_ =	shalt  }
0x5f: {  	_ =	shalt  }
0x60: {  	_ =	shalt  }
0x61: {  	_ =	shalt  }
0x62: {  	_ =	shalt  }
0x63: {  	_ =	shalt  }
0x64: {  	_ =	shalt  }
0x65: {  	_ =	shalt  }
0x66: {  	_ =	shalt  }
0x67: {  	_ =	shalt  }
0x68: {  	_ =	shalt  }
0x69: {  	_ =	shalt  }
0x6a: {  	_ =	shalt  }
0x6b: {  	_ =	shalt  }
0x6c: {  	_ =	shalt  }
0x6d: {  	_ =	shalt  }
0x6e: {  	_ =	shalt  }
0x6f: {  	_ =	shalt  }
0x70: {  	_ =	shalt  }
0x71: {  	_ =	shalt  }
0x72: {  	_ =	shalt  }
0x73: {  	_ =	shalt  }
0x74: {  	_ =	shalt  }
0x75: {  	_ =	shalt  }
0x76: {  	_ =	shalt  }
0x77: {  	_ =	shalt  }
0x78: {  	_ =	shalt  }
0x79: {  	_ =	shalt  }
0x7a: {  	_ =	shalt  }
0x7b: {  	_ =	shalt  }
0x7c: {  	_ =	shalt  }
0x7d: {  	_ =	shalt  }
0x7e: {  	_ =	shalt  }
0x7f: {  	_ =	shalt  }
0x80: {  	_ =	shalt  }
0x81: {  	_ =	shalt  }
0x82: {  	_ =	shalt  }
0x83: {  	_ =	shalt  }
0x84: {  	_ =	shalt  }
0x85: {  	_ =	shalt  }
0x86: {  	_ =	shalt  }
0x87: {  	_ =	shalt  }
.Lfunc_end0:
.L_simem_size_0:
called_computation_lowered:
.L_overlay_start_0:
0x88: {  	s2 =	sld [smem:$0x3FD9]  }
0x89: {  	s3 =	sld [smem:$0x3FFE];
	_ =	sdelay $0x1  }
0x8a: {  	s1 =	srdreg.scid  }
0x8b: {  	s0 =	sand.u32 $0x1, s1  }
0x8c: {  	s15 =	sshll.u32 s0, $0xA;
	s2 =	sadd.s32 s3, s2  }
0x8d: {  	s2 =	sadd.s32 s2, s15  }
0x8e: {  	[smem:$0x3FBC] =	sst s2  }
0x8f: {  	_ = 	snop  }
0x90: {  	s2 =	sld [smem:$0x3FD0];
	_ =	sdelay $0x2  }
0x91: {  	s16 =	simm.s32 $0xA;
	s4 =	simm.s32 $0x10  }
0x92: {  	[smem:s4], [sflag:s16] =	dma.local [hbm:s2], $0x1  }
0x93: {  	_ =	swait.eq [sflag:s16], $0x1  }
0x94: {  	[sflag:s16] =	ssyncset.done $0x0  }
0x95: {  	s17 =	sld [smem:$0x10];
	[sflag:s16] =	ssyncadd.s32 $0xFFFFFFFF  }
0x96: {  	s18 =	sld [smem:$0x11];
	(tm) =	ssettm $0x1  }
0x97: {  	s19 =	sld [smem:$0x3FFB];
	_ =	sdelay $0x3  }
0x98: {  	_ =	strace s19  }
0x99: {  	s4 =	sld [smem:$0x3FFC];
	_ =	sdelay $0x3  }
0x9a: {  	_ =	strace s4  }
0x9b: {  	s4 =	sld [smem:$0x3FFD];
	_ =	sdelay $0x3  }
0x9c: {  	_ =	strace s4  }
0x9d: {  	_ =	strace $0x8FFFFFFF  }
0x9e: {  	s20 =	sld [smem:$0x3FDB];
	_ =	sdelay $0x1  }
0x9f: {  	s5 =	simm.s32 $_scs_section_size  }
0xa0: {  	s6 =	simm.s32 $_size__tile_overlayer_lowered;
	s7 =	simm.s32 $_tile_overlayer_lowered  }
0xa1: {  	s23 =	simm.s32 $0x1BFF;
	s22 =	sshll.u32 s7, $0x1;
	s4 =	sadd.s32 s5, s20  }
0xa2: {  	s8 =	simm.s32 $0x0;
	s21 =	sshll.u32 s6, $0x1;
	s6 =	sadd.s32 s22, s4  }
0xa3: {  	[timem:s8], [sflag:s23] =	dma.local [hbm:s6], s21  }
0xa4: {  	_ =	swait.ge [sflag:s23], s21  }
0xa5: {  	s5 =	ssub.s32 $0x0, s21;
	[sflag:s23] =	ssyncset.done $0x0  }
0xa6: {  	[sflag:s23] =	ssyncadd.s32 s5;
	_ =	sdelay $0x1  }
0xa7: {  	s24 =	simm.s32 $0x1B8B  }
0xa8: {  	_ =	swait.ge [sflag:s24], $0x1  }
0xa9: {  	[sflag:s24] =	ssyncset.done $0x0  }
0xaa: {  	s25 =	simm.s32 $0x1B8E;
	[sflag:s24] =	ssyncadd.s32 $0xFFFFFFFF  }
0xab: {  	s26 =	simm.s32 $execute0_lowered;
	[smem:$0x3FD2] =	sst s25  }
0xac: {  	s5 =	sshll.u32 s26, $0x1;
	_ =	strace $0x80000046;
	[dreg:$0x1] =	wrdreg $0xFFFFFFFF  }
0xad: {  	s28 =	simm.s32 $_size_execute0_lowered;
	s4 =	sadd.s32 s4, s5;
	[dreg:$0x0] =	wrdreg $0x0  }
0xae: {  	s5 =	sshll.u32 s28, $0x1;
	[dreg:$0x2] =	wrdreg s4  }
0xaf: {  	[dreg:$0x3] =	wrdreg s5  }
0xb0: {  	[dreg:$0x4] =	wrdreg $0xC0  }
0xb1: {  	_ =	task [dreg:s8], $0x5FFFF  }
0xb2: {  	[dreg:$0x1] =	wrdreg $0xFFFFFFFF  }
0xb3: {  	[dreg:$0x0] =	wrdreg $0x60  }
0xb4: {  	[dreg:$0x2] =	wrdreg s18  }
0xb5: {  	[dreg:$0x3] =	wrdreg s17  }
0xb6: {  	[dreg:$0x4] =	wrdreg $0x50000  }
0xb7: {  	[dreg:$0x5] =	wrdreg $0x9  }
0xb8: {  	_ =	task.clear_ibuf [dreg:s8], $0x6FFFF;
	_ =	strace $0x90000046  }
0xb9: {  	s29 =	simm.s32 $0x9;
	_ =	strace $0x80000048  }
0xba: {  	_ =	swait.ge [sflag:s29], $0x1  }
0xbb: {  	[sflag:s29] =	ssyncadd.s32 $0xFFFFFFFF  }
0xbc: {  	_ =	strace $0x90000048  }
0xbd: {  	_ =	sfence  }
0xbe: {  	s30 =	sld [smem:$0x0];
	_ =	sdelay $0x2  }
0xbf: {  	s31 =	sshll.u32 s1, $0xD;
	s1 =	sshrl.u32 s1, $0x2  }
0xc0: {  	s3 =	sand.u32 $0x4000, s31;
	s1 =	sadd.s32 s1, s30  }
0xc1: {  	s0 =	sor.u32 s3, s0;
	s1 =	sshll.u32 s1, $0x11  }
0xc2: {  	s0 =	sor.u32 s1, s0  }
0xc3: {  	s0 =	sadd.s32 $0x8F2B, s0  }
0xc4: {  	[sflag:s0] =	ssyncadd.remote.s32 $0x1  }
0xc5: {  	_ =	sfence.sel $0xFFFF  }
0xc6: {  	[dreg:$0x0] =	wrdreg $0xFFFFFFFF;
	(pc) =	sbr.abs _section_cstart, $3  }
0xc7: {  	[dreg:$0x1] =	wrdreg $0xFFFFFFFF  }
0xc8: {  	_ =	task.clear_ibuf [dreg:s8], $0x2FFFF;
	_ =	strace $0x9FFFFFFF  }
0xc9: {  	(tm) =	ssettm $0x7FFFFFFF  }
tec
execute0_lowered:
.L_overlay_start_1:
0x0: {  	(tag) =	ssettag $0x1  }
0x1: {  	s4 =	rddreg [dreg:$0x0]  }
0x2: {  	s10 =	rddreg [dreg:$0x1]  }
0x3: {  	s1 =	rddreg [dreg:$0x2];
	s2 =	srdreg.scid  }
0x4: {  	s0 =	rddreg [dreg:$0x3];
	s3 =	simm.s32 $0x0;
	s5 =	sand.u32 $0x1, s2  }
0x5: {  	s13 =	simm.s32 $0x7710;
	s2 =	stileid.u32;
	s6 =	smul.u32 $0x50000, s5  }
0x6: {  	s14 =	simm.s32 $0x7D;
	s15 =	simm.s32 $0x1;
	s7 =	smul.u32 $0x5000, s2  }
0x7: {  	s18 =	simm.s32 $0x0;
	[smem:$0x7FF] =	sst s3;
	s8 =	smul.u32 $0x2710, s2  }
0x8: {  	_ =	strace $0x80000047;
	s9 =	ssub.s32 $0x2, s5;
	s29 =	smul.u32 $0x9C40, s2  }
0x9: {  	s12 =	smul.u32 $0x27100, s5;
	s16 =	sshll.u32 s2, $0x6;
	s11 =	sshrl.u32 s9, $0x1  }
0xa: {  	s16 =	sor.u32 $0x1C02, s16;
	s6 =	sadd.s32 s7, s6;
	s11 =	ssub.s32 s9, s11  }
0xb: {  	s30 =	sshrl.u32 s29, $0x2;
	s5 =	sadd.s32 s8, s1;
	s8 =	sadd.s32 s8, s12  }
0xc: {  	s6 =	sshrl.u32 s6, $0x3;
	s31 =	sadd.s32 s30, s1;
	s12 =	sshrl.u32 s8, $0x3  }
0xd: {  	s11 =	smax.u32 s11, $0x1;
	s17 =	sshrl.u32 s5, $0x3;
	s4 =	sadd.s32 s4, s6  }
0xe: {  	s6 =	sadd.s32 $0x7D0, s31;
	s7 =	sadd.s32 $0xFA0, s31;
	s8 =	sadd.s32 $0x1770, s31  }
0xf: {  	v0 =	vimm.f32 $0.0e+00;
	v1 =	vimm.f32 $1.000000000e+00;
	s9 =	sadd.s32 $0x1F40, s31;
	s10 =	sadd.s32 s10, s12;
	s12 =	simm.s32 $0x2  }
.LBB2_1:
0x10: {  	[tilespmem:s3], [sflag:$0x2] =	stream.linear.gather [hbm4b:s4+s3], $0x5000, $0x38;
	[tilespmem:$0x7EE0] =	vst v63  }
0x11: {  	_ =	swait.ge [sflag:s12], $0x5000  }
0x12: {  	[sflag:s12] =	ssyncset.done $0x0  }
0x13: {  	s19 =	simm.s32 $0x40;
	s20 =	simm.s32 $0x0;
	[sflag:s12] =	ssyncadd.s32 $0xFFFFB000  }
.LBB2_2:
0x14: {  	p0 =	sne.s32 s19, $0x1F00;
	[tilespmem:s20+$0x7710] =	vst v0;
	s20 =	smov.u32 s19;
	s19 =	sadd.s32 $0x40, s19  }
.Ltmp0:
0x15: {  	(pc) =	sbr.rel @p0 .LBB2_2-.Ltmp0, $2  }
0x16: {  	_ =	sdelay $0x2  }
0x17: {  	s20 =	sshra.s32 s20, $0x2  }
0x18: {  	[tilespmem:s20+$0x7710] =	vst v0  }
0x19: {  	[spmem:s5] =	stream.linear.scatter [tilespmem:s13], [sflag:$0x2], $0x7D0, $0x38;
	[tilespmem:$0x7EE0] =	vst v63  }
0x1a: {  	_ =	swait.ge [sflag:s12], $0x7D0  }
0x1b: {  	[sflag:s12] =	ssyncset.done $0x0  }
0x1c: {  	[sflag:s12] =	ssyncadd.s32 $0xFFFFF830  }
0x1d: {  	[spmem:s6] =	stream.linear.scatter [tilespmem:s13], [sflag:$0x2], $0x7D0, $0x38;
	[tilespmem:$0x7EE0] =	vst v63  }
0x1e: {  	_ =	swait.ge [sflag:s12], $0x7D0  }
0x1f: {  	[sflag:s12] =	ssyncset.done $0x0  }
0x20: {  	[sflag:s12] =	ssyncadd.s32 $0xFFFFF830  }
0x21: {  	[spmem:s7] =	stream.linear.scatter [tilespmem:s13], [sflag:$0x2], $0x7D0, $0x38;
	[tilespmem:$0x7EE0] =	vst v63  }
0x22: {  	_ =	swait.ge [sflag:s12], $0x7D0  }
0x23: {  	[sflag:s12] =	ssyncset.done $0x0  }
0x24: {  	[sflag:s12] =	ssyncadd.s32 $0xFFFFF830  }
0x25: {  	[spmem:s8] =	stream.linear.scatter [tilespmem:s13], [sflag:$0x2], $0x7D0, $0x38;
	[tilespmem:$0x7EE0] =	vst v63  }
0x26: {  	_ =	swait.ge [sflag:s12], $0x7D0  }
0x27: {  	[sflag:s12] =	ssyncset.done $0x0  }
0x28: {  	[sflag:s12] =	ssyncadd.s32 $0xFFFFF830  }
0x29: {  	[spmem:s9] =	stream.linear.scatter [tilespmem:s13], [sflag:$0x2], $0x7D0, $0x38;
	[tilespmem:$0x7EE0] =	vst v63  }
0x2a: {  	_ =	swait.ge [sflag:s12], $0x7D0  }
0x2b: {  	[sflag:s12] =	ssyncset.done $0x0  }
0x2c: {  	s19 =	simm.s32 $0x40;
	s20 =	simm.s32 $0x0;
	[sflag:s12] =	ssyncadd.s32 $0xFFFFF830  }
.LBB2_4:
0x2d: {  	p0 =	sne.s32 s19, $0x1F00;
	[tilespmem:s20+$0x7710] =	vst v1;
	s20 =	smov.u32 s19;
	s19 =	sadd.s32 $0x40, s19  }
.Ltmp1:
0x2e: {  	(pc) =	sbr.rel @p0 .LBB2_4-.Ltmp1, $2  }
0x2f: {  	_ =	sdelay $0x2  }
0x30: {  	s20 =	sshra.s32 s20, $0x2  }
0x31: {  	[tilespmem:s20+$0x7710] =	vst v1  }
0x32: {  	s19 =	simm.s32 $0x0;
	[bflag:$0x0] =	sbarrier.arrive $0xFFFF  }
0x33: {  	[spmem:s1] =	stream.indirect.scatter.add.f32 [tilespmem:s13], [sflag:$0x1], $0x10, s19, s14, $0xb8;
	[tilespmem:$0x7EE0] =	vst v63  }
0x34: {  	s24 =	simm.s32 $0x80  }
0x35: {  	[spmem:s1] =	stream.indirect.scatter.add.f32 [tilespmem:s13], [sflag:$0x1], $0x10, s24, s14, $0xb8;
	[tilespmem:$0x7EE0] =	vst v63  }
0x36: {  	s25 =	simm.s32 $0x100  }
0x37: {  	[spmem:s1] =	stream.indirect.scatter.add.f32 [tilespmem:s13], [sflag:$0x1], $0x10, s25, s14, $0xb8;
	[tilespmem:$0x7EE0] =	vst v63  }
0x38: {  	s26 =	simm.s32 $0x180  }
0x39: {  	[spmem:s1] =	stream.indirect.scatter.add.f32 [tilespmem:s13], [sflag:$0x1], $0x10, s26, s14, $0xb8;
	[tilespmem:$0x7EE0] =	vst v63  }
0x3a: {  	s28 =	simm.s32 $0x200  }
0x3b: {  	[spmem:s1] =	stream.indirect.scatter.add.f32 [tilespmem:s13], [sflag:$0x1], $0x10, s28, s14, $0xb8;
	[tilespmem:$0x7EE0] =	vst v63  }
0x3c: {  	s29 =	simm.s32 $0x280  }
0x3d: {  	[spmem:s1] =	stream.indirect.scatter.add.f32 [tilespmem:s13], [sflag:$0x1], $0x10, s29, s14, $0xb8;
	[tilespmem:$0x7EE0] =	vst v63  }
0x3e: {  	s30 =	simm.s32 $0x300  }
0x3f: {  	[spmem:s1] =	stream.indirect.scatter.add.f32 [tilespmem:s13], [sflag:$0x1], $0x10, s30, s14, $0xb8;
	[tilespmem:$0x7EE0] =	vst v63  }
0x40: {  	s31 =	simm.s32 $0x380  }
0x41: {  	[spmem:s1] =	stream.indirect.scatter.add.f32 [tilespmem:s13], [sflag:$0x1], $0x10, s31, s14, $0xb8;
	[tilespmem:$0x7EE0] =	vst v63  }
0x42: {  	_ =	swait.ge [sflag:s15], $0x7D0  }
0x43: {  	[sflag:s15] =	ssyncset.done $0x0  }
0x44: {  	[sflag:s15] =	ssyncadd.s32 $0xFFFFF830  }
0x45: {  	_ =	swait.ge [sflag:s15], $0x7D0  }
0x46: {  	[sflag:s15] =	ssyncset.done $0x0  }
0x47: {  	[sflag:s15] =	ssyncadd.s32 $0xFFFFF830  }
0x48: {  	_ =	swait.ge [sflag:s15], $0x7D0  }
0x49: {  	[sflag:s15] =	ssyncset.done $0x0  }
0x4a: {  	[sflag:s15] =	ssyncadd.s32 $0xFFFFF830  }
0x4b: {  	_ =	swait.ge [sflag:s15], $0x7D0  }
0x4c: {  	[sflag:s15] =	ssyncset.done $0x0  }
0x4d: {  	[sflag:s15] =	ssyncadd.s32 $0xFFFFF830  }
0x4e: {  	_ =	swait.ge [sflag:s15], $0x7D0  }
0x4f: {  	[sflag:s15] =	ssyncset.done $0x0  }
0x50: {  	[sflag:s15] =	ssyncadd.s32 $0xFFFFF830  }
0x51: {  	_ =	swait.ge [sflag:s15], $0x7D0  }
0x52: {  	[sflag:s15] =	ssyncset.done $0x0  }
0x53: {  	[sflag:s15] =	ssyncadd.s32 $0xFFFFF830  }
0x54: {  	_ =	swait.ge [sflag:s15], $0x7D0  }
0x55: {  	[sflag:s15] =	ssyncset.done $0x0  }
0x56: {  	[sflag:s15] =	ssyncadd.s32 $0xFFFFF830  }
0x57: {  	_ =	swait.ge [sflag:s15], $0x7D0  }
0x58: {  	s21 =	simm.s32 $0x2000;
	s19 =	simm.s32 $0x1000;
	[sflag:s15] =	ssyncset.done $0x0  }
.LBB2_6:
0x59: {  	s22 =	sshra.s32 s19, $0x2  }
0x5a: {  	[sflag:s15] =	ssyncadd.s32 $0xFFFFF830;
	s19 =	smov.u32 s21;
	s20 =	sadd.s32 $0x1000, s21  }
0x5b: {  	[spmem:s1] =	stream.indirect.scatter.add.f32 [tilespmem:s13], [sflag:$0x1], $0x10, s22, s14, $0xb8;
	[tilespmem:$0x7EE0] =	vst v63  }
0x5c: {  	p0 =	sne.s32 s21, $0x13000;
	s21 =	sadd.s32 $0x80, s22  }
0x5d: {  	[spmem:s1] =	stream.indirect.scatter.add.f32 [tilespmem:s13], [sflag:$0x1], $0x10, s21, s14, $0xb8;
	[tilespmem:$0x7EE0] =	vst v63  }
0x5e: {  	s21 =	sadd.s32 $0x100, s22  }
0x5f: {  	[spmem:s1] =	stream.indirect.scatter.add.f32 [tilespmem:s13], [sflag:$0x1], $0x10, s21, s14, $0xb8;
	[tilespmem:$0x7EE0] =	vst v63  }
0x60: {  	s21 =	sadd.s32 $0x180, s22  }
0x61: {  	[spmem:s1] =	stream.indirect.scatter.add.f32 [tilespmem:s13], [sflag:$0x1], $0x10, s21, s14, $0xb8;
	[tilespmem:$0x7EE0] =	vst v63  }
0x62: {  	s21 =	sadd.s32 $0x200, s22  }
0x63: {  	[spmem:s1] =	stream.indirect.scatter.add.f32 [tilespmem:s13], [sflag:$0x1], $0x10, s21, s14, $0xb8;
	[tilespmem:$0x7EE0] =	vst v63  }
0x64: {  	s21 =	sadd.s32 $0x280, s22  }
0x65: {  	[spmem:s1] =	stream.indirect.scatter.add.f32 [tilespmem:s13], [sflag:$0x1], $0x10, s21, s14, $0xb8;
	[tilespmem:$0x7EE0] =	vst v63  }
0x66: {  	s21 =	sadd.s32 $0x300, s22  }
0x67: {  	[spmem:s1] =	stream.indirect.scatter.add.f32 [tilespmem:s13], [sflag:$0x1], $0x10, s21, s14, $0xb8;
	[tilespmem:$0x7EE0] =	vst v63  }
0x68: {  	s21 =	sadd.s32 $0x380, s22  }
0x69: {  	[spmem:s1] =	stream.indirect.scatter.add.f32 [tilespmem:s13], [sflag:$0x1], $0x10, s21, s14, $0xb8;
	[tilespmem:$0x7EE0] =	vst v63  }
0x6a: {  	_ =	swait.ge [sflag:s15], $0x7D0  }
0x6b: {  	[sflag:s15] =	ssyncset.done $0x0  }
0x6c: {  	[sflag:s15] =	ssyncadd.s32 $0xFFFFF830  }
0x6d: {  	_ =	swait.ge [sflag:s15], $0x7D0  }
0x6e: {  	[sflag:s15] =	ssyncset.done $0x0  }
0x6f: {  	[sflag:s15] =	ssyncadd.s32 $0xFFFFF830  }
0x70: {  	_ =	swait.ge [sflag:s15], $0x7D0  }
0x71: {  	[sflag:s15] =	ssyncset.done $0x0  }
0x72: {  	[sflag:s15] =	ssyncadd.s32 $0xFFFFF830  }
0x73: {  	_ =	swait.ge [sflag:s15], $0x7D0  }
0x74: {  	[sflag:s15] =	ssyncset.done $0x0  }
0x75: {  	[sflag:s15] =	ssyncadd.s32 $0xFFFFF830  }
0x76: {  	_ =	swait.ge [sflag:s15], $0x7D0  }
0x77: {  	[sflag:s15] =	ssyncset.done $0x0  }
0x78: {  	[sflag:s15] =	ssyncadd.s32 $0xFFFFF830  }
0x79: {  	_ =	swait.ge [sflag:s15], $0x7D0  }
0x7a: {  	[sflag:s15] =	ssyncset.done $0x0  }
0x7b: {  	[sflag:s15] =	ssyncadd.s32 $0xFFFFF830  }
.Ltmp2:
0x7c: {  	_ =	swait.ge [sflag:s15], $0x7D0;
	(pc) =	sbr.rel @p0 .LBB2_6-.Ltmp2, $4  }
0x7d: {  	[sflag:s15] =	ssyncset.done $0x0  }
0x7e: {  	[sflag:s15] =	ssyncadd.s32 $0xFFFFF830  }
0x7f: {  	_ =	swait.ge [sflag:s15], $0x7D0  }
0x80: {  	s21 =	smov.u32 s20;
	[sflag:s15] =	ssyncset.done $0x0  }
0x81: {  	s19 =	sshra.s32 s19, $0x2;
	[sflag:s15] =	ssyncadd.s32 $0xFFFFF830  }
0x82: {  	[spmem:s1] =	stream.indirect.scatter.add.f32 [tilespmem:s13], [sflag:$0x1], $0x10, s19, s14, $0xb8;
	[tilespmem:$0x7EE0] =	vst v63  }
0x83: {  	s20 =	sadd.s32 $0x80, s19  }
0x84: {  	[spmem:s1] =	stream.indirect.scatter.add.f32 [tilespmem:s13], [sflag:$0x1], $0x10, s20, s14, $0xb8;
	[tilespmem:$0x7EE0] =	vst v63  }
0x85: {  	s26 =	sadd.s32 $0x100, s19  }
0x86: {  	[spmem:s1] =	stream.indirect.scatter.add.f32 [tilespmem:s13], [sflag:$0x1], $0x10, s26, s14, $0xb8;
	[tilespmem:$0x7EE0] =	vst v63  }
0x87: {  	s28 =	sadd.s32 $0x180, s19  }
0x88: {  	[spmem:s1] =	stream.indirect.scatter.add.f32 [tilespmem:s13], [sflag:$0x1], $0x10, s28, s14, $0xb8;
	[tilespmem:$0x7EE0] =	vst v63  }
0x89: {  	s29 =	sadd.s32 $0x200, s19  }
0x8a: {  	[spmem:s1] =	stream.indirect.scatter.add.f32 [tilespmem:s13], [sflag:$0x1], $0x10, s29, s14, $0xb8;
	[tilespmem:$0x7EE0] =	vst v63  }
0x8b: {  	s30 =	sadd.s32 $0x280, s19  }
0x8c: {  	[spmem:s1] =	stream.indirect.scatter.add.f32 [tilespmem:s13], [sflag:$0x1], $0x10, s30, s14, $0xb8;
	[tilespmem:$0x7EE0] =	vst v63  }
0x8d: {  	s31 =	sadd.s32 $0x300, s19  }
0x8e: {  	[spmem:s1] =	stream.indirect.scatter.add.f32 [tilespmem:s13], [sflag:$0x1], $0x10, s31, s14, $0xb8;
	[tilespmem:$0x7EE0] =	vst v63  }
0x8f: {  	s19 =	sadd.s32 $0x380, s19  }
0x90: {  	[spmem:s1] =	stream.indirect.scatter.add.f32 [tilespmem:s13], [sflag:$0x1], $0x10, s19, s14, $0xb8;
	[tilespmem:$0x7EE0] =	vst v63  }
0x91: {  	_ =	swait.ge [sflag:s15], $0x7D0  }
0x92: {  	[sflag:s15] =	ssyncset.done $0x0  }
0x93: {  	[sflag:s15] =	ssyncadd.s32 $0xFFFFF830  }
0x94: {  	_ =	swait.ge [sflag:s15], $0x7D0  }
0x95: {  	[sflag:s15] =	ssyncset.done $0x0  }
0x96: {  	[sflag:s15] =	ssyncadd.s32 $0xFFFFF830  }
0x97: {  	_ =	swait.ge [sflag:s15], $0x7D0  }
0x98: {  	[sflag:s15] =	ssyncset.done $0x0  }
0x99: {  	[sflag:s15] =	ssyncadd.s32 $0xFFFFF830  }
0x9a: {  	_ =	swait.ge [sflag:s15], $0x7D0  }
0x9b: {  	[sflag:s15] =	ssyncset.done $0x0  }
0x9c: {  	[sflag:s15] =	ssyncadd.s32 $0xFFFFF830  }
0x9d: {  	_ =	swait.ge [sflag:s15], $0x7D0  }
0x9e: {  	[sflag:s15] =	ssyncset.done $0x0  }
0x9f: {  	[sflag:s15] =	ssyncadd.s32 $0xFFFFF830  }
0xa0: {  	_ =	swait.ge [sflag:s15], $0x7D0  }
0xa1: {  	[sflag:s15] =	ssyncset.done $0x0  }
0xa2: {  	[sflag:s15] =	ssyncadd.s32 $0xFFFFF830  }
0xa3: {  	_ =	swait.ge [sflag:s15], $0x7D0  }
0xa4: {  	[sflag:s15] =	ssyncset.done $0x0  }
0xa5: {  	[sflag:s15] =	ssyncadd.s32 $0xFFFFF830  }
0xa6: {  	_ =	swait.ge [sflag:s15], $0x7D0  }
0xa7: {  	s18 =	sadd.s32 $0x1, s18;
	[sflag:s15] =	ssyncset.done $0x0  }
0xa8: {  	p0 =	sne.s32 s18, s11;
	[sflag:s15] =	ssyncadd.s32 $0xFFFFF830  }
.Ltmp3:
0xa9: {  	[bflag:$0x0] =	sbarrier.arrive $0xFFFF;
	(pc) =	sbr.rel @p0 .LBB2_1-.Ltmp3, $4  }
0xaa: {  	[hbm:s10], [sflag:s16] =	dma.local [spmem:s17], $0x4E2  }
0xab: {  	_ =	swait.ge [sflag:s12], $0x4E2  }
0xac: {  	[sflag:s12] =	ssyncset.done $0x0  }
0xad: {  	[sflag:s12] =	ssyncadd.s32 $0xFFFFFB1E  }
0xae: {  	_ =	sfence.sel $0x180000  }
0xaf: {  	[bflag:$0x0] =	sbarrier.arrive $0xFFFF  }
0xb0: {  	p0 =	sne.s32 s2, $0x0;
	_ =	strace $0x90000047  }
0xb1: {  	s0 =	sadd.s32 @!p0 $0x100000, s0;
	[bflag:$0x2] =	sbarrier.arrive $0xFFFF  }
0xb2: {  	[sflag:s0] =	ssyncadd.tile.s32 @!p0 $0x1;
	_ =	shalt  }
.Lfunc_end2:
_tile_overlayer_lowered:
.L_overlay_start_2:
0xb3: {  	(tag) =	ssettag $0x2  }
0xb4: {  	s0 =	rddreg [dreg:$0x0];
	s2 =	stileid.u32  }
0xb5: {  	s1 =	rddreg [dreg:$0x1];
	p0 =	sne.s32 s2, $0x0  }
0xb6: {  	s3 =	rddreg [dreg:$0x2];
	[bflag:$0x3] =	sbarrier.arrive $0xFFFF;
	s2 =	simm.s32 @!p0 $0x1C02  }
0xb7: {  	[timem:s3], [sflag:s2] =	dma.local @!p0 [hbm:s0], s1  }
0xb8: {  	s0 =	simm.s32 @!p0 $0x2  }
0xb9: {  	_ =	swait.ge @!p0 [sflag:s0], s1  }
0xba: {  	s1 =	ssub.s32 @!p0 $0x0, s1;
	[sflag:s0] =	ssyncset.done @!p0 $0x0  }
0xbb: {  	[sflag:s0] =	ssyncadd.s32 @!p0 s1  }
0xbc: {  	[bflag:$0x3] =	sbarrier.arrive $0xFFFF  }
0xbd: {  	_ =	shalt  }

// kernel: kernel.13.cloned.1.call-start
scs
__scs_entry_jumppad:
0x0: {  	(pc) =	sbr.rel $0x88, $3  }
0x1: {  	(tag) =	ssettag $0x0;
	lr =	simm.s32 $0x1  }
0x2: {  	[smem:$0x3F95] =	sst lr;
	_ =	strace $0xD0000000  }
0x3: {  	_ = 	snop  }
0x4: {  	_ = 	snop  }
0x5: {  	_ = 	snop  }
0x6: {  	_ = 	snop  }
0x7: {  	_ = 	snop  }
__scs_overlays_trampoline_lowered:
0x8: {  	[smem:$0x3FA4] =	sst s0  }
0x9: {  	[smem:$0x3FA5] =	sst s1  }
0xa: {  	[smem:$0x3FA6] =	sst s2  }
0xb: {  	[smem:$0x3FA7] =	sst s3  }
0xc: {  	[smem:$0x3FA8] =	sst s4  }
0xd: {  	[smem:$0x3FA9] =	sst s5  }
0xe: {  	[smem:$0x3FAA] =	sst s6  }
0xf: {  	[smem:$0x3FAB] =	sst s7  }
0x10: {  	[smem:$0x3FAC] =	sst s8  }
0x11: {  	[smem:$0x3FAD] =	sst s9;
	s0 =	simm.s32 @!p0 $0x0  }
0x12: {  	s1 =	sld [smem:$0x3F93];
	s0 =	simm.s32 @p0 $0x1  }
0x13: {  	[smem:$0x3FAE] =	sst s0;
	s0 =	simm.s32 @!p1 $0x0  }
0x14: {  	s2 =	sld [smem:$0x3F92];
	s0 =	simm.s32 @p1 $0x1  }
0x15: {  	[smem:$0x3FAF] =	sst s0;
	s0 =	simm.s32 @!p2 $0x0  }
0x16: {  	s3 =	sld [smem:$0x3FDB];
	s0 =	simm.s32 @p2 $0x1  }
0x17: {  	s4 =	simm.s32 $0x1BF5;
	[smem:$0x3FB1] =	sst s0  }
0x18: {  	s0 =	sld [smem:$0x3F94];
	_ =	swait.ge [sflag:s4], $0x0  }
0x19: {  	s7 =	sld [smem:$0x3F95]  }
0x1a: {  	s8 =	sadd.s32 $0xFFFFE003, lr  }
0x1b: {  	s9 =	sadd.s32 $0xFFFFFEF7, lr;
	s5 =	simm.s32 $0xFFFFFFFF;
	p2 =	slt.u32 s8, $0xFFFFF086  }
0x1c: {  	p1 =	slt.u32 s9, $0xF7A;
	s5 =	simm.s32 @!p2 $0x0  }
0x1d: {  	s5 =	simm.s32 @p1 $0x1;
	p0 =	seq.s32 s7, s2  }
0x1e: {  	s7 =	smul.u32 @!p0 $0xF7A, s2;
	p2 =	seq.s32 @!p0 s5, $0x0  }
0x1f: {  	s9 =	smul.u32 $0xF7A, s1;
	s8 =	simm.s32 @!p0 $0x1BF5;
	p2 =	por !p2, p0  }
0x20: {  	[sflag:s8] =	ssyncset.s32 @!p0 $0xFFFFF086;
	s6 =	sadd.s32 @!p0 s3, s7;
	s7 =	simm.s32 @!p0 $0x108  }
0x21: {  	s3 =	sadd.s32 s3, s9;
	s6 =	sadd.s32 @!p0 $0x88, s6;
	s7 =	simm.s32 @p2 $0x1082  }
0x22: {  	[simem:s7], [sflag:s8] =	dma.local @!p0 [hbm:s6], $0xF7A  }
0x23: {  	s9 =	sor.u32 $0xD0000000, s2;
	s6 =	simm.s32 $0x108;
	_ =	swait.ge @!p0 [sflag:s8], $0x0  }
0x24: {  	s3 =	sadd.s32 $0x88, s3;
	s6 =	simm.s32 @!p1 $0x1082;
	[sflag:s4] =	ssyncset.s32 $0xFFFFF086  }
0x25: {  	[simem:s6], [sflag:s4] =	dma.local [hbm:s3], $0xF7A  }
0x26: {  	[smem:$0x3F95] =	sst s1;
	(tag) =	ssettag s2;
	_ =	strace s9  }
0x27: {  	s1 =	sld [smem:$0x3FA5]  }
0x28: {  	s2 =	sld [smem:$0x3FA6]  }
0x29: {  	s4 =	sld [smem:$0x3FA8]  }
0x2a: {  	p0 =	seq.s32 s5, $0x0;
	s5 =	sld [smem:$0x3FA9]  }
0x2b: {  	s6 =	sld [smem:$0x3FAA]  }
0x2c: {  	s7 =	sld [smem:$0x3FAB]  }
0x2d: {  	s3 =	simm.s32 $0x108;
	s8 =	sld [smem:$0x3FAC]  }
0x2e: {  	s3 =	simm.s32 @!p0 $0x1082;
	s9 =	sld [smem:$0x3FAD]  }
0x2f: {  	lr =	sadd.s32 s0, s3;
	s0 =	sld [smem:$0x3FA4]  }
0x30: {  	s3 =	sld [smem:$0x3FA7]  }
0x31: {  	[smem:$0x3FB0] =	sst s10  }
0x32: {  	s10 =	sld [smem:$0x3FAE];
	_ =	sdelay $0x3  }
0x33: {  	p0 =	seq.s32 s10, $0x1;
	s10 =	sld [smem:$0x3FB0];
	_ =	sdelay $0x3  }
0x34: {  	[smem:$0x3FB0] =	sst s10  }
0x35: {  	s10 =	sld [smem:$0x3FAF];
	_ =	sdelay $0x3  }
0x36: {  	p1 =	seq.s32 s10, $0x1;
	s10 =	sld [smem:$0x3FB0];
	_ =	sdelay $0x3  }
0x37: {  	[smem:$0x3FB0] =	sst s10  }
0x38: {  	s10 =	sld [smem:$0x3FB1]  }
0x39: {  	_ = 	snop;
	(pc) =	sbr.ind lr, $3  }
0x3a: {  	_ = 	snop  }
0x3b: {  	_ = 	snop  }
0x3c: {  	p2 =	seq.s32 s10, $0x1;
	s10 =	sld [smem:$0x3FB0]  }
0x3d: {  	_ =	shalt  }
0x3e: {  	_ =	shalt  }
0x3f: {  	_ =	shalt  }
0x40: {  	_ =	shalt  }
0x41: {  	_ =	shalt  }
0x42: {  	_ =	shalt  }
0x43: {  	_ =	shalt  }
0x44: {  	_ =	shalt  }
0x45: {  	_ =	shalt  }
0x46: {  	_ =	shalt  }
0x47: {  	_ =	shalt  }
0x48: {  	_ =	shalt  }
0x49: {  	_ =	shalt  }
0x4a: {  	_ =	shalt  }
0x4b: {  	_ =	shalt  }
0x4c: {  	_ =	shalt  }
0x4d: {  	_ =	shalt  }
0x4e: {  	_ =	shalt  }
0x4f: {  	_ =	shalt  }
0x50: {  	_ =	shalt  }
0x51: {  	_ =	shalt  }
0x52: {  	_ =	shalt  }
0x53: {  	_ =	shalt  }
0x54: {  	_ =	shalt  }
0x55: {  	_ =	shalt  }
0x56: {  	_ =	shalt  }
0x57: {  	_ =	shalt  }
0x58: {  	_ =	shalt  }
0x59: {  	_ =	shalt  }
0x5a: {  	_ =	shalt  }
0x5b: {  	_ =	shalt  }
0x5c: {  	_ =	shalt  }
0x5d: {  	_ =	shalt  }
0x5e: {  	_ =	shalt  }
0x5f: {  	_ =	shalt  }
0x60: {  	_ =	shalt  }
0x61: {  	_ =	shalt  }
0x62: {  	_ =	shalt  }
0x63: {  	_ =	shalt  }
0x64: {  	_ =	shalt  }
0x65: {  	_ =	shalt  }
0x66: {  	_ =	shalt  }
0x67: {  	_ =	shalt  }
0x68: {  	_ =	shalt  }
0x69: {  	_ =	shalt  }
0x6a: {  	_ =	shalt  }
0x6b: {  	_ =	shalt  }
0x6c: {  	_ =	shalt  }
0x6d: {  	_ =	shalt  }
0x6e: {  	_ =	shalt  }
0x6f: {  	_ =	shalt  }
0x70: {  	_ =	shalt  }
0x71: {  	_ =	shalt  }
0x72: {  	_ =	shalt  }
0x73: {  	_ =	shalt  }
0x74: {  	_ =	shalt  }
0x75: {  	_ =	shalt  }
0x76: {  	_ =	shalt  }
0x77: {  	_ =	shalt  }
0x78: {  	_ =	shalt  }
0x79: {  	_ =	shalt  }
0x7a: {  	_ =	shalt  }
0x7b: {  	_ =	shalt  }
0x7c: {  	_ =	shalt  }
0x7d: {  	_ =	shalt  }
0x7e: {  	_ =	shalt  }
0x7f: {  	_ =	shalt  }
0x80: {  	_ =	shalt  }
0x81: {  	_ =	shalt  }
0x82: {  	_ =	shalt  }
0x83: {  	_ =	shalt  }
0x84: {  	_ =	shalt  }
0x85: {  	_ =	shalt  }
0x86: {  	_ =	shalt  }
0x87: {  	_ =	shalt  }
.Lfunc_end0:
.L_simem_size_0:
called_computation.1_lowered:
.L_overlay_start_0:
0x88: {  	s2 =	sld [smem:$0x3FD9]  }
0x89: {  	s3 =	sld [smem:$0x3FFE];
	_ =	sdelay $0x1  }
0x8a: {  	s1 =	srdreg.scid  }
0x8b: {  	s0 =	sand.u32 $0x1, s1  }
0x8c: {  	s14 =	sshll.u32 s0, $0xA;
	s2 =	sadd.s32 s3, s2  }
0x8d: {  	s2 =	sadd.s32 s2, s14  }
0x8e: {  	[smem:$0x3FBC] =	sst s2  }
0x8f: {  	_ = 	snop  }
0x90: {  	s2 =	sld [smem:$0x3FD0];
	_ =	sdelay $0x2  }
0x91: {  	s15 =	simm.s32 $0xA;
	s4 =	simm.s32 $0x10  }
0x92: {  	[smem:s4], [sflag:s15] =	dma.local [hbm:s2], $0x1  }
0x93: {  	_ =	swait.eq [sflag:s15], $0x1  }
0x94: {  	[sflag:s15] =	ssyncset.done $0x0  }
0x95: {  	s16 =	sld [smem:$0x10];
	[sflag:s15] =	ssyncadd.s32 $0xFFFFFFFF  }
0x96: {  	s17 =	sld [smem:$0x11];
	(tm) =	ssettm $0x1  }
0x97: {  	s18 =	sld [smem:$0x3FFB];
	_ =	sdelay $0x3  }
0x98: {  	_ =	strace s18  }
0x99: {  	s4 =	sld [smem:$0x3FFC];
	_ =	sdelay $0x3  }
0x9a: {  	_ =	strace s4  }
0x9b: {  	s4 =	sld [smem:$0x3FFD];
	_ =	sdelay $0x3  }
0x9c: {  	_ =	strace s4  }
0x9d: {  	_ =	strace $0x8FFFFFFF  }
0x9e: {  	s19 =	sld [smem:$0x3FDB];
	_ =	sdelay $0x1  }
0x9f: {  	s5 =	simm.s32 $_scs_section_size  }
0xa0: {  	s6 =	simm.s32 $_size__tile_overlayer_lowered;
	s7 =	simm.s32 $_tile_overlayer_lowered  }
0xa1: {  	s22 =	simm.s32 $0x1BFF;
	s21 =	sshll.u32 s7, $0x1;
	s4 =	sadd.s32 s5, s19  }
0xa2: {  	s8 =	simm.s32 $0x0;
	s20 =	sshll.u32 s6, $0x1;
	s6 =	sadd.s32 s21, s4  }
0xa3: {  	[timem:s8], [sflag:s22] =	dma.local [hbm:s6], s20  }
0xa4: {  	_ =	swait.ge [sflag:s22], s20  }
0xa5: {  	s5 =	ssub.s32 $0x0, s20;
	[sflag:s22] =	ssyncset.done $0x0  }
0xa6: {  	[sflag:s22] =	ssyncadd.s32 s5;
	_ =	sdelay $0x1  }
0xa7: {  	s23 =	simm.s32 $0x1B8B  }
0xa8: {  	_ =	swait.ge [sflag:s23], $0x1  }
0xa9: {  	[sflag:s23] =	ssyncset.done $0x0  }
0xaa: {  	s25 =	simm.s32 $0x1B8E;
	s24 =	sld [smem:$0x3FFE];
	[sflag:s23] =	ssyncadd.s32 $0xFFFFFFFF  }
0xab: {  	s26 =	simm.s32 $execute0_lowered;
	[smem:$0x3FD2] =	sst s25  }
0xac: {  	s6 =	sshll.u32 s26, $0x1;
	_ =	strace $0x80000049;
	[dreg:$0x1] =	wrdreg $0xFFFFFFFF  }
0xad: {  	s28 =	simm.s32 $_size_execute0_lowered;
	s4 =	sadd.s32 s4, s6;
	[dreg:$0x0] =	wrdreg $0x0  }
0xae: {  	s6 =	sshll.u32 s28, $0x1;
	[dreg:$0x2] =	wrdreg s4  }
0xaf: {  	[dreg:$0x3] =	wrdreg s6  }
0xb0: {  	[dreg:$0x4] =	wrdreg $0xC0  }
0xb1: {  	_ =	task [dreg:s8], $0x5FFFF  }
0xb2: {  	[dreg:$0x1] =	wrdreg $0xFFFFFFFF  }
0xb3: {  	[dreg:$0x0] =	wrdreg $0x60  }
0xb4: {  	[dreg:$0x2] =	wrdreg s16  }
0xb5: {  	[dreg:$0x3] =	wrdreg s24  }
0xb6: {  	[dreg:$0x4] =	wrdreg s17  }
0xb7: {  	[dreg:$0x5] =	wrdreg $0xA0000  }
0xb8: {  	[dreg:$0x6] =	wrdreg $0x9  }
0xb9: {  	_ =	task.clear_ibuf [dreg:s8], $0x7FFFF;
	_ =	strace $0x90000049  }
0xba: {  	s29 =	simm.s32 $0x9;
	_ =	strace $0x8000004B  }
0xbb: {  	_ =	swait.ge [sflag:s29], $0x1  }
0xbc: {  	[sflag:s29] =	ssyncadd.s32 $0xFFFFFFFF  }
0xbd: {  	_ =	strace $0x9000004B  }
0xbe: {  	_ =	sfence  }
0xbf: {  	s30 =	sld [smem:$0x0];
	_ =	sdelay $0x2  }
0xc0: {  	s31 =	sshll.u32 s1, $0xD;
	s1 =	sshrl.u32 s1, $0x2  }
0xc1: {  	s3 =	sand.u32 $0x4000, s31;
	s1 =	sadd.s32 s1, s30  }
0xc2: {  	s0 =	sor.u32 s3, s0;
	s1 =	sshll.u32 s1, $0x11  }
0xc3: {  	s0 =	sor.u32 s1, s0  }
0xc4: {  	s0 =	sadd.s32 $0x8F2B, s0  }
0xc5: {  	[sflag:s0] =	ssyncadd.remote.s32 $0x1  }
0xc6: {  	_ =	sfence.sel $0xFFFF  }
0xc7: {  	[dreg:$0x0] =	wrdreg $0xFFFFFFFF;
	(pc) =	sbr.abs _section_cstart, $3  }
0xc8: {  	[dreg:$0x1] =	wrdreg $0xFFFFFFFF  }
0xc9: {  	_ =	task.clear_ibuf [dreg:s8], $0x2FFFF;
	_ =	strace $0x9FFFFFFF  }
0xca: {  	(tm) =	ssettm $0x7FFFFFFF  }
0xcb: {  	_ =	shalt  }
tec
execute0_lowered:
.L_overlay_start_1:
0x0: {  	(tag) =	ssettag $0x1  }
0x1: {  	s1 =	rddreg [dreg:$0x0]  }
0x2: {  	s0 =	rddreg [dreg:$0x1]  }
0x3: {  	s13 =	rddreg [dreg:$0x2]  }
0x4: {  	s2 =	rddreg [dreg:$0x3]  }
0x5: {  	s4 =	simm.s32 $0x0;
	s5 =	srdreg.scid;
	s3 =	stileid.u32  }
0x6: {  	s16 =	simm.s32 $0x5;
	s17 =	simm.s32 $0x7D;
	s18 =	simm.s32 $0x17AC0  }
0x7: {  	s20 =	simm.s32 $0x19A00;
	s21 =	simm.s32 $0x5000;
	s22 =	simm.s32 $0x13C40  }
0x8: {  	s29 =	simm.s32 $0x3;
	s24 =	simm.s32 $0x4;
	s28 =	simm.s32 $0x9F80  }
0x9: {  	s30 =	simm.s32 $0x0;
	[smem:$0x7FF] =	sst s4;
	s6 =	smul.u32 $0xA00, s3  }
0xa: {  	s7 =	sand.u32 $0x1, s5;
	s5 =	sadd.s32 $0x64800, s0;
	s10 =	smul.u32 $0x27100, s3  }
0xb: {  	s11 =	smul.u32 $0x9C40, s3;
	_ =	strace $0x8000004A;
	s8 =	ssub.s32 $0x2, s7  }
0xc: {  	s26 =	smul.u32 $0x9C400, s7;
	p0 =	seq.s32 s7, $0x0;
	s9 =	sshrl.u32 s8, $0x1  }
0xd: {  	s0 =	sadd.s32 s6, s0;
	s25 =	sshrl.u32 s10, $0x2;
	s14 =	ssub.s32 s8, s9  }
0xe: {  	s6 =	sadd.s32 $0xC600, s0;
	s7 =	sadd.s32 $0x2600, s0;
	s31 =	sadd.s32 s25, s2  }
.Ltmp0:
0xf: {  	s8 =	sadd.s32 s11, s2;
	s12 =	sadd.s32 s11, s26;
	(pc) =	sbr.rel .LBB2_1-.Ltmp0, $4  }
0x10: {  	s25 =	simm.s32 $0x15B80;
	s26 =	simm.s32 $0x1;
	s0 =	simm.s32 $0x2  }
0x11: {  	s9 =	sadd.s32 $0x1F40, s31;
	s10 =	sadd.s32 $0x3E80, s31;
	s15 =	sshrl.u32 s12, $0x3  }
0x12: {  	s11 =	sadd.s32 $0x5DC0, s31;
	s13 =	sadd.s32 s13, s15;
	s15 =	smov.u32 s5  }
0x13: {  	v0 =	vimm.f32 $0.0e+00;
	s12 =	sadd.s32 $0x7D00, s31;
	s14 =	smax.u32 s14, $0x1;
	s15 =	smov.u32 @p0 s1  }
.LBB2_6:
0x14: {  	[spmem:s2] =	stream.indirect.scatter.add.f32 [tilespmem:s25], [sflag:$0x4], $0x40, s19, s17, $0xb8;
	[tilespmem:$0x1B940] =	vst v63  }
0x15: {  	_ =	swait.ge [sflag:s24], $0x1F40  }
0x16: {  	[sflag:s24] =	ssyncset.done $0x0  }
0x17: {  	[sflag:s24] =	ssyncadd.s32 $0xFFFFE0C0  }
0x18: {  	_ =	swait.ge [sflag:s24], $0x1F40  }
0x19: {  	[sflag:s24] =	ssyncset.done $0x0  }
0x1a: {  	s31 =	simm.s32 $0x4F00;
	[sflag:s24] =	ssyncadd.s32 $0xFFFFE0C0  }
0x1b: {  	[tilespmem:s22], [sflag:$0x2] =	stream.indirect.gather [hbm4b:s5+s17], $0x40, s31, s17, $0xb8;
	[tilespmem:$0x1B940] =	vst v63  }
0x1c: {  	s23 =	simm.s32 $0x4F80  }
0x1d: {  	[tilespmem:s25], [sflag:$0x2] =	stream.indirect.gather [hbm4b:s5+s17], $0x40, s23, s17, $0xb8;
	[tilespmem:$0x1B940] =	vst v63  }
0x1e: {  	_ =	swait.ge [sflag:s26], $0x1F40  }
0x1f: {  	[sflag:s26] =	ssyncset.done $0x0  }
0x20: {  	[sflag:s26] =	ssyncadd.s32 $0xFFFFE0C0  }
0x21: {  	_ =	swait.ge [sflag:s26], $0x1F40  }
0x22: {  	[sflag:s26] =	ssyncset.done $0x0  }
0x23: {  	s31 =	simm.s32 $0x9E00;
	[sflag:s26] =	ssyncadd.s32 $0xFFFFE0C0  }
0x24: {  	[spmem:s2] =	stream.indirect.scatter.add.f32 [tilespmem:s18], [sflag:$0x3], $0x40, s31, s17, $0xb8;
	[tilespmem:$0x1B940] =	vst v63  }
0x25: {  	s23 =	simm.s32 $0x9E80  }
0x26: {  	[spmem:s2] =	stream.indirect.scatter.add.f32 [tilespmem:s20], [sflag:$0x3], $0x40, s23, s17, $0xb8;
	[tilespmem:$0x1B940] =	vst v63  }
0x27: {  	_ =	swait.ge [sflag:s29], $0x1F40  }
0x28: {  	[sflag:s29] =	ssyncset.done $0x0  }
0x29: {  	[sflag:s29] =	ssyncadd.s32 $0xFFFFE0C0  }
0x2a: {  	_ =	swait.ge [sflag:s29], $0x1F40  }
0x2b: {  	[sflag:s29] =	ssyncset.done $0x0  }
0x2c: {  	[sflag:s29] =	ssyncadd.s32 $0xFFFFE0C0  }
0x2d: {  	_ =	swait.ge [sflag:s0], $0x1F40  }
0x2e: {  	[sflag:s0] =	ssyncset.done $0x0  }
0x2f: {  	[sflag:s0] =	ssyncadd.s32 $0xFFFFE0C0  }
0x30: {  	_ =	swait.ge [sflag:s0], $0x1F40  }
0x31: {  	[sflag:s0] =	ssyncset.done $0x0  }
0x32: {  	s31 =	simm.s32 $0x9F00;
	[sflag:s0] =	ssyncadd.s32 $0xFFFFE0C0  }
0x33: {  	[spmem:s2] =	stream.indirect.scatter.add.f32 [tilespmem:s22], [sflag:$0x4], $0x40, s31, s17, $0xb8;
	[tilespmem:$0x1B940] =	vst v63  }
0x34: {  	_ = 	snop  }
0x35: {  	[spmem:s2] =	stream.indirect.scatter.add.f32 [tilespmem:s25], [sflag:$0x4], $0x40, s28, s17, $0xb8;
	[tilespmem:$0x1B940] =	vst v63  }
.LBB2_10:
0x36: {  	_ =	swait.ge [sflag:s24], $0x1F40  }
0x37: {  	[sflag:s24] =	ssyncset.done $0x0  }
0x38: {  	[sflag:s24] =	ssyncadd.s32 $0xFFFFE0C0  }
0x39: {  	_ =	swait.ge [sflag:s24], $0x1F40  }
0x3a: {  	s19 =	sshll.u32 s3, $0x6;
	s30 =	sadd.s32 $0x1, s30;
	[sflag:s24] =	ssyncset.done $0x0  }
0x3b: {  	s23 =	sshrl.u32 s8, $0x3;
	p1 =	sne.s32 s30, s14;
	[sflag:s24] =	ssyncadd.s32 $0xFFFFE0C0  }
.Ltmp1:
0x3c: {  	s19 =	sor.u32 $0x1C05, s19;
	[bflag:$0x0] =	sbarrier.arrive $0xFFFF;
	(pc) =	sbr.rel @!p1 .LBB2_11-.Ltmp1, $4  }
0x3d: {  	[hbm:s13], [sflag:s19] =	dma.local [spmem:s23], $0x1388  }
0x3e: {  	_ =	swait.ge [sflag:s16], $0x1388  }
0x3f: {  	[sflag:s16] =	ssyncset.done $0x0  }
0x40: {  	[sflag:s16] =	ssyncadd.s32 $0xFFFFEC78  }
.LBB2_1:
0x41: {  	[tilespmem:s4], [sflag:$0x5] =	stream.linear.gather [hbm4b:s6+s4], $0x5000, $0x38;
	[tilespmem:$0x1B940] =	vst v63  }
0x42: {  	_ =	swait.ge [sflag:s16], $0x5000  }
0x43: {  	[sflag:s16] =	ssyncset.done $0x0  }
0x44: {  	[sflag:s16] =	ssyncadd.s32 $0xFFFFB000  }
0x45: {  	[tilespmem:s18], [sflag:$0x1] =	stream.indirect.gather [hbm4b:s15+s17], $0x40, s4, s17, $0xb8;
	[tilespmem:$0x1B940] =	vst v63  }
0x46: {  	s19 =	simm.s32 $0x80  }
0x47: {  	[tilespmem:s20], [sflag:$0x1] =	stream.indirect.gather [hbm4b:s15+s17], $0x40, s19, s17, $0xb8;
	[tilespmem:$0x1B940] =	vst v63  }
0x48: {  	_ = 	snop  }
0x49: {  	[tilespmem:s21], [sflag:$0x5] =	stream.linear.gather [hbm4b:s7+s4], $0x5000, $0x38;
	[tilespmem:$0x1B940] =	vst v63  }
0x4a: {  	_ =	swait.ge [sflag:s16], $0x5000  }
0x4b: {  	[sflag:s16] =	ssyncset.done $0x0  }
0x4c: {  	s31 =	simm.s32 $0x100;
	s19 =	simm.s32 $0x0;
	[sflag:s16] =	ssyncadd.s32 $0xFFFFB000  }
.LBB2_2:
0x4d: {  	p1 =	sne.s32 s31, $0x7C00;
	[tilespmem:s19+$0x13C70] =	vst v0;
	s23 =	smov.u32 s31;
	s31 =	sadd.s32 $0x100, s31  }
.Ltmp2:
0x4e: {  	[tilespmem:s19+$0x13C60] =	vst v0;
	(pc) =	sbr.rel @p1 .LBB2_2-.Ltmp2, $3  }
0x4f: {  	[tilespmem:s19+$0x13C40] =	vst v0  }
0x50: {  	[tilespmem:s19+$0x13C50] =	vst v0;
	_ =	sdelay $0x1  }
0x51: {  	s19 =	sshra.s32 s23, $0x2  }
0x52: {  	[tilespmem:s19+$0x13C70] =	vst v0  }
0x53: {  	[tilespmem:s19+$0x13C60] =	vst v0  }
0x54: {  	[tilespmem:s19+$0x13C40] =	vst v0  }
0x55: {  	[tilespmem:s19+$0x13C50] =	vst v0  }
0x56: {  	[spmem:s8] =	stream.linear.scatter [tilespmem:s22], [sflag:$0x5], $0x1F40, $0x38;
	[tilespmem:$0x1B940] =	vst v63  }
0x57: {  	_ =	swait.ge [sflag:s16], $0x1F40  }
0x58: {  	[sflag:s16] =	ssyncset.done $0x0  }
0x59: {  	[sflag:s16] =	ssyncadd.s32 $0xFFFFE0C0  }
0x5a: {  	[spmem:s9] =	stream.linear.scatter [tilespmem:s22], [sflag:$0x5], $0x1F40, $0x38;
	[tilespmem:$0x1B940] =	vst v63  }
0x5b: {  	_ =	swait.ge [sflag:s16], $0x1F40  }
0x5c: {  	[sflag:s16] =	ssyncset.done $0x0  }
0x5d: {  	[sflag:s16] =	ssyncadd.s32 $0xFFFFE0C0  }
0x5e: {  	[spmem:s10] =	stream.linear.scatter [tilespmem:s22], [sflag:$0x5], $0x1F40, $0x38;
	[tilespmem:$0x1B940] =	vst v63  }
0x5f: {  	_ =	swait.ge [sflag:s16], $0x1F40  }
0x60: {  	[sflag:s16] =	ssyncset.done $0x0  }
0x61: {  	[sflag:s16] =	ssyncadd.s32 $0xFFFFE0C0  }
0x62: {  	[spmem:s11] =	stream.linear.scatter [tilespmem:s22], [sflag:$0x5], $0x1F40, $0x38;
	[tilespmem:$0x1B940] =	vst v63  }
0x63: {  	_ =	swait.ge [sflag:s16], $0x1F40  }
0x64: {  	[sflag:s16] =	ssyncset.done $0x0  }
0x65: {  	[sflag:s16] =	ssyncadd.s32 $0xFFFFE0C0  }
0x66: {  	[spmem:s12] =	stream.linear.scatter [tilespmem:s22], [sflag:$0x5], $0x1F40, $0x38;
	[tilespmem:$0x1B940] =	vst v63  }
.Ltmp3:
0x67: {  	_ =	swait.ge [sflag:s16], $0x1F40;
	(pc) =	sbr.rel @!p0 .LBB2_4-.Ltmp3, $4  }
0x68: {  	[sflag:s16] =	ssyncset.done $0x0  }
0x69: {  	[sflag:s16] =	ssyncadd.s32 $0xFFFFE0C0  }
0x6a: {  	[bflag:$0x0] =	sbarrier.arrive $0xFFFF  }
0x6b: {  	s19 =	simm.s32 $0x100  }
0x6c: {  	[tilespmem:s22], [sflag:$0x2] =	stream.indirect.gather [hbm4b:s1+s17], $0x40, s19, s17, $0xb8;
	[tilespmem:$0x1B940] =	vst v63  }
0x6d: {  	s23 =	simm.s32 $0x180  }
0x6e: {  	[tilespmem:s25], [sflag:$0x2] =	stream.indirect.gather [hbm4b:s1+s17], $0x40, s23, s17, $0xb8;
	[tilespmem:$0x1B940] =	vst v63  }
0x6f: {  	_ =	swait.ge [sflag:s26], $0x1F40  }
0x70: {  	[sflag:s26] =	ssyncset.done $0x0  }
0x71: {  	[sflag:s26] =	ssyncadd.s32 $0xFFFFE0C0  }
0x72: {  	_ =	swait.ge [sflag:s26], $0x1F40  }
0x73: {  	[sflag:s26] =	ssyncset.done $0x0  }
0x74: {  	[sflag:s26] =	ssyncadd.s32 $0xFFFFE0C0  }
0x75: {  	[spmem:s2] =	stream.indirect.scatter.add.f32 [tilespmem:s18], [sflag:$0x3], $0x40, s21, s17, $0xb8;
	[tilespmem:$0x1B940] =	vst v63  }
0x76: {  	s23 =	simm.s32 $0x5080  }
0x77: {  	[spmem:s2] =	stream.indirect.scatter.add.f32 [tilespmem:s20], [sflag:$0x3], $0x40, s23, s17, $0xb8;
	[tilespmem:$0x1B940] =	vst v63  }
0x78: {  	_ =	swait.ge [sflag:s29], $0x1F40  }
0x79: {  	[sflag:s29] =	ssyncset.done $0x0  }
0x7a: {  	[sflag:s29] =	ssyncadd.s32 $0xFFFFE0C0  }
0x7b: {  	_ =	swait.ge [sflag:s29], $0x1F40  }
0x7c: {  	[sflag:s29] =	ssyncset.done $0x0  }
0x7d: {  	s23 =	simm.s32 $0x200;
	[sflag:s29] =	ssyncadd.s32 $0xFFFFE0C0  }
0x7e: {  	[tilespmem:s18], [sflag:$0x1] =	stream.indirect.gather [hbm4b:s1+s17], $0x40, s23, s17, $0xb8;
	[tilespmem:$0x1B940] =	vst v63  }
0x7f: {  	s23 =	simm.s32 $0x280  }
0x80: {  	[tilespmem:s20], [sflag:$0x1] =	stream.indirect.gather [hbm4b:s1+s17], $0x40, s23, s17, $0xb8;
	[tilespmem:$0x1B940] =	vst v63  }
0x81: {  	_ =	swait.ge [sflag:s0], $0x1F40  }
0x82: {  	[sflag:s0] =	ssyncset.done $0x0  }
0x83: {  	[sflag:s0] =	ssyncadd.s32 $0xFFFFE0C0  }
0x84: {  	_ =	swait.ge [sflag:s0], $0x1F40  }
0x85: {  	[sflag:s0] =	ssyncset.done $0x0  }
0x86: {  	s23 =	simm.s32 $0x5100;
	[sflag:s0] =	ssyncadd.s32 $0xFFFFE0C0  }
0x87: {  	[spmem:s2] =	stream.indirect.scatter.add.f32 [tilespmem:s22], [sflag:$0x4], $0x40, s23, s17, $0xb8;
	[tilespmem:$0x1B940] =	vst v63  }
0x88: {  	s23 =	simm.s32 $0x5180  }
0x89: {  	[spmem:s2] =	stream.indirect.scatter.add.f32 [tilespmem:s25], [sflag:$0x4], $0x40, s23, s17, $0xb8;
	[tilespmem:$0x1B940] =	vst v63  }
0x8a: {  	_ =	swait.ge [sflag:s24], $0x1F40  }
0x8b: {  	[sflag:s24] =	ssyncset.done $0x0  }
0x8c: {  	[sflag:s24] =	ssyncadd.s32 $0xFFFFE0C0  }
0x8d: {  	_ =	swait.ge [sflag:s24], $0x1F40  }
0x8e: {  	[sflag:s24] =	ssyncset.done $0x0  }
0x8f: {  	s23 =	simm.s32 $0x300;
	[sflag:s24] =	ssyncadd.s32 $0xFFFFE0C0  }
0x90: {  	[tilespmem:s22], [sflag:$0x2] =	stream.indirect.gather [hbm4b:s1+s17], $0x40, s23, s17, $0xb8;
	[tilespmem:$0x1B940] =	vst v63  }
0x91: {  	s23 =	simm.s32 $0x380  }
0x92: {  	[tilespmem:s25], [sflag:$0x2] =	stream.indirect.gather [hbm4b:s1+s17], $0x40, s23, s17, $0xb8;
	[tilespmem:$0x1B940] =	vst v63  }
0x93: {  	_ =	swait.ge [sflag:s26], $0x1F40  }
0x94: {  	[sflag:s26] =	ssyncset.done $0x0  }
0x95: {  	[sflag:s26] =	ssyncadd.s32 $0xFFFFE0C0  }
0x96: {  	_ =	swait.ge [sflag:s26], $0x1F40  }
0x97: {  	[sflag:s26] =	ssyncset.done $0x0  }
0x98: {  	s23 =	simm.s32 $0x5200;
	[sflag:s26] =	ssyncadd.s32 $0xFFFFE0C0  }
0x99: {  	[spmem:s2] =	stream.indirect.scatter.add.f32 [tilespmem:s18], [sflag:$0x3], $0x40, s23, s17, $0xb8;
	[tilespmem:$0x1B940] =	vst v63  }
0x9a: {  	s23 =	simm.s32 $0x5280  }
0x9b: {  	[spmem:s2] =	stream.indirect.scatter.add.f32 [tilespmem:s20], [sflag:$0x3], $0x40, s23, s17, $0xb8;
	[tilespmem:$0x1B940] =	vst v63  }
0x9c: {  	_ =	swait.ge [sflag:s29], $0x1F40  }
0x9d: {  	[sflag:s29] =	ssyncset.done $0x0  }
0x9e: {  	[sflag:s29] =	ssyncadd.s32 $0xFFFFE0C0  }
0x9f: {  	_ =	swait.ge [sflag:s29], $0x1F40  }
0xa0: {  	[sflag:s29] =	ssyncset.done $0x0  }
0xa1: {  	s23 =	simm.s32 $0x400;
	[sflag:s29] =	ssyncadd.s32 $0xFFFFE0C0  }
0xa2: {  	[tilespmem:s18], [sflag:$0x1] =	stream.indirect.gather [hbm4b:s1+s17], $0x40, s23, s17, $0xb8;
	[tilespmem:$0x1B940] =	vst v63  }
0xa3: {  	s23 =	simm.s32 $0x480  }
0xa4: {  	[tilespmem:s20], [sflag:$0x1] =	stream.indirect.gather [hbm4b:s1+s17], $0x40, s23, s17, $0xb8;
	[tilespmem:$0x1B940] =	vst v63  }
0xa5: {  	_ =	swait.ge [sflag:s0], $0x1F40  }
0xa6: {  	[sflag:s0] =	ssyncset.done $0x0  }
0xa7: {  	[sflag:s0] =	ssyncadd.s32 $0xFFFFE0C0  }
0xa8: {  	_ =	swait.ge [sflag:s0], $0x1F40  }
0xa9: {  	s31 =	simm.s32 $0x800;
	[sflag:s0] =	ssyncset.done $0x0  }
0xaa: {  	s19 =	simm.s32 $0x5380;
	s23 =	simm.s32 $0x5300;
	[sflag:s0] =	ssyncadd.s32 $0xFFFFE0C0  }
0xab: {  	[spmem:s2] =	stream.indirect.scatter.add.f32 [tilespmem:s22], [sflag:$0x4], $0x40, s23, s17, $0xb8;
	[tilespmem:$0x1B940] =	vst v63  }
.LBB2_8:
0xac: {  	[spmem:s2] =	stream.indirect.scatter.add.f32 [tilespmem:s25], [sflag:$0x4], $0x40, s19, s17, $0xb8;
	[tilespmem:$0x1B940] =	vst v63  }
0xad: {  	s19 =	smov.u32 s31  }
0xae: {  	p1 =	seq.s32 s31, $0x12800;
	s31 =	sadd.s32 $0x800, s31;
	_ =	swait.ge [sflag:s24], $0x1F40  }
0xaf: {  	[sflag:s24] =	ssyncset.done $0x0  }
0xb0: {  	[sflag:s24] =	ssyncadd.s32 $0xFFFFE0C0  }
0xb1: {  	_ =	swait.ge [sflag:s24], $0x1F40  }
0xb2: {  	s19 =	sshra.s32 s19, $0x2;
	[sflag:s24] =	ssyncset.done $0x0  }
0xb3: {  	s23 =	sadd.s32 $0x300, s19;
	[sflag:s24] =	ssyncadd.s32 $0xFFFFE0C0  }
0xb4: {  	[tilespmem:s22], [sflag:$0x2] =	stream.indirect.gather [hbm4b:s1+s17], $0x40, s23, s17, $0xb8;
	[tilespmem:$0x1B940] =	vst v63  }
0xb5: {  	s23 =	sadd.s32 $0x380, s19  }
0xb6: {  	[tilespmem:s25], [sflag:$0x2] =	stream.indirect.gather [hbm4b:s1+s17], $0x40, s23, s17, $0xb8;
	[tilespmem:$0x1B940] =	vst v63  }
0xb7: {  	_ =	swait.ge [sflag:s26], $0x1F40  }
0xb8: {  	[sflag:s26] =	ssyncset.done $0x0  }
0xb9: {  	[sflag:s26] =	ssyncadd.s32 $0xFFFFE0C0  }
0xba: {  	_ =	swait.ge [sflag:s26], $0x1F40  }
0xbb: {  	[sflag:s26] =	ssyncset.done $0x0  }
0xbc: {  	s23 =	sadd.s32 $0x5200, s19;
	[sflag:s26] =	ssyncadd.s32 $0xFFFFE0C0  }
0xbd: {  	[spmem:s2] =	stream.indirect.scatter.add.f32 [tilespmem:s18], [sflag:$0x3], $0x40, s23, s17, $0xb8;
	[tilespmem:$0x1B940] =	vst v63  }
0xbe: {  	s23 =	sadd.s32 $0x5280, s19  }
0xbf: {  	[spmem:s2] =	stream.indirect.scatter.add.f32 [tilespmem:s20], [sflag:$0x3], $0x40, s23, s17, $0xb8;
	[tilespmem:$0x1B940] =	vst v63  }
0xc0: {  	_ =	swait.ge [sflag:s29], $0x1F40  }
0xc1: {  	[sflag:s29] =	ssyncset.done $0x0  }
0xc2: {  	[sflag:s29] =	ssyncadd.s32 $0xFFFFE0C0  }
0xc3: {  	_ =	swait.ge [sflag:s29], $0x1F40  }
0xc4: {  	[sflag:s29] =	ssyncset.done $0x0  }
0xc5: {  	s23 =	sadd.s32 $0x400, s19;
	[sflag:s29] =	ssyncadd.s32 $0xFFFFE0C0  }
0xc6: {  	[tilespmem:s18], [sflag:$0x1] =	stream.indirect.gather [hbm4b:s1+s17], $0x40, s23, s17, $0xb8;
	[tilespmem:$0x1B940] =	vst v63  }
0xc7: {  	s23 =	sadd.s32 $0x480, s19  }
0xc8: {  	[tilespmem:s20], [sflag:$0x1] =	stream.indirect.gather [hbm4b:s1+s17], $0x40, s23, s17, $0xb8;
	[tilespmem:$0x1B940] =	vst v63  }
0xc9: {  	_ =	swait.ge [sflag:s0], $0x1F40  }
0xca: {  	[sflag:s0] =	ssyncset.done $0x0  }
0xcb: {  	[sflag:s0] =	ssyncadd.s32 $0xFFFFE0C0  }
.Ltmp4:
0xcc: {  	_ =	swait.ge [sflag:s0], $0x1F40;
	(pc) =	sbr.rel @!p1 .LBB2_8-.Ltmp4, $4  }
0xcd: {  	[sflag:s0] =	ssyncset.done $0x0  }
0xce: {  	s23 =	sadd.s32 $0x5300, s19;
	[sflag:s0] =	ssyncadd.s32 $0xFFFFE0C0  }
0xcf: {  	[spmem:s2] =	stream.indirect.scatter.add.f32 [tilespmem:s22], [sflag:$0x4], $0x40, s23, s17, $0xb8;
	[tilespmem:$0x1B940] =	vst v63  }
0xd0: {  	s19 =	sadd.s32 $0x5380, s19  }
0xd1: {  	[spmem:s2] =	stream.indirect.scatter.add.f32 [tilespmem:s25], [sflag:$0x4], $0x40, s19, s17, $0xb8;
	[tilespmem:$0x1B940] =	vst v63  }
0xd2: {  	_ =	swait.ge [sflag:s24], $0x1F40  }
0xd3: {  	[sflag:s24] =	ssyncset.done $0x0  }
0xd4: {  	[sflag:s24] =	ssyncadd.s32 $0xFFFFE0C0  }
0xd5: {  	_ =	swait.ge [sflag:s24], $0x1F40  }
0xd6: {  	[sflag:s24] =	ssyncset.done $0x0  }
0xd7: {  	s31 =	simm.s32 $0x4F00;
	[sflag:s24] =	ssyncadd.s32 $0xFFFFE0C0  }
0xd8: {  	[tilespmem:s22], [sflag:$0x2] =	stream.indirect.gather [hbm4b:s1+s17], $0x40, s31, s17, $0xb8;
	[tilespmem:$0x1B940] =	vst v63  }
0xd9: {  	s23 =	simm.s32 $0x4F80  }
0xda: {  	[tilespmem:s25], [sflag:$0x2] =	stream.indirect.gather [hbm4b:s1+s17], $0x40, s23, s17, $0xb8;
	[tilespmem:$0x1B940] =	vst v63  }
0xdb: {  	_ =	swait.ge [sflag:s26], $0x1F40  }
0xdc: {  	[sflag:s26] =	ssyncset.done $0x0  }
0xdd: {  	[sflag:s26] =	ssyncadd.s32 $0xFFFFE0C0  }
0xde: {  	_ =	swait.ge [sflag:s26], $0x1F40  }
0xdf: {  	[sflag:s26] =	ssyncset.done $0x0  }
0xe0: {  	s31 =	simm.s32 $0x9E00;
	[sflag:s26] =	ssyncadd.s32 $0xFFFFE0C0  }
0xe1: {  	[spmem:s2] =	stream.indirect.scatter.add.f32 [tilespmem:s18], [sflag:$0x3], $0x40, s31, s17, $0xb8;
	[tilespmem:$0x1B940] =	vst v63  }
0xe2: {  	s23 =	simm.s32 $0x9E80  }
0xe3: {  	[spmem:s2] =	stream.indirect.scatter.add.f32 [tilespmem:s20], [sflag:$0x3], $0x40, s23, s17, $0xb8;
	[tilespmem:$0x1B940] =	vst v63  }
0xe4: {  	_ =	swait.ge [sflag:s29], $0x1F40  }
0xe5: {  	[sflag:s29] =	ssyncset.done $0x0  }
0xe6: {  	[sflag:s29] =	ssyncadd.s32 $0xFFFFE0C0  }
0xe7: {  	_ =	swait.ge [sflag:s29], $0x1F40  }
0xe8: {  	[sflag:s29] =	ssyncset.done $0x0  }
0xe9: {  	[sflag:s29] =	ssyncadd.s32 $0xFFFFE0C0  }
0xea: {  	_ =	swait.ge [sflag:s0], $0x1F40  }
0xeb: {  	[sflag:s0] =	ssyncset.done $0x0  }
0xec: {  	[sflag:s0] =	ssyncadd.s32 $0xFFFFE0C0  }
0xed: {  	_ =	swait.ge [sflag:s0], $0x1F40  }
.Ltmp5:
0xee: {  	[sflag:s0] =	ssyncset.done $0x0;
	(pc) =	sbr.rel .LBB2_10-.Ltmp5, $4  }
0xef: {  	s31 =	simm.s32 $0x9F00;
	[sflag:s0] =	ssyncadd.s32 $0xFFFFE0C0  }
0xf0: {  	[spmem:s2] =	stream.indirect.scatter.add.f32 [tilespmem:s22], [sflag:$0x4], $0x40, s31, s17, $0xb8;
	[tilespmem:$0x1B940] =	vst v63  }
0xf1: {  	_ = 	snop  }
0xf2: {  	[spmem:s2] =	stream.indirect.scatter.add.f32 [tilespmem:s25], [sflag:$0x4], $0x40, s28, s17, $0xb8;
	[tilespmem:$0x1B940] =	vst v63  }
.LBB2_4:
0xf3: {  	[tilespmem:s22], [sflag:$0x2] =	stream.indirect.gather [hbm4b:s5+s17], $0x40, s19, s17, $0xb8;
	[tilespmem:$0x1B940] =	vst v63  }
0xf4: {  	s23 =	simm.s32 $0x180  }
0xf5: {  	[tilespmem:s25], [sflag:$0x2] =	stream.indirect.gather [hbm4b:s5+s17], $0x40, s23, s17, $0xb8;
	[tilespmem:$0x1B940] =	vst v63  }
0xf6: {  	_ =	swait.ge [sflag:s26], $0x1F40  }
0xf7: {  	[sflag:s26] =	ssyncset.done $0x0  }
0xf8: {  	[sflag:s26] =	ssyncadd.s32 $0xFFFFE0C0  }
0xf9: {  	_ =	swait.ge [sflag:s26], $0x1F40  }
0xfa: {  	[sflag:s26] =	ssyncset.done $0x0  }
0xfb: {  	[sflag:s26] =	ssyncadd.s32 $0xFFFFE0C0  }
0xfc: {  	[spmem:s2] =	stream.indirect.scatter.add.f32 [tilespmem:s18], [sflag:$0x3], $0x40, s21, s17, $0xb8;
	[tilespmem:$0x1B940] =	vst v63  }
0xfd: {  	s23 =	simm.s32 $0x5080  }
0xfe: {  	[spmem:s2] =	stream.indirect.scatter.add.f32 [tilespmem:s20], [sflag:$0x3], $0x40, s23, s17, $0xb8;
	[tilespmem:$0x1B940] =	vst v63  }
0xff: {  	_ =	swait.ge [sflag:s29], $0x1F40  }
0x100: {  	[sflag:s29] =	ssyncset.done $0x0  }
0x101: {  	[sflag:s29] =	ssyncadd.s32 $0xFFFFE0C0  }
0x102: {  	_ =	swait.ge [sflag:s29], $0x1F40  }
0x103: {  	[sflag:s29] =	ssyncset.done $0x0  }
0x104: {  	s23 =	simm.s32 $0x200;
	[sflag:s29] =	ssyncadd.s32 $0xFFFFE0C0  }
0x105: {  	[tilespmem:s18], [sflag:$0x1] =	stream.indirect.gather [hbm4b:s5+s17], $0x40, s23, s17, $0xb8;
	[tilespmem:$0x1B940] =	vst v63  }
0x106: {  	s23 =	simm.s32 $0x280  }
0x107: {  	[tilespmem:s20], [sflag:$0x1] =	stream.indirect.gather [hbm4b:s5+s17], $0x40, s23, s17, $0xb8;
	[tilespmem:$0x1B940] =	vst v63  }
0x108: {  	_ =	swait.ge [sflag:s0], $0x1F40  }
0x109: {  	[sflag:s0] =	ssyncset.done $0x0  }
0x10a: {  	[sflag:s0] =	ssyncadd.s32 $0xFFFFE0C0  }
0x10b: {  	_ =	swait.ge [sflag:s0], $0x1F40  }
0x10c: {  	[sflag:s0] =	ssyncset.done $0x0  }
0x10d: {  	s23 =	simm.s32 $0x5100;
	[sflag:s0] =	ssyncadd.s32 $0xFFFFE0C0  }
0x10e: {  	[spmem:s2] =	stream.indirect.scatter.add.f32 [tilespmem:s22], [sflag:$0x4], $0x40, s23, s17, $0xb8;
	[tilespmem:$0x1B940] =	vst v63  }
0x10f: {  	s23 =	simm.s32 $0x5180  }
0x110: {  	[spmem:s2] =	stream.indirect.scatter.add.f32 [tilespmem:s25], [sflag:$0x4], $0x40, s23, s17, $0xb8;
	[tilespmem:$0x1B940] =	vst v63  }
0x111: {  	_ =	swait.ge [sflag:s24], $0x1F40  }
0x112: {  	[sflag:s24] =	ssyncset.done $0x0  }
0x113: {  	[sflag:s24] =	ssyncadd.s32 $0xFFFFE0C0  }
0x114: {  	_ =	swait.ge [sflag:s24], $0x1F40  }
0x115: {  	[sflag:s24] =	ssyncset.done $0x0  }
0x116: {  	s23 =	simm.s32 $0x300;
	[sflag:s24] =	ssyncadd.s32 $0xFFFFE0C0  }
0x117: {  	[tilespmem:s22], [sflag:$0x2] =	stream.indirect.gather [hbm4b:s5+s17], $0x40, s23, s17, $0xb8;
	[tilespmem:$0x1B940] =	vst v63  }
0x118: {  	s23 =	simm.s32 $0x380  }
0x119: {  	[tilespmem:s25], [sflag:$0x2] =	stream.indirect.gather [hbm4b:s5+s17], $0x40, s23, s17, $0xb8;
	[tilespmem:$0x1B940] =	vst v63  }
0x11a: {  	_ =	swait.ge [sflag:s26], $0x1F40  }
0x11b: {  	[sflag:s26] =	ssyncset.done $0x0  }
0x11c: {  	[sflag:s26] =	ssyncadd.s32 $0xFFFFE0C0  }
0x11d: {  	_ =	swait.ge [sflag:s26], $0x1F40  }
0x11e: {  	[sflag:s26] =	ssyncset.done $0x0  }
0x11f: {  	s23 =	simm.s32 $0x5200;
	[sflag:s26] =	ssyncadd.s32 $0xFFFFE0C0  }
0x120: {  	[spmem:s2] =	stream.indirect.scatter.add.f32 [tilespmem:s18], [sflag:$0x3], $0x40, s23, s17, $0xb8;
	[tilespmem:$0x1B940] =	vst v63  }
0x121: {  	s23 =	simm.s32 $0x5280  }
0x122: {  	[spmem:s2] =	stream.indirect.scatter.add.f32 [tilespmem:s20], [sflag:$0x3], $0x40, s23, s17, $0xb8;
	[tilespmem:$0x1B940] =	vst v63  }
0x123: {  	_ =	swait.ge [sflag:s29], $0x1F40  }
0x124: {  	[sflag:s29] =	ssyncset.done $0x0  }
0x125: {  	[sflag:s29] =	ssyncadd.s32 $0xFFFFE0C0  }
0x126: {  	_ =	swait.ge [sflag:s29], $0x1F40  }
0x127: {  	[sflag:s29] =	ssyncset.done $0x0  }
0x128: {  	s23 =	simm.s32 $0x400;
	[sflag:s29] =	ssyncadd.s32 $0xFFFFE0C0  }
0x129: {  	[tilespmem:s18], [sflag:$0x1] =	stream.indirect.gather [hbm4b:s5+s17], $0x40, s23, s17, $0xb8;
	[tilespmem:$0x1B940] =	vst v63  }
0x12a: {  	s23 =	simm.s32 $0x480  }
0x12b: {  	[tilespmem:s20], [sflag:$0x1] =	stream.indirect.gather [hbm4b:s5+s17], $0x40, s23, s17, $0xb8;
	[tilespmem:$0x1B940] =	vst v63  }
0x12c: {  	_ =	swait.ge [sflag:s0], $0x1F40  }
0x12d: {  	[sflag:s0] =	ssyncset.done $0x0  }
0x12e: {  	[sflag:s0] =	ssyncadd.s32 $0xFFFFE0C0  }
0x12f: {  	_ =	swait.ge [sflag:s0], $0x1F40  }
0x130: {  	s31 =	simm.s32 $0x800;
	[sflag:s0] =	ssyncset.done $0x0  }
0x131: {  	s19 =	simm.s32 $0x5380;
	s23 =	simm.s32 $0x5300;
	[sflag:s0] =	ssyncadd.s32 $0xFFFFE0C0  }
0x132: {  	[spmem:s2] =	stream.indirect.scatter.add.f32 [tilespmem:s22], [sflag:$0x4], $0x40, s23, s17, $0xb8;
	[tilespmem:$0x1B940] =	vst v63  }
.LBB2_5:
0x133: {  	[spmem:s2] =	stream.indirect.scatter.add.f32 [tilespmem:s25], [sflag:$0x4], $0x40, s19, s17, $0xb8;
	[tilespmem:$0x1B940] =	vst v63  }
0x134: {  	s19 =	smov.u32 s31  }
0x135: {  	p1 =	seq.s32 s31, $0x12800;
	s31 =	sadd.s32 $0x800, s31;
	_ =	swait.ge [sflag:s24], $0x1F40  }
0x136: {  	[sflag:s24] =	ssyncset.done $0x0  }
0x137: {  	[sflag:s24] =	ssyncadd.s32 $0xFFFFE0C0  }
0x138: {  	_ =	swait.ge [sflag:s24], $0x1F40  }
0x139: {  	s19 =	sshra.s32 s19, $0x2;
	[sflag:s24] =	ssyncset.done $0x0  }
0x13a: {  	s23 =	sadd.s32 $0x300, s19;
	[sflag:s24] =	ssyncadd.s32 $0xFFFFE0C0  }
0x13b: {  	[tilespmem:s22], [sflag:$0x2] =	stream.indirect.gather [hbm4b:s5+s17], $0x40, s23, s17, $0xb8;
	[tilespmem:$0x1B940] =	vst v63  }
0x13c: {  	s23 =	sadd.s32 $0x380, s19  }
0x13d: {  	[tilespmem:s25], [sflag:$0x2] =	stream.indirect.gather [hbm4b:s5+s17], $0x40, s23, s17, $0xb8;
	[tilespmem:$0x1B940] =	vst v63  }
0x13e: {  	_ =	swait.ge [sflag:s26], $0x1F40  }
0x13f: {  	[sflag:s26] =	ssyncset.done $0x0  }
0x140: {  	[sflag:s26] =	ssyncadd.s32 $0xFFFFE0C0  }
0x141: {  	_ =	swait.ge [sflag:s26], $0x1F40  }
0x142: {  	[sflag:s26] =	ssyncset.done $0x0  }
0x143: {  	s23 =	sadd.s32 $0x5200, s19;
	[sflag:s26] =	ssyncadd.s32 $0xFFFFE0C0  }
0x144: {  	[spmem:s2] =	stream.indirect.scatter.add.f32 [tilespmem:s18], [sflag:$0x3], $0x40, s23, s17, $0xb8;
	[tilespmem:$0x1B940] =	vst v63  }
0x145: {  	s23 =	sadd.s32 $0x5280, s19  }
0x146: {  	[spmem:s2] =	stream.indirect.scatter.add.f32 [tilespmem:s20], [sflag:$0x3], $0x40, s23, s17, $0xb8;
	[tilespmem:$0x1B940] =	vst v63  }
0x147: {  	_ =	swait.ge [sflag:s29], $0x1F40  }
0x148: {  	[sflag:s29] =	ssyncset.done $0x0  }
0x149: {  	[sflag:s29] =	ssyncadd.s32 $0xFFFFE0C0  }
0x14a: {  	_ =	swait.ge [sflag:s29], $0x1F40  }
0x14b: {  	[sflag:s29] =	ssyncset.done $0x0  }
0x14c: {  	s23 =	sadd.s32 $0x400, s19;
	[sflag:s29] =	ssyncadd.s32 $0xFFFFE0C0  }
0x14d: {  	[tilespmem:s18], [sflag:$0x1] =	stream.indirect.gather [hbm4b:s5+s17], $0x40, s23, s17, $0xb8;
	[tilespmem:$0x1B940] =	vst v63  }
0x14e: {  	s23 =	sadd.s32 $0x480, s19  }
0x14f: {  	[tilespmem:s20], [sflag:$0x1] =	stream.indirect.gather [hbm4b:s5+s17], $0x40, s23, s17, $0xb8;
	[tilespmem:$0x1B940] =	vst v63  }
0x150: {  	_ =	swait.ge [sflag:s0], $0x1F40  }
0x151: {  	[sflag:s0] =	ssyncset.done $0x0  }
0x152: {  	[sflag:s0] =	ssyncadd.s32 $0xFFFFE0C0  }
.Ltmp6:
0x153: {  	_ =	swait.ge [sflag:s0], $0x1F40;
	(pc) =	sbr.rel @!p1 .LBB2_5-.Ltmp6, $4  }
0x154: {  	[sflag:s0] =	ssyncset.done $0x0  }
0x155: {  	s23 =	sadd.s32 $0x5300, s19;
	[sflag:s0] =	ssyncadd.s32 $0xFFFFE0C0  }
0x156: {  	[spmem:s2] =	stream.indirect.scatter.add.f32 [tilespmem:s22], [sflag:$0x4], $0x40, s23, s17, $0xb8;
	[tilespmem:$0x1B940] =	vst v63  }
0x157: {  	s19 =	sadd.s32 $0x5380, s19  }
.Ltmp7:
0x158: {  	_ = 	snop;
	(pc) =	sbr.rel .LBB2_6-.Ltmp7, $1  }
0x159: {  	_ =	sdelay $0x3  }
.LBB2_11:
0x15a: {  	_ =	sfence.sel $0x180000  }
0x15b: {  	[bflag:$0x0] =	sbarrier.arrive $0xFFFF  }
0x15c: {  	_ =	strace $0x9000004A  }
0x15d: {  	[bflag:$0x2] =	sbarrier.arrive $0xFFFF  }
0x15e: {  	p0 =	sne.s32 s3, $0x0;
	s0 =	rddreg [dreg:$0x4]  }
0x15f: {  	s0 =	sadd.s32 @!p0 $0x100000, s0  }
0x160: {  	[sflag:s0] =	ssyncadd.tile.s32 @!p0 $0x1;
	_ =	shalt  }
.Lfunc_end2:
_tile_overlayer_lowered:
.L_overlay_start_2:
0x161: {  	(tag) =	ssettag $0x2  }
0x162: {  	s0 =	rddreg [dreg:$0x0];
	s2 =	stileid.u32  }
0x163: {  	s1 =	rddreg [dreg:$0x1];
	p0 =	sne.s32 s2, $0x0  }
0x164: {  	s3 =	rddreg [dreg:$0x2];
	[bflag:$0x3] =	sbarrier.arrive $0xFFFF;
	s2 =	simm.s32 @!p0 $0x1C05  }
0x165: {  	[timem:s3], [sflag:s2] =	dma.local @!p0 [hbm:s0], s1  }
0x166: {  	s0 =	simm.s32 @!p0 $0x5  }
0x167: {  	_ =	swait.ge @!p0 [sflag:s0], s1  }
0x168: {  	s1 =	ssub.s32 @!p0 $0x0, s1;
	[sflag:s0] =	ssyncset.done @!p0 $0x0  }
0x169: {  	[sflag:s0] =	ssyncadd.s32 @!p0 s1  }
0x16a: {  	[bflag:$0x3] =	sbarrier.arrive $0xFFFF  }
0x16b: {  	_ =	shalt  }

// kernel: kernel.16.cloned.1.call-start
scs
__scs_entry_jumppad:
0x0: {  	(pc) =	sbr.rel $0x88, $3  }
0x1: {  	(tag) =	ssettag $0x0;
	lr =	simm.s32 $0x1  }
0x2: {  	[smem:$0x3F95] =	sst lr;
	_ =	strace $0xD0000000  }
0x3: {  	_ = 	snop  }
0x4: {  	_ = 	snop  }
0x5: {  	_ = 	snop  }
0x6: {  	_ = 	snop  }
0x7: {  	_ = 	snop  }
__scs_overlays_trampoline_lowered:
0x8: {  	[smem:$0x3FA4] =	sst s0  }
0x9: {  	[smem:$0x3FA5] =	sst s1  }
0xa: {  	[smem:$0x3FA6] =	sst s2  }
0xb: {  	[smem:$0x3FA7] =	sst s3  }
0xc: {  	[smem:$0x3FA8] =	sst s4  }
0xd: {  	[smem:$0x3FA9] =	sst s5  }
0xe: {  	[smem:$0x3FAA] =	sst s6  }
0xf: {  	[smem:$0x3FAB] =	sst s7  }
0x10: {  	[smem:$0x3FAC] =	sst s8  }
0x11: {  	[smem:$0x3FAD] =	sst s9;
	s0 =	simm.s32 @!p0 $0x0  }
0x12: {  	s1 =	sld [smem:$0x3F93];
	s0 =	simm.s32 @p0 $0x1  }
0x13: {  	[smem:$0x3FAE] =	sst s0;
	s0 =	simm.s32 @!p1 $0x0  }
0x14: {  	s2 =	sld [smem:$0x3F92];
	s0 =	simm.s32 @p1 $0x1  }
0x15: {  	[smem:$0x3FAF] =	sst s0;
	s0 =	simm.s32 @!p2 $0x0  }
0x16: {  	s3 =	sld [smem:$0x3FDB];
	s0 =	simm.s32 @p2 $0x1  }
0x17: {  	s4 =	simm.s32 $0x1BF5;
	[smem:$0x3FB1] =	sst s0  }
0x18: {  	s0 =	sld [smem:$0x3F94];
	_ =	swait.ge [sflag:s4], $0x0  }
0x19: {  	s7 =	sld [smem:$0x3F95]  }
0x1a: {  	s8 =	sadd.s32 $0xFFFFE003, lr  }
0x1b: {  	s9 =	sadd.s32 $0xFFFFFEF7, lr;
	s5 =	simm.s32 $0xFFFFFFFF;
	p2 =	slt.u32 s8, $0xFFFFF086  }
0x1c: {  	p1 =	slt.u32 s9, $0xF7A;
	s5 =	simm.s32 @!p2 $0x0  }
0x1d: {  	s5 =	simm.s32 @p1 $0x1;
	p0 =	seq.s32 s7, s2  }
0x1e: {  	s7 =	smul.u32 @!p0 $0xF7A, s2;
	p2 =	seq.s32 @!p0 s5, $0x0  }
0x1f: {  	s9 =	smul.u32 $0xF7A, s1;
	s8 =	simm.s32 @!p0 $0x1BF5;
	p2 =	por !p2, p0  }
0x20: {  	[sflag:s8] =	ssyncset.s32 @!p0 $0xFFFFF086;
	s6 =	sadd.s32 @!p0 s3, s7;
	s7 =	simm.s32 @!p0 $0x108  }
0x21: {  	s3 =	sadd.s32 s3, s9;
	s6 =	sadd.s32 @!p0 $0x88, s6;
	s7 =	simm.s32 @p2 $0x1082  }
0x22: {  	[simem:s7], [sflag:s8] =	dma.local @!p0 [hbm:s6], $0xF7A  }
0x23: {  	s9 =	sor.u32 $0xD0000000, s2;
	s6 =	simm.s32 $0x108;
	_ =	swait.ge @!p0 [sflag:s8], $0x0  }
0x24: {  	s3 =	sadd.s32 $0x88, s3;
	s6 =	simm.s32 @!p1 $0x1082;
	[sflag:s4] =	ssyncset.s32 $0xFFFFF086  }
0x25: {  	[simem:s6], [sflag:s4] =	dma.local [hbm:s3], $0xF7A  }
0x26: {  	[smem:$0x3F95] =	sst s1;
	(tag) =	ssettag s2;
	_ =	strace s9  }
0x27: {  	s1 =	sld [smem:$0x3FA5]  }
0x28: {  	s2 =	sld [smem:$0x3FA6]  }
0x29: {  	s4 =	sld [smem:$0x3FA8]  }
0x2a: {  	p0 =	seq.s32 s5, $0x0;
	s5 =	sld [smem:$0x3FA9]  }
0x2b: {  	s6 =	sld [smem:$0x3FAA]  }
0x2c: {  	s7 =	sld [smem:$0x3FAB]  }
0x2d: {  	s3 =	simm.s32 $0x108;
	s8 =	sld [smem:$0x3FAC]  }
0x2e: {  	s3 =	simm.s32 @!p0 $0x1082;
	s9 =	sld [smem:$0x3FAD]  }
0x2f: {  	lr =	sadd.s32 s0, s3;
	s0 =	sld [smem:$0x3FA4]  }
0x30: {  	s3 =	sld [smem:$0x3FA7]  }
0x31: {  	[smem:$0x3FB0] =	sst s10  }
0x32: {  	s10 =	sld [smem:$0x3FAE];
	_ =	sdelay $0x3  }
0x33: {  	p0 =	seq.s32 s10, $0x1;
	s10 =	sld [smem:$0x3FB0];
	_ =	sdelay $0x3  }
0x34: {  	[smem:$0x3FB0] =	sst s10  }
0x35: {  	s10 =	sld [smem:$0x3FAF];
	_ =	sdelay $0x3  }
0x36: {  	p1 =	seq.s32 s10, $0x1;
	s10 =	sld [smem:$0x3FB0];
	_ =	sdelay $0x3  }
0x37: {  	[smem:$0x3FB0] =	sst s10  }
0x38: {  	s10 =	sld [smem:$0x3FB1]  }
0x39: {  	_ = 	snop;
	(pc) =	sbr.ind lr, $3  }
0x3a: {  	_ = 	snop  }
0x3b: {  	_ = 	snop  }
0x3c: {  	p2 =	seq.s32 s10, $0x1;
	s10 =	sld [smem:$0x3FB0]  }
0x3d: {  	_ =	shalt  }
0x3e: {  	_ =	shalt  }
0x3f: {  	_ =	shalt  }
0x40: {  	_ =	shalt  }
0x41: {  	_ =	shalt  }
0x42: {  	_ =	shalt  }
0x43: {  	_ =	shalt  }
0x44: {  	_ =	shalt  }
0x45: {  	_ =	shalt  }
0x46: {  	_ =	shalt  }
0x47: {  	_ =	shalt  }
0x48: {  	_ =	shalt  }
0x49: {  	_ =	shalt  }
0x4a: {  	_ =	shalt  }
0x4b: {  	_ =	shalt  }
0x4c: {  	_ =	shalt  }
0x4d: {  	_ =	shalt  }
0x4e: {  	_ =	shalt  }
0x4f: {  	_ =	shalt  }
0x50: {  	_ =	shalt  }
0x51: {  	_ =	shalt  }
0x52: {  	_ =	shalt  }
0x53: {  	_ =	shalt  }
0x54: {  	_ =	shalt  }
0x55: {  	_ =	shalt  }
0x56: {  	_ =	shalt  }
0x57: {  	_ =	shalt  }
0x58: {  	_ =	shalt  }
0x59: {  	_ =	shalt  }
0x5a: {  	_ =	shalt  }
0x5b: {  	_ =	shalt  }
0x5c: {  	_ =	shalt  }
0x5d: {  	_ =	shalt  }
0x5e: {  	_ =	shalt  }
0x5f: {  	_ =	shalt  }
0x60: {  	_ =	shalt  }
0x61: {  	_ =	shalt  }
0x62: {  	_ =	shalt  }
0x63: {  	_ =	shalt  }
0x64: {  	_ =	shalt  }
0x65: {  	_ =	shalt  }
0x66: {  	_ =	shalt  }
0x67: {  	_ =	shalt  }
0x68: {  	_ =	shalt  }
0x69: {  	_ =	shalt  }
0x6a: {  	_ =	shalt  }
0x6b: {  	_ =	shalt  }
0x6c: {  	_ =	shalt  }
0x6d: {  	_ =	shalt  }
0x6e: {  	_ =	shalt  }
0x6f: {  	_ =	shalt  }
0x70: {  	_ =	shalt  }
0x71: {  	_ =	shalt  }
0x72: {  	_ =	shalt  }
0x73: {  	_ =	shalt  }
0x74: {  	_ =	shalt  }
0x75: {  	_ =	shalt  }
0x76: {  	_ =	shalt  }
0x77: {  	_ =	shalt  }
0x78: {  	_ =	shalt  }
0x79: {  	_ =	shalt  }
0x7a: {  	_ =	shalt  }
0x7b: {  	_ =	shalt  }
0x7c: {  	_ =	shalt  }
0x7d: {  	_ =	shalt  }
0x7e: {  	_ =	shalt  }
0x7f: {  	_ =	shalt  }
0x80: {  	_ =	shalt  }
0x81: {  	_ =	shalt  }
0x82: {  	_ =	shalt  }
0x83: {  	_ =	shalt  }
0x84: {  	_ =	shalt  }
0x85: {  	_ =	shalt  }
0x86: {  	_ =	shalt  }
0x87: {  	_ =	shalt  }
.Lfunc_end0:
.L_simem_size_0:
called_computation.2_lowered:
.L_overlay_start_0:
0x88: {  	s2 =	sld [smem:$0x3FD9]  }
0x89: {  	s3 =	sld [smem:$0x3FFE];
	_ =	sdelay $0x1  }
0x8a: {  	s1 =	srdreg.scid  }
0x8b: {  	s0 =	sand.u32 $0x1, s1  }
0x8c: {  	s14 =	sshll.u32 s0, $0xA;
	s2 =	sadd.s32 s3, s2  }
0x8d: {  	s2 =	sadd.s32 s2, s14  }
0x8e: {  	[smem:$0x3FBC] =	sst s2  }
0x8f: {  	_ = 	snop  }
0x90: {  	s2 =	sld [smem:$0x3FD0];
	_ =	sdelay $0x2  }
0x91: {  	s15 =	simm.s32 $0xA;
	s4 =	simm.s32 $0x10  }
0x92: {  	[smem:s4], [sflag:s15] =	dma.local [hbm:s2], $0x1  }
0x93: {  	_ =	swait.eq [sflag:s15], $0x1  }
0x94: {  	[sflag:s15] =	ssyncset.done $0x0  }
0x95: {  	s16 =	sld [smem:$0x10];
	[sflag:s15] =	ssyncadd.s32 $0xFFFFFFFF  }
0x96: {  	s17 =	sld [smem:$0x11];
	(tm) =	ssettm $0x1  }
0x97: {  	s18 =	sld [smem:$0x3FFB];
	_ =	sdelay $0x3  }
0x98: {  	_ =	strace s18  }
0x99: {  	s4 =	sld [smem:$0x3FFC];
	_ =	sdelay $0x3  }
0x9a: {  	_ =	strace s4  }
0x9b: {  	s4 =	sld [smem:$0x3FFD];
	_ =	sdelay $0x3  }
0x9c: {  	_ =	strace s4  }
0x9d: {  	_ =	strace $0x8FFFFFFF  }
0x9e: {  	s19 =	sld [smem:$0x3FDB];
	_ =	sdelay $0x1  }
0x9f: {  	s5 =	simm.s32 $_scs_section_size  }
0xa0: {  	s6 =	simm.s32 $_size__tile_overlayer_lowered;
	s7 =	simm.s32 $_tile_overlayer_lowered  }
0xa1: {  	s22 =	simm.s32 $0x1BFF;
	s21 =	sshll.u32 s7, $0x1;
	s4 =	sadd.s32 s5, s19  }
0xa2: {  	s8 =	simm.s32 $0x0;
	s20 =	sshll.u32 s6, $0x1;
	s6 =	sadd.s32 s21, s4  }
0xa3: {  	[timem:s8], [sflag:s22] =	dma.local [hbm:s6], s20  }
0xa4: {  	_ =	swait.ge [sflag:s22], s20  }
0xa5: {  	s5 =	ssub.s32 $0x0, s20;
	[sflag:s22] =	ssyncset.done $0x0  }
0xa6: {  	[sflag:s22] =	ssyncadd.s32 s5;
	_ =	sdelay $0x1  }
0xa7: {  	s23 =	simm.s32 $0x1B8B  }
0xa8: {  	_ =	swait.ge [sflag:s23], $0x1  }
0xa9: {  	[sflag:s23] =	ssyncset.done $0x0  }
0xaa: {  	s25 =	simm.s32 $0x1B8E;
	s24 =	sld [smem:$0x3FFE];
	[sflag:s23] =	ssyncadd.s32 $0xFFFFFFFF  }
0xab: {  	s26 =	simm.s32 $execute0_lowered;
	[smem:$0x3FD2] =	sst s25  }
0xac: {  	s6 =	sshll.u32 s26, $0x1;
	_ =	strace $0x8000004C;
	[dreg:$0x1] =	wrdreg $0xFFFFFFFF  }
0xad: {  	s28 =	simm.s32 $_size_execute0_lowered;
	s4 =	sadd.s32 s4, s6;
	[dreg:$0x0] =	wrdreg $0x0  }
0xae: {  	s6 =	sshll.u32 s28, $0x1;
	[dreg:$0x2] =	wrdreg s4  }
0xaf: {  	[dreg:$0x3] =	wrdreg s6  }
0xb0: {  	[dreg:$0x4] =	wrdreg $0xC0  }
0xb1: {  	_ =	task [dreg:s8], $0x5FFFF  }
0xb2: {  	[dreg:$0x1] =	wrdreg $0xFFFFFFFF  }
0xb3: {  	[dreg:$0x0] =	wrdreg $0x60  }
0xb4: {  	[dreg:$0x2] =	wrdreg s16  }
0xb5: {  	[dreg:$0x3] =	wrdreg s24  }
0xb6: {  	[dreg:$0x4] =	wrdreg s17  }
0xb7: {  	[dreg:$0x5] =	wrdreg $0xA0000  }
0xb8: {  	[dreg:$0x6] =	wrdreg $0x9  }
0xb9: {  	_ =	task.clear_ibuf [dreg:s8], $0x7FFFF;
	_ =	strace $0x9000004C  }
0xba: {  	s29 =	simm.s32 $0x9;
	_ =	strace $0x8000004E  }
0xbb: {  	_ =	swait.ge [sflag:s29], $0x1  }
0xbc: {  	[sflag:s29] =	ssyncadd.s32 $0xFFFFFFFF  }
0xbd: {  	_ =	strace $0x9000004E  }
0xbe: {  	_ =	sfence  }
0xbf: {  	s30 =	sld [smem:$0x0];
	_ =	sdelay $0x2  }
0xc0: {  	s31 =	sshll.u32 s1, $0xD;
	s1 =	sshrl.u32 s1, $0x2  }
0xc1: {  	s3 =	sand.u32 $0x4000, s31;
	s1 =	sadd.s32 s1, s30  }
0xc2: {  	s0 =	sor.u32 s3, s0;
	s1 =	sshll.u32 s1, $0x11  }
0xc3: {  	s0 =	sor.u32 s1, s0  }
0xc4: {  	s0 =	sadd.s32 $0x8F2B, s0  }
0xc5: {  	[sflag:s0] =	ssyncadd.remote.s32 $0x1  }
0xc6: {  	_ =	sfence.sel $0xFFFF  }
0xc7: {  	[dreg:$0x0] =	wrdreg $0xFFFFFFFF;
	(pc) =	sbr.abs _section_cstart, $3  }
0xc8: {  	[dreg:$0x1] =	wrdreg $0xFFFFFFFF  }
0xc9: {  	_ =	task.clear_ibuf [dreg:s8], $0x2FFFF;
	_ =	strace $0x9FFFFFFF  }
0xca: {  	(tm) =	ssettm $0x7FFFFFFF  }
0xcb: {  	_ =	shalt  }
tec
execute0_lowered:
.L_overlay_start_1:
0x0: {  	(tag) =	ssettag $0x1  }
0x1: {  	s1 =	rddreg [dreg:$0x0]  }
0x2: {  	s0 =	rddreg [dreg:$0x1]  }
0x3: {  	s13 =	rddreg [dreg:$0x2]  }
0x4: {  	s2 =	rddreg [dreg:$0x3]  }
0x5: {  	s4 =	simm.s32 $0x0;
	s5 =	srdreg.scid;
	s3 =	stileid.u32  }
0x6: {  	s16 =	simm.s32 $0x5;
	s17 =	simm.s32 $0x7D;
	s18 =	simm.s32 $0x17AC0  }
0x7: {  	s20 =	simm.s32 $0x19A00;
	s21 =	simm.s32 $0x5000;
	s22 =	simm.s32 $0x13C40  }
0x8: {  	s29 =	simm.s32 $0x3;
	s24 =	simm.s32 $0x4;
	s28 =	simm.s32 $0x9F80  }
0x9: {  	s30 =	simm.s32 $0x0;
	[smem:$0x7FF] =	sst s4;
	s6 =	smul.u32 $0xA00, s3  }
0xa: {  	s7 =	sand.u32 $0x1, s5;
	s5 =	sadd.s32 $0x64800, s0;
	s10 =	smul.u32 $0x27100, s3  }
0xb: {  	s11 =	smul.u32 $0x9C40, s3;
	_ =	strace $0x8000004D;
	s8 =	ssub.s32 $0x2, s7  }
0xc: {  	s26 =	smul.u32 $0x9C400, s7;
	p0 =	seq.s32 s7, $0x0;
	s9 =	sshrl.u32 s8, $0x1  }
0xd: {  	s0 =	sadd.s32 s6, s0;
	s25 =	sshrl.u32 s10, $0x2;
	s14 =	ssub.s32 s8, s9  }
0xe: {  	s6 =	sadd.s32 $0xC600, s0;
	s7 =	sadd.s32 $0x2600, s0;
	s31 =	sadd.s32 s25, s2  }
.Ltmp0:
0xf: {  	s8 =	sadd.s32 s11, s2;
	s12 =	sadd.s32 s11, s26;
	(pc) =	sbr.rel .LBB2_1-.Ltmp0, $4  }
0x10: {  	s25 =	simm.s32 $0x15B80;
	s26 =	simm.s32 $0x1;
	s0 =	simm.s32 $0x2  }
0x11: {  	s9 =	sadd.s32 $0x1F40, s31;
	s10 =	sadd.s32 $0x3E80, s31;
	s15 =	sshrl.u32 s12, $0x3  }
0x12: {  	s11 =	sadd.s32 $0x5DC0, s31;
	s13 =	sadd.s32 s13, s15;
	s15 =	smov.u32 s5  }
0x13: {  	v0 =	vimm.f32 $0.0e+00;
	s12 =	sadd.s32 $0x7D00, s31;
	s14 =	smax.u32 s14, $0x1;
	s15 =	smov.u32 @p0 s1  }
.LBB2_6:
0x14: {  	[spmem:s2] =	stream.indirect.scatter.add.f32 [tilespmem:s25], [sflag:$0x4], $0x40, s19, s17, $0xb8;
	[tilespmem:$0x1B940] =	vst v63  }
0x15: {  	_ =	swait.ge [sflag:s24], $0x1F40  }
0x16: {  	[sflag:s24] =	ssyncset.done $0x0  }
0x17: {  	[sflag:s24] =	ssyncadd.s32 $0xFFFFE0C0  }
0x18: {  	_ =	swait.ge [sflag:s24], $0x1F40  }
0x19: {  	[sflag:s24] =	ssyncset.done $0x0  }
0x1a: {  	s31 =	simm.s32 $0x4F00;
	[sflag:s24] =	ssyncadd.s32 $0xFFFFE0C0  }
0x1b: {  	[tilespmem:s22], [sflag:$0x2] =	stream.indirect.gather [hbm4b:s5+s17], $0x40, s31, s17, $0xb8;
	[tilespmem:$0x1B940] =	vst v63  }
0x1c: {  	s23 =	simm.s32 $0x4F80  }
0x1d: {  	[tilespmem:s25], [sflag:$0x2] =	stream.indirect.gather [hbm4b:s5+s17], $0x40, s23, s17, $0xb8;
	[tilespmem:$0x1B940] =	vst v63  }
0x1e: {  	_ =	swait.ge [sflag:s26], $0x1F40  }
0x1f: {  	[sflag:s26] =	ssyncset.done $0x0  }
0x20: {  	[sflag:s26] =	ssyncadd.s32 $0xFFFFE0C0  }
0x21: {  	_ =	swait.ge [sflag:s26], $0x1F40  }
0x22: {  	[sflag:s26] =	ssyncset.done $0x0  }
0x23: {  	s31 =	simm.s32 $0x9E00;
	[sflag:s26] =	ssyncadd.s32 $0xFFFFE0C0  }
0x24: {  	[spmem:s2] =	stream.indirect.scatter.add.f32 [tilespmem:s18], [sflag:$0x3], $0x40, s31, s17, $0xb8;
	[tilespmem:$0x1B940] =	vst v63  }
0x25: {  	s23 =	simm.s32 $0x9E80  }
0x26: {  	[spmem:s2] =	stream.indirect.scatter.add.f32 [tilespmem:s20], [sflag:$0x3], $0x40, s23, s17, $0xb8;
	[tilespmem:$0x1B940] =	vst v63  }
0x27: {  	_ =	swait.ge [sflag:s29], $0x1F40  }
0x28: {  	[sflag:s29] =	ssyncset.done $0x0  }
0x29: {  	[sflag:s29] =	ssyncadd.s32 $0xFFFFE0C0  }
0x2a: {  	_ =	swait.ge [sflag:s29], $0x1F40  }
0x2b: {  	[sflag:s29] =	ssyncset.done $0x0  }
0x2c: {  	[sflag:s29] =	ssyncadd.s32 $0xFFFFE0C0  }
0x2d: {  	_ =	swait.ge [sflag:s0], $0x1F40  }
0x2e: {  	[sflag:s0] =	ssyncset.done $0x0  }
0x2f: {  	[sflag:s0] =	ssyncadd.s32 $0xFFFFE0C0  }
0x30: {  	_ =	swait.ge [sflag:s0], $0x1F40  }
0x31: {  	[sflag:s0] =	ssyncset.done $0x0  }
0x32: {  	s31 =	simm.s32 $0x9F00;
	[sflag:s0] =	ssyncadd.s32 $0xFFFFE0C0  }
0x33: {  	[spmem:s2] =	stream.indirect.scatter.add.f32 [tilespmem:s22], [sflag:$0x4], $0x40, s31, s17, $0xb8;
	[tilespmem:$0x1B940] =	vst v63  }
0x34: {  	_ = 	snop  }
0x35: {  	[spmem:s2] =	stream.indirect.scatter.add.f32 [tilespmem:s25], [sflag:$0x4], $0x40, s28, s17, $0xb8;
	[tilespmem:$0x1B940] =	vst v63  }
.LBB2_10:
0x36: {  	_ =	swait.ge [sflag:s24], $0x1F40  }
0x37: {  	[sflag:s24] =	ssyncset.done $0x0  }
0x38: {  	[sflag:s24] =	ssyncadd.s32 $0xFFFFE0C0  }
0x39: {  	_ =	swait.ge [sflag:s24], $0x1F40  }
0x3a: {  	s19 =	sshll.u32 s3, $0x6;
	s30 =	sadd.s32 $0x1, s30;
	[sflag:s24] =	ssyncset.done $0x0  }
0x3b: {  	s23 =	sshrl.u32 s8, $0x3;
	p1 =	sne.s32 s30, s14;
	[sflag:s24] =	ssyncadd.s32 $0xFFFFE0C0  }
.Ltmp1:
0x3c: {  	s19 =	sor.u32 $0x1C05, s19;
	[bflag:$0x0] =	sbarrier.arrive $0xFFFF;
	(pc) =	sbr.rel @!p1 .LBB2_11-.Ltmp1, $4  }
0x3d: {  	[hbm:s13], [sflag:s19] =	dma.local [spmem:s23], $0x1388  }
0x3e: {  	_ =	swait.ge [sflag:s16], $0x1388  }
0x3f: {  	[sflag:s16] =	ssyncset.done $0x0  }
0x40: {  	[sflag:s16] =	ssyncadd.s32 $0xFFFFEC78  }
.LBB2_1:
0x41: {  	[tilespmem:s4], [sflag:$0x5] =	stream.linear.gather [hbm4b:s6+s4], $0x5000, $0x38;
	[tilespmem:$0x1B940] =	vst v63  }
0x42: {  	_ =	swait.ge [sflag:s16], $0x5000  }
0x43: {  	[sflag:s16] =	ssyncset.done $0x0  }
0x44: {  	[sflag:s16] =	ssyncadd.s32 $0xFFFFB000  }
0x45: {  	[tilespmem:s18], [sflag:$0x1] =	stream.indirect.gather [hbm4b:s15+s17], $0x40, s4, s17, $0xb8;
	[tilespmem:$0x1B940] =	vst v63  }
0x46: {  	s19 =	simm.s32 $0x80  }
0x47: {  	[tilespmem:s20], [sflag:$0x1] =	stream.indirect.gather [hbm4b:s15+s17], $0x40, s19, s17, $0xb8;
	[tilespmem:$0x1B940] =	vst v63  }
0x48: {  	_ = 	snop  }
0x49: {  	[tilespmem:s21], [sflag:$0x5] =	stream.linear.gather [hbm4b:s7+s4], $0x5000, $0x38;
	[tilespmem:$0x1B940] =	vst v63  }
0x4a: {  	_ =	swait.ge [sflag:s16], $0x5000  }
0x4b: {  	[sflag:s16] =	ssyncset.done $0x0  }
0x4c: {  	s31 =	simm.s32 $0x100;
	s19 =	simm.s32 $0x0;
	[sflag:s16] =	ssyncadd.s32 $0xFFFFB000  }
.LBB2_2:
0x4d: {  	p1 =	sne.s32 s31, $0x7C00;
	[tilespmem:s19+$0x13C70] =	vst v0;
	s23 =	smov.u32 s31;
	s31 =	sadd.s32 $0x100, s31  }
.Ltmp2:
0x4e: {  	[tilespmem:s19+$0x13C60] =	vst v0;
	(pc) =	sbr.rel @p1 .LBB2_2-.Ltmp2, $3  }
0x4f: {  	[tilespmem:s19+$0x13C40] =	vst v0  }
0x50: {  	[tilespmem:s19+$0x13C50] =	vst v0;
	_ =	sdelay $0x1  }
0x51: {  	s19 =	sshra.s32 s23, $0x2  }
0x52: {  	[tilespmem:s19+$0x13C70] =	vst v0  }
0x53: {  	[tilespmem:s19+$0x13C60] =	vst v0  }
0x54: {  	[tilespmem:s19+$0x13C40] =	vst v0  }
0x55: {  	[tilespmem:s19+$0x13C50] =	vst v0  }
0x56: {  	[spmem:s8] =	stream.linear.scatter [tilespmem:s22], [sflag:$0x5], $0x1F40, $0x38;
	[tilespmem:$0x1B940] =	vst v63  }
0x57: {  	_ =	swait.ge [sflag:s16], $0x1F40  }
0x58: {  	[sflag:s16] =	ssyncset.done $0x0  }
0x59: {  	[sflag:s16] =	ssyncadd.s32 $0xFFFFE0C0  }
0x5a: {  	[spmem:s9] =	stream.linear.scatter [tilespmem:s22], [sflag:$0x5], $0x1F40, $0x38;
	[tilespmem:$0x1B940] =	vst v63  }
0x5b: {  	_ =	swait.ge [sflag:s16], $0x1F40  }
0x5c: {  	[sflag:s16] =	ssyncset.done $0x0  }
0x5d: {  	[sflag:s16] =	ssyncadd.s32 $0xFFFFE0C0  }
0x5e: {  	[spmem:s10] =	stream.linear.scatter [tilespmem:s22], [sflag:$0x5], $0x1F40, $0x38;
	[tilespmem:$0x1B940] =	vst v63  }
0x5f: {  	_ =	swait.ge [sflag:s16], $0x1F40  }
0x60: {  	[sflag:s16] =	ssyncset.done $0x0  }
0x61: {  	[sflag:s16] =	ssyncadd.s32 $0xFFFFE0C0  }
0x62: {  	[spmem:s11] =	stream.linear.scatter [tilespmem:s22], [sflag:$0x5], $0x1F40, $0x38;
	[tilespmem:$0x1B940] =	vst v63  }
0x63: {  	_ =	swait.ge [sflag:s16], $0x1F40  }
0x64: {  	[sflag:s16] =	ssyncset.done $0x0  }
0x65: {  	[sflag:s16] =	ssyncadd.s32 $0xFFFFE0C0  }
0x66: {  	[spmem:s12] =	stream.linear.scatter [tilespmem:s22], [sflag:$0x5], $0x1F40, $0x38;
	[tilespmem:$0x1B940] =	vst v63  }
.Ltmp3:
0x67: {  	_ =	swait.ge [sflag:s16], $0x1F40;
	(pc) =	sbr.rel @!p0 .LBB2_4-.Ltmp3, $4  }
0x68: {  	[sflag:s16] =	ssyncset.done $0x0  }
0x69: {  	[sflag:s16] =	ssyncadd.s32 $0xFFFFE0C0  }
0x6a: {  	[bflag:$0x0] =	sbarrier.arrive $0xFFFF  }
0x6b: {  	s19 =	simm.s32 $0x100  }
0x6c: {  	[tilespmem:s22], [sflag:$0x2] =	stream.indirect.gather [hbm4b:s1+s17], $0x40, s19, s17, $0xb8;
	[tilespmem:$0x1B940] =	vst v63  }
0x6d: {  	s23 =	simm.s32 $0x180  }
0x6e: {  	[tilespmem:s25], [sflag:$0x2] =	stream.indirect.gather [hbm4b:s1+s17], $0x40, s23, s17, $0xb8;
	[tilespmem:$0x1B940] =	vst v63  }
0x6f: {  	_ =	swait.ge [sflag:s26], $0x1F40  }
0x70: {  	[sflag:s26] =	ssyncset.done $0x0  }
0x71: {  	[sflag:s26] =	ssyncadd.s32 $0xFFFFE0C0  }
0x72: {  	_ =	swait.ge [sflag:s26], $0x1F40  }
0x73: {  	[sflag:s26] =	ssyncset.done $0x0  }
0x74: {  	[sflag:s26] =	ssyncadd.s32 $0xFFFFE0C0  }
0x75: {  	[spmem:s2] =	stream.indirect.scatter.add.f32 [tilespmem:s18], [sflag:$0x3], $0x40, s21, s17, $0xb8;
	[tilespmem:$0x1B940] =	vst v63  }
0x76: {  	s23 =	simm.s32 $0x5080  }
0x77: {  	[spmem:s2] =	stream.indirect.scatter.add.f32 [tilespmem:s20], [sflag:$0x3], $0x40, s23, s17, $0xb8;
	[tilespmem:$0x1B940] =	vst v63  }
0x78: {  	_ =	swait.ge [sflag:s29], $0x1F40  }
0x79: {  	[sflag:s29] =	ssyncset.done $0x0  }
0x7a: {  	[sflag:s29] =	ssyncadd.s32 $0xFFFFE0C0  }
0x7b: {  	_ =	swait.ge [sflag:s29], $0x1F40  }
0x7c: {  	[sflag:s29] =	ssyncset.done $0x0  }
0x7d: {  	s23 =	simm.s32 $0x200;
	[sflag:s29] =	ssyncadd.s32 $0xFFFFE0C0  }
0x7e: {  	[tilespmem:s18], [sflag:$0x1] =	stream.indirect.gather [hbm4b:s1+s17], $0x40, s23, s17, $0xb8;
	[tilespmem:$0x1B940] =	vst v63  }
0x7f: {  	s23 =	simm.s32 $0x280  }
0x80: {  	[tilespmem:s20], [sflag:$0x1] =	stream.indirect.gather [hbm4b:s1+s17], $0x40, s23, s17, $0xb8;
	[tilespmem:$0x1B940] =	vst v63  }
0x81: {  	_ =	swait.ge [sflag:s0], $0x1F40  }
0x82: {  	[sflag:s0] =	ssyncset.done $0x0  }
0x83: {  	[sflag:s0] =	ssyncadd.s32 $0xFFFFE0C0  }
0x84: {  	_ =	swait.ge [sflag:s0], $0x1F40  }
0x85: {  	[sflag:s0] =	ssyncset.done $0x0  }
0x86: {  	s23 =	simm.s32 $0x5100;
	[sflag:s0] =	ssyncadd.s32 $0xFFFFE0C0  }
0x87: {  	[spmem:s2] =	stream.indirect.scatter.add.f32 [tilespmem:s22], [sflag:$0x4], $0x40, s23, s17, $0xb8;
	[tilespmem:$0x1B940] =	vst v63  }
0x88: {  	s23 =	simm.s32 $0x5180  }
0x89: {  	[spmem:s2] =	stream.indirect.scatter.add.f32 [tilespmem:s25], [sflag:$0x4], $0x40, s23, s17, $0xb8;
	[tilespmem:$0x1B940] =	vst v63  }
0x8a: {  	_ =	swait.ge [sflag:s24], $0x1F40  }
0x8b: {  	[sflag:s24] =	ssyncset.done $0x0  }
0x8c: {  	[sflag:s24] =	ssyncadd.s32 $0xFFFFE0C0  }
0x8d: {  	_ =	swait.ge [sflag:s24], $0x1F40  }
0x8e: {  	[sflag:s24] =	ssyncset.done $0x0  }
0x8f: {  	s23 =	simm.s32 $0x300;
	[sflag:s24] =	ssyncadd.s32 $0xFFFFE0C0  }
0x90: {  	[tilespmem:s22], [sflag:$0x2] =	stream.indirect.gather [hbm4b:s1+s17], $0x40, s23, s17, $0xb8;
	[tilespmem:$0x1B940] =	vst v63  }
0x91: {  	s23 =	simm.s32 $0x380  }
0x92: {  	[tilespmem:s25], [sflag:$0x2] =	stream.indirect.gather [hbm4b:s1+s17], $0x40, s23, s17, $0xb8;
	[tilespmem:$0x1B940] =	vst v63  }
0x93: {  	_ =	swait.ge [sflag:s26], $0x1F40  }
0x94: {  	[sflag:s26] =	ssyncset.done $0x0  }
0x95: {  	[sflag:s26] =	ssyncadd.s32 $0xFFFFE0C0  }
0x96: {  	_ =	swait.ge [sflag:s26], $0x1F40  }
0x97: {  	[sflag:s26] =	ssyncset.done $0x0  }
0x98: {  	s23 =	simm.s32 $0x5200;
	[sflag:s26] =	ssyncadd.s32 $0xFFFFE0C0  }
0x99: {  	[spmem:s2] =	stream.indirect.scatter.add.f32 [tilespmem:s18], [sflag:$0x3], $0x40, s23, s17, $0xb8;
	[tilespmem:$0x1B940] =	vst v63  }
0x9a: {  	s23 =	simm.s32 $0x5280  }
0x9b: {  	[spmem:s2] =	stream.indirect.scatter.add.f32 [tilespmem:s20], [sflag:$0x3], $0x40, s23, s17, $0xb8;
	[tilespmem:$0x1B940] =	vst v63  }
0x9c: {  	_ =	swait.ge [sflag:s29], $0x1F40  }
0x9d: {  	[sflag:s29] =	ssyncset.done $0x0  }
0x9e: {  	[sflag:s29] =	ssyncadd.s32 $0xFFFFE0C0  }
0x9f: {  	_ =	swait.ge [sflag:s29], $0x1F40  }
0xa0: {  	[sflag:s29] =	ssyncset.done $0x0  }
0xa1: {  	s23 =	simm.s32 $0x400;
	[sflag:s29] =	ssyncadd.s32 $0xFFFFE0C0  }
0xa2: {  	[tilespmem:s18], [sflag:$0x1] =	stream.indirect.gather [hbm4b:s1+s17], $0x40, s23, s17, $0xb8;
	[tilespmem:$0x1B940] =	vst v63  }
0xa3: {  	s23 =	simm.s32 $0x480  }
0xa4: {  	[tilespmem:s20], [sflag:$0x1] =	stream.indirect.gather [hbm4b:s1+s17], $0x40, s23, s17, $0xb8;
	[tilespmem:$0x1B940] =	vst v63  }
0xa5: {  	_ =	swait.ge [sflag:s0], $0x1F40  }
0xa6: {  	[sflag:s0] =	ssyncset.done $0x0  }
0xa7: {  	[sflag:s0] =	ssyncadd.s32 $0xFFFFE0C0  }
0xa8: {  	_ =	swait.ge [sflag:s0], $0x1F40  }
0xa9: {  	s31 =	simm.s32 $0x800;
	[sflag:s0] =	ssyncset.done $0x0  }
0xaa: {  	s19 =	simm.s32 $0x5380;
	s23 =	simm.s32 $0x5300;
	[sflag:s0] =	ssyncadd.s32 $0xFFFFE0C0  }
0xab: {  	[spmem:s2] =	stream.indirect.scatter.add.f32 [tilespmem:s22], [sflag:$0x4], $0x40, s23, s17, $0xb8;
	[tilespmem:$0x1B940] =	vst v63  }
.LBB2_8:
0xac: {  	[spmem:s2] =	stream.indirect.scatter.add.f32 [tilespmem:s25], [sflag:$0x4], $0x40, s19, s17, $0xb8;
	[tilespmem:$0x1B940] =	vst v63  }
0xad: {  	s19 =	smov.u32 s31  }
0xae: {  	p1 =	seq.s32 s31, $0x12800;
	s31 =	sadd.s32 $0x800, s31;
	_ =	swait.ge [sflag:s24], $0x1F40  }
0xaf: {  	[sflag:s24] =	ssyncset.done $0x0  }
0xb0: {  	[sflag:s24] =	ssyncadd.s32 $0xFFFFE0C0  }
0xb1: {  	_ =	swait.ge [sflag:s24], $0x1F40  }
0xb2: {  	s19 =	sshra.s32 s19, $0x2;
	[sflag:s24] =	ssyncset.done $0x0  }
0xb3: {  	s23 =	sadd.s32 $0x300, s19;
	[sflag:s24] =	ssyncadd.s32 $0xFFFFE0C0  }
0xb4: {  	[tilespmem:s22], [sflag:$0x2] =	stream.indirect.gather [hbm4b:s1+s17], $0x40, s23, s17, $0xb8;
	[tilespmem:$0x1B940] =	vst v63  }
0xb5: {  	s23 =	sadd.s32 $0x380, s19  }
0xb6: {  	[tilespmem:s25], [sflag:$0x2] =	stream.indirect.gather [hbm4b:s1+s17], $0x40, s23, s17, $0xb8;
	[tilespmem:$0x1B940] =	vst v63  }
0xb7: {  	_ =	swait.ge [sflag:s26], $0x1F40  }
0xb8: {  	[sflag:s26] =	ssyncset.done $0x0  }
0xb9: {  	[sflag:s26] =	ssyncadd.s32 $0xFFFFE0C0  }
0xba: {  	_ =	swait.ge [sflag:s26], $0x1F40  }
0xbb: {  	[sflag:s26] =	ssyncset.done $0x0  }
0xbc: {  	s23 =	sadd.s32 $0x5200, s19;
	[sflag:s26] =	ssyncadd.s32 $0xFFFFE0C0  }
0xbd: {  	[spmem:s2] =	stream.indirect.scatter.add.f32 [tilespmem:s18], [sflag:$0x3], $0x40, s23, s17, $0xb8;
	[tilespmem:$0x1B940] =	vst v63  }
0xbe: {  	s23 =	sadd.s32 $0x5280, s19  }
0xbf: {  	[spmem:s2] =	stream.indirect.scatter.add.f32 [tilespmem:s20], [sflag:$0x3], $0x40, s23, s17, $0xb8;
	[tilespmem:$0x1B940] =	vst v63  }
0xc0: {  	_ =	swait.ge [sflag:s29], $0x1F40  }
0xc1: {  	[sflag:s29] =	ssyncset.done $0x0  }
0xc2: {  	[sflag:s29] =	ssyncadd.s32 $0xFFFFE0C0  }
0xc3: {  	_ =	swait.ge [sflag:s29], $0x1F40  }
0xc4: {  	[sflag:s29] =	ssyncset.done $0x0  }
0xc5: {  	s23 =	sadd.s32 $0x400, s19;
	[sflag:s29] =	ssyncadd.s32 $0xFFFFE0C0  }
0xc6: {  	[tilespmem:s18], [sflag:$0x1] =	stream.indirect.gather [hbm4b:s1+s17], $0x40, s23, s17, $0xb8;
	[tilespmem:$0x1B940] =	vst v63  }
0xc7: {  	s23 =	sadd.s32 $0x480, s19  }
0xc8: {  	[tilespmem:s20], [sflag:$0x1] =	stream.indirect.gather [hbm4b:s1+s17], $0x40, s23, s17, $0xb8;
	[tilespmem:$0x1B940] =	vst v63  }
0xc9: {  	_ =	swait.ge [sflag:s0], $0x1F40  }
0xca: {  	[sflag:s0] =	ssyncset.done $0x0  }
0xcb: {  	[sflag:s0] =	ssyncadd.s32 $0xFFFFE0C0  }
.Ltmp4:
0xcc: {  	_ =	swait.ge [sflag:s0], $0x1F40;
	(pc) =	sbr.rel @!p1 .LBB2_8-.Ltmp4, $4  }
0xcd: {  	[sflag:s0] =	ssyncset.done $0x0  }
0xce: {  	s23 =	sadd.s32 $0x5300, s19;
	[sflag:s0] =	ssyncadd.s32 $0xFFFFE0C0  }
0xcf: {  	[spmem:s2] =	stream.indirect.scatter.add.f32 [tilespmem:s22], [sflag:$0x4], $0x40, s23, s17, $0xb8;
	[tilespmem:$0x1B940] =	vst v63  }
0xd0: {  	s19 =	sadd.s32 $0x5380, s19  }
0xd1: {  	[spmem:s2] =	stream.indirect.scatter.add.f32 [tilespmem:s25], [sflag:$0x4], $0x40, s19, s17, $0xb8;
	[tilespmem:$0x1B940] =	vst v63  }
0xd2: {  	_ =	swait.ge [sflag:s24], $0x1F40  }
0xd3: {  	[sflag:s24] =	ssyncset.done $0x0  }
0xd4: {  	[sflag:s24] =	ssyncadd.s32 $0xFFFFE0C0  }
0xd5: {  	_ =	swait.ge [sflag:s24], $0x1F40  }
0xd6: {  	[sflag:s24] =	ssyncset.done $0x0  }
0xd7: {  	s31 =	simm.s32 $0x4F00;
	[sflag:s24] =	ssyncadd.s32 $0xFFFFE0C0  }
0xd8: {  	[tilespmem:s22], [sflag:$0x2] =	stream.indirect.gather [hbm4b:s1+s17], $0x40, s31, s17, $0xb8;
	[tilespmem:$0x1B940] =	vst v63  }
0xd9: {  	s23 =	simm.s32 $0x4F80  }
0xda: {  	[tilespmem:s25], [sflag:$0x2] =	stream.indirect.gather [hbm4b:s1+s17], $0x40, s23, s17, $0xb8;
	[tilespmem:$0x1B940] =	vst v63  }
0xdb: {  	_ =	swait.ge [sflag:s26], $0x1F40  }
0xdc: {  	[sflag:s26] =	ssyncset.done $0x0  }
0xdd: {  	[sflag:s26] =	ssyncadd.s32 $0xFFFFE0C0  }
0xde: {  	_ =	swait.ge [sflag:s26], $0x1F40  }
0xdf: {  	[sflag:s26] =	ssyncset.done $0x0  }
0xe0: {  	s31 =	simm.s32 $0x9E00;
	[sflag:s26] =	ssyncadd.s32 $0xFFFFE0C0  }
0xe1: {  	[spmem:s2] =	stream.indirect.scatter.add.f32 [tilespmem:s18], [sflag:$0x3], $0x40, s31, s17, $0xb8;
	[tilespmem:$0x1B940] =	vst v63  }
0xe2: {  	s23 =	simm.s32 $0x9E80  }
0xe3: {  	[spmem:s2] =	stream.indirect.scatter.add.f32 [tilespmem:s20], [sflag:$0x3], $0x40, s23, s17, $0xb8;
	[tilespmem:$0x1B940] =	vst v63  }
0xe4: {  	_ =	swait.ge [sflag:s29], $0x1F40  }
0xe5: {  	[sflag:s29] =	ssyncset.done $0x0  }
0xe6: {  	[sflag:s29] =	ssyncadd.s32 $0xFFFFE0C0  }
0xe7: {  	_ =	swait.ge [sflag:s29], $0x1F40  }
0xe8: {  	[sflag:s29] =	ssyncset.done $0x0  }
0xe9: {  	[sflag:s29] =	ssyncadd.s32 $0xFFFFE0C0  }
0xea: {  	_ =	swait.ge [sflag:s0], $0x1F40  }
0xeb: {  	[sflag:s0] =	ssyncset.done $0x0  }
0xec: {  	[sflag:s0] =	ssyncadd.s32 $0xFFFFE0C0  }
0xed: {  	_ =	swait.ge [sflag:s0], $0x1F40  }
.Ltmp5:
0xee: {  	[sflag:s0] =	ssyncset.done $0x0;
	(pc) =	sbr.rel .LBB2_10-.Ltmp5, $4  }
0xef: {  	s31 =	simm.s32 $0x9F00;
	[sflag:s0] =	ssyncadd.s32 $0xFFFFE0C0  }
0xf0: {  	[spmem:s2] =	stream.indirect.scatter.add.f32 [tilespmem:s22], [sflag:$0x4], $0x40, s31, s17, $0xb8;
	[tilespmem:$0x1B940] =	vst v63  }
0xf1: {  	_ = 	snop  }
0xf2: {  	[spmem:s2] =	stream.indirect.scatter.add.f32 [tilespmem:s25], [sflag:$0x4], $0x40, s28, s17, $0xb8;
	[tilespmem:$0x1B940] =	vst v63  }
.LBB2_4:
0xf3: {  	[tilespmem:s22], [sflag:$0x2] =	stream.indirect.gather [hbm4b:s5+s17], $0x40, s19, s17, $0xb8;
	[tilespmem:$0x1B940] =	vst v63  }
0xf4: {  	s23 =	simm.s32 $0x180  }
0xf5: {  	[tilespmem:s25], [sflag:$0x2] =	stream.indirect.gather [hbm4b:s5+s17], $0x40, s23, s17, $0xb8;
	[tilespmem:$0x1B940] =	vst v63  }
0xf6: {  	_ =	swait.ge [sflag:s26], $0x1F40  }
0xf7: {  	[sflag:s26] =	ssyncset.done $0x0  }
0xf8: {  	[sflag:s26] =	ssyncadd.s32 $0xFFFFE0C0  }
0xf9: {  	_ =	swait.ge [sflag:s26], $0x1F40  }
0xfa: {  	[sflag:s26] =	ssyncset.done $0x0  }
0xfb: {  	[sflag:s26] =	ssyncadd.s32 $0xFFFFE0C0  }
0xfc: {  	[spmem:s2] =	stream.indirect.scatter.add.f32 [tilespmem:s18], [sflag:$0x3], $0x40, s21, s17, $0xb8;
	[tilespmem:$0x1B940] =	vst v63  }
0xfd: {  	s23 =	simm.s32 $0x5080  }
0xfe: {  	[spmem:s2] =	stream.indirect.scatter.add.f32 [tilespmem:s20], [sflag:$0x3], $0x40, s23, s17, $0xb8;
	[tilespmem:$0x1B940] =	vst v63  }
0xff: {  	_ =	swait.ge [sflag:s29], $0x1F40  }
0x100: {  	[sflag:s29] =	ssyncset.done $0x0  }
0x101: {  	[sflag:s29] =	ssyncadd.s32 $0xFFFFE0C0  }
0x102: {  	_ =	swait.ge [sflag:s29], $0x1F40  }
0x103: {  	[sflag:s29] =	ssyncset.done $0x0  }
0x104: {  	s23 =	simm.s32 $0x200;
	[sflag:s29] =	ssyncadd.s32 $0xFFFFE0C0  }
0x105: {  	[tilespmem:s18], [sflag:$0x1] =	stream.indirect.gather [hbm4b:s5+s17], $0x40, s23, s17, $0xb8;
	[tilespmem:$0x1B940] =	vst v63  }
0x106: {  	s23 =	simm.s32 $0x280  }
0x107: {  	[tilespmem:s20], [sflag:$0x1] =	stream.indirect.gather [hbm4b:s5+s17], $0x40, s23, s17, $0xb8;
	[tilespmem:$0x1B940] =	vst v63  }
0x108: {  	_ =	swait.ge [sflag:s0], $0x1F40  }
0x109: {  	[sflag:s0] =	ssyncset.done $0x0  }
0x10a: {  	[sflag:s0] =	ssyncadd.s32 $0xFFFFE0C0  }
0x10b: {  	_ =	swait.ge [sflag:s0], $0x1F40  }
0x10c: {  	[sflag:s0] =	ssyncset.done $0x0  }
0x10d: {  	s23 =	simm.s32 $0x5100;
	[sflag:s0] =	ssyncadd.s32 $0xFFFFE0C0  }
0x10e: {  	[spmem:s2] =	stream.indirect.scatter.add.f32 [tilespmem:s22], [sflag:$0x4], $0x40, s23, s17, $0xb8;
	[tilespmem:$0x1B940] =	vst v63  }
0x10f: {  	s23 =	simm.s32 $0x5180  }
0x110: {  	[spmem:s2] =	stream.indirect.scatter.add.f32 [tilespmem:s25], [sflag:$0x4], $0x40, s23, s17, $0xb8;
	[tilespmem:$0x1B940] =	vst v63  }
0x111: {  	_ =	swait.ge [sflag:s24], $0x1F40  }
0x112: {  	[sflag:s24] =	ssyncset.done $0x0  }
0x113: {  	[sflag:s24] =	ssyncadd.s32 $0xFFFFE0C0  }
0x114: {  	_ =	swait.ge [sflag:s24], $0x1F40  }
0x115: {  	[sflag:s24] =	ssyncset.done $0x0  }
0x116: {  	s23 =	simm.s32 $0x300;
	[sflag:s24] =	ssyncadd.s32 $0xFFFFE0C0  }
0x117: {  	[tilespmem:s22], [sflag:$0x2] =	stream.indirect.gather [hbm4b:s5+s17], $0x40, s23, s17, $0xb8;
	[tilespmem:$0x1B940] =	vst v63  }
0x118: {  	s23 =	simm.s32 $0x380  }
0x119: {  	[tilespmem:s25], [sflag:$0x2] =	stream.indirect.gather [hbm4b:s5+s17], $0x40, s23, s17, $0xb8;
	[tilespmem:$0x1B940] =	vst v63  }
0x11a: {  	_ =	swait.ge [sflag:s26], $0x1F40  }
0x11b: {  	[sflag:s26] =	ssyncset.done $0x0  }
0x11c: {  	[sflag:s26] =	ssyncadd.s32 $0xFFFFE0C0  }
0x11d: {  	_ =	swait.ge [sflag:s26], $0x1F40  }
0x11e: {  	[sflag:s26] =	ssyncset.done $0x0  }
0x11f: {  	s23 =	simm.s32 $0x5200;
	[sflag:s26] =	ssyncadd.s32 $0xFFFFE0C0  }
0x120: {  	[spmem:s2] =	stream.indirect.scatter.add.f32 [tilespmem:s18], [sflag:$0x3], $0x40, s23, s17, $0xb8;
	[tilespmem:$0x1B940] =	vst v63  }
0x121: {  	s23 =	simm.s32 $0x5280  }
0x122: {  	[spmem:s2] =	stream.indirect.scatter.add.f32 [tilespmem:s20], [sflag:$0x3], $0x40, s23, s17, $0xb8;
	[tilespmem:$0x1B940] =	vst v63  }
0x123: {  	_ =	swait.ge [sflag:s29], $0x1F40  }
0x124: {  	[sflag:s29] =	ssyncset.done $0x0  }
0x125: {  	[sflag:s29] =	ssyncadd.s32 $0xFFFFE0C0  }
0x126: {  	_ =	swait.ge [sflag:s29], $0x1F40  }
0x127: {  	[sflag:s29] =	ssyncset.done $0x0  }
0x128: {  	s23 =	simm.s32 $0x400;
	[sflag:s29] =	ssyncadd.s32 $0xFFFFE0C0  }
0x129: {  	[tilespmem:s18], [sflag:$0x1] =	stream.indirect.gather [hbm4b:s5+s17], $0x40, s23, s17, $0xb8;
	[tilespmem:$0x1B940] =	vst v63  }
0x12a: {  	s23 =	simm.s32 $0x480  }
0x12b: {  	[tilespmem:s20], [sflag:$0x1] =	stream.indirect.gather [hbm4b:s5+s17], $0x40, s23, s17, $0xb8;
	[tilespmem:$0x1B940] =	vst v63  }
0x12c: {  	_ =	swait.ge [sflag:s0], $0x1F40  }
0x12d: {  	[sflag:s0] =	ssyncset.done $0x0  }
0x12e: {  	[sflag:s0] =	ssyncadd.s32 $0xFFFFE0C0  }
0x12f: {  	_ =	swait.ge [sflag:s0], $0x1F40  }
0x130: {  	s31 =	simm.s32 $0x800;
	[sflag:s0] =	ssyncset.done $0x0  }
0x131: {  	s19 =	simm.s32 $0x5380;
	s23 =	simm.s32 $0x5300;
	[sflag:s0] =	ssyncadd.s32 $0xFFFFE0C0  }
0x132: {  	[spmem:s2] =	stream.indirect.scatter.add.f32 [tilespmem:s22], [sflag:$0x4], $0x40, s23, s17, $0xb8;
	[tilespmem:$0x1B940] =	vst v63  }
.LBB2_5:
0x133: {  	[spmem:s2] =	stream.indirect.scatter.add.f32 [tilespmem:s25], [sflag:$0x4], $0x40, s19, s17, $0xb8;
	[tilespmem:$0x1B940] =	vst v63  }
0x134: {  	s19 =	smov.u32 s31  }
0x135: {  	p1 =	seq.s32 s31, $0x12800;
	s31 =	sadd.s32 $0x800, s31;
	_ =	swait.ge [sflag:s24], $0x1F40  }
0x136: {  	[sflag:s24] =	ssyncset.done $0x0  }
0x137: {  	[sflag:s24] =	ssyncadd.s32 $0xFFFFE0C0  }
0x138: {  	_ =	swait.ge [sflag:s24], $0x1F40  }
0x139: {  	s19 =	sshra.s32 s19, $0x2;
	[sflag:s24] =	ssyncset.done $0x0  }
0x13a: {  	s23 =	sadd.s32 $0x300, s19;
	[sflag:s24] =	ssyncadd.s32 $0xFFFFE0C0  }
0x13b: {  	[tilespmem:s22], [sflag:$0x2] =	stream.indirect.gather [hbm4b:s5+s17], $0x40, s23, s17, $0xb8;
	[tilespmem:$0x1B940] =	vst v63  }
0x13c: {  	s23 =	sadd.s32 $0x380, s19  }
0x13d: {  	[tilespmem:s25], [sflag:$0x2] =	stream.indirect.gather [hbm4b:s5+s17], $0x40, s23, s17, $0xb8;
	[tilespmem:$0x1B940] =	vst v63  }
0x13e: {  	_ =	swait.ge [sflag:s26], $0x1F40  }
0x13f: {  	[sflag:s26] =	ssyncset.done $0x0  }
0x140: {  	[sflag:s26] =	ssyncadd.s32 $0xFFFFE0C0  }
0x141: {  	_ =	swait.ge [sflag:s26], $0x1F40  }
0x142: {  	[sflag:s26] =	ssyncset.done $0x0  }
0x143: {  	s23 =	sadd.s32 $0x5200, s19;
	[sflag:s26] =	ssyncadd.s32 $0xFFFFE0C0  }
0x144: {  	[spmem:s2] =	stream.indirect.scatter.add.f32 [tilespmem:s18], [sflag:$0x3], $0x40, s23, s17, $0xb8;
	[tilespmem:$0x1B940] =	vst v63  }
0x145: {  	s23 =	sadd.s32 $0x5280, s19  }
0x146: {  	[spmem:s2] =	stream.indirect.scatter.add.f32 [tilespmem:s20], [sflag:$0x3], $0x40, s23, s17, $0xb8;
	[tilespmem:$0x1B940] =	vst v63  }
0x147: {  	_ =	swait.ge [sflag:s29], $0x1F40  }
0x148: {  	[sflag:s29] =	ssyncset.done $0x0  }
0x149: {  	[sflag:s29] =	ssyncadd.s32 $0xFFFFE0C0  }
0x14a: {  	_ =	swait.ge [sflag:s29], $0x1F40  }
0x14b: {  	[sflag:s29] =	ssyncset.done $0x0  }
0x14c: {  	s23 =	sadd.s32 $0x400, s19;
	[sflag:s29] =	ssyncadd.s32 $0xFFFFE0C0  }
0x14d: {  	[tilespmem:s18], [sflag:$0x1] =	stream.indirect.gather [hbm4b:s5+s17], $0x40, s23, s17, $0xb8;
	[tilespmem:$0x1B940] =	vst v63  }
0x14e: {  	s23 =	sadd.s32 $0x480, s19  }
0x14f: {  	[tilespmem:s20], [sflag:$0x1] =	stream.indirect.gather [hbm4b:s5+s17], $0x40, s23, s17, $0xb8;
	[tilespmem:$0x1B940] =	vst v63  }
0x150: {  	_ =	swait.ge [sflag:s0], $0x1F40  }
0x151: {  	[sflag:s0] =	ssyncset.done $0x0  }
0x152: {  	[sflag:s0] =	ssyncadd.s32 $0xFFFFE0C0  }
.Ltmp6:
0x153: {  	_ =	swait.ge [sflag:s0], $0x1F40;
	(pc) =	sbr.rel @!p1 .LBB2_5-.Ltmp6, $4  }
0x154: {  	[sflag:s0] =	ssyncset.done $0x0  }
0x155: {  	s23 =	sadd.s32 $0x5300, s19;
	[sflag:s0] =	ssyncadd.s32 $0xFFFFE0C0  }
0x156: {  	[spmem:s2] =	stream.indirect.scatter.add.f32 [tilespmem:s22], [sflag:$0x4], $0x40, s23, s17, $0xb8;
	[tilespmem:$0x1B940] =	vst v63  }
0x157: {  	s19 =	sadd.s32 $0x5380, s19  }
.Ltmp7:
0x158: {  	_ = 	snop;
	(pc) =	sbr.rel .LBB2_6-.Ltmp7, $1  }
0x159: {  	_ =	sdelay $0x3  }
.LBB2_11:
0x15a: {  	_ =	sfence.sel $0x180000  }
0x15b: {  	[bflag:$0x0] =	sbarrier.arrive $0xFFFF  }
0x15c: {  	_ =	strace $0x9000004D  }
0x15d: {  	[bflag:$0x2] =	sbarrier.arrive $0xFFFF  }
0x15e: {  	p0 =	sne.s32 s3, $0x0;
	s0 =	rddreg [dreg:$0x4]  }
0x15f: {  	s0 =	sadd.s32 @!p0 $0x100000, s0  }
0x160: {  	[sflag:s0] =	ssyncadd.tile.s32 @!p0 $0x1;
	_ =	shalt  }
.Lfunc_end2:
_tile_overlayer_lowered:
.L_overlay_start_2:
0x161: {  	(tag) =	ssettag $0x2  }
0x162: {  	s0 =	rddreg [dreg:$0x0];
	s2 =	stileid.u32  }
0x163: {  	s1 =	rddreg [dreg:$0x1];
	p0 =	sne.s32 s2, $0x0  }
0x164: {  	s3 =	rddreg [dreg:$0x2];
	[bflag:$0x3] =	sbarrier.arrive $0xFFFF;
	s2 =	simm.s32 @!p0 $0x1C05  }
0x165: {  	[timem:s3], [sflag:s2] =	dma.local @!p0 [hbm:s0], s1  }
0x166: {  	s0 =	simm.s32 @!p0 $0x5  }
0x167: {  	_ =	swait.ge @!p0 [sflag:s0], s1  }
0x168: {  	s1 =	ssub.s32 @!p0 $0x0, s1;
	[sflag:s0] =	ssyncset.done @!p0 $0x0  }
0x169: {  	[sflag:s0] =	ssyncadd.s32 @!p0 s1  }
0x16a: {  	[bflag:$0x3] =	sbarrier.arrive $0xFFFF  }
0x16b: {  	_ =	shalt  }

// kernel: kernel.19.cloned.1.call-start
scs
__scs_entry_jumppad:
0x0: {  	(pc) =	sbr.rel $0x88, $3  }
0x1: {  	(tag) =	ssettag $0x0;
	lr =	simm.s32 $0x1  }
0x2: {  	[smem:$0x3F95] =	sst lr;
	_ =	strace $0xD0000000  }
0x3: {  	_ = 	snop  }
0x4: {  	_ = 	snop  }
0x5: {  	_ = 	snop  }
0x6: {  	_ = 	snop  }
0x7: {  	_ = 	snop  }
__scs_overlays_trampoline_lowered:
0x8: {  	[smem:$0x3FA4] =	sst s0  }
0x9: {  	[smem:$0x3FA5] =	sst s1  }
0xa: {  	[smem:$0x3FA6] =	sst s2  }
0xb: {  	[smem:$0x3FA7] =	sst s3  }
0xc: {  	[smem:$0x3FA8] =	sst s4  }
0xd: {  	[smem:$0x3FA9] =	sst s5  }
0xe: {  	[smem:$0x3FAA] =	sst s6  }
0xf: {  	[smem:$0x3FAB] =	sst s7  }
0x10: {  	[smem:$0x3FAC] =	sst s8  }
0x11: {  	[smem:$0x3FAD] =	sst s9;
	s0 =	simm.s32 @!p0 $0x0  }
0x12: {  	s1 =	sld [smem:$0x3F93];
	s0 =	simm.s32 @p0 $0x1  }
0x13: {  	[smem:$0x3FAE] =	sst s0;
	s0 =	simm.s32 @!p1 $0x0  }
0x14: {  	s2 =	sld [smem:$0x3F92];
	s0 =	simm.s32 @p1 $0x1  }
0x15: {  	[smem:$0x3FAF] =	sst s0;
	s0 =	simm.s32 @!p2 $0x0  }
0x16: {  	s3 =	sld [smem:$0x3FDB];
	s0 =	simm.s32 @p2 $0x1  }
0x17: {  	s4 =	simm.s32 $0x1BF5;
	[smem:$0x3FB1] =	sst s0  }
0x18: {  	s0 =	sld [smem:$0x3F94];
	_ =	swait.ge [sflag:s4], $0x0  }
0x19: {  	s7 =	sld [smem:$0x3F95]  }
0x1a: {  	s8 =	sadd.s32 $0xFFFFE003, lr  }
0x1b: {  	s9 =	sadd.s32 $0xFFFFFEF7, lr;
	s5 =	simm.s32 $0xFFFFFFFF;
	p2 =	slt.u32 s8, $0xFFFFF086  }
0x1c: {  	p1 =	slt.u32 s9, $0xF7A;
	s5 =	simm.s32 @!p2 $0x0  }
0x1d: {  	s5 =	simm.s32 @p1 $0x1;
	p0 =	seq.s32 s7, s2  }
0x1e: {  	s7 =	smul.u32 @!p0 $0xF7A, s2;
	p2 =	seq.s32 @!p0 s5, $0x0  }
0x1f: {  	s9 =	smul.u32 $0xF7A, s1;
	s8 =	simm.s32 @!p0 $0x1BF5;
	p2 =	por !p2, p0  }
0x20: {  	[sflag:s8] =	ssyncset.s32 @!p0 $0xFFFFF086;
	s6 =	sadd.s32 @!p0 s3, s7;
	s7 =	simm.s32 @!p0 $0x108  }
0x21: {  	s3 =	sadd.s32 s3, s9;
	s6 =	sadd.s32 @!p0 $0x88, s6;
	s7 =	simm.s32 @p2 $0x1082  }
0x22: {  	[simem:s7], [sflag:s8] =	dma.local @!p0 [hbm:s6], $0xF7A  }
0x23: {  	s9 =	sor.u32 $0xD0000000, s2;
	s6 =	simm.s32 $0x108;
	_ =	swait.ge @!p0 [sflag:s8], $0x0  }
0x24: {  	s3 =	sadd.s32 $0x88, s3;
	s6 =	simm.s32 @!p1 $0x1082;
	[sflag:s4] =	ssyncset.s32 $0xFFFFF086  }
0x25: {  	[simem:s6], [sflag:s4] =	dma.local [hbm:s3], $0xF7A  }
0x26: {  	[smem:$0x3F95] =	sst s1;
	(tag) =	ssettag s2;
	_ =	strace s9  }
0x27: {  	s1 =	sld [smem:$0x3FA5]  }
0x28: {  	s2 =	sld [smem:$0x3FA6]  }
0x29: {  	s4 =	sld [smem:$0x3FA8]  }
0x2a: {  	p0 =	seq.s32 s5, $0x0;
	s5 =	sld [smem:$0x3FA9]  }
0x2b: {  	s6 =	sld [smem:$0x3FAA]  }
0x2c: {  	s7 =	sld [smem:$0x3FAB]  }
0x2d: {  	s3 =	simm.s32 $0x108;
	s8 =	sld [smem:$0x3FAC]  }
0x2e: {  	s3 =	simm.s32 @!p0 $0x1082;
	s9 =	sld [smem:$0x3FAD]  }
0x2f: {  	lr =	sadd.s32 s0, s3;
	s0 =	sld [smem:$0x3FA4]  }
0x30: {  	s3 =	sld [smem:$0x3FA7]  }
0x31: {  	[smem:$0x3FB0] =	sst s10  }
0x32: {  	s10 =	sld [smem:$0x3FAE];
	_ =	sdelay $0x3  }
0x33: {  	p0 =	seq.s32 s10, $0x1;
	s10 =	sld [smem:$0x3FB0];
	_ =	sdelay $0x3  }
0x34: {  	[smem:$0x3FB0] =	sst s10  }
0x35: {  	s10 =	sld [smem:$0x3FAF];
	_ =	sdelay $0x3  }
0x36: {  	p1 =	seq.s32 s10, $0x1;
	s10 =	sld [smem:$0x3FB0];
	_ =	sdelay $0x3  }
0x37: {  	[smem:$0x3FB0] =	sst s10  }
0x38: {  	s10 =	sld [smem:$0x3FB1]  }
0x39: {  	_ = 	snop;
	(pc) =	sbr.ind lr, $3  }
0x3a: {  	_ = 	snop  }
0x3b: {  	_ = 	snop  }
0x3c: {  	p2 =	seq.s32 s10, $0x1;
	s10 =	sld [smem:$0x3FB0]  }
0x3d: {  	_ =	shalt  }
0x3e: {  	_ =	shalt  }
0x3f: {  	_ =	shalt  }
0x40: {  	_ =	shalt  }
0x41: {  	_ =	shalt  }
0x42: {  	_ =	shalt  }
0x43: {  	_ =	shalt  }
0x44: {  	_ =	shalt  }
0x45: {  	_ =	shalt  }
0x46: {  	_ =	shalt  }
0x47: {  	_ =	shalt  }
0x48: {  	_ =	shalt  }
0x49: {  	_ =	shalt  }
0x4a: {  	_ =	shalt  }
0x4b: {  	_ =	shalt  }
0x4c: {  	_ =	shalt  }
0x4d: {  	_ =	shalt  }
0x4e: {  	_ =	shalt  }
0x4f: {  	_ =	shalt  }
0x50: {  	_ =	shalt  }
0x51: {  	_ =	shalt  }
0x52: {  	_ =	shalt  }
0x53: {  	_ =	shalt  }
0x54: {  	_ =	shalt  }
0x55: {  	_ =	shalt  }
0x56: {  	_ =	shalt  }
0x57: {  	_ =	shalt  }
0x58: {  	_ =	shalt  }
0x59: {  	_ =	shalt  }
0x5a: {  	_ =	shalt  }
0x5b: {  	_ =	shalt  }
0x5c: {  	_ =	shalt  }
0x5d: {  	_ =	shalt  }
0x5e: {  	_ =	shalt  }
0x5f: {  	_ =	shalt  }
0x60: {  	_ =	shalt  }
0x61: {  	_ =	shalt  }
0x62: {  	_ =	shalt  }
0x63: {  	_ =	shalt  }
0x64: {  	_ =	shalt  }
0x65: {  	_ =	shalt  }
0x66: {  	_ =	shalt  }
0x67: {  	_ =	shalt  }
0x68: {  	_ =	shalt  }
0x69: {  	_ =	shalt  }
0x6a: {  	_ =	shalt  }
0x6b: {  	_ =	shalt  }
0x6c: {  	_ =	shalt  }
0x6d: {  	_ =	shalt  }
0x6e: {  	_ =	shalt  }
0x6f: {  	_ =	shalt  }
0x70: {  	_ =	shalt  }
0x71: {  	_ =	shalt  }
0x72: {  	_ =	shalt  }
0x73: {  	_ =	shalt  }
0x74: {  	_ =	shalt  }
0x75: {  	_ =	shalt  }
0x76: {  	_ =	shalt  }
0x77: {  	_ =	shalt  }
0x78: {  	_ =	shalt  }
0x79: {  	_ =	shalt  }
0x7a: {  	_ =	shalt  }
0x7b: {  	_ =	shalt  }
0x7c: {  	_ =	shalt  }
0x7d: {  	_ =	shalt  }
0x7e: {  	_ =	shalt  }
0x7f: {  	_ =	shalt  }
0x80: {  	_ =	shalt  }
0x81: {  	_ =	shalt  }
0x82: {  	_ =	shalt  }
0x83: {  	_ =	shalt  }
0x84: {  	_ =	shalt  }
0x85: {  	_ =	shalt  }
0x86: {  	_ =	shalt  }
0x87: {  	_ =	shalt  }
.Lfunc_end0:
.L_simem_size_0:
called_computation.3_lowered:
.L_overlay_start_0:
0x88: {  	s2 =	sld [smem:$0x3FD9]  }
0x89: {  	s3 =	sld [smem:$0x3FFE];
	_ =	sdelay $0x1  }
0x8a: {  	s1 =	srdreg.scid  }
0x8b: {  	s0 =	sand.u32 $0x1, s1  }
0x8c: {  	s14 =	sshll.u32 s0, $0xA;
	s2 =	sadd.s32 s3, s2  }
0x8d: {  	s2 =	sadd.s32 s2, s14  }
0x8e: {  	[smem:$0x3FBC] =	sst s2  }
0x8f: {  	_ = 	snop  }
0x90: {  	s2 =	sld [smem:$0x3FD0];
	_ =	sdelay $0x2  }
0x91: {  	s15 =	simm.s32 $0xA;
	s4 =	simm.s32 $0x10  }
0x92: {  	[smem:s4], [sflag:s15] =	dma.local [hbm:s2], $0x1  }
0x93: {  	_ =	swait.eq [sflag:s15], $0x1  }
0x94: {  	[sflag:s15] =	ssyncset.done $0x0  }
0x95: {  	[sflag:s15] =	ssyncadd.s32 $0xFFFFFFFF  }
0x96: {  	s16 =	sld [smem:$0x10];
	(tm) =	ssettm $0x1  }
0x97: {  	s17 =	sld [smem:$0x3FFB];
	_ =	sdelay $0x3  }
0x98: {  	_ =	strace s17  }
0x99: {  	s3 =	sld [smem:$0x3FFC];
	_ =	sdelay $0x3  }
0x9a: {  	_ =	strace s3  }
0x9b: {  	s3 =	sld [smem:$0x3FFD];
	_ =	sdelay $0x3  }
0x9c: {  	_ =	strace s3  }
0x9d: {  	_ =	strace $0x8FFFFFFF  }
0x9e: {  	s18 =	sld [smem:$0x3FDB];
	_ =	sdelay $0x1  }
0x9f: {  	s19 =	simm.s32 $_scs_section_size  }
0xa0: {  	s5 =	simm.s32 $_size__tile_overlayer_lowered;
	s6 =	simm.s32 $_tile_overlayer_lowered  }
0xa1: {  	s22 =	simm.s32 $0x1BFF;
	s21 =	sshll.u32 s6, $0x1;
	s3 =	sadd.s32 s19, s18  }
0xa2: {  	s7 =	simm.s32 $0x0;
	s20 =	sshll.u32 s5, $0x1;
	s5 =	sadd.s32 s21, s3  }
0xa3: {  	[timem:s7], [sflag:s22] =	dma.local [hbm:s5], s20  }
0xa4: {  	_ =	swait.ge [sflag:s22], s20  }
0xa5: {  	s4 =	ssub.s32 $0x0, s20;
	[sflag:s22] =	ssyncset.done $0x0  }
0xa6: {  	[sflag:s22] =	ssyncadd.s32 s4;
	_ =	sdelay $0x1  }
0xa7: {  	s23 =	simm.s32 $0x1B8B  }
0xa8: {  	_ =	swait.ge [sflag:s23], $0x1  }
0xa9: {  	[sflag:s23] =	ssyncset.done $0x0  }
0xaa: {  	s25 =	simm.s32 $0x1B8E;
	s24 =	sld [smem:$0x3FFE];
	[sflag:s23] =	ssyncadd.s32 $0xFFFFFFFF  }
0xab: {  	s26 =	simm.s32 $execute0_lowered;
	[smem:$0x3FD2] =	sst s25  }
0xac: {  	s5 =	sshll.u32 s26, $0x1;
	_ =	strace $0x8000004F;
	[dreg:$0x1] =	wrdreg $0xFFFFFFFF  }
0xad: {  	s28 =	simm.s32 $_size_execute0_lowered;
	s3 =	sadd.s32 s3, s5;
	[dreg:$0x0] =	wrdreg $0x0  }
0xae: {  	s5 =	sshll.u32 s28, $0x1;
	[dreg:$0x2] =	wrdreg s3  }
0xaf: {  	[dreg:$0x3] =	wrdreg s5  }
0xb0: {  	[dreg:$0x4] =	wrdreg $0xC0  }
0xb1: {  	_ =	task [dreg:s7], $0x5FFFF  }
0xb2: {  	[dreg:$0x1] =	wrdreg $0xFFFFFFFF  }
0xb3: {  	[dreg:$0x0] =	wrdreg $0x60  }
0xb4: {  	[dreg:$0x2] =	wrdreg s16  }
0xb5: {  	[dreg:$0x3] =	wrdreg s24  }
0xb6: {  	[dreg:$0x4] =	wrdreg $0x50000  }
0xb7: {  	[dreg:$0x5] =	wrdreg $0x9  }
0xb8: {  	_ =	task.clear_ibuf [dreg:s7], $0x6FFFF;
	_ =	strace $0x9000004F  }
0xb9: {  	s29 =	simm.s32 $0x9;
	_ =	strace $0x80000051  }
0xba: {  	_ =	swait.ge [sflag:s29], $0x1  }
0xbb: {  	[sflag:s29] =	ssyncadd.s32 $0xFFFFFFFF  }
0xbc: {  	_ =	strace $0x90000051  }
0xbd: {  	_ =	sfence  }
0xbe: {  	s30 =	sld [smem:$0x0];
	_ =	sdelay $0x2  }
0xbf: {  	s31 =	sshll.u32 s1, $0xD;
	s1 =	sshrl.u32 s1, $0x2  }
0xc0: {  	s3 =	sand.u32 $0x4000, s31;
	s1 =	sadd.s32 s1, s30  }
0xc1: {  	s0 =	sor.u32 s3, s0;
	s1 =	sshll.u32 s1, $0x11  }
0xc2: {  	s0 =	sor.u32 s1, s0  }
0xc3: {  	s0 =	sadd.s32 $0x8F2B, s0  }
0xc4: {  	[sflag:s0] =	ssyncadd.remote.s32 $0x1  }
0xc5: {  	_ =	sfence.sel $0xFFFF  }
0xc6: {  	[dreg:$0x0] =	wrdreg $0xFFFFFFFF;
	(pc) =	sbr.abs _section_cstart, $3  }
0xc7: {  	[dreg:$0x1] =	wrdreg $0xFFFFFFFF  }
0xc8: {  	_ =	task.clear_ibuf [dreg:s7], $0x2FFFF;
	_ =	strace $0x9FFFFFFF  }
0xc9: {  	(tm) =	ssettm $0x7FFFFFFF  }
tec
execute0_lowered:
.L_overlay_start_1:
0x0: {  	(tag) =	ssettag $0x1  }
0x1: {  	s1 =	rddreg [dreg:$0x0]  }
0x2: {  	s0 =	srdreg.scid;
	s2 =	rddreg [dreg:$0x1]  }
0x3: {  	s8 =	stileid.u32;
	s3 =	rddreg [dreg:$0x2]  }
0x4: {  	s4 =	simm.s32 $0x0;
	s14 =	simm.s32 $0x5;
	s15 =	simm.s32 $0x7D  }
0x5: {  	s16 =	simm.s32 $0x12AC0;
	s18 =	simm.s32 $0x14A00;
	s19 =	simm.s32 $0x2800  }
0x6: {  	s20 =	simm.s32 $0xEC40;
	s23 =	simm.s32 $0x10B80;
	s6 =	smul.u32 $0x2800, s8  }
0x7: {  	s30 =	simm.s32 $0x2;
	s22 =	simm.s32 $0x4E00;
	s7 =	smul.u32 $0x9C40, s8  }
0x8: {  	s28 =	simm.s32 $0x4F00;
	s0 =	sand.u32 $0x1, s0;
	s8 =	smul.u32 $0x27100, s8  }
0x9: {  	s29 =	simm.s32 $0x4F80;
	s31 =	simm.s32 $0x0;
	s5 =	smul.u32 $0x28000, s0  }
0xa: {  	[smem:$0x7FF] =	sst s4;
	s24 =	smul.u32 $0x9C400, s0;
	s0 =	ssub.s32 $0x2, s0  }
0xb: {  	_ =	strace $0x80000050;
	s26 =	sshrl.u32 s0, $0x1;
	s8 =	sshrl.u32 s8, $0x2  }
0xc: {  	s5 =	sadd.s32 s6, s5;
	s6 =	sadd.s32 s7, s24;
	s0 =	ssub.s32 s0, s26  }
0xd: {  	s11 =	sadd.s32 s8, s3;
	s7 =	sadd.s32 s7, s3;
	s24 =	simm.s32 $0x1  }
0xe: {  	s26 =	simm.s32 $0x3;
	s5 =	sshrl.u32 s5, $0x3;
	s25 =	sshrl.u32 s6, $0x3  }
0xf: {  	s8 =	sadd.s32 $0x1F40, s11;
	s10 =	sadd.s32 $0x5DC0, s11;
	s13 =	smax.u32 s0, $0x1  }
0x10: {  	s0 =	simm.s32 $0x4;
	s9 =	sadd.s32 s5, s2;
	s2 =	sadd.s32 s25, s2  }
0x11: {  	s25 =	simm.s32 $0x4E80;
	s5 =	sadd.s32 $0x82200, s9;
	s6 =	sadd.s32 $0x78200, s9  }
0x12: {  	v0 =	vimm.f32 $0.0e+00;
	s9 =	sadd.s32 $0x3E80, s11;
	s11 =	sadd.s32 $0x7D00, s11;
	s12 =	sadd.s32 $0x8C200, s2  }
.LBB2_1:
0x13: {  	[tilespmem:s4], [sflag:$0x5] =	stream.linear.gather [hbm4b:s5+s4], $0x2800, $0x38;
	[tilespmem:$0x16940] =	vst v63  }
0x14: {  	_ =	swait.ge [sflag:s14], $0x2800  }
0x15: {  	[sflag:s14] =	ssyncset.done $0x0  }
0x16: {  	[sflag:s14] =	ssyncadd.s32 $0xFFFFD800  }
0x17: {  	[tilespmem:s16], [sflag:$0x1] =	stream.indirect.gather [hbm4b:s1+s15], $0x40, s4, s15, $0xb8;
	[tilespmem:$0x16940] =	vst v63  }
0x18: {  	s2 =	simm.s32 $0x80  }
0x19: {  	[tilespmem:s18], [sflag:$0x1] =	stream.indirect.gather [hbm4b:s1+s15], $0x40, s2, s15, $0xb8;
	[tilespmem:$0x16940] =	vst v63  }
0x1a: {  	_ = 	snop  }
0x1b: {  	[tilespmem:s19], [sflag:$0x5] =	stream.linear.gather [hbm4b:s6+s4], $0x2800, $0x38;
	[tilespmem:$0x16940] =	vst v63  }
0x1c: {  	_ =	swait.ge [sflag:s14], $0x2800  }
0x1d: {  	[sflag:s14] =	ssyncset.done $0x0  }
0x1e: {  	s17 =	simm.s32 $0x100;
	s2 =	simm.s32 $0x0;
	[sflag:s14] =	ssyncadd.s32 $0xFFFFD800  }
.LBB2_2:
0x1f: {  	p0 =	sne.s32 s17, $0x7C00;
	[tilespmem:s2+$0xEC70] =	vst v0;
	s21 =	smov.u32 s17;
	s17 =	sadd.s32 $0x100, s17  }
.Ltmp0:
0x20: {  	[tilespmem:s2+$0xEC60] =	vst v0;
	(pc) =	sbr.rel @p0 .LBB2_2-.Ltmp0, $3  }
0x21: {  	[tilespmem:s2+$0xEC40] =	vst v0  }
0x22: {  	[tilespmem:s2+$0xEC50] =	vst v0;
	_ =	sdelay $0x1  }
0x23: {  	s2 =	sshra.s32 s21, $0x2  }
0x24: {  	[tilespmem:s2+$0xEC70] =	vst v0  }
0x25: {  	[tilespmem:s2+$0xEC60] =	vst v0  }
0x26: {  	[tilespmem:s2+$0xEC40] =	vst v0  }
0x27: {  	[tilespmem:s2+$0xEC50] =	vst v0  }
0x28: {  	[spmem:s7] =	stream.linear.scatter [tilespmem:s20], [sflag:$0x5], $0x1F40, $0x38;
	[tilespmem:$0x16940] =	vst v63  }
0x29: {  	_ =	swait.ge [sflag:s14], $0x1F40  }
0x2a: {  	[sflag:s14] =	ssyncset.done $0x0  }
0x2b: {  	[sflag:s14] =	ssyncadd.s32 $0xFFFFE0C0  }
0x2c: {  	[spmem:s8] =	stream.linear.scatter [tilespmem:s20], [sflag:$0x5], $0x1F40, $0x38;
	[tilespmem:$0x16940] =	vst v63  }
0x2d: {  	_ =	swait.ge [sflag:s14], $0x1F40  }
0x2e: {  	[sflag:s14] =	ssyncset.done $0x0  }
0x2f: {  	[sflag:s14] =	ssyncadd.s32 $0xFFFFE0C0  }
0x30: {  	[spmem:s9] =	stream.linear.scatter [tilespmem:s20], [sflag:$0x5], $0x1F40, $0x38;
	[tilespmem:$0x16940] =	vst v63  }
0x31: {  	_ =	swait.ge [sflag:s14], $0x1F40  }
0x32: {  	[sflag:s14] =	ssyncset.done $0x0  }
0x33: {  	[sflag:s14] =	ssyncadd.s32 $0xFFFFE0C0  }
0x34: {  	[spmem:s10] =	stream.linear.scatter [tilespmem:s20], [sflag:$0x5], $0x1F40, $0x38;
	[tilespmem:$0x16940] =	vst v63  }
0x35: {  	_ =	swait.ge [sflag:s14], $0x1F40  }
0x36: {  	[sflag:s14] =	ssyncset.done $0x0  }
0x37: {  	[sflag:s14] =	ssyncadd.s32 $0xFFFFE0C0  }
0x38: {  	[spmem:s11] =	stream.linear.scatter [tilespmem:s20], [sflag:$0x5], $0x1F40, $0x38;
	[tilespmem:$0x16940] =	vst v63  }
0x39: {  	_ =	swait.ge [sflag:s14], $0x1F40  }
0x3a: {  	[sflag:s14] =	ssyncset.done $0x0  }
0x3b: {  	[sflag:s14] =	ssyncadd.s32 $0xFFFFE0C0  }
0x3c: {  	s17 =	simm.s32 $0x100;
	[bflag:$0x0] =	sbarrier.arrive $0xFFFF  }
0x3d: {  	[tilespmem:s20], [sflag:$0x2] =	stream.indirect.gather [hbm4b:s1+s15], $0x40, s17, s15, $0xb8;
	[tilespmem:$0x16940] =	vst v63  }
0x3e: {  	s21 =	simm.s32 $0x180  }
0x3f: {  	[tilespmem:s23], [sflag:$0x2] =	stream.indirect.gather [hbm4b:s1+s15], $0x40, s21, s15, $0xb8;
	[tilespmem:$0x16940] =	vst v63  }
0x40: {  	_ =	swait.ge [sflag:s24], $0x1F40  }
0x41: {  	[sflag:s24] =	ssyncset.done $0x0  }
0x42: {  	[sflag:s24] =	ssyncadd.s32 $0xFFFFE0C0  }
0x43: {  	_ =	swait.ge [sflag:s24], $0x1F40  }
0x44: {  	[sflag:s24] =	ssyncset.done $0x0  }
0x45: {  	[sflag:s24] =	ssyncadd.s32 $0xFFFFE0C0  }
0x46: {  	[spmem:s3] =	stream.indirect.scatter.add.f32 [tilespmem:s16], [sflag:$0x3], $0x40, s19, s15, $0xb8;
	[tilespmem:$0x16940] =	vst v63  }
0x47: {  	s17 =	simm.s32 $0x2880  }
0x48: {  	[spmem:s3] =	stream.indirect.scatter.add.f32 [tilespmem:s18], [sflag:$0x3], $0x40, s17, s15, $0xb8;
	[tilespmem:$0x16940] =	vst v63  }
0x49: {  	_ =	swait.ge [sflag:s26], $0x1F40  }
0x4a: {  	[sflag:s26] =	ssyncset.done $0x0  }
0x4b: {  	[sflag:s26] =	ssyncadd.s32 $0xFFFFE0C0  }
0x4c: {  	_ =	swait.ge [sflag:s26], $0x1F40  }
0x4d: {  	[sflag:s26] =	ssyncset.done $0x0  }
0x4e: {  	s21 =	simm.s32 $0x200;
	[sflag:s26] =	ssyncadd.s32 $0xFFFFE0C0  }
0x4f: {  	[tilespmem:s16], [sflag:$0x1] =	stream.indirect.gather [hbm4b:s1+s15], $0x40, s21, s15, $0xb8;
	[tilespmem:$0x16940] =	vst v63  }
0x50: {  	s17 =	simm.s32 $0x280  }
0x51: {  	[tilespmem:s18], [sflag:$0x1] =	stream.indirect.gather [hbm4b:s1+s15], $0x40, s17, s15, $0xb8;
	[tilespmem:$0x16940] =	vst v63  }
0x52: {  	_ =	swait.ge [sflag:s30], $0x1F40  }
0x53: {  	[sflag:s30] =	ssyncset.done $0x0  }
0x54: {  	[sflag:s30] =	ssyncadd.s32 $0xFFFFE0C0  }
0x55: {  	_ =	swait.ge [sflag:s30], $0x1F40  }
0x56: {  	[sflag:s30] =	ssyncset.done $0x0  }
0x57: {  	s21 =	simm.s32 $0x2900;
	[sflag:s30] =	ssyncadd.s32 $0xFFFFE0C0  }
0x58: {  	[spmem:s3] =	stream.indirect.scatter.add.f32 [tilespmem:s20], [sflag:$0x4], $0x40, s21, s15, $0xb8;
	[tilespmem:$0x16940] =	vst v63  }
0x59: {  	s17 =	simm.s32 $0x2980  }
0x5a: {  	[spmem:s3] =	stream.indirect.scatter.add.f32 [tilespmem:s23], [sflag:$0x4], $0x40, s17, s15, $0xb8;
	[tilespmem:$0x16940] =	vst v63  }
0x5b: {  	_ =	swait.ge [sflag:s0], $0x1F40  }
0x5c: {  	[sflag:s0] =	ssyncset.done $0x0  }
0x5d: {  	[sflag:s0] =	ssyncadd.s32 $0xFFFFE0C0  }
0x5e: {  	_ =	swait.ge [sflag:s0], $0x1F40  }
0x5f: {  	[sflag:s0] =	ssyncset.done $0x0  }
0x60: {  	s21 =	simm.s32 $0x300;
	[sflag:s0] =	ssyncadd.s32 $0xFFFFE0C0  }
0x61: {  	[tilespmem:s20], [sflag:$0x2] =	stream.indirect.gather [hbm4b:s1+s15], $0x40, s21, s15, $0xb8;
	[tilespmem:$0x16940] =	vst v63  }
0x62: {  	s17 =	simm.s32 $0x380  }
0x63: {  	[tilespmem:s23], [sflag:$0x2] =	stream.indirect.gather [hbm4b:s1+s15], $0x40, s17, s15, $0xb8;
	[tilespmem:$0x16940] =	vst v63  }
0x64: {  	_ =	swait.ge [sflag:s24], $0x1F40  }
0x65: {  	[sflag:s24] =	ssyncset.done $0x0  }
0x66: {  	[sflag:s24] =	ssyncadd.s32 $0xFFFFE0C0  }
0x67: {  	_ =	swait.ge [sflag:s24], $0x1F40  }
0x68: {  	[sflag:s24] =	ssyncset.done $0x0  }
0x69: {  	s21 =	simm.s32 $0x2A00;
	[sflag:s24] =	ssyncadd.s32 $0xFFFFE0C0  }
0x6a: {  	[spmem:s3] =	stream.indirect.scatter.add.f32 [tilespmem:s16], [sflag:$0x3], $0x40, s21, s15, $0xb8;
	[tilespmem:$0x16940] =	vst v63  }
0x6b: {  	s17 =	simm.s32 $0x2A80  }
0x6c: {  	[spmem:s3] =	stream.indirect.scatter.add.f32 [tilespmem:s18], [sflag:$0x3], $0x40, s17, s15, $0xb8;
	[tilespmem:$0x16940] =	vst v63  }
0x6d: {  	_ =	swait.ge [sflag:s26], $0x1F40  }
0x6e: {  	[sflag:s26] =	ssyncset.done $0x0  }
0x6f: {  	[sflag:s26] =	ssyncadd.s32 $0xFFFFE0C0  }
0x70: {  	_ =	swait.ge [sflag:s26], $0x1F40  }
0x71: {  	[sflag:s26] =	ssyncset.done $0x0  }
0x72: {  	s21 =	simm.s32 $0x400;
	[sflag:s26] =	ssyncadd.s32 $0xFFFFE0C0  }
0x73: {  	[tilespmem:s16], [sflag:$0x1] =	stream.indirect.gather [hbm4b:s1+s15], $0x40, s21, s15, $0xb8;
	[tilespmem:$0x16940] =	vst v63  }
0x74: {  	s17 =	simm.s32 $0x480  }
0x75: {  	[tilespmem:s18], [sflag:$0x1] =	stream.indirect.gather [hbm4b:s1+s15], $0x40, s17, s15, $0xb8;
	[tilespmem:$0x16940] =	vst v63  }
0x76: {  	_ =	swait.ge [sflag:s30], $0x1F40  }
0x77: {  	[sflag:s30] =	ssyncset.done $0x0  }
0x78: {  	[sflag:s30] =	ssyncadd.s32 $0xFFFFE0C0  }
0x79: {  	_ =	swait.ge [sflag:s30], $0x1F40  }
0x7a: {  	s2 =	simm.s32 $0x800;
	[sflag:s30] =	ssyncset.done $0x0  }
0x7b: {  	s21 =	simm.s32 $0x2B00;
	s17 =	simm.s32 $0x2B80;
	[sflag:s30] =	ssyncadd.s32 $0xFFFFE0C0  }
0x7c: {  	[spmem:s3] =	stream.indirect.scatter.add.f32 [tilespmem:s20], [sflag:$0x4], $0x40, s21, s15, $0xb8;
	[tilespmem:$0x16940] =	vst v63  }
.LBB2_4:
0x7d: {  	[spmem:s3] =	stream.indirect.scatter.add.f32 [tilespmem:s23], [sflag:$0x4], $0x40, s17, s15, $0xb8;
	[tilespmem:$0x16940] =	vst v63  }
0x7e: {  	s17 =	smov.u32 s2  }
0x7f: {  	p0 =	sne.s32 s2, $0x8800;
	s2 =	sadd.s32 $0x800, s2;
	_ =	swait.ge [sflag:s0], $0x1F40  }
0x80: {  	[sflag:s0] =	ssyncset.done $0x0  }
0x81: {  	[sflag:s0] =	ssyncadd.s32 $0xFFFFE0C0  }
0x82: {  	_ =	swait.ge [sflag:s0], $0x1F40  }
0x83: {  	s17 =	sshra.s32 s17, $0x2;
	[sflag:s0] =	ssyncset.done $0x0  }
0x84: {  	s21 =	sadd.s32 $0x300, s17;
	[sflag:s0] =	ssyncadd.s32 $0xFFFFE0C0  }
0x85: {  	[tilespmem:s20], [sflag:$0x2] =	stream.indirect.gather [hbm4b:s1+s15], $0x40, s21, s15, $0xb8;
	[tilespmem:$0x16940] =	vst v63  }
0x86: {  	s21 =	sadd.s32 $0x380, s17  }
0x87: {  	[tilespmem:s23], [sflag:$0x2] =	stream.indirect.gather [hbm4b:s1+s15], $0x40, s21, s15, $0xb8;
	[tilespmem:$0x16940] =	vst v63  }
0x88: {  	_ =	swait.ge [sflag:s24], $0x1F40  }
0x89: {  	[sflag:s24] =	ssyncset.done $0x0  }
0x8a: {  	[sflag:s24] =	ssyncadd.s32 $0xFFFFE0C0  }
0x8b: {  	_ =	swait.ge [sflag:s24], $0x1F40  }
0x8c: {  	[sflag:s24] =	ssyncset.done $0x0  }
0x8d: {  	s21 =	sadd.s32 $0x2A00, s17;
	[sflag:s24] =	ssyncadd.s32 $0xFFFFE0C0  }
0x8e: {  	[spmem:s3] =	stream.indirect.scatter.add.f32 [tilespmem:s16], [sflag:$0x3], $0x40, s21, s15, $0xb8;
	[tilespmem:$0x16940] =	vst v63  }
0x8f: {  	s21 =	sadd.s32 $0x2A80, s17  }
0x90: {  	[spmem:s3] =	stream.indirect.scatter.add.f32 [tilespmem:s18], [sflag:$0x3], $0x40, s21, s15, $0xb8;
	[tilespmem:$0x16940] =	vst v63  }
0x91: {  	_ =	swait.ge [sflag:s26], $0x1F40  }
0x92: {  	[sflag:s26] =	ssyncset.done $0x0  }
0x93: {  	[sflag:s26] =	ssyncadd.s32 $0xFFFFE0C0  }
0x94: {  	_ =	swait.ge [sflag:s26], $0x1F40  }
0x95: {  	[sflag:s26] =	ssyncset.done $0x0  }
0x96: {  	s21 =	sadd.s32 $0x400, s17;
	[sflag:s26] =	ssyncadd.s32 $0xFFFFE0C0  }
0x97: {  	[tilespmem:s16], [sflag:$0x1] =	stream.indirect.gather [hbm4b:s1+s15], $0x40, s21, s15, $0xb8;
	[tilespmem:$0x16940] =	vst v63  }
0x98: {  	s21 =	sadd.s32 $0x480, s17  }
0x99: {  	[tilespmem:s18], [sflag:$0x1] =	stream.indirect.gather [hbm4b:s1+s15], $0x40, s21, s15, $0xb8;
	[tilespmem:$0x16940] =	vst v63  }
0x9a: {  	_ =	swait.ge [sflag:s30], $0x1F40  }
0x9b: {  	[sflag:s30] =	ssyncset.done $0x0  }
0x9c: {  	[sflag:s30] =	ssyncadd.s32 $0xFFFFE0C0  }
.Ltmp1:
0x9d: {  	_ =	swait.ge [sflag:s30], $0x1F40;
	(pc) =	sbr.rel @p0 .LBB2_4-.Ltmp1, $4  }
0x9e: {  	[sflag:s30] =	ssyncset.done $0x0  }
0x9f: {  	s21 =	sadd.s32 $0x2B00, s17;
	[sflag:s30] =	ssyncadd.s32 $0xFFFFE0C0  }
0xa0: {  	[spmem:s3] =	stream.indirect.scatter.add.f32 [tilespmem:s20], [sflag:$0x4], $0x40, s21, s15, $0xb8;
	[tilespmem:$0x16940] =	vst v63  }
0xa1: {  	s17 =	sadd.s32 $0x2B80, s17  }
0xa2: {  	[spmem:s3] =	stream.indirect.scatter.add.f32 [tilespmem:s23], [sflag:$0x4], $0x40, s17, s15, $0xb8;
	[tilespmem:$0x16940] =	vst v63  }
0xa3: {  	_ =	swait.ge [sflag:s0], $0x1F40  }
0xa4: {  	[sflag:s0] =	ssyncset.done $0x0  }
0xa5: {  	[sflag:s0] =	ssyncadd.s32 $0xFFFFE0C0  }
0xa6: {  	_ =	swait.ge [sflag:s0], $0x1F40  }
0xa7: {  	[sflag:s0] =	ssyncset.done $0x0  }
0xa8: {  	s2 =	simm.s32 $0x2700;
	[sflag:s0] =	ssyncadd.s32 $0xFFFFE0C0  }
0xa9: {  	[tilespmem:s20], [sflag:$0x2] =	stream.indirect.gather [hbm4b:s1+s15], $0x40, s2, s15, $0xb8;
	[tilespmem:$0x16940] =	vst v63  }
0xaa: {  	s21 =	simm.s32 $0x2780  }
0xab: {  	[tilespmem:s23], [sflag:$0x2] =	stream.indirect.gather [hbm4b:s1+s15], $0x40, s21, s15, $0xb8;
	[tilespmem:$0x16940] =	vst v63  }
0xac: {  	_ =	swait.ge [sflag:s24], $0x1F40  }
0xad: {  	[sflag:s24] =	ssyncset.done $0x0  }
0xae: {  	[sflag:s24] =	ssyncadd.s32 $0xFFFFE0C0  }
0xaf: {  	_ =	swait.ge [sflag:s24], $0x1F40  }
0xb0: {  	[sflag:s24] =	ssyncset.done $0x0  }
0xb1: {  	[sflag:s24] =	ssyncadd.s32 $0xFFFFE0C0  }
0xb2: {  	[spmem:s3] =	stream.indirect.scatter.add.f32 [tilespmem:s16], [sflag:$0x3], $0x40, s22, s15, $0xb8;
	[tilespmem:$0x16940] =	vst v63  }
0xb3: {  	_ = 	snop  }
0xb4: {  	[spmem:s3] =	stream.indirect.scatter.add.f32 [tilespmem:s18], [sflag:$0x3], $0x40, s25, s15, $0xb8;
	[tilespmem:$0x16940] =	vst v63  }
0xb5: {  	_ =	swait.ge [sflag:s26], $0x1F40  }
0xb6: {  	[sflag:s26] =	ssyncset.done $0x0  }
0xb7: {  	[sflag:s26] =	ssyncadd.s32 $0xFFFFE0C0  }
0xb8: {  	_ =	swait.ge [sflag:s26], $0x1F40  }
0xb9: {  	[sflag:s26] =	ssyncset.done $0x0  }
0xba: {  	[sflag:s26] =	ssyncadd.s32 $0xFFFFE0C0  }
0xbb: {  	_ =	swait.ge [sflag:s30], $0x1F40  }
0xbc: {  	[sflag:s30] =	ssyncset.done $0x0  }
0xbd: {  	[sflag:s30] =	ssyncadd.s32 $0xFFFFE0C0  }
0xbe: {  	_ =	swait.ge [sflag:s30], $0x1F40  }
0xbf: {  	[sflag:s30] =	ssyncset.done $0x0  }
0xc0: {  	[sflag:s30] =	ssyncadd.s32 $0xFFFFE0C0  }
0xc1: {  	[spmem:s3] =	stream.indirect.scatter.add.f32 [tilespmem:s20], [sflag:$0x4], $0x40, s28, s15, $0xb8;
	[tilespmem:$0x16940] =	vst v63  }
0xc2: {  	_ = 	snop  }
0xc3: {  	[spmem:s3] =	stream.indirect.scatter.add.f32 [tilespmem:s23], [sflag:$0x4], $0x40, s29, s15, $0xb8;
	[tilespmem:$0x16940] =	vst v63  }
0xc4: {  	_ =	swait.ge [sflag:s0], $0x1F40  }
0xc5: {  	[sflag:s0] =	ssyncset.done $0x0  }
0xc6: {  	[sflag:s0] =	ssyncadd.s32 $0xFFFFE0C0  }
0xc7: {  	s17 =	stileid.u32;
	_ =	swait.ge [sflag:s0], $0x1F40  }
0xc8: {  	s31 =	sadd.s32 $0x1, s31;
	s2 =	sshll.u32 s17, $0x6;
	[sflag:s0] =	ssyncset.done $0x0  }
0xc9: {  	p0 =	sne.s32 s31, s13;
	s2 =	sor.u32 $0x1C05, s2;
	[sflag:s0] =	ssyncadd.s32 $0xFFFFE0C0  }
.Ltmp2:
0xca: {  	s21 =	sshrl.u32 s7, $0x3;
	[bflag:$0x0] =	sbarrier.arrive $0xFFFF;
	(pc) =	sbr.rel @p0 .LBB2_1-.Ltmp2, $4  }
0xcb: {  	[hbm:s12], [sflag:s2] =	dma.local [spmem:s21], $0x1388  }
0xcc: {  	_ =	swait.ge [sflag:s14], $0x1388  }
0xcd: {  	[sflag:s14] =	ssyncset.done $0x0  }
0xce: {  	[sflag:s14] =	ssyncadd.s32 $0xFFFFEC78  }
0xcf: {  	_ =	sfence.sel $0x180000  }
0xd0: {  	[bflag:$0x0] =	sbarrier.arrive $0xFFFF  }
0xd1: {  	_ =	strace $0x90000050  }
0xd2: {  	s0 =	stileid.u32;
	[bflag:$0x2] =	sbarrier.arrive $0xFFFF  }
0xd3: {  	p0 =	sne.s32 s0, $0x0;
	s0 =	rddreg [dreg:$0x3]  }
0xd4: {  	s0 =	sadd.s32 @!p0 $0x100000, s0  }
0xd5: {  	[sflag:s0] =	ssyncadd.tile.s32 @!p0 $0x1;
	_ =	shalt  }
.Lfunc_end2:
_tile_overlayer_lowered:
.L_overlay_start_2:
0xd6: {  	(tag) =	ssettag $0x2  }
0xd7: {  	s0 =	rddreg [dreg:$0x0];
	s2 =	stileid.u32  }
0xd8: {  	s1 =	rddreg [dreg:$0x1];
	p0 =	sne.s32 s2, $0x0  }
0xd9: {  	s3 =	rddreg [dreg:$0x2];
	[bflag:$0x3] =	sbarrier.arrive $0xFFFF;
	s2 =	simm.s32 @!p0 $0x1C05  }
0xda: {  	[timem:s3], [sflag:s2] =	dma.local @!p0 [hbm:s0], s1  }
0xdb: {  	s0 =	simm.s32 @!p0 $0x5  }
0xdc: {  	_ =	swait.ge @!p0 [sflag:s0], s1  }
0xdd: {  	s1 =	ssub.s32 @!p0 $0x0, s1;
	[sflag:s0] =	ssyncset.done @!p0 $0x0  }
0xde: {  	[sflag:s0] =	ssyncadd.s32 @!p0 s1  }
0xdf: {  	[bflag:$0x3] =	sbarrier.arrive $0xFFFF  }
0xe0: {  	_ =	shalt  }

</sc_bundles>
